<compile_context>
chip_gen: v7x
topology: tpu7x:2x2x1
jax: 0.10.2.dev20260603
libtpu: 0.0.44.dev20260713+nightly
codegen_flags: <defaults>
</compile_context>

<pallas_src>
import functools

import jax
import jax.numpy as jnp
from jax import lax
from jax.experimental import pallas as pl
from jax.experimental.pallas import tpu as pltpu
from jax.experimental.pallas import tpu_sc as plsc

_N = 10000
_D = 128
_K = 32

_NC = 2
_NS = 16
_ROWS_W = 56
_N_SC = _ROWS_W * _NC * _NS
_N_TC = _N - _N_SC
_GRP = 4
_NBUF = 2 * _GRP

_TILE = 432


def _tc_agg_kernel(v_ref, nbr_ref, w_ref, b_ref, out_ref):
    kf = jnp.float32(nbr_ref.shape[0])
    s = jnp.sum(nbr_ref[...], axis=0)
    x = jnp.concatenate([v_ref[...] * kf, s], axis=1)
    out_ref[...] = (
        jnp.dot(x, w_ref[...], preferred_element_type=jnp.float32)
        + kf * b_ref[...]
    )


def _tc_tail_kernel(v_ref, s_ref, w_ref, b_ref, out_ref):
    kf = jnp.float32(_K)
    x = jnp.concatenate([v_ref[...] * kf, s_ref[...]], axis=1)
    out_ref[...] = (
        jnp.dot(x, w_ref[...], preferred_element_type=jnp.float32)
        + kf * b_ref[...]
    )


def _sc_sum(nbr_ref, out_ref, acc, *rest):
    bufs = rest[:_NBUF]
    sems = rest[_NBUF:]
    wid = lax.axis_index("s") * _NC + lax.axis_index("c")
    row0 = _N_TC + wid * _ROWS_W

    copies = [None] * _NBUF
    for j in range(_NBUF):
        copies[j] = pltpu.async_copy(
            nbr_ref.at[j, pl.ds(row0, _ROWS_W), :], bufs[j], sems[j]
        )

    n_grp = _K // _GRP
    for g in range(n_grp):
        slot0 = (g % 2) * _GRP
        for j in range(_GRP):
            copies[slot0 + j].wait()
        b0, b1, b2, b3 = bufs[slot0 : slot0 + _GRP]

        def body(r, carry, b0=b0, b1=b1, b2=b2, b3=b3, g=g):
            for c in range(_D // 16):
                s = pl.ds(c * 16, 16)
                t = (b0[r, s] + b1[r, s]) + (b2[r, s] + b3[r, s])
                if g == 0:
                    acc[r, s] = t
                else:
                    acc[r, s] = acc[r, s] + t
            return carry

        lax.fori_loop(0, _ROWS_W, body, 0)

        nxt = (g + 2) * _GRP
        if nxt < _K:
            for j in range(_GRP):
                copies[slot0 + j] = pltpu.async_copy(
                    nbr_ref.at[nxt + j, pl.ds(row0, _ROWS_W), :],
                    bufs[slot0 + j],
                    sems[slot0 + j],
                )

    pltpu.sync_copy(acc, out_ref.at[pl.ds(wid * _ROWS_W, _ROWS_W), :])


@functools.partial(
    pl.kernel,
    mesh=plsc.VectorSubcoreMesh(core_axis_name="c", subcore_axis_name="s"),
    out_type=jax.ShapeDtypeStruct((_N_SC, _D), jnp.float32),
    scratch_types=(
        [pltpu.VMEM((_ROWS_W, _D), jnp.float32)]
        + [pltpu.VMEM((_ROWS_W, _D), jnp.float32) for _ in range(_NBUF)]
        + [pltpu.SemaphoreType.DMA for _ in range(_NBUF)]
    ),
)
def _sc_sum_call(nbr_ref, out_ref, *scratch):
    _sc_sum(nbr_ref, out_ref, *scratch)


def kernel(v, neighbors, W, b):
    b2 = b.reshape(1, _D)

    s_tail = _sc_sum_call(neighbors)

    out_head = pl.pallas_call(
        _tc_agg_kernel,
        grid=(_N_TC // _TILE,),
        in_specs=[
            pl.BlockSpec((_TILE, _D), lambda i: (i, 0)),
            pl.BlockSpec((_K, _TILE, _D), lambda i: (0, i, 0)),
            pl.BlockSpec((2 * _D, _D), lambda i: (0, 0)),
            pl.BlockSpec((1, _D), lambda i: (0, 0)),
        ],
        out_specs=pl.BlockSpec((_TILE, _D), lambda i: (i, 0)),
        out_shape=jax.ShapeDtypeStruct((_N_TC, _D), jnp.float32),
        compiler_params=pltpu.CompilerParams(
            dimension_semantics=("arbitrary",),
        ),
    )(v, neighbors, W, b2)

    v_tail = lax.slice_in_dim(v, _N_TC, _N, axis=0)
    out_tail = pl.pallas_call(
        _tc_tail_kernel,
        grid=(1,),
        in_specs=[
            pl.BlockSpec((_N_SC, _D), lambda i: (0, 0)),
            pl.BlockSpec((_N_SC, _D), lambda i: (0, 0)),
            pl.BlockSpec((2 * _D, _D), lambda i: (0, 0)),
            pl.BlockSpec((1, _D), lambda i: (0, 0)),
        ],
        out_specs=pl.BlockSpec((_N_SC, _D), lambda i: (0, 0)),
        out_shape=jax.ShapeDtypeStruct((_N_SC, _D), jnp.float32),
    )(v_tail, s_tail, W, b2)

    return jnp.concatenate([out_head, out_tail], axis=0)

# --- scband reference (transcript-rebuilt; emitter-appended) ---
"""Pipeline reference for scband-node-aggregator-65068754534511 (READ-ONLY COPY).

The authoritative reference and input builder live on the scoring server;
editing this copy changes nothing except your own understanding.
"""

import jax, jax.numpy as jnp
import numpy as np


def setup_inputs(seed: int = 0) -> dict:
    key = jax.random.key(seed)
    k1, k2, k3, k4 = jax.random.split(key, 4)
    N, D, K = 10000, 128, 32
    v = jax.random.normal(k1, (N, D), dtype=jnp.float32)
    # neighbors: List[Tensor] of length K, each [N, D]; materialized as a stacked [K, N, D]
    # tensor (iterating over dim 0 in torch yields the same list of [N, D] tensors).
    neighbors = jax.random.normal(k2, (K, N, D), dtype=jnp.float32)
    # Parameters of the EdgeHomophily MLP: nn.Linear(in_features*2, out_features)
    # (the torch module instantiates it inside forward; here we materialize it once).
    W = jax.random.normal(k3, (2 * D, D), dtype=jnp.float32) * (1.0 / np.sqrt(2 * D))
    b = jax.random.normal(k4, (D,), dtype=jnp.float32) * 0.01
    return {"v": v, "neighbors": neighbors, "W": W, "b": b}


def reference(v, neighbors, W, b):
    # EdgeHomophily: MLP(concat([h_prev_v, h_prev_u], dim=1)) applied per neighbor.
    def edge_homophily(nbr):
        return jnp.concatenate([v, nbr], axis=1) @ W + b
    # stack of per-neighbor edge-homophily representations: [K, N, out_features]
    edge_homophily_representations = jax.vmap(edge_homophily)(neighbors)
    # NodeAggregator: sum over all neighbors (dim 0 of the stack)
    return jnp.sum(edge_homophily_representations, axis=0)

if __name__ == "__main__":
    import jax
    _d = setup_inputs()
    print(jax.jit(kernel)(*tuple(_d.values())))

</pallas_src>

<mosaic_0001>
#map = affine_map<(d0, d1) -> (0, 0, 0)>
#map1 = affine_map<(d0, d1) -> (0, 0)>
module attributes {stable_mosaic.version = 14 : i64} {
  func.func @_sc_sum_call(%arg0: i32, %arg1: i32, %arg2: memref<32x10000x128xf32, #tpu.memory_space<hbm>>, %arg3: memref<1792x128xf32, #tpu.memory_space<hbm>>, %arg4: memref<56x128xf32, #tpu.memory_space<vmem>>, %arg5: memref<56x128xf32, #tpu.memory_space<vmem>>, %arg6: memref<56x128xf32, #tpu.memory_space<vmem>>, %arg7: memref<56x128xf32, #tpu.memory_space<vmem>>, %arg8: memref<56x128xf32, #tpu.memory_space<vmem>>, %arg9: memref<56x128xf32, #tpu.memory_space<vmem>>, %arg10: memref<56x128xf32, #tpu.memory_space<vmem>>, %arg11: memref<56x128xf32, #tpu.memory_space<vmem>>, %arg12: memref<56x128xf32, #tpu.memory_space<vmem>>, %arg13: memref<!tpu.dma_semaphore, #tpu.memory_space<semaphore_mem>>, %arg14: memref<!tpu.dma_semaphore, #tpu.memory_space<semaphore_mem>>, %arg15: memref<!tpu.dma_semaphore, #tpu.memory_space<semaphore_mem>>, %arg16: memref<!tpu.dma_semaphore, #tpu.memory_space<semaphore_mem>>, %arg17: memref<!tpu.dma_semaphore, #tpu.memory_space<semaphore_mem>>, %arg18: memref<!tpu.dma_semaphore, #tpu.memory_space<semaphore_mem>>, %arg19: memref<!tpu.dma_semaphore, #tpu.memory_space<semaphore_mem>>, %arg20: memref<!tpu.dma_semaphore, #tpu.memory_space<semaphore_mem>>) attributes {dimension_semantics = [#tpu.dimension_semantics<core_parallel>, #tpu.dimension_semantics<subcore_parallel>], iteration_bounds = array<i64: 2, 16>, scalar_prefetch = 0 : i64, scratch_operands = 17 : i64, tpu.core_type = #tpu.core_type<sc_vector_subcore>, window_params = [{transform_indices = #map}, {transform_indices = #map1}]} {
    %mul3A = arith.constant 2 : i32
    %mul3A_0 = arith.muli %arg1, %mul3A : i32
    %add3A = arith.addi %mul3A_0, %arg0 : i32
    %mul3A_1 = arith.constant 56 : i32
    %mul3A_2 = arith.muli %add3A, %mul3A_1 : i32
    %add3A_3 = arith.constant 8208 : i32
    %add3A_4 = arith.addi %add3A_3, %mul3A_2 : i32
    %dma_start3A = arith.constant 0 : i32
    %dma_start3A_5 = arith.constant 0 : i32
    %dma_start3A_6 = tpu.memref_slice %arg2[%dma_start3A, %add3A_4, %dma_start3A_5] : memref<32x10000x128xf32, #tpu.memory_space<hbm>> -> memref<1x56x128xf32, #tpu.memory_space<hbm>>
    %dma_start3A_7 = tpu.memref_squeeze %dma_start3A_6 : memref<1x56x128xf32, #tpu.memory_space<hbm>> -> memref<56x128xf32, #tpu.memory_space<hbm>>
    %dma_start3A_8 = arith.constant 0 : i32
    %dma_start3A_9 = tpu.memref_slice %arg2[%dma_start3A, %add3A_4, %dma_start3A_8] : memref<32x10000x128xf32, #tpu.memory_space<hbm>> -> memref<1x56x128xf32, #tpu.memory_space<hbm>>
    %dma_start3A_10 = tpu.memref_squeeze %dma_start3A_9 : memref<1x56x128xf32, #tpu.memory_space<hbm>> -> memref<56x128xf32, #tpu.memory_space<hbm>>
    tpu.enqueue_dma source(%dma_start3A_10 : memref<56x128xf32, #tpu.memory_space<hbm>>) target(%arg5 : memref<56x128xf32, #tpu.memory_space<vmem>>) target_semaphore(%arg13 : memref<!tpu.dma_semaphore, #tpu.memory_space<semaphore_mem>>)
    %dma_start3A_11 = arith.constant 1 : i32
    %dma_start3A_12 = arith.constant 0 : i32
    %dma_start3A_13 = tpu.memref_slice %arg2[%dma_start3A_11, %add3A_4, %dma_start3A_12] : memref<32x10000x128xf32, #tpu.memory_space<hbm>> -> memref<1x56x128xf32, #tpu.memory_space<hbm>>
    %dma_start3A_14 = tpu.memref_squeeze %dma_start3A_13 : memref<1x56x128xf32, #tpu.memory_space<hbm>> -> memref<56x128xf32, #tpu.memory_space<hbm>>
    %dma_start3A_15 = arith.constant 0 : i32
    %dma_start3A_16 = tpu.memref_slice %arg2[%dma_start3A_11, %add3A_4, %dma_start3A_15] : memref<32x10000x128xf32, #tpu.memory_space<hbm>> -> memref<1x56x128xf32, #tpu.memory_space<hbm>>
    %dma_start3A_17 = tpu.memref_squeeze %dma_start3A_16 : memref<1x56x128xf32, #tpu.memory_space<hbm>> -> memref<56x128xf32, #tpu.memory_space<hbm>>
    tpu.enqueue_dma source(%dma_start3A_17 : memref<56x128xf32, #tpu.memory_space<hbm>>) target(%arg6 : memref<56x128xf32, #tpu.memory_space<vmem>>) target_semaphore(%arg14 : memref<!tpu.dma_semaphore, #tpu.memory_space<semaphore_mem>>)
    %dma_start3A_18 = arith.constant 2 : i32
    %dma_start3A_19 = arith.constant 0 : i32
    %dma_start3A_20 = tpu.memref_slice %arg2[%dma_start3A_18, %add3A_4, %dma_start3A_19] : memref<32x10000x128xf32, #tpu.memory_space<hbm>> -> memref<1x56x128xf32, #tpu.memory_space<hbm>>
    %dma_start3A_21 = tpu.memref_squeeze %dma_start3A_20 : memref<1x56x128xf32, #tpu.memory_space<hbm>> -> memref<56x128xf32, #tpu.memory_space<hbm>>
    %dma_start3A_22 = arith.constant 0 : i32
    %dma_start3A_23 = tpu.memref_slice %arg2[%dma_start3A_18, %add3A_4, %dma_start3A_22] : memref<32x10000x128xf32, #tpu.memory_space<hbm>> -> memref<1x56x128xf32, #tpu.memory_space<hbm>>
    %dma_start3A_24 = tpu.memref_squeeze %dma_start3A_23 : memref<1x56x128xf32, #tpu.memory_space<hbm>> -> memref<56x128xf32, #tpu.memory_space<hbm>>
    tpu.enqueue_dma source(%dma_start3A_24 : memref<56x128xf32, #tpu.memory_space<hbm>>) target(%arg7 : memref<56x128xf32, #tpu.memory_space<vmem>>) target_semaphore(%arg15 : memref<!tpu.dma_semaphore, #tpu.memory_space<semaphore_mem>>)
    %dma_start3A_25 = arith.constant 3 : i32
    %dma_start3A_26 = arith.constant 0 : i32
    %dma_start3A_27 = tpu.memref_slice %arg2[%dma_start3A_25, %add3A_4, %dma_start3A_26] : memref<32x10000x128xf32, #tpu.memory_space<hbm>> -> memref<1x56x128xf32, #tpu.memory_space<hbm>>
    %dma_start3A_28 = tpu.memref_squeeze %dma_start3A_27 : memref<1x56x128xf32, #tpu.memory_space<hbm>> -> memref<56x128xf32, #tpu.memory_space<hbm>>
    %dma_start3A_29 = arith.constant 0 : i32
    %dma_start3A_30 = tpu.memref_slice %arg2[%dma_start3A_25, %add3A_4, %dma_start3A_29] : memref<32x10000x128xf32, #tpu.memory_space<hbm>> -> memref<1x56x128xf32, #tpu.memory_space<hbm>>
    %dma_start3A_31 = tpu.memref_squeeze %dma_start3A_30 : memref<1x56x128xf32, #tpu.memory_space<hbm>> -> memref<56x128xf32, #tpu.memory_space<hbm>>
    tpu.enqueue_dma source(%dma_start3A_31 : memref<56x128xf32, #tpu.memory_space<hbm>>) target(%arg8 : memref<56x128xf32, #tpu.memory_space<vmem>>) target_semaphore(%arg16 : memref<!tpu.dma_semaphore, #tpu.memory_space<semaphore_mem>>)
    %dma_start3A_32 = arith.constant 4 : i32
    %dma_start3A_33 = arith.constant 0 : i32
    %dma_start3A_34 = tpu.memref_slice %arg2[%dma_start3A_32, %add3A_4, %dma_start3A_33] : memref<32x10000x128xf32, #tpu.memory_space<hbm>> -> memref<1x56x128xf32, #tpu.memory_space<hbm>>
    %dma_start3A_35 = tpu.memref_squeeze %dma_start3A_34 : memref<1x56x128xf32, #tpu.memory_space<hbm>> -> memref<56x128xf32, #tpu.memory_space<hbm>>
    %dma_start3A_36 = arith.constant 0 : i32
    %dma_start3A_37 = tpu.memref_slice %arg2[%dma_start3A_32, %add3A_4, %dma_start3A_36] : memref<32x10000x128xf32, #tpu.memory_space<hbm>> -> memref<1x56x128xf32, #tpu.memory_space<hbm>>
    %dma_start3A_38 = tpu.memref_squeeze %dma_start3A_37 : memref<1x56x128xf32, #tpu.memory_space<hbm>> -> memref<56x128xf32, #tpu.memory_space<hbm>>
    tpu.enqueue_dma source(%dma_start3A_38 : memref<56x128xf32, #tpu.memory_space<hbm>>) target(%arg9 : memref<56x128xf32, #tpu.memory_space<vmem>>) target_semaphore(%arg17 : memref<!tpu.dma_semaphore, #tpu.memory_space<semaphore_mem>>)
    %dma_start3A_39 = arith.constant 5 : i32
    %dma_start3A_40 = arith.constant 0 : i32
    %dma_start3A_41 = tpu.memref_slice %arg2[%dma_start3A_39, %add3A_4, %dma_start3A_40] : memref<32x10000x128xf32, #tpu.memory_space<hbm>> -> memref<1x56x128xf32, #tpu.memory_space<hbm>>
    %dma_start3A_42 = tpu.memref_squeeze %dma_start3A_41 : memref<1x56x128xf32, #tpu.memory_space<hbm>> -> memref<56x128xf32, #tpu.memory_space<hbm>>
    %dma_start3A_43 = arith.constant 0 : i32
    %dma_start3A_44 = tpu.memref_slice %arg2[%dma_start3A_39, %add3A_4, %dma_start3A_43] : memref<32x10000x128xf32, #tpu.memory_space<hbm>> -> memref<1x56x128xf32, #tpu.memory_space<hbm>>
    %dma_start3A_45 = tpu.memref_squeeze %dma_start3A_44 : memref<1x56x128xf32, #tpu.memory_space<hbm>> -> memref<56x128xf32, #tpu.memory_space<hbm>>
    tpu.enqueue_dma source(%dma_start3A_45 : memref<56x128xf32, #tpu.memory_space<hbm>>) target(%arg10 : memref<56x128xf32, #tpu.memory_space<vmem>>) target_semaphore(%arg18 : memref<!tpu.dma_semaphore, #tpu.memory_space<semaphore_mem>>)
    %dma_start3A_46 = arith.constant 6 : i32
    %dma_start3A_47 = arith.constant 0 : i32
    %dma_start3A_48 = tpu.memref_slice %arg2[%dma_start3A_46, %add3A_4, %dma_start3A_47] : memref<32x10000x128xf32, #tpu.memory_space<hbm>> -> memref<1x56x128xf32, #tpu.memory_space<hbm>>
    %dma_start3A_49 = tpu.memref_squeeze %dma_start3A_48 : memref<1x56x128xf32, #tpu.memory_space<hbm>> -> memref<56x128xf32, #tpu.memory_space<hbm>>
    %dma_start3A_50 = arith.constant 0 : i32
    %dma_start3A_51 = tpu.memref_slice %arg2[%dma_start3A_46, %add3A_4, %dma_start3A_50] : memref<32x10000x128xf32, #tpu.memory_space<hbm>> -> memref<1x56x128xf32, #tpu.memory_space<hbm>>
    %dma_start3A_52 = tpu.memref_squeeze %dma_start3A_51 : memref<1x56x128xf32, #tpu.memory_space<hbm>> -> memref<56x128xf32, #tpu.memory_space<hbm>>
    tpu.enqueue_dma source(%dma_start3A_52 : memref<56x128xf32, #tpu.memory_space<hbm>>) target(%arg11 : memref<56x128xf32, #tpu.memory_space<vmem>>) target_semaphore(%arg19 : memref<!tpu.dma_semaphore, #tpu.memory_space<semaphore_mem>>)
    %dma_start3A_53 = arith.constant 7 : i32
    %dma_start3A_54 = arith.constant 0 : i32
    %dma_start3A_55 = tpu.memref_slice %arg2[%dma_start3A_53, %add3A_4, %dma_start3A_54] : memref<32x10000x128xf32, #tpu.memory_space<hbm>> -> memref<1x56x128xf32, #tpu.memory_space<hbm>>
    %dma_start3A_56 = tpu.memref_squeeze %dma_start3A_55 : memref<1x56x128xf32, #tpu.memory_space<hbm>> -> memref<56x128xf32, #tpu.memory_space<hbm>>
    %dma_start3A_57 = arith.constant 0 : i32
    %dma_start3A_58 = tpu.memref_slice %arg2[%dma_start3A_53, %add3A_4, %dma_start3A_57] : memref<32x10000x128xf32, #tpu.memory_space<hbm>> -> memref<1x56x128xf32, #tpu.memory_space<hbm>>
    %dma_start3A_59 = tpu.memref_squeeze %dma_start3A_58 : memref<1x56x128xf32, #tpu.memory_space<hbm>> -> memref<56x128xf32, #tpu.memory_space<hbm>>
    tpu.enqueue_dma source(%dma_start3A_59 : memref<56x128xf32, #tpu.memory_space<hbm>>) target(%arg12 : memref<56x128xf32, #tpu.memory_space<vmem>>) target_semaphore(%arg20 : memref<!tpu.dma_semaphore, #tpu.memory_space<semaphore_mem>>)
    %dma_wait3A = arith.constant 0 : i32
    %dma_wait3A_60 = arith.constant 0 : i32
    %dma_wait3A_61 = tpu.memref_slice %arg2[%dma_wait3A, %add3A_4, %dma_wait3A_60] : memref<32x10000x128xf32, #tpu.memory_space<hbm>> -> memref<1x56x128xf32, #tpu.memory_space<hbm>>
    %dma_wait3A_62 = tpu.memref_squeeze %dma_wait3A_61 : memref<1x56x128xf32, #tpu.memory_space<hbm>> -> memref<56x128xf32, #tpu.memory_space<hbm>>
    %dma_wait3A_63 = arith.constant 0 : i32
    %dma_wait3A_64 = tpu.memref_slice %arg2[%dma_wait3A, %add3A_4, %dma_wait3A_63] : memref<32x10000x128xf32, #tpu.memory_space<hbm>> -> memref<1x56x128xf32, #tpu.memory_space<hbm>>
    %dma_wait3A_65 = tpu.memref_squeeze %dma_wait3A_64 : memref<1x56x128xf32, #tpu.memory_space<hbm>> -> memref<56x128xf32, #tpu.memory_space<hbm>>
    tpu.wait_dma2 semaphore(%arg13 : memref<!tpu.dma_semaphore, #tpu.memory_space<semaphore_mem>>) src(%dma_wait3A_65 : memref<56x128xf32, #tpu.memory_space<hbm>>) dst(%arg5 : memref<56x128xf32, #tpu.memory_space<vmem>>)
    %dma_wait3A_66 = arith.constant 1 : i32
    %dma_wait3A_67 = arith.constant 0 : i32
    %dma_wait3A_68 = tpu.memref_slice %arg2[%dma_wait3A_66, %add3A_4, %dma_wait3A_67] : memref<32x10000x128xf32, #tpu.memory_space<hbm>> -> memref<1x56x128xf32, #tpu.memory_space<hbm>>
    %dma_wait3A_69 = tpu.memref_squeeze %dma_wait3A_68 : memref<1x56x128xf32, #tpu.memory_space<hbm>> -> memref<56x128xf32, #tpu.memory_space<hbm>>
    %dma_wait3A_70 = arith.constant 0 : i32
    %dma_wait3A_71 = tpu.memref_slice %arg2[%dma_wait3A_66, %add3A_4, %dma_wait3A_70] : memref<32x10000x128xf32, #tpu.memory_space<hbm>> -> memref<1x56x128xf32, #tpu.memory_space<hbm>>
    %dma_wait3A_72 = tpu.memref_squeeze %dma_wait3A_71 : memref<1x56x128xf32, #tpu.memory_space<hbm>> -> memref<56x128xf32, #tpu.memory_space<hbm>>
    tpu.wait_dma2 semaphore(%arg14 : memref<!tpu.dma_semaphore, #tpu.memory_space<semaphore_mem>>) src(%dma_wait3A_72 : memref<56x128xf32, #tpu.memory_space<hbm>>) dst(%arg6 : memref<56x128xf32, #tpu.memory_space<vmem>>)
    %dma_wait3A_73 = arith.constant 2 : i32
    %dma_wait3A_74 = arith.constant 0 : i32
    %dma_wait3A_75 = tpu.memref_slice %arg2[%dma_wait3A_73, %add3A_4, %dma_wait3A_74] : memref<32x10000x128xf32, #tpu.memory_space<hbm>> -> memref<1x56x128xf32, #tpu.memory_space<hbm>>
    %dma_wait3A_76 = tpu.memref_squeeze %dma_wait3A_75 : memref<1x56x128xf32, #tpu.memory_space<hbm>> -> memref<56x128xf32, #tpu.memory_space<hbm>>
    %dma_wait3A_77 = arith.constant 0 : i32
    %dma_wait3A_78 = tpu.memref_slice %arg2[%dma_wait3A_73, %add3A_4, %dma_wait3A_77] : memref<32x10000x128xf32, #tpu.memory_space<hbm>> -> memref<1x56x128xf32, #tpu.memory_space<hbm>>
    %dma_wait3A_79 = tpu.memref_squeeze %dma_wait3A_78 : memref<1x56x128xf32, #tpu.memory_space<hbm>> -> memref<56x128xf32, #tpu.memory_space<hbm>>
    tpu.wait_dma2 semaphore(%arg15 : memref<!tpu.dma_semaphore, #tpu.memory_space<semaphore_mem>>) src(%dma_wait3A_79 : memref<56x128xf32, #tpu.memory_space<hbm>>) dst(%arg7 : memref<56x128xf32, #tpu.memory_space<vmem>>)
    %dma_wait3A_80 = arith.constant 3 : i32
    %dma_wait3A_81 = arith.constant 0 : i32
    %dma_wait3A_82 = tpu.memref_slice %arg2[%dma_wait3A_80, %add3A_4, %dma_wait3A_81] : memref<32x10000x128xf32, #tpu.memory_space<hbm>> -> memref<1x56x128xf32, #tpu.memory_space<hbm>>
    %dma_wait3A_83 = tpu.memref_squeeze %dma_wait3A_82 : memref<1x56x128xf32, #tpu.memory_space<hbm>> -> memref<56x128xf32, #tpu.memory_space<hbm>>
    %dma_wait3A_84 = arith.constant 0 : i32
    %dma_wait3A_85 = tpu.memref_slice %arg2[%dma_wait3A_80, %add3A_4, %dma_wait3A_84] : memref<32x10000x128xf32, #tpu.memory_space<hbm>> -> memref<1x56x128xf32, #tpu.memory_space<hbm>>
    %dma_wait3A_86 = tpu.memref_squeeze %dma_wait3A_85 : memref<1x56x128xf32, #tpu.memory_space<hbm>> -> memref<56x128xf32, #tpu.memory_space<hbm>>
    tpu.wait_dma2 semaphore(%arg16 : memref<!tpu.dma_semaphore, #tpu.memory_space<semaphore_mem>>) src(%dma_wait3A_86 : memref<56x128xf32, #tpu.memory_space<hbm>>) dst(%arg8 : memref<56x128xf32, #tpu.memory_space<vmem>>)
    %scan3A = arith.constant 0 : i32
    %scan3A_87 = arith.constant 0 : i32
    %scan3A_88 = arith.constant 56 : i32
    %scan3A_89 = arith.addi %scan3A_87, %scan3A_88 : i32
    %scan3A_90 = arith.constant 1 : i32
    scf.for %scan3A_500 = %scan3A_87 to %scan3A_89 step %scan3A_90  : i32 {
      %get3A = arith.index_cast %scan3A_500 : i32 to index
      %get3A_501 = arith.constant 0 : index
      %get3A_502 = tpu.vector_load %arg5[%get3A, %get3A_501] {strides = array<i32>} : memref<56x128xf32, #tpu.memory_space<vmem>>, vector<1x16xf32>,
      %get3A_503 = vector.shape_cast %get3A_502 : vector<1x16xf32> to vector<16xf32>
      %get3A_504 = arith.index_cast %scan3A_500 : i32 to index
      %get3A_505 = arith.constant 0 : index
      %get3A_506 = tpu.vector_load %arg6[%get3A_504, %get3A_505] {strides = array<i32>} : memref<56x128xf32, #tpu.memory_space<vmem>>, vector<1x16xf32>,
      %get3A_507 = vector.shape_cast %get3A_506 : vector<1x16xf32> to vector<16xf32>
      %add3A_508 = arith.addf %get3A_503, %get3A_507 : vector<16xf32>
      %get3A_509 = arith.index_cast %scan3A_500 : i32 to index
      %get3A_510 = arith.constant 0 : index
      %get3A_511 = tpu.vector_load %arg7[%get3A_509, %get3A_510] {strides = array<i32>} : memref<56x128xf32, #tpu.memory_space<vmem>>, vector<1x16xf32>,
      %get3A_512 = vector.shape_cast %get3A_511 : vector<1x16xf32> to vector<16xf32>
      %get3A_513 = arith.index_cast %scan3A_500 : i32 to index
      %get3A_514 = arith.constant 0 : index
      %get3A_515 = tpu.vector_load %arg8[%get3A_513, %get3A_514] {strides = array<i32>} : memref<56x128xf32, #tpu.memory_space<vmem>>, vector<1x16xf32>,
      %get3A_516 = vector.shape_cast %get3A_515 : vector<1x16xf32> to vector<16xf32>
      %add3A_517 = arith.addf %get3A_512, %get3A_516 : vector<16xf32>
      %add3A_518 = arith.addf %add3A_508, %add3A_517 : vector<16xf32>
      %swap3A = arith.index_cast %scan3A_500 : i32 to index
      %swap3A_519 = arith.constant 0 : index
      %swap3A_520 = tpu.vector_load %arg4[%swap3A, %swap3A_519] {strides = array<i32>} : memref<56x128xf32, #tpu.memory_space<vmem>>, vector<1x16xf32>,
      %swap3A_521 = vector.shape_cast %swap3A_520 : vector<1x16xf32> to vector<16xf32>
      %swap3A_522 = vector.shape_cast %add3A_518 : vector<16xf32> to vector<1x16xf32>
      tpu.vector_store %arg4[%swap3A, %swap3A_519], %swap3A_522 {strides = array<i32>} : memref<56x128xf32, #tpu.memory_space<vmem>>, vector<1x16xf32>,
      %get3A_523 = arith.index_cast %scan3A_500 : i32 to index
      %get3A_524 = arith.constant 16 : index
      %get3A_525 = tpu.vector_load %arg5[%get3A_523, %get3A_524] {strides = array<i32>} : memref<56x128xf32, #tpu.memory_space<vmem>>, vector<1x16xf32>,
      %get3A_526 = vector.shape_cast %get3A_525 : vector<1x16xf32> to vector<16xf32>
      %get3A_527 = arith.index_cast %scan3A_500 : i32 to index
      %get3A_528 = arith.constant 16 : index
      %get3A_529 = tpu.vector_load %arg6[%get3A_527, %get3A_528] {strides = array<i32>} : memref<56x128xf32, #tpu.memory_space<vmem>>, vector<1x16xf32>,
      %get3A_530 = vector.shape_cast %get3A_529 : vector<1x16xf32> to vector<16xf32>
      %add3A_531 = arith.addf %get3A_526, %get3A_530 : vector<16xf32>
      %get3A_532 = arith.index_cast %scan3A_500 : i32 to index
      %get3A_533 = arith.constant 16 : index
      %get3A_534 = tpu.vector_load %arg7[%get3A_532, %get3A_533] {strides = array<i32>} : memref<56x128xf32, #tpu.memory_space<vmem>>, vector<1x16xf32>,
      %get3A_535 = vector.shape_cast %get3A_534 : vector<1x16xf32> to vector<16xf32>
      %get3A_536 = arith.index_cast %scan3A_500 : i32 to index
      %get3A_537 = arith.constant 16 : index
      %get3A_538 = tpu.vector_load %arg8[%get3A_536, %get3A_537] {strides = array<i32>} : memref<56x128xf32, #tpu.memory_space<vmem>>, vector<1x16xf32>,
      %get3A_539 = vector.shape_cast %get3A_538 : vector<1x16xf32> to vector<16xf32>
      %add3A_540 = arith.addf %get3A_535, %get3A_539 : vector<16xf32>
      %add3A_541 = arith.addf %add3A_531, %add3A_540 : vector<16xf32>
      %swap3A_542 = arith.index_cast %scan3A_500 : i32 to index
      %swap3A_543 = arith.constant 16 : index
      %swap3A_544 = tpu.vector_load %arg4[%swap3A_542, %swap3A_543] {strides = array<i32>} : memref<56x128xf32, #tpu.memory_space<vmem>>, vector<1x16xf32>,
      %swap3A_545 = vector.shape_cast %swap3A_544 : vector<1x16xf32> to vector<16xf32>
      %swap3A_546 = vector.shape_cast %add3A_541 : vector<16xf32> to vector<1x16xf32>
      tpu.vector_store %arg4[%swap3A_542, %swap3A_543], %swap3A_546 {strides = array<i32>} : memref<56x128xf32, #tpu.memory_space<vmem>>, vector<1x16xf32>,
      %get3A_547 = arith.index_cast %scan3A_500 : i32 to index
      %get3A_548 = arith.constant 32 : index
      %get3A_549 = tpu.vector_load %arg5[%get3A_547, %get3A_548] {strides = array<i32>} : memref<56x128xf32, #tpu.memory_space<vmem>>, vector<1x16xf32>,
      %get3A_550 = vector.shape_cast %get3A_549 : vector<1x16xf32> to vector<16xf32>
      %get3A_551 = arith.index_cast %scan3A_500 : i32 to index
      %get3A_552 = arith.constant 32 : index
      %get3A_553 = tpu.vector_load %arg6[%get3A_551, %get3A_552] {strides = array<i32>} : memref<56x128xf32, #tpu.memory_space<vmem>>, vector<1x16xf32>,
      %get3A_554 = vector.shape_cast %get3A_553 : vector<1x16xf32> to vector<16xf32>
      %add3A_555 = arith.addf %get3A_550, %get3A_554 : vector<16xf32>
      %get3A_556 = arith.index_cast %scan3A_500 : i32 to index
      %get3A_557 = arith.constant 32 : index
      %get3A_558 = tpu.vector_load %arg7[%get3A_556, %get3A_557] {strides = array<i32>} : memref<56x128xf32, #tpu.memory_space<vmem>>, vector<1x16xf32>,
      %get3A_559 = vector.shape_cast %get3A_558 : vector<1x16xf32> to vector<16xf32>
      %get3A_560 = arith.index_cast %scan3A_500 : i32 to index
      %get3A_561 = arith.constant 32 : index
      %get3A_562 = tpu.vector_load %arg8[%get3A_560, %get3A_561] {strides = array<i32>} : memref<56x128xf32, #tpu.memory_space<vmem>>, vector<1x16xf32>,
      %get3A_563 = vector.shape_cast %get3A_562 : vector<1x16xf32> to vector<16xf32>
      %add3A_564 = arith.addf %get3A_559, %get3A_563 : vector<16xf32>
      %add3A_565 = arith.addf %add3A_555, %add3A_564 : vector<16xf32>
      %swap3A_566 = arith.index_cast %scan3A_500 : i32 to index
      %swap3A_567 = arith.constant 32 : index
      %swap3A_568 = tpu.vector_load %arg4[%swap3A_566, %swap3A_567] {strides = array<i32>} : memref<56x128xf32, #tpu.memory_space<vmem>>, vector<1x16xf32>,
      %swap3A_569 = vector.shape_cast %swap3A_568 : vector<1x16xf32> to vector<16xf32>
      %swap3A_570 = vector.shape_cast %add3A_565 : vector<16xf32> to vector<1x16xf32>
      tpu.vector_store %arg4[%swap3A_566, %swap3A_567], %swap3A_570 {strides = array<i32>} : memref<56x128xf32, #tpu.memory_space<vmem>>, vector<1x16xf32>,
      %get3A_571 = arith.index_cast %scan3A_500 : i32 to index
      %get3A_572 = arith.constant 48 : index
      %get3A_573 = tpu.vector_load %arg5[%get3A_571, %get3A_572] {strides = array<i32>} : memref<56x128xf32, #tpu.memory_space<vmem>>, vector<1x16xf32>,
      %get3A_574 = vector.shape_cast %get3A_573 : vector<1x16xf32> to vector<16xf32>
      %get3A_575 = arith.index_cast %scan3A_500 : i32 to index
      %get3A_576 = arith.constant 48 : index
      %get3A_577 = tpu.vector_load %arg6[%get3A_575, %get3A_576] {strides = array<i32>} : memref<56x128xf32, #tpu.memory_space<vmem>>, vector<1x16xf32>,
      %get3A_578 = vector.shape_cast %get3A_577 : vector<1x16xf32> to vector<16xf32>
      %add3A_579 = arith.addf %get3A_574, %get3A_578 : vector<16xf32>
      %get3A_580 = arith.index_cast %scan3A_500 : i32 to index
      %get3A_581 = arith.constant 48 : index
      %get3A_582 = tpu.vector_load %arg7[%get3A_580, %get3A_581] {strides = array<i32>} : memref<56x128xf32, #tpu.memory_space<vmem>>, vector<1x16xf32>,
      %get3A_583 = vector.shape_cast %get3A_582 : vector<1x16xf32> to vector<16xf32>
      %get3A_584 = arith.index_cast %scan3A_500 : i32 to index
      %get3A_585 = arith.constant 48 : index
      %get3A_586 = tpu.vector_load %arg8[%get3A_584, %get3A_585] {strides = array<i32>} : memref<56x128xf32, #tpu.memory_space<vmem>>, vector<1x16xf32>,
      %get3A_587 = vector.shape_cast %get3A_586 : vector<1x16xf32> to vector<16xf32>
      %add3A_588 = arith.addf %get3A_583, %get3A_587 : vector<16xf32>
      %add3A_589 = arith.addf %add3A_579, %add3A_588 : vector<16xf32>
      %swap3A_590 = arith.index_cast %scan3A_500 : i32 to index
      %swap3A_591 = arith.constant 48 : index
      %swap3A_592 = tpu.vector_load %arg4[%swap3A_590, %swap3A_591] {strides = array<i32>} : memref<56x128xf32, #tpu.memory_space<vmem>>, vector<1x16xf32>,
      %swap3A_593 = vector.shape_cast %swap3A_592 : vector<1x16xf32> to vector<16xf32>
      %swap3A_594 = vector.shape_cast %add3A_589 : vector<16xf32> to vector<1x16xf32>
      tpu.vector_store %arg4[%swap3A_590, %swap3A_591], %swap3A_594 {strides = array<i32>} : memref<56x128xf32, #tpu.memory_space<vmem>>, vector<1x16xf32>,
      %get3A_595 = arith.index_cast %scan3A_500 : i32 to index
      %get3A_596 = arith.constant 64 : index
      %get3A_597 = tpu.vector_load %arg5[%get3A_595, %get3A_596] {strides = array<i32>} : memref<56x128xf32, #tpu.memory_space<vmem>>, vector<1x16xf32>,
      %get3A_598 = vector.shape_cast %get3A_597 : vector<1x16xf32> to vector<16xf32>
      %get3A_599 = arith.index_cast %scan3A_500 : i32 to index
      %get3A_600 = arith.constant 64 : index
      %get3A_601 = tpu.vector_load %arg6[%get3A_599, %get3A_600] {strides = array<i32>} : memref<56x128xf32, #tpu.memory_space<vmem>>, vector<1x16xf32>,
      %get3A_602 = vector.shape_cast %get3A_601 : vector<1x16xf32> to vector<16xf32>
      %add3A_603 = arith.addf %get3A_598, %get3A_602 : vector<16xf32>
      %get3A_604 = arith.index_cast %scan3A_500 : i32 to index
      %get3A_605 = arith.constant 64 : index
      %get3A_606 = tpu.vector_load %arg7[%get3A_604, %get3A_605] {strides = array<i32>} : memref<56x128xf32, #tpu.memory_space<vmem>>, vector<1x16xf32>,
      %get3A_607 = vector.shape_cast %get3A_606 : vector<1x16xf32> to vector<16xf32>
      %get3A_608 = arith.index_cast %scan3A_500 : i32 to index
      %get3A_609 = arith.constant 64 : index
      %get3A_610 = tpu.vector_load %arg8[%get3A_608, %get3A_609] {strides = array<i32>} : memref<56x128xf32, #tpu.memory_space<vmem>>, vector<1x16xf32>,
      %get3A_611 = vector.shape_cast %get3A_610 : vector<1x16xf32> to vector<16xf32>
      %add3A_612 = arith.addf %get3A_607, %get3A_611 : vector<16xf32>
      %add3A_613 = arith.addf %add3A_603, %add3A_612 : vector<16xf32>
      %swap3A_614 = arith.index_cast %scan3A_500 : i32 to index
      %swap3A_615 = arith.constant 64 : index
      %swap3A_616 = tpu.vector_load %arg4[%swap3A_614, %swap3A_615] {strides = array<i32>} : memref<56x128xf32, #tpu.memory_space<vmem>>, vector<1x16xf32>,
      %swap3A_617 = vector.shape_cast %swap3A_616 : vector<1x16xf32> to vector<16xf32>
      %swap3A_618 = vector.shape_cast %add3A_613 : vector<16xf32> to vector<1x16xf32>
      tpu.vector_store %arg4[%swap3A_614, %swap3A_615], %swap3A_618 {strides = array<i32>} : memref<56x128xf32, #tpu.memory_space<vmem>>, vector<1x16xf32>,
      %get3A_619 = arith.index_cast %scan3A_500 : i32 to index
      %get3A_620 = arith.constant 80 : index
      %get3A_621 = tpu.vector_load %arg5[%get3A_619, %get3A_620] {strides = array<i32>} : memref<56x128xf32, #tpu.memory_space<vmem>>, vector<1x16xf32>,
      %get3A_622 = vector.shape_cast %get3A_621 : vector<1x16xf32> to vector<16xf32>
      %get3A_623 = arith.index_cast %scan3A_500 : i32 to index
      %get3A_624 = arith.constant 80 : index
      %get3A_625 = tpu.vector_load %arg6[%get3A_623, %get3A_624] {strides = array<i32>} : memref<56x128xf32, #tpu.memory_space<vmem>>, vector<1x16xf32>,
      %get3A_626 = vector.shape_cast %get3A_625 : vector<1x16xf32> to vector<16xf32>
      %add3A_627 = arith.addf %get3A_622, %get3A_626 : vector<16xf32>
      %get3A_628 = arith.index_cast %scan3A_500 : i32 to index
      %get3A_629 = arith.constant 80 : index
      %get3A_630 = tpu.vector_load %arg7[%get3A_628, %get3A_629] {strides = array<i32>} : memref<56x128xf32, #tpu.memory_space<vmem>>, vector<1x16xf32>,
      %get3A_631 = vector.shape_cast %get3A_630 : vector<1x16xf32> to vector<16xf32>
      %get3A_632 = arith.index_cast %scan3A_500 : i32 to index
      %get3A_633 = arith.constant 80 : index
      %get3A_634 = tpu.vector_load %arg8[%get3A_632, %get3A_633] {strides = array<i32>} : memref<56x128xf32, #tpu.memory_space<vmem>>, vector<1x16xf32>,
      %get3A_635 = vector.shape_cast %get3A_634 : vector<1x16xf32> to vector<16xf32>
      %add3A_636 = arith.addf %get3A_631, %get3A_635 : vector<16xf32>
      %add3A_637 = arith.addf %add3A_627, %add3A_636 : vector<16xf32>
      %swap3A_638 = arith.index_cast %scan3A_500 : i32 to index
      %swap3A_639 = arith.constant 80 : index
      %swap3A_640 = tpu.vector_load %arg4[%swap3A_638, %swap3A_639] {strides = array<i32>} : memref<56x128xf32, #tpu.memory_space<vmem>>, vector<1x16xf32>,
      %swap3A_641 = vector.shape_cast %swap3A_640 : vector<1x16xf32> to vector<16xf32>
      %swap3A_642 = vector.shape_cast %add3A_637 : vector<16xf32> to vector<1x16xf32>
      tpu.vector_store %arg4[%swap3A_638, %swap3A_639], %swap3A_642 {strides = array<i32>} : memref<56x128xf32, #tpu.memory_space<vmem>>, vector<1x16xf32>,
      %get3A_643 = arith.index_cast %scan3A_500 : i32 to index
      %get3A_644 = arith.constant 96 : index
      %get3A_645 = tpu.vector_load %arg5[%get3A_643, %get3A_644] {strides = array<i32>} : memref<56x128xf32, #tpu.memory_space<vmem>>, vector<1x16xf32>,
      %get3A_646 = vector.shape_cast %get3A_645 : vector<1x16xf32> to vector<16xf32>
      %get3A_647 = arith.index_cast %scan3A_500 : i32 to index
      %get3A_648 = arith.constant 96 : index
      %get3A_649 = tpu.vector_load %arg6[%get3A_647, %get3A_648] {strides = array<i32>} : memref<56x128xf32, #tpu.memory_space<vmem>>, vector<1x16xf32>,
      %get3A_650 = vector.shape_cast %get3A_649 : vector<1x16xf32> to vector<16xf32>
      %add3A_651 = arith.addf %get3A_646, %get3A_650 : vector<16xf32>
      %get3A_652 = arith.index_cast %scan3A_500 : i32 to index
      %get3A_653 = arith.constant 96 : index
      %get3A_654 = tpu.vector_load %arg7[%get3A_652, %get3A_653] {strides = array<i32>} : memref<56x128xf32, #tpu.memory_space<vmem>>, vector<1x16xf32>,
      %get3A_655 = vector.shape_cast %get3A_654 : vector<1x16xf32> to vector<16xf32>
      %get3A_656 = arith.index_cast %scan3A_500 : i32 to index
      %get3A_657 = arith.constant 96 : index
      %get3A_658 = tpu.vector_load %arg8[%get3A_656, %get3A_657] {strides = array<i32>} : memref<56x128xf32, #tpu.memory_space<vmem>>, vector<1x16xf32>,
      %get3A_659 = vector.shape_cast %get3A_658 : vector<1x16xf32> to vector<16xf32>
      %add3A_660 = arith.addf %get3A_655, %get3A_659 : vector<16xf32>
      %add3A_661 = arith.addf %add3A_651, %add3A_660 : vector<16xf32>
      %swap3A_662 = arith.index_cast %scan3A_500 : i32 to index
      %swap3A_663 = arith.constant 96 : index
      %swap3A_664 = tpu.vector_load %arg4[%swap3A_662, %swap3A_663] {strides = array<i32>} : memref<56x128xf32, #tpu.memory_space<vmem>>, vector<1x16xf32>,
      %swap3A_665 = vector.shape_cast %swap3A_664 : vector<1x16xf32> to vector<16xf32>
      %swap3A_666 = vector.shape_cast %add3A_661 : vector<16xf32> to vector<1x16xf32>
      tpu.vector_store %arg4[%swap3A_662, %swap3A_663], %swap3A_666 {strides = array<i32>} : memref<56x128xf32, #tpu.memory_space<vmem>>, vector<1x16xf32>,
      %get3A_667 = arith.index_cast %scan3A_500 : i32 to index
      %get3A_668 = arith.constant 112 : index
      %get3A_669 = tpu.vector_load %arg5[%get3A_667, %get3A_668] {strides = array<i32>} : memref<56x128xf32, #tpu.memory_space<vmem>>, vector<1x16xf32>,
      %get3A_670 = vector.shape_cast %get3A_669 : vector<1x16xf32> to vector<16xf32>
      %get3A_671 = arith.index_cast %scan3A_500 : i32 to index
      %get3A_672 = arith.constant 112 : index
      %get3A_673 = tpu.vector_load %arg6[%get3A_671, %get3A_672] {strides = array<i32>} : memref<56x128xf32, #tpu.memory_space<vmem>>, vector<1x16xf32>,
      %get3A_674 = vector.shape_cast %get3A_673 : vector<1x16xf32> to vector<16xf32>
      %add3A_675 = arith.addf %get3A_670, %get3A_674 : vector<16xf32>
      %get3A_676 = arith.index_cast %scan3A_500 : i32 to index
      %get3A_677 = arith.constant 112 : index
      %get3A_678 = tpu.vector_load %arg7[%get3A_676, %get3A_677] {strides = array<i32>} : memref<56x128xf32, #tpu.memory_space<vmem>>, vector<1x16xf32>,
      %get3A_679 = vector.shape_cast %get3A_678 : vector<1x16xf32> to vector<16xf32>
      %get3A_680 = arith.index_cast %scan3A_500 : i32 to index
      %get3A_681 = arith.constant 112 : index
      %get3A_682 = tpu.vector_load %arg8[%get3A_680, %get3A_681] {strides = array<i32>} : memref<56x128xf32, #tpu.memory_space<vmem>>, vector<1x16xf32>,
      %get3A_683 = vector.shape_cast %get3A_682 : vector<1x16xf32> to vector<16xf32>
      %add3A_684 = arith.addf %get3A_679, %get3A_683 : vector<16xf32>
      %add3A_685 = arith.addf %add3A_675, %add3A_684 : vector<16xf32>
      %swap3A_686 = arith.index_cast %scan3A_500 : i32 to index
      %swap3A_687 = arith.constant 112 : index
      %swap3A_688 = tpu.vector_load %arg4[%swap3A_686, %swap3A_687] {strides = array<i32>} : memref<56x128xf32, #tpu.memory_space<vmem>>, vector<1x16xf32>,
      %swap3A_689 = vector.shape_cast %swap3A_688 : vector<1x16xf32> to vector<16xf32>
      %swap3A_690 = vector.shape_cast %add3A_685 : vector<16xf32> to vector<1x16xf32>
      tpu.vector_store %arg4[%swap3A_686, %swap3A_687], %swap3A_690 {strides = array<i32>} : memref<56x128xf32, #tpu.memory_space<vmem>>, vector<1x16xf32>,
    }
    %scan3A_91 = arith.constant 56 : i32
    %dma_start3A_92 = arith.constant 8 : i32
    %dma_start3A_93 = arith.constant 0 : i32
    %dma_start3A_94 = tpu.memref_slice %arg2[%dma_start3A_92, %add3A_4, %dma_start3A_93] : memref<32x10000x128xf32, #tpu.memory_space<hbm>> -> memref<1x56x128xf32, #tpu.memory_space<hbm>>
    %dma_start3A_95 = tpu.memref_squeeze %dma_start3A_94 : memref<1x56x128xf32, #tpu.memory_space<hbm>> -> memref<56x128xf32, #tpu.memory_space<hbm>>
    %dma_start3A_96 = arith.constant 0 : i32
    %dma_start3A_97 = tpu.memref_slice %arg2[%dma_start3A_92, %add3A_4, %dma_start3A_96] : memref<32x10000x128xf32, #tpu.memory_space<hbm>> -> memref<1x56x128xf32, #tpu.memory_space<hbm>>
    %dma_start3A_98 = tpu.memref_squeeze %dma_start3A_97 : memref<1x56x128xf32, #tpu.memory_space<hbm>> -> memref<56x128xf32, #tpu.memory_space<hbm>>
    tpu.enqueue_dma source(%dma_start3A_98 : memref<56x128xf32, #tpu.memory_space<hbm>>) target(%arg5 : memref<56x128xf32, #tpu.memory_space<vmem>>) target_semaphore(%arg13 : memref<!tpu.dma_semaphore, #tpu.memory_space<semaphore_mem>>)
    %dma_start3A_99 = arith.constant 9 : i32
    %dma_start3A_100 = arith.constant 0 : i32
    %dma_start3A_101 = tpu.memref_slice %arg2[%dma_start3A_99, %add3A_4, %dma_start3A_100] : memref<32x10000x128xf32, #tpu.memory_space<hbm>> -> memref<1x56x128xf32, #tpu.memory_space<hbm>>
    %dma_start3A_102 = tpu.memref_squeeze %dma_start3A_101 : memref<1x56x128xf32, #tpu.memory_space<hbm>> -> memref<56x128xf32, #tpu.memory_space<hbm>>
    %dma_start3A_103 = arith.constant 0 : i32
    %dma_start3A_104 = tpu.memref_slice %arg2[%dma_start3A_99, %add3A_4, %dma_start3A_103] : memref<32x10000x128xf32, #tpu.memory_space<hbm>> -> memref<1x56x128xf32, #tpu.memory_space<hbm>>
    %dma_start3A_105 = tpu.memref_squeeze %dma_start3A_104 : memref<1x56x128xf32, #tpu.memory_space<hbm>> -> memref<56x128xf32, #tpu.memory_space<hbm>>
    tpu.enqueue_dma source(%dma_start3A_105 : memref<56x128xf32, #tpu.memory_space<hbm>>) target(%arg6 : memref<56x128xf32, #tpu.memory_space<vmem>>) target_semaphore(%arg14 : memref<!tpu.dma_semaphore, #tpu.memory_space<semaphore_mem>>)
    %dma_start3A_106 = arith.constant 10 : i32
    %dma_start3A_107 = arith.constant 0 : i32
    %dma_start3A_108 = tpu.memref_slice %arg2[%dma_start3A_106, %add3A_4, %dma_start3A_107] : memref<32x10000x128xf32, #tpu.memory_space<hbm>> -> memref<1x56x128xf32, #tpu.memory_space<hbm>>
    %dma_start3A_109 = tpu.memref_squeeze %dma_start3A_108 : memref<1x56x128xf32, #tpu.memory_space<hbm>> -> memref<56x128xf32, #tpu.memory_space<hbm>>
    %dma_start3A_110 = arith.constant 0 : i32
    %dma_start3A_111 = tpu.memref_slice %arg2[%dma_start3A_106, %add3A_4, %dma_start3A_110] : memref<32x10000x128xf32, #tpu.memory_space<hbm>> -> memref<1x56x128xf32, #tpu.memory_space<hbm>>
    %dma_start3A_112 = tpu.memref_squeeze %dma_start3A_111 : memref<1x56x128xf32, #tpu.memory_space<hbm>> -> memref<56x128xf32, #tpu.memory_space<hbm>>
    tpu.enqueue_dma source(%dma_start3A_112 : memref<56x128xf32, #tpu.memory_space<hbm>>) target(%arg7 : memref<56x128xf32, #tpu.memory_space<vmem>>) target_semaphore(%arg15 : memref<!tpu.dma_semaphore, #tpu.memory_space<semaphore_mem>>)
    %dma_start3A_113 = arith.constant 11 : i32
    %dma_start3A_114 = arith.constant 0 : i32
    %dma_start3A_115 = tpu.memref_slice %arg2[%dma_start3A_113, %add3A_4, %dma_start3A_114] : memref<32x10000x128xf32, #tpu.memory_space<hbm>> -> memref<1x56x128xf32, #tpu.memory_space<hbm>>
    %dma_start3A_116 = tpu.memref_squeeze %dma_start3A_115 : memref<1x56x128xf32, #tpu.memory_space<hbm>> -> memref<56x128xf32, #tpu.memory_space<hbm>>
    %dma_start3A_117 = arith.constant 0 : i32
    %dma_start3A_118 = tpu.memref_slice %arg2[%dma_start3A_113, %add3A_4, %dma_start3A_117] : memref<32x10000x128xf32, #tpu.memory_space<hbm>> -> memref<1x56x128xf32, #tpu.memory_space<hbm>>
    %dma_start3A_119 = tpu.memref_squeeze %dma_start3A_118 : memref<1x56x128xf32, #tpu.memory_space<hbm>> -> memref<56x128xf32, #tpu.memory_space<hbm>>
    tpu.enqueue_dma source(%dma_start3A_119 : memref<56x128xf32, #tpu.memory_space<hbm>>) target(%arg8 : memref<56x128xf32, #tpu.memory_space<vmem>>) target_semaphore(%arg16 : memref<!tpu.dma_semaphore, #tpu.memory_space<semaphore_mem>>)
    %dma_wait3A_120 = arith.constant 4 : i32
    %dma_wait3A_121 = arith.constant 0 : i32
    %dma_wait3A_122 = tpu.memref_slice %arg2[%dma_wait3A_120, %add3A_4, %dma_wait3A_121] : memref<32x10000x128xf32, #tpu.memory_space<hbm>> -> memref<1x56x128xf32, #tpu.memory_space<hbm>>
    %dma_wait3A_123 = tpu.memref_squeeze %dma_wait3A_122 : memref<1x56x128xf32, #tpu.memory_space<hbm>> -> memref<56x128xf32, #tpu.memory_space<hbm>>
    %dma_wait3A_124 = arith.constant 0 : i32
    %dma_wait3A_125 = tpu.memref_slice %arg2[%dma_wait3A_120, %add3A_4, %dma_wait3A_124] : memref<32x10000x128xf32, #tpu.memory_space<hbm>> -> memref<1x56x128xf32, #tpu.memory_space<hbm>>
    %dma_wait3A_126 = tpu.memref_squeeze %dma_wait3A_125 : memref<1x56x128xf32, #tpu.memory_space<hbm>> -> memref<56x128xf32, #tpu.memory_space<hbm>>
    tpu.wait_dma2 semaphore(%arg17 : memref<!tpu.dma_semaphore, #tpu.memory_space<semaphore_mem>>) src(%dma_wait3A_126 : memref<56x128xf32, #tpu.memory_space<hbm>>) dst(%arg9 : memref<56x128xf32, #tpu.memory_space<vmem>>)
    %dma_wait3A_127 = arith.constant 5 : i32
    %dma_wait3A_128 = arith.constant 0 : i32
    %dma_wait3A_129 = tpu.memref_slice %arg2[%dma_wait3A_127, %add3A_4, %dma_wait3A_128] : memref<32x10000x128xf32, #tpu.memory_space<hbm>> -> memref<1x56x128xf32, #tpu.memory_space<hbm>>
    %dma_wait3A_130 = tpu.memref_squeeze %dma_wait3A_129 : memref<1x56x128xf32, #tpu.memory_space<hbm>> -> memref<56x128xf32, #tpu.memory_space<hbm>>
    %dma_wait3A_131 = arith.constant 0 : i32
    %dma_wait3A_132 = tpu.memref_slice %arg2[%dma_wait3A_127, %add3A_4, %dma_wait3A_131] : memref<32x10000x128xf32, #tpu.memory_space<hbm>> -> memref<1x56x128xf32, #tpu.memory_space<hbm>>
    %dma_wait3A_133 = tpu.memref_squeeze %dma_wait3A_132 : memref<1x56x128xf32, #tpu.memory_space<hbm>> -> memref<56x128xf32, #tpu.memory_space<hbm>>
    tpu.wait_dma2 semaphore(%arg18 : memref<!tpu.dma_semaphore, #tpu.memory_space<semaphore_mem>>) src(%dma_wait3A_133 : memref<56x128xf32, #tpu.memory_space<hbm>>) dst(%arg10 : memref<56x128xf32, #tpu.memory_space<vmem>>)
    %dma_wait3A_134 = arith.constant 6 : i32
    %dma_wait3A_135 = arith.constant 0 : i32
    %dma_wait3A_136 = tpu.memref_slice %arg2[%dma_wait3A_134, %add3A_4, %dma_wait3A_135] : memref<32x10000x128xf32, #tpu.memory_space<hbm>> -> memref<1x56x128xf32, #tpu.memory_space<hbm>>
    %dma_wait3A_137 = tpu.memref_squeeze %dma_wait3A_136 : memref<1x56x128xf32, #tpu.memory_space<hbm>> -> memref<56x128xf32, #tpu.memory_space<hbm>>
    %dma_wait3A_138 = arith.constant 0 : i32
    %dma_wait3A_139 = tpu.memref_slice %arg2[%dma_wait3A_134, %add3A_4, %dma_wait3A_138] : memref<32x10000x128xf32, #tpu.memory_space<hbm>> -> memref<1x56x128xf32, #tpu.memory_space<hbm>>
    %dma_wait3A_140 = tpu.memref_squeeze %dma_wait3A_139 : memref<1x56x128xf32, #tpu.memory_space<hbm>> -> memref<56x128xf32, #tpu.memory_space<hbm>>
    tpu.wait_dma2 semaphore(%arg19 : memref<!tpu.dma_semaphore, #tpu.memory_space<semaphore_mem>>) src(%dma_wait3A_140 : memref<56x128xf32, #tpu.memory_space<hbm>>) dst(%arg11 : memref<56x128xf32, #tpu.memory_space<vmem>>)
    %dma_wait3A_141 = arith.constant 7 : i32
    %dma_wait3A_142 = arith.constant 0 : i32
    %dma_wait3A_143 = tpu.memref_slice %arg2[%dma_wait3A_141, %add3A_4, %dma_wait3A_142] : memref<32x10000x128xf32, #tpu.memory_space<hbm>> -> memref<1x56x128xf32, #tpu.memory_space<hbm>>
    %dma_wait3A_144 = tpu.memref_squeeze %dma_wait3A_143 : memref<1x56x128xf32, #tpu.memory_space<hbm>> -> memref<56x128xf32, #tpu.memory_space<hbm>>
    %dma_wait3A_145 = arith.constant 0 : i32
    %dma_wait3A_146 = tpu.memref_slice %arg2[%dma_wait3A_141, %add3A_4, %dma_wait3A_145] : memref<32x10000x128xf32, #tpu.memory_space<hbm>> -> memref<1x56x128xf32, #tpu.memory_space<hbm>>
    %dma_wait3A_147 = tpu.memref_squeeze %dma_wait3A_146 : memref<1x56x128xf32, #tpu.memory_space<hbm>> -> memref<56x128xf32, #tpu.memory_space<hbm>>
    tpu.wait_dma2 semaphore(%arg20 : memref<!tpu.dma_semaphore, #tpu.memory_space<semaphore_mem>>) src(%dma_wait3A_147 : memref<56x128xf32, #tpu.memory_space<hbm>>) dst(%arg12 : memref<56x128xf32, #tpu.memory_space<vmem>>)
    %scan3A_148 = arith.constant 0 : i32
    %scan3A_149 = arith.constant 0 : i32
    %scan3A_150 = arith.constant 56 : i32
    %scan3A_151 = arith.addi %scan3A_149, %scan3A_150 : i32
    %scan3A_152 = arith.constant 1 : i32
    scf.for %scan3A_500 = %scan3A_149 to %scan3A_151 step %scan3A_152  : i32 {
      %get3A = arith.index_cast %scan3A_500 : i32 to index
      %get3A_501 = arith.constant 0 : index
      %get3A_502 = tpu.vector_load %arg9[%get3A, %get3A_501] {strides = array<i32>} : memref<56x128xf32, #tpu.memory_space<vmem>>, vector<1x16xf32>,
      %get3A_503 = vector.shape_cast %get3A_502 : vector<1x16xf32> to vector<16xf32>
      %get3A_504 = arith.index_cast %scan3A_500 : i32 to index
      %get3A_505 = arith.constant 0 : index
      %get3A_506 = tpu.vector_load %arg10[%get3A_504, %get3A_505] {strides = array<i32>} : memref<56x128xf32, #tpu.memory_space<vmem>>, vector<1x16xf32>,
      %get3A_507 = vector.shape_cast %get3A_506 : vector<1x16xf32> to vector<16xf32>
      %add3A_508 = arith.addf %get3A_503, %get3A_507 : vector<16xf32>
      %get3A_509 = arith.index_cast %scan3A_500 : i32 to index
      %get3A_510 = arith.constant 0 : index
      %get3A_511 = tpu.vector_load %arg11[%get3A_509, %get3A_510] {strides = array<i32>} : memref<56x128xf32, #tpu.memory_space<vmem>>, vector<1x16xf32>,
      %get3A_512 = vector.shape_cast %get3A_511 : vector<1x16xf32> to vector<16xf32>
      %get3A_513 = arith.index_cast %scan3A_500 : i32 to index
      %get3A_514 = arith.constant 0 : index
      %get3A_515 = tpu.vector_load %arg12[%get3A_513, %get3A_514] {strides = array<i32>} : memref<56x128xf32, #tpu.memory_space<vmem>>, vector<1x16xf32>,
      %get3A_516 = vector.shape_cast %get3A_515 : vector<1x16xf32> to vector<16xf32>
      %add3A_517 = arith.addf %get3A_512, %get3A_516 : vector<16xf32>
      %add3A_518 = arith.addf %add3A_508, %add3A_517 : vector<16xf32>
      %get3A_519 = arith.index_cast %scan3A_500 : i32 to index
      %get3A_520 = arith.constant 0 : index
      %get3A_521 = tpu.vector_load %arg4[%get3A_519, %get3A_520] {strides = array<i32>} : memref<56x128xf32, #tpu.memory_space<vmem>>, vector<1x16xf32>,
      %get3A_522 = vector.shape_cast %get3A_521 : vector<1x16xf32> to vector<16xf32>
      %add3A_523 = arith.addf %get3A_522, %add3A_518 : vector<16xf32>
      %swap3A = arith.index_cast %scan3A_500 : i32 to index
      %swap3A_524 = arith.constant 0 : index
      %swap3A_525 = tpu.vector_load %arg4[%swap3A, %swap3A_524] {strides = array<i32>} : memref<56x128xf32, #tpu.memory_space<vmem>>, vector<1x16xf32>,
      %swap3A_526 = vector.shape_cast %swap3A_525 : vector<1x16xf32> to vector<16xf32>
      %swap3A_527 = vector.shape_cast %add3A_523 : vector<16xf32> to vector<1x16xf32>
      tpu.vector_store %arg4[%swap3A, %swap3A_524], %swap3A_527 {strides = array<i32>} : memref<56x128xf32, #tpu.memory_space<vmem>>, vector<1x16xf32>,
      %get3A_528 = arith.index_cast %scan3A_500 : i32 to index
      %get3A_529 = arith.constant 16 : index
      %get3A_530 = tpu.vector_load %arg9[%get3A_528, %get3A_529] {strides = array<i32>} : memref<56x128xf32, #tpu.memory_space<vmem>>, vector<1x16xf32>,
      %get3A_531 = vector.shape_cast %get3A_530 : vector<1x16xf32> to vector<16xf32>
      %get3A_532 = arith.index_cast %scan3A_500 : i32 to index
      %get3A_533 = arith.constant 16 : index
      %get3A_534 = tpu.vector_load %arg10[%get3A_532, %get3A_533] {strides = array<i32>} : memref<56x128xf32, #tpu.memory_space<vmem>>, vector<1x16xf32>,
      %get3A_535 = vector.shape_cast %get3A_534 : vector<1x16xf32> to vector<16xf32>
      %add3A_536 = arith.addf %get3A_531, %get3A_535 : vector<16xf32>
      %get3A_537 = arith.index_cast %scan3A_500 : i32 to index
      %get3A_538 = arith.constant 16 : index
      %get3A_539 = tpu.vector_load %arg11[%get3A_537, %get3A_538] {strides = array<i32>} : memref<56x128xf32, #tpu.memory_space<vmem>>, vector<1x16xf32>,
      %get3A_540 = vector.shape_cast %get3A_539 : vector<1x16xf32> to vector<16xf32>
      %get3A_541 = arith.index_cast %scan3A_500 : i32 to index
      %get3A_542 = arith.constant 16 : index
      %get3A_543 = tpu.vector_load %arg12[%get3A_541, %get3A_542] {strides = array<i32>} : memref<56x128xf32, #tpu.memory_space<vmem>>, vector<1x16xf32>,
      %get3A_544 = vector.shape_cast %get3A_543 : vector<1x16xf32> to vector<16xf32>
      %add3A_545 = arith.addf %get3A_540, %get3A_544 : vector<16xf32>
      %add3A_546 = arith.addf %add3A_536, %add3A_545 : vector<16xf32>
      %get3A_547 = arith.index_cast %scan3A_500 : i32 to index
      %get3A_548 = arith.constant 16 : index
      %get3A_549 = tpu.vector_load %arg4[%get3A_547, %get3A_548] {strides = array<i32>} : memref<56x128xf32, #tpu.memory_space<vmem>>, vector<1x16xf32>,
      %get3A_550 = vector.shape_cast %get3A_549 : vector<1x16xf32> to vector<16xf32>
      %add3A_551 = arith.addf %get3A_550, %add3A_546 : vector<16xf32>
      %swap3A_552 = arith.index_cast %scan3A_500 : i32 to index
      %swap3A_553 = arith.constant 16 : index
      %swap3A_554 = tpu.vector_load %arg4[%swap3A_552, %swap3A_553] {strides = array<i32>} : memref<56x128xf32, #tpu.memory_space<vmem>>, vector<1x16xf32>,
      %swap3A_555 = vector.shape_cast %swap3A_554 : vector<1x16xf32> to vector<16xf32>
      %swap3A_556 = vector.shape_cast %add3A_551 : vector<16xf32> to vector<1x16xf32>
      tpu.vector_store %arg4[%swap3A_552, %swap3A_553], %swap3A_556 {strides = array<i32>} : memref<56x128xf32, #tpu.memory_space<vmem>>, vector<1x16xf32>,
      %get3A_557 = arith.index_cast %scan3A_500 : i32 to index
      %get3A_558 = arith.constant 32 : index
      %get3A_559 = tpu.vector_load %arg9[%get3A_557, %get3A_558] {strides = array<i32>} : memref<56x128xf32, #tpu.memory_space<vmem>>, vector<1x16xf32>,
      %get3A_560 = vector.shape_cast %get3A_559 : vector<1x16xf32> to vector<16xf32>
      %get3A_561 = arith.index_cast %scan3A_500 : i32 to index
      %get3A_562 = arith.constant 32 : index
      %get3A_563 = tpu.vector_load %arg10[%get3A_561, %get3A_562] {strides = array<i32>} : memref<56x128xf32, #tpu.memory_space<vmem>>, vector<1x16xf32>,
      %get3A_564 = vector.shape_cast %get3A_563 : vector<1x16xf32> to vector<16xf32>
      %add3A_565 = arith.addf %get3A_560, %get3A_564 : vector<16xf32>
      %get3A_566 = arith.index_cast %scan3A_500 : i32 to index
      %get3A_567 = arith.constant 32 : index
      %get3A_568 = tpu.vector_load %arg11[%get3A_566, %get3A_567] {strides = array<i32>} : memref<56x128xf32, #tpu.memory_space<vmem>>, vector<1x16xf32>,
      %get3A_569 = vector.shape_cast %get3A_568 : vector<1x16xf32> to vector<16xf32>
      %get3A_570 = arith.index_cast %scan3A_500 : i32 to index
      %get3A_571 = arith.constant 32 : index
      %get3A_572 = tpu.vector_load %arg12[%get3A_570, %get3A_571] {strides = array<i32>} : memref<56x128xf32, #tpu.memory_space<vmem>>, vector<1x16xf32>,
      %get3A_573 = vector.shape_cast %get3A_572 : vector<1x16xf32> to vector<16xf32>
      %add3A_574 = arith.addf %get3A_569, %get3A_573 : vector<16xf32>
      %add3A_575 = arith.addf %add3A_565, %add3A_574 : vector<16xf32>
      %get3A_576 = arith.index_cast %scan3A_500 : i32 to index
      %get3A_577 = arith.constant 32 : index
      %get3A_578 = tpu.vector_load %arg4[%get3A_576, %get3A_577] {strides = array<i32>} : memref<56x128xf32, #tpu.memory_space<vmem>>, vector<1x16xf32>,
      %get3A_579 = vector.shape_cast %get3A_578 : vector<1x16xf32> to vector<16xf32>
      %add3A_580 = arith.addf %get3A_579, %add3A_575 : vector<16xf32>
      %swap3A_581 = arith.index_cast %scan3A_500 : i32 to index
      %swap3A_582 = arith.constant 32 : index
      %swap3A_583 = tpu.vector_load %arg4[%swap3A_581, %swap3A_582] {strides = array<i32>} : memref<56x128xf32, #tpu.memory_space<vmem>>, vector<1x16xf32>,
      %swap3A_584 = vector.shape_cast %swap3A_583 : vector<1x16xf32> to vector<16xf32>
      %swap3A_585 = vector.shape_cast %add3A_580 : vector<16xf32> to vector<1x16xf32>
      tpu.vector_store %arg4[%swap3A_581, %swap3A_582], %swap3A_585 {strides = array<i32>} : memref<56x128xf32, #tpu.memory_space<vmem>>, vector<1x16xf32>,
      %get3A_586 = arith.index_cast %scan3A_500 : i32 to index
      %get3A_587 = arith.constant 48 : index
      %get3A_588 = tpu.vector_load %arg9[%get3A_586, %get3A_587] {strides = array<i32>} : memref<56x128xf32, #tpu.memory_space<vmem>>, vector<1x16xf32>,
      %get3A_589 = vector.shape_cast %get3A_588 : vector<1x16xf32> to vector<16xf32>
      %get3A_590 = arith.index_cast %scan3A_500 : i32 to index
      %get3A_591 = arith.constant 48 : index
      %get3A_592 = tpu.vector_load %arg10[%get3A_590, %get3A_591] {strides = array<i32>} : memref<56x128xf32, #tpu.memory_space<vmem>>, vector<1x16xf32>,
      %get3A_593 = vector.shape_cast %get3A_592 : vector<1x16xf32> to vector<16xf32>
      %add3A_594 = arith.addf %get3A_589, %get3A_593 : vector<16xf32>
      %get3A_595 = arith.index_cast %scan3A_500 : i32 to index
      %get3A_596 = arith.constant 48 : index
      %get3A_597 = tpu.vector_load %arg11[%get3A_595, %get3A_596] {strides = array<i32>} : memref<56x128xf32, #tpu.memory_space<vmem>>, vector<1x16xf32>,
      %get3A_598 = vector.shape_cast %get3A_597 : vector<1x16xf32> to vector<16xf32>
      %get3A_599 = arith.index_cast %scan3A_500 : i32 to index
      %get3A_600 = arith.constant 48 : index
      %get3A_601 = tpu.vector_load %arg12[%get3A_599, %get3A_600] {strides = array<i32>} : memref<56x128xf32, #tpu.memory_space<vmem>>, vector<1x16xf32>,
      %get3A_602 = vector.shape_cast %get3A_601 : vector<1x16xf32> to vector<16xf32>
      %add3A_603 = arith.addf %get3A_598, %get3A_602 : vector<16xf32>
      %add3A_604 = arith.addf %add3A_594, %add3A_603 : vector<16xf32>
      %get3A_605 = arith.index_cast %scan3A_500 : i32 to index
      %get3A_606 = arith.constant 48 : index
      %get3A_607 = tpu.vector_load %arg4[%get3A_605, %get3A_606] {strides = array<i32>} : memref<56x128xf32, #tpu.memory_space<vmem>>, vector<1x16xf32>,
      %get3A_608 = vector.shape_cast %get3A_607 : vector<1x16xf32> to vector<16xf32>
      %add3A_609 = arith.addf %get3A_608, %add3A_604 : vector<16xf32>
      %swap3A_610 = arith.index_cast %scan3A_500 : i32 to index
      %swap3A_611 = arith.constant 48 : index
      %swap3A_612 = tpu.vector_load %arg4[%swap3A_610, %swap3A_611] {strides = array<i32>} : memref<56x128xf32, #tpu.memory_space<vmem>>, vector<1x16xf32>,
      %swap3A_613 = vector.shape_cast %swap3A_612 : vector<1x16xf32> to vector<16xf32>
      %swap3A_614 = vector.shape_cast %add3A_609 : vector<16xf32> to vector<1x16xf32>
      tpu.vector_store %arg4[%swap3A_610, %swap3A_611], %swap3A_614 {strides = array<i32>} : memref<56x128xf32, #tpu.memory_space<vmem>>, vector<1x16xf32>,
      %get3A_615 = arith.index_cast %scan3A_500 : i32 to index
      %get3A_616 = arith.constant 64 : index
      %get3A_617 = tpu.vector_load %arg9[%get3A_615, %get3A_616] {strides = array<i32>} : memref<56x128xf32, #tpu.memory_space<vmem>>, vector<1x16xf32>,
      %get3A_618 = vector.shape_cast %get3A_617 : vector<1x16xf32> to vector<16xf32>
      %get3A_619 = arith.index_cast %scan3A_500 : i32 to index
      %get3A_620 = arith.constant 64 : index
      %get3A_621 = tpu.vector_load %arg10[%get3A_619, %get3A_620] {strides = array<i32>} : memref<56x128xf32, #tpu.memory_space<vmem>>, vector<1x16xf32>,
      %get3A_622 = vector.shape_cast %get3A_621 : vector<1x16xf32> to vector<16xf32>
      %add3A_623 = arith.addf %get3A_618, %get3A_622 : vector<16xf32>
      %get3A_624 = arith.index_cast %scan3A_500 : i32 to index
      %get3A_625 = arith.constant 64 : index
      %get3A_626 = tpu.vector_load %arg11[%get3A_624, %get3A_625] {strides = array<i32>} : memref<56x128xf32, #tpu.memory_space<vmem>>, vector<1x16xf32>,
      %get3A_627 = vector.shape_cast %get3A_626 : vector<1x16xf32> to vector<16xf32>
      %get3A_628 = arith.index_cast %scan3A_500 : i32 to index
      %get3A_629 = arith.constant 64 : index
      %get3A_630 = tpu.vector_load %arg12[%get3A_628, %get3A_629] {strides = array<i32>} : memref<56x128xf32, #tpu.memory_space<vmem>>, vector<1x16xf32>,
      %get3A_631 = vector.shape_cast %get3A_630 : vector<1x16xf32> to vector<16xf32>
      %add3A_632 = arith.addf %get3A_627, %get3A_631 : vector<16xf32>
      %add3A_633 = arith.addf %add3A_623, %add3A_632 : vector<16xf32>
      %get3A_634 = arith.index_cast %scan3A_500 : i32 to index
      %get3A_635 = arith.constant 64 : index
      %get3A_636 = tpu.vector_load %arg4[%get3A_634, %get3A_635] {strides = array<i32>} : memref<56x128xf32, #tpu.memory_space<vmem>>, vector<1x16xf32>,
      %get3A_637 = vector.shape_cast %get3A_636 : vector<1x16xf32> to vector<16xf32>
      %add3A_638 = arith.addf %get3A_637, %add3A_633 : vector<16xf32>
      %swap3A_639 = arith.index_cast %scan3A_500 : i32 to index
      %swap3A_640 = arith.constant 64 : index
      %swap3A_641 = tpu.vector_load %arg4[%swap3A_639, %swap3A_640] {strides = array<i32>} : memref<56x128xf32, #tpu.memory_space<vmem>>, vector<1x16xf32>,
      %swap3A_642 = vector.shape_cast %swap3A_641 : vector<1x16xf32> to vector<16xf32>
      %swap3A_643 = vector.shape_cast %add3A_638 : vector<16xf32> to vector<1x16xf32>
      tpu.vector_store %arg4[%swap3A_639, %swap3A_640], %swap3A_643 {strides = array<i32>} : memref<56x128xf32, #tpu.memory_space<vmem>>, vector<1x16xf32>,
      %get3A_644 = arith.index_cast %scan3A_500 : i32 to index
      %get3A_645 = arith.constant 80 : index
      %get3A_646 = tpu.vector_load %arg9[%get3A_644, %get3A_645] {strides = array<i32>} : memref<56x128xf32, #tpu.memory_space<vmem>>, vector<1x16xf32>,
      %get3A_647 = vector.shape_cast %get3A_646 : vector<1x16xf32> to vector<16xf32>
      %get3A_648 = arith.index_cast %scan3A_500 : i32 to index
      %get3A_649 = arith.constant 80 : index
      %get3A_650 = tpu.vector_load %arg10[%get3A_648, %get3A_649] {strides = array<i32>} : memref<56x128xf32, #tpu.memory_space<vmem>>, vector<1x16xf32>,
      %get3A_651 = vector.shape_cast %get3A_650 : vector<1x16xf32> to vector<16xf32>
      %add3A_652 = arith.addf %get3A_647, %get3A_651 : vector<16xf32>
      %get3A_653 = arith.index_cast %scan3A_500 : i32 to index
      %get3A_654 = arith.constant 80 : index
      %get3A_655 = tpu.vector_load %arg11[%get3A_653, %get3A_654] {strides = array<i32>} : memref<56x128xf32, #tpu.memory_space<vmem>>, vector<1x16xf32>,
      %get3A_656 = vector.shape_cast %get3A_655 : vector<1x16xf32> to vector<16xf32>
      %get3A_657 = arith.index_cast %scan3A_500 : i32 to index
      %get3A_658 = arith.constant 80 : index
      %get3A_659 = tpu.vector_load %arg12[%get3A_657, %get3A_658] {strides = array<i32>} : memref<56x128xf32, #tpu.memory_space<vmem>>, vector<1x16xf32>,
      %get3A_660 = vector.shape_cast %get3A_659 : vector<1x16xf32> to vector<16xf32>
      %add3A_661 = arith.addf %get3A_656, %get3A_660 : vector<16xf32>
      %add3A_662 = arith.addf %add3A_652, %add3A_661 : vector<16xf32>
      %get3A_663 = arith.index_cast %scan3A_500 : i32 to index
      %get3A_664 = arith.constant 80 : index
      %get3A_665 = tpu.vector_load %arg4[%get3A_663, %get3A_664] {strides = array<i32>} : memref<56x128xf32, #tpu.memory_space<vmem>>, vector<1x16xf32>,
      %get3A_666 = vector.shape_cast %get3A_665 : vector<1x16xf32> to vector<16xf32>
      %add3A_667 = arith.addf %get3A_666, %add3A_662 : vector<16xf32>
      %swap3A_668 = arith.index_cast %scan3A_500 : i32 to index
      %swap3A_669 = arith.constant 80 : index
      %swap3A_670 = tpu.vector_load %arg4[%swap3A_668, %swap3A_669] {strides = array<i32>} : memref<56x128xf32, #tpu.memory_space<vmem>>, vector<1x16xf32>,
      %swap3A_671 = vector.shape_cast %swap3A_670 : vector<1x16xf32> to vector<16xf32>
      %swap3A_672 = vector.shape_cast %add3A_667 : vector<16xf32> to vector<1x16xf32>
      tpu.vector_store %arg4[%swap3A_668, %swap3A_669], %swap3A_672 {strides = array<i32>} : memref<56x128xf32, #tpu.memory_space<vmem>>, vector<1x16xf32>,
      %get3A_673 = arith.index_cast %scan3A_500 : i32 to index
      %get3A_674 = arith.constant 96 : index
      %get3A_675 = tpu.vector_load %arg9[%get3A_673, %get3A_674] {strides = array<i32>} : memref<56x128xf32, #tpu.memory_space<vmem>>, vector<1x16xf32>,
      %get3A_676 = vector.shape_cast %get3A_675 : vector<1x16xf32> to vector<16xf32>
      %get3A_677 = arith.index_cast %scan3A_500 : i32 to index
      %get3A_678 = arith.constant 96 : index
      %get3A_679 = tpu.vector_load %arg10[%get3A_677, %get3A_678] {strides = array<i32>} : memref<56x128xf32, #tpu.memory_space<vmem>>, vector<1x16xf32>,
      %get3A_680 = vector.shape_cast %get3A_679 : vector<1x16xf32> to vector<16xf32>
      %add3A_681 = arith.addf %get3A_676, %get3A_680 : vector<16xf32>
      %get3A_682 = arith.index_cast %scan3A_500 : i32 to index
      %get3A_683 = arith.constant 96 : index
      %get3A_684 = tpu.vector_load %arg11[%get3A_682, %get3A_683] {strides = array<i32>} : memref<56x128xf32, #tpu.memory_space<vmem>>, vector<1x16xf32>,
      %get3A_685 = vector.shape_cast %get3A_684 : vector<1x16xf32> to vector<16xf32>
      %get3A_686 = arith.index_cast %scan3A_500 : i32 to index
      %get3A_687 = arith.constant 96 : index
      %get3A_688 = tpu.vector_load %arg12[%get3A_686, %get3A_687] {strides = array<i32>} : memref<56x128xf32, #tpu.memory_space<vmem>>, vector<1x16xf32>,
      %get3A_689 = vector.shape_cast %get3A_688 : vector<1x16xf32> to vector<16xf32>
      %add3A_690 = arith.addf %get3A_685, %get3A_689 : vector<16xf32>
      %add3A_691 = arith.addf %add3A_681, %add3A_690 : vector<16xf32>
      %get3A_692 = arith.index_cast %scan3A_500 : i32 to index
      %get3A_693 = arith.constant 96 : index
      %get3A_694 = tpu.vector_load %arg4[%get3A_692, %get3A_693] {strides = array<i32>} : memref<56x128xf32, #tpu.memory_space<vmem>>, vector<1x16xf32>,
      %get3A_695 = vector.shape_cast %get3A_694 : vector<1x16xf32> to vector<16xf32>
      %add3A_696 = arith.addf %get3A_695, %add3A_691 : vector<16xf32>
      %swap3A_697 = arith.index_cast %scan3A_500 : i32 to index
      %swap3A_698 = arith.constant 96 : index
      %swap3A_699 = tpu.vector_load %arg4[%swap3A_697, %swap3A_698] {strides = array<i32>} : memref<56x128xf32, #tpu.memory_space<vmem>>, vector<1x16xf32>,
      %swap3A_700 = vector.shape_cast %swap3A_699 : vector<1x16xf32> to vector<16xf32>
      %swap3A_701 = vector.shape_cast %add3A_696 : vector<16xf32> to vector<1x16xf32>
      tpu.vector_store %arg4[%swap3A_697, %swap3A_698], %swap3A_701 {strides = array<i32>} : memref<56x128xf32, #tpu.memory_space<vmem>>, vector<1x16xf32>,
      %get3A_702 = arith.index_cast %scan3A_500 : i32 to index
      %get3A_703 = arith.constant 112 : index
      %get3A_704 = tpu.vector_load %arg9[%get3A_702, %get3A_703] {strides = array<i32>} : memref<56x128xf32, #tpu.memory_space<vmem>>, vector<1x16xf32>,
      %get3A_705 = vector.shape_cast %get3A_704 : vector<1x16xf32> to vector<16xf32>
      %get3A_706 = arith.index_cast %scan3A_500 : i32 to index
      %get3A_707 = arith.constant 112 : index
      %get3A_708 = tpu.vector_load %arg10[%get3A_706, %get3A_707] {strides = array<i32>} : memref<56x128xf32, #tpu.memory_space<vmem>>, vector<1x16xf32>,
      %get3A_709 = vector.shape_cast %get3A_708 : vector<1x16xf32> to vector<16xf32>
      %add3A_710 = arith.addf %get3A_705, %get3A_709 : vector<16xf32>
      %get3A_711 = arith.index_cast %scan3A_500 : i32 to index
      %get3A_712 = arith.constant 112 : index
      %get3A_713 = tpu.vector_load %arg11[%get3A_711, %get3A_712] {strides = array<i32>} : memref<56x128xf32, #tpu.memory_space<vmem>>, vector<1x16xf32>,
      %get3A_714 = vector.shape_cast %get3A_713 : vector<1x16xf32> to vector<16xf32>
      %get3A_715 = arith.index_cast %scan3A_500 : i32 to index
      %get3A_716 = arith.constant 112 : index
      %get3A_717 = tpu.vector_load %arg12[%get3A_715, %get3A_716] {strides = array<i32>} : memref<56x128xf32, #tpu.memory_space<vmem>>, vector<1x16xf32>,
      %get3A_718 = vector.shape_cast %get3A_717 : vector<1x16xf32> to vector<16xf32>
      %add3A_719 = arith.addf %get3A_714, %get3A_718 : vector<16xf32>
      %add3A_720 = arith.addf %add3A_710, %add3A_719 : vector<16xf32>
      %get3A_721 = arith.index_cast %scan3A_500 : i32 to index
      %get3A_722 = arith.constant 112 : index
      %get3A_723 = tpu.vector_load %arg4[%get3A_721, %get3A_722] {strides = array<i32>} : memref<56x128xf32, #tpu.memory_space<vmem>>, vector<1x16xf32>,
      %get3A_724 = vector.shape_cast %get3A_723 : vector<1x16xf32> to vector<16xf32>
      %add3A_725 = arith.addf %get3A_724, %add3A_720 : vector<16xf32>
      %swap3A_726 = arith.index_cast %scan3A_500 : i32 to index
      %swap3A_727 = arith.constant 112 : index
      %swap3A_728 = tpu.vector_load %arg4[%swap3A_726, %swap3A_727] {strides = array<i32>} : memref<56x128xf32, #tpu.memory_space<vmem>>, vector<1x16xf32>,
      %swap3A_729 = vector.shape_cast %swap3A_728 : vector<1x16xf32> to vector<16xf32>
      %swap3A_730 = vector.shape_cast %add3A_725 : vector<16xf32> to vector<1x16xf32>
      tpu.vector_store %arg4[%swap3A_726, %swap3A_727], %swap3A_730 {strides = array<i32>} : memref<56x128xf32, #tpu.memory_space<vmem>>, vector<1x16xf32>,
    }
    %scan3A_153 = arith.constant 56 : i32
    %dma_start3A_154 = arith.constant 12 : i32
    %dma_start3A_155 = arith.constant 0 : i32
    %dma_start3A_156 = tpu.memref_slice %arg2[%dma_start3A_154, %add3A_4, %dma_start3A_155] : memref<32x10000x128xf32, #tpu.memory_space<hbm>> -> memref<1x56x128xf32, #tpu.memory_space<hbm>>
    %dma_start3A_157 = tpu.memref_squeeze %dma_start3A_156 : memref<1x56x128xf32, #tpu.memory_space<hbm>> -> memref<56x128xf32, #tpu.memory_space<hbm>>
    %dma_start3A_158 = arith.constant 0 : i32
    %dma_start3A_159 = tpu.memref_slice %arg2[%dma_start3A_154, %add3A_4, %dma_start3A_158] : memref<32x10000x128xf32, #tpu.memory_space<hbm>> -> memref<1x56x128xf32, #tpu.memory_space<hbm>>
    %dma_start3A_160 = tpu.memref_squeeze %dma_start3A_159 : memref<1x56x128xf32, #tpu.memory_space<hbm>> -> memref<56x128xf32, #tpu.memory_space<hbm>>
    tpu.enqueue_dma source(%dma_start3A_160 : memref<56x128xf32, #tpu.memory_space<hbm>>) target(%arg9 : memref<56x128xf32, #tpu.memory_space<vmem>>) target_semaphore(%arg17 : memref<!tpu.dma_semaphore, #tpu.memory_space<semaphore_mem>>)
    %dma_start3A_161 = arith.constant 13 : i32
    %dma_start3A_162 = arith.constant 0 : i32
    %dma_start3A_163 = tpu.memref_slice %arg2[%dma_start3A_161, %add3A_4, %dma_start3A_162] : memref<32x10000x128xf32, #tpu.memory_space<hbm>> -> memref<1x56x128xf32, #tpu.memory_space<hbm>>
    %dma_start3A_164 = tpu.memref_squeeze %dma_start3A_163 : memref<1x56x128xf32, #tpu.memory_space<hbm>> -> memref<56x128xf32, #tpu.memory_space<hbm>>
    %dma_start3A_165 = arith.constant 0 : i32
    %dma_start3A_166 = tpu.memref_slice %arg2[%dma_start3A_161, %add3A_4, %dma_start3A_165] : memref<32x10000x128xf32, #tpu.memory_space<hbm>> -> memref<1x56x128xf32, #tpu.memory_space<hbm>>
    %dma_start3A_167 = tpu.memref_squeeze %dma_start3A_166 : memref<1x56x128xf32, #tpu.memory_space<hbm>> -> memref<56x128xf32, #tpu.memory_space<hbm>>
    tpu.enqueue_dma source(%dma_start3A_167 : memref<56x128xf32, #tpu.memory_space<hbm>>) target(%arg10 : memref<56x128xf32, #tpu.memory_space<vmem>>) target_semaphore(%arg18 : memref<!tpu.dma_semaphore, #tpu.memory_space<semaphore_mem>>)
    %dma_start3A_168 = arith.constant 14 : i32
    %dma_start3A_169 = arith.constant 0 : i32
    %dma_start3A_170 = tpu.memref_slice %arg2[%dma_start3A_168, %add3A_4, %dma_start3A_169] : memref<32x10000x128xf32, #tpu.memory_space<hbm>> -> memref<1x56x128xf32, #tpu.memory_space<hbm>>
    %dma_start3A_171 = tpu.memref_squeeze %dma_start3A_170 : memref<1x56x128xf32, #tpu.memory_space<hbm>> -> memref<56x128xf32, #tpu.memory_space<hbm>>
    %dma_start3A_172 = arith.constant 0 : i32
    %dma_start3A_173 = tpu.memref_slice %arg2[%dma_start3A_168, %add3A_4, %dma_start3A_172] : memref<32x10000x128xf32, #tpu.memory_space<hbm>> -> memref<1x56x128xf32, #tpu.memory_space<hbm>>
    %dma_start3A_174 = tpu.memref_squeeze %dma_start3A_173 : memref<1x56x128xf32, #tpu.memory_space<hbm>> -> memref<56x128xf32, #tpu.memory_space<hbm>>
    tpu.enqueue_dma source(%dma_start3A_174 : memref<56x128xf32, #tpu.memory_space<hbm>>) target(%arg11 : memref<56x128xf32, #tpu.memory_space<vmem>>) target_semaphore(%arg19 : memref<!tpu.dma_semaphore, #tpu.memory_space<semaphore_mem>>)
    %dma_start3A_175 = arith.constant 15 : i32
    %dma_start3A_176 = arith.constant 0 : i32
    %dma_start3A_177 = tpu.memref_slice %arg2[%dma_start3A_175, %add3A_4, %dma_start3A_176] : memref<32x10000x128xf32, #tpu.memory_space<hbm>> -> memref<1x56x128xf32, #tpu.memory_space<hbm>>
    %dma_start3A_178 = tpu.memref_squeeze %dma_start3A_177 : memref<1x56x128xf32, #tpu.memory_space<hbm>> -> memref<56x128xf32, #tpu.memory_space<hbm>>
    %dma_start3A_179 = arith.constant 0 : i32
    %dma_start3A_180 = tpu.memref_slice %arg2[%dma_start3A_175, %add3A_4, %dma_start3A_179] : memref<32x10000x128xf32, #tpu.memory_space<hbm>> -> memref<1x56x128xf32, #tpu.memory_space<hbm>>
    %dma_start3A_181 = tpu.memref_squeeze %dma_start3A_180 : memref<1x56x128xf32, #tpu.memory_space<hbm>> -> memref<56x128xf32, #tpu.memory_space<hbm>>
    tpu.enqueue_dma source(%dma_start3A_181 : memref<56x128xf32, #tpu.memory_space<hbm>>) target(%arg12 : memref<56x128xf32, #tpu.memory_space<vmem>>) target_semaphore(%arg20 : memref<!tpu.dma_semaphore, #tpu.memory_space<semaphore_mem>>)
    %dma_wait3A_182 = arith.constant 8 : i32
    %dma_wait3A_183 = arith.constant 0 : i32
    %dma_wait3A_184 = tpu.memref_slice %arg2[%dma_wait3A_182, %add3A_4, %dma_wait3A_183] : memref<32x10000x128xf32, #tpu.memory_space<hbm>> -> memref<1x56x128xf32, #tpu.memory_space<hbm>>
    %dma_wait3A_185 = tpu.memref_squeeze %dma_wait3A_184 : memref<1x56x128xf32, #tpu.memory_space<hbm>> -> memref<56x128xf32, #tpu.memory_space<hbm>>
    %dma_wait3A_186 = arith.constant 0 : i32
    %dma_wait3A_187 = tpu.memref_slice %arg2[%dma_wait3A_182, %add3A_4, %dma_wait3A_186] : memref<32x10000x128xf32, #tpu.memory_space<hbm>> -> memref<1x56x128xf32, #tpu.memory_space<hbm>>
    %dma_wait3A_188 = tpu.memref_squeeze %dma_wait3A_187 : memref<1x56x128xf32, #tpu.memory_space<hbm>> -> memref<56x128xf32, #tpu.memory_space<hbm>>
    tpu.wait_dma2 semaphore(%arg13 : memref<!tpu.dma_semaphore, #tpu.memory_space<semaphore_mem>>) src(%dma_wait3A_188 : memref<56x128xf32, #tpu.memory_space<hbm>>) dst(%arg5 : memref<56x128xf32, #tpu.memory_space<vmem>>)
    %dma_wait3A_189 = arith.constant 9 : i32
    %dma_wait3A_190 = arith.constant 0 : i32
    %dma_wait3A_191 = tpu.memref_slice %arg2[%dma_wait3A_189, %add3A_4, %dma_wait3A_190] : memref<32x10000x128xf32, #tpu.memory_space<hbm>> -> memref<1x56x128xf32, #tpu.memory_space<hbm>>
    %dma_wait3A_192 = tpu.memref_squeeze %dma_wait3A_191 : memref<1x56x128xf32, #tpu.memory_space<hbm>> -> memref<56x128xf32, #tpu.memory_space<hbm>>
    %dma_wait3A_193 = arith.constant 0 : i32
    %dma_wait3A_194 = tpu.memref_slice %arg2[%dma_wait3A_189, %add3A_4, %dma_wait3A_193] : memref<32x10000x128xf32, #tpu.memory_space<hbm>> -> memref<1x56x128xf32, #tpu.memory_space<hbm>>
    %dma_wait3A_195 = tpu.memref_squeeze %dma_wait3A_194 : memref<1x56x128xf32, #tpu.memory_space<hbm>> -> memref<56x128xf32, #tpu.memory_space<hbm>>
    tpu.wait_dma2 semaphore(%arg14 : memref<!tpu.dma_semaphore, #tpu.memory_space<semaphore_mem>>) src(%dma_wait3A_195 : memref<56x128xf32, #tpu.memory_space<hbm>>) dst(%arg6 : memref<56x128xf32, #tpu.memory_space<vmem>>)
    %dma_wait3A_196 = arith.constant 10 : i32
    %dma_wait3A_197 = arith.constant 0 : i32
    %dma_wait3A_198 = tpu.memref_slice %arg2[%dma_wait3A_196, %add3A_4, %dma_wait3A_197] : memref<32x10000x128xf32, #tpu.memory_space<hbm>> -> memref<1x56x128xf32, #tpu.memory_space<hbm>>
    %dma_wait3A_199 = tpu.memref_squeeze %dma_wait3A_198 : memref<1x56x128xf32, #tpu.memory_space<hbm>> -> memref<56x128xf32, #tpu.memory_space<hbm>>
    %dma_wait3A_200 = arith.constant 0 : i32
    %dma_wait3A_201 = tpu.memref_slice %arg2[%dma_wait3A_196, %add3A_4, %dma_wait3A_200] : memref<32x10000x128xf32, #tpu.memory_space<hbm>> -> memref<1x56x128xf32, #tpu.memory_space<hbm>>
    %dma_wait3A_202 = tpu.memref_squeeze %dma_wait3A_201 : memref<1x56x128xf32, #tpu.memory_space<hbm>> -> memref<56x128xf32, #tpu.memory_space<hbm>>
    tpu.wait_dma2 semaphore(%arg15 : memref<!tpu.dma_semaphore, #tpu.memory_space<semaphore_mem>>) src(%dma_wait3A_202 : memref<56x128xf32, #tpu.memory_space<hbm>>) dst(%arg7 : memref<56x128xf32, #tpu.memory_space<vmem>>)
    %dma_wait3A_203 = arith.constant 11 : i32
    %dma_wait3A_204 = arith.constant 0 : i32
    %dma_wait3A_205 = tpu.memref_slice %arg2[%dma_wait3A_203, %add3A_4, %dma_wait3A_204] : memref<32x10000x128xf32, #tpu.memory_space<hbm>> -> memref<1x56x128xf32, #tpu.memory_space<hbm>>
    %dma_wait3A_206 = tpu.memref_squeeze %dma_wait3A_205 : memref<1x56x128xf32, #tpu.memory_space<hbm>> -> memref<56x128xf32, #tpu.memory_space<hbm>>
    %dma_wait3A_207 = arith.constant 0 : i32
    %dma_wait3A_208 = tpu.memref_slice %arg2[%dma_wait3A_203, %add3A_4, %dma_wait3A_207] : memref<32x10000x128xf32, #tpu.memory_space<hbm>> -> memref<1x56x128xf32, #tpu.memory_space<hbm>>
    %dma_wait3A_209 = tpu.memref_squeeze %dma_wait3A_208 : memref<1x56x128xf32, #tpu.memory_space<hbm>> -> memref<56x128xf32, #tpu.memory_space<hbm>>
    tpu.wait_dma2 semaphore(%arg16 : memref<!tpu.dma_semaphore, #tpu.memory_space<semaphore_mem>>) src(%dma_wait3A_209 : memref<56x128xf32, #tpu.memory_space<hbm>>) dst(%arg8 : memref<56x128xf32, #tpu.memory_space<vmem>>)
    %scan3A_210 = arith.constant 0 : i32
    %scan3A_211 = arith.constant 0 : i32
    %scan3A_212 = arith.constant 56 : i32
    %scan3A_213 = arith.addi %scan3A_211, %scan3A_212 : i32
    %scan3A_214 = arith.constant 1 : i32
    scf.for %scan3A_500 = %scan3A_211 to %scan3A_213 step %scan3A_214  : i32 {
      %get3A = arith.index_cast %scan3A_500 : i32 to index
      %get3A_501 = arith.constant 0 : index
      %get3A_502 = tpu.vector_load %arg5[%get3A, %get3A_501] {strides = array<i32>} : memref<56x128xf32, #tpu.memory_space<vmem>>, vector<1x16xf32>,
      %get3A_503 = vector.shape_cast %get3A_502 : vector<1x16xf32> to vector<16xf32>
      %get3A_504 = arith.index_cast %scan3A_500 : i32 to index
      %get3A_505 = arith.constant 0 : index
      %get3A_506 = tpu.vector_load %arg6[%get3A_504, %get3A_505] {strides = array<i32>} : memref<56x128xf32, #tpu.memory_space<vmem>>, vector<1x16xf32>,
      %get3A_507 = vector.shape_cast %get3A_506 : vector<1x16xf32> to vector<16xf32>
      %add3A_508 = arith.addf %get3A_503, %get3A_507 : vector<16xf32>
      %get3A_509 = arith.index_cast %scan3A_500 : i32 to index
      %get3A_510 = arith.constant 0 : index
      %get3A_511 = tpu.vector_load %arg7[%get3A_509, %get3A_510] {strides = array<i32>} : memref<56x128xf32, #tpu.memory_space<vmem>>, vector<1x16xf32>,
      %get3A_512 = vector.shape_cast %get3A_511 : vector<1x16xf32> to vector<16xf32>
      %get3A_513 = arith.index_cast %scan3A_500 : i32 to index
      %get3A_514 = arith.constant 0 : index
      %get3A_515 = tpu.vector_load %arg8[%get3A_513, %get3A_514] {strides = array<i32>} : memref<56x128xf32, #tpu.memory_space<vmem>>, vector<1x16xf32>,
      %get3A_516 = vector.shape_cast %get3A_515 : vector<1x16xf32> to vector<16xf32>
      %add3A_517 = arith.addf %get3A_512, %get3A_516 : vector<16xf32>
      %add3A_518 = arith.addf %add3A_508, %add3A_517 : vector<16xf32>
      %get3A_519 = arith.index_cast %scan3A_500 : i32 to index
      %get3A_520 = arith.constant 0 : index
      %get3A_521 = tpu.vector_load %arg4[%get3A_519, %get3A_520] {strides = array<i32>} : memref<56x128xf32, #tpu.memory_space<vmem>>, vector<1x16xf32>,
      %get3A_522 = vector.shape_cast %get3A_521 : vector<1x16xf32> to vector<16xf32>
      %add3A_523 = arith.addf %get3A_522, %add3A_518 : vector<16xf32>
      %swap3A = arith.index_cast %scan3A_500 : i32 to index
      %swap3A_524 = arith.constant 0 : index
      %swap3A_525 = tpu.vector_load %arg4[%swap3A, %swap3A_524] {strides = array<i32>} : memref<56x128xf32, #tpu.memory_space<vmem>>, vector<1x16xf32>,
      %swap3A_526 = vector.shape_cast %swap3A_525 : vector<1x16xf32> to vector<16xf32>
      %swap3A_527 = vector.shape_cast %add3A_523 : vector<16xf32> to vector<1x16xf32>
      tpu.vector_store %arg4[%swap3A, %swap3A_524], %swap3A_527 {strides = array<i32>} : memref<56x128xf32, #tpu.memory_space<vmem>>, vector<1x16xf32>,
      %get3A_528 = arith.index_cast %scan3A_500 : i32 to index
      %get3A_529 = arith.constant 16 : index
      %get3A_530 = tpu.vector_load %arg5[%get3A_528, %get3A_529] {strides = array<i32>} : memref<56x128xf32, #tpu.memory_space<vmem>>, vector<1x16xf32>,
      %get3A_531 = vector.shape_cast %get3A_530 : vector<1x16xf32> to vector<16xf32>
      %get3A_532 = arith.index_cast %scan3A_500 : i32 to index
      %get3A_533 = arith.constant 16 : index
      %get3A_534 = tpu.vector_load %arg6[%get3A_532, %get3A_533] {strides = array<i32>} : memref<56x128xf32, #tpu.memory_space<vmem>>, vector<1x16xf32>,
      %get3A_535 = vector.shape_cast %get3A_534 : vector<1x16xf32> to vector<16xf32>
      %add3A_536 = arith.addf %get3A_531, %get3A_535 : vector<16xf32>
      %get3A_537 = arith.index_cast %scan3A_500 : i32 to index
      %get3A_538 = arith.constant 16 : index
      %get3A_539 = tpu.vector_load %arg7[%get3A_537, %get3A_538] {strides = array<i32>} : memref<56x128xf32, #tpu.memory_space<vmem>>, vector<1x16xf32>,
      %get3A_540 = vector.shape_cast %get3A_539 : vector<1x16xf32> to vector<16xf32>
      %get3A_541 = arith.index_cast %scan3A_500 : i32 to index
      %get3A_542 = arith.constant 16 : index
      %get3A_543 = tpu.vector_load %arg8[%get3A_541, %get3A_542] {strides = array<i32>} : memref<56x128xf32, #tpu.memory_space<vmem>>, vector<1x16xf32>,
      %get3A_544 = vector.shape_cast %get3A_543 : vector<1x16xf32> to vector<16xf32>
      %add3A_545 = arith.addf %get3A_540, %get3A_544 : vector<16xf32>
      %add3A_546 = arith.addf %add3A_536, %add3A_545 : vector<16xf32>
      %get3A_547 = arith.index_cast %scan3A_500 : i32 to index
      %get3A_548 = arith.constant 16 : index
      %get3A_549 = tpu.vector_load %arg4[%get3A_547, %get3A_548] {strides = array<i32>} : memref<56x128xf32, #tpu.memory_space<vmem>>, vector<1x16xf32>,
      %get3A_550 = vector.shape_cast %get3A_549 : vector<1x16xf32> to vector<16xf32>
      %add3A_551 = arith.addf %get3A_550, %add3A_546 : vector<16xf32>
      %swap3A_552 = arith.index_cast %scan3A_500 : i32 to index
      %swap3A_553 = arith.constant 16 : index
      %swap3A_554 = tpu.vector_load %arg4[%swap3A_552, %swap3A_553] {strides = array<i32>} : memref<56x128xf32, #tpu.memory_space<vmem>>, vector<1x16xf32>,
      %swap3A_555 = vector.shape_cast %swap3A_554 : vector<1x16xf32> to vector<16xf32>
      %swap3A_556 = vector.shape_cast %add3A_551 : vector<16xf32> to vector<1x16xf32>
      tpu.vector_store %arg4[%swap3A_552, %swap3A_553], %swap3A_556 {strides = array<i32>} : memref<56x128xf32, #tpu.memory_space<vmem>>, vector<1x16xf32>,
      %get3A_557 = arith.index_cast %scan3A_500 : i32 to index
      %get3A_558 = arith.constant 32 : index
      %get3A_559 = tpu.vector_load %arg5[%get3A_557, %get3A_558] {strides = array<i32>} : memref<56x128xf32, #tpu.memory_space<vmem>>, vector<1x16xf32>,
      %get3A_560 = vector.shape_cast %get3A_559 : vector<1x16xf32> to vector<16xf32>
      %get3A_561 = arith.index_cast %scan3A_500 : i32 to index
      %get3A_562 = arith.constant 32 : index
      %get3A_563 = tpu.vector_load %arg6[%get3A_561, %get3A_562] {strides = array<i32>} : memref<56x128xf32, #tpu.memory_space<vmem>>, vector<1x16xf32>,
      %get3A_564 = vector.shape_cast %get3A_563 : vector<1x16xf32> to vector<16xf32>
      %add3A_565 = arith.addf %get3A_560, %get3A_564 : vector<16xf32>
      %get3A_566 = arith.index_cast %scan3A_500 : i32 to index
      %get3A_567 = arith.constant 32 : index
      %get3A_568 = tpu.vector_load %arg7[%get3A_566, %get3A_567] {strides = array<i32>} : memref<56x128xf32, #tpu.memory_space<vmem>>, vector<1x16xf32>,
      %get3A_569 = vector.shape_cast %get3A_568 : vector<1x16xf32> to vector<16xf32>
      %get3A_570 = arith.index_cast %scan3A_500 : i32 to index
      %get3A_571 = arith.constant 32 : index
      %get3A_572 = tpu.vector_load %arg8[%get3A_570, %get3A_571] {strides = array<i32>} : memref<56x128xf32, #tpu.memory_space<vmem>>, vector<1x16xf32>,
      %get3A_573 = vector.shape_cast %get3A_572 : vector<1x16xf32> to vector<16xf32>
      %add3A_574 = arith.addf %get3A_569, %get3A_573 : vector<16xf32>
      %add3A_575 = arith.addf %add3A_565, %add3A_574 : vector<16xf32>
      %get3A_576 = arith.index_cast %scan3A_500 : i32 to index
      %get3A_577 = arith.constant 32 : index
      %get3A_578 = tpu.vector_load %arg4[%get3A_576, %get3A_577] {strides = array<i32>} : memref<56x128xf32, #tpu.memory_space<vmem>>, vector<1x16xf32>,
      %get3A_579 = vector.shape_cast %get3A_578 : vector<1x16xf32> to vector<16xf32>
      %add3A_580 = arith.addf %get3A_579, %add3A_575 : vector<16xf32>
      %swap3A_581 = arith.index_cast %scan3A_500 : i32 to index
      %swap3A_582 = arith.constant 32 : index
      %swap3A_583 = tpu.vector_load %arg4[%swap3A_581, %swap3A_582] {strides = array<i32>} : memref<56x128xf32, #tpu.memory_space<vmem>>, vector<1x16xf32>,
      %swap3A_584 = vector.shape_cast %swap3A_583 : vector<1x16xf32> to vector<16xf32>
      %swap3A_585 = vector.shape_cast %add3A_580 : vector<16xf32> to vector<1x16xf32>
      tpu.vector_store %arg4[%swap3A_581, %swap3A_582], %swap3A_585 {strides = array<i32>} : memref<56x128xf32, #tpu.memory_space<vmem>>, vector<1x16xf32>,
      %get3A_586 = arith.index_cast %scan3A_500 : i32 to index
      %get3A_587 = arith.constant 48 : index
      %get3A_588 = tpu.vector_load %arg5[%get3A_586, %get3A_587] {strides = array<i32>} : memref<56x128xf32, #tpu.memory_space<vmem>>, vector<1x16xf32>,
      %get3A_589 = vector.shape_cast %get3A_588 : vector<1x16xf32> to vector<16xf32>
      %get3A_590 = arith.index_cast %scan3A_500 : i32 to index
      %get3A_591 = arith.constant 48 : index
      %get3A_592 = tpu.vector_load %arg6[%get3A_590, %get3A_591] {strides = array<i32>} : memref<56x128xf32, #tpu.memory_space<vmem>>, vector<1x16xf32>,
      %get3A_593 = vector.shape_cast %get3A_592 : vector<1x16xf32> to vector<16xf32>
      %add3A_594 = arith.addf %get3A_589, %get3A_593 : vector<16xf32>
      %get3A_595 = arith.index_cast %scan3A_500 : i32 to index
      %get3A_596 = arith.constant 48 : index
      %get3A_597 = tpu.vector_load %arg7[%get3A_595, %get3A_596] {strides = array<i32>} : memref<56x128xf32, #tpu.memory_space<vmem>>, vector<1x16xf32>,
      %get3A_598 = vector.shape_cast %get3A_597 : vector<1x16xf32> to vector<16xf32>
      %get3A_599 = arith.index_cast %scan3A_500 : i32 to index
      %get3A_600 = arith.constant 48 : index
      %get3A_601 = tpu.vector_load %arg8[%get3A_599, %get3A_600] {strides = array<i32>} : memref<56x128xf32, #tpu.memory_space<vmem>>, vector<1x16xf32>,
      %get3A_602 = vector.shape_cast %get3A_601 : vector<1x16xf32> to vector<16xf32>
      %add3A_603 = arith.addf %get3A_598, %get3A_602 : vector<16xf32>
      %add3A_604 = arith.addf %add3A_594, %add3A_603 : vector<16xf32>
      %get3A_605 = arith.index_cast %scan3A_500 : i32 to index
      %get3A_606 = arith.constant 48 : index
      %get3A_607 = tpu.vector_load %arg4[%get3A_605, %get3A_606] {strides = array<i32>} : memref<56x128xf32, #tpu.memory_space<vmem>>, vector<1x16xf32>,
      %get3A_608 = vector.shape_cast %get3A_607 : vector<1x16xf32> to vector<16xf32>
      %add3A_609 = arith.addf %get3A_608, %add3A_604 : vector<16xf32>
      %swap3A_610 = arith.index_cast %scan3A_500 : i32 to index
      %swap3A_611 = arith.constant 48 : index
      %swap3A_612 = tpu.vector_load %arg4[%swap3A_610, %swap3A_611] {strides = array<i32>} : memref<56x128xf32, #tpu.memory_space<vmem>>, vector<1x16xf32>,
      %swap3A_613 = vector.shape_cast %swap3A_612 : vector<1x16xf32> to vector<16xf32>
      %swap3A_614 = vector.shape_cast %add3A_609 : vector<16xf32> to vector<1x16xf32>
      tpu.vector_store %arg4[%swap3A_610, %swap3A_611], %swap3A_614 {strides = array<i32>} : memref<56x128xf32, #tpu.memory_space<vmem>>, vector<1x16xf32>,
      %get3A_615 = arith.index_cast %scan3A_500 : i32 to index
      %get3A_616 = arith.constant 64 : index
      %get3A_617 = tpu.vector_load %arg5[%get3A_615, %get3A_616] {strides = array<i32>} : memref<56x128xf32, #tpu.memory_space<vmem>>, vector<1x16xf32>,
      %get3A_618 = vector.shape_cast %get3A_617 : vector<1x16xf32> to vector<16xf32>
      %get3A_619 = arith.index_cast %scan3A_500 : i32 to index
      %get3A_620 = arith.constant 64 : index
      %get3A_621 = tpu.vector_load %arg6[%get3A_619, %get3A_620] {strides = array<i32>} : memref<56x128xf32, #tpu.memory_space<vmem>>, vector<1x16xf32>,
      %get3A_622 = vector.shape_cast %get3A_621 : vector<1x16xf32> to vector<16xf32>
      %add3A_623 = arith.addf %get3A_618, %get3A_622 : vector<16xf32>
      %get3A_624 = arith.index_cast %scan3A_500 : i32 to index
      %get3A_625 = arith.constant 64 : index
      %get3A_626 = tpu.vector_load %arg7[%get3A_624, %get3A_625] {strides = array<i32>} : memref<56x128xf32, #tpu.memory_space<vmem>>, vector<1x16xf32>,
      %get3A_627 = vector.shape_cast %get3A_626 : vector<1x16xf32> to vector<16xf32>
      %get3A_628 = arith.index_cast %scan3A_500 : i32 to index
      %get3A_629 = arith.constant 64 : index
      %get3A_630 = tpu.vector_load %arg8[%get3A_628, %get3A_629] {strides = array<i32>} : memref<56x128xf32, #tpu.memory_space<vmem>>, vector<1x16xf32>,
      %get3A_631 = vector.shape_cast %get3A_630 : vector<1x16xf32> to vector<16xf32>
      %add3A_632 = arith.addf %get3A_627, %get3A_631 : vector<16xf32>
      %add3A_633 = arith.addf %add3A_623, %add3A_632 : vector<16xf32>
      %get3A_634 = arith.index_cast %scan3A_500 : i32 to index
      %get3A_635 = arith.constant 64 : index
      %get3A_636 = tpu.vector_load %arg4[%get3A_634, %get3A_635] {strides = array<i32>} : memref<56x128xf32, #tpu.memory_space<vmem>>, vector<1x16xf32>,
      %get3A_637 = vector.shape_cast %get3A_636 : vector<1x16xf32> to vector<16xf32>
      %add3A_638 = arith.addf %get3A_637, %add3A_633 : vector<16xf32>
      %swap3A_639 = arith.index_cast %scan3A_500 : i32 to index
      %swap3A_640 = arith.constant 64 : index
      %swap3A_641 = tpu.vector_load %arg4[%swap3A_639, %swap3A_640] {strides = array<i32>} : memref<56x128xf32, #tpu.memory_space<vmem>>, vector<1x16xf32>,
      %swap3A_642 = vector.shape_cast %swap3A_641 : vector<1x16xf32> to vector<16xf32>
      %swap3A_643 = vector.shape_cast %add3A_638 : vector<16xf32> to vector<1x16xf32>
      tpu.vector_store %arg4[%swap3A_639, %swap3A_640], %swap3A_643 {strides = array<i32>} : memref<56x128xf32, #tpu.memory_space<vmem>>, vector<1x16xf32>,
      %get3A_644 = arith.index_cast %scan3A_500 : i32 to index
      %get3A_645 = arith.constant 80 : index
      %get3A_646 = tpu.vector_load %arg5[%get3A_644, %get3A_645] {strides = array<i32>} : memref<56x128xf32, #tpu.memory_space<vmem>>, vector<1x16xf32>,
      %get3A_647 = vector.shape_cast %get3A_646 : vector<1x16xf32> to vector<16xf32>
      %get3A_648 = arith.index_cast %scan3A_500 : i32 to index
      %get3A_649 = arith.constant 80 : index
      %get3A_650 = tpu.vector_load %arg6[%get3A_648, %get3A_649] {strides = array<i32>} : memref<56x128xf32, #tpu.memory_space<vmem>>, vector<1x16xf32>,
      %get3A_651 = vector.shape_cast %get3A_650 : vector<1x16xf32> to vector<16xf32>
      %add3A_652 = arith.addf %get3A_647, %get3A_651 : vector<16xf32>
      %get3A_653 = arith.index_cast %scan3A_500 : i32 to index
      %get3A_654 = arith.constant 80 : index
      %get3A_655 = tpu.vector_load %arg7[%get3A_653, %get3A_654] {strides = array<i32>} : memref<56x128xf32, #tpu.memory_space<vmem>>, vector<1x16xf32>,
      %get3A_656 = vector.shape_cast %get3A_655 : vector<1x16xf32> to vector<16xf32>
      %get3A_657 = arith.index_cast %scan3A_500 : i32 to index
      %get3A_658 = arith.constant 80 : index
      %get3A_659 = tpu.vector_load %arg8[%get3A_657, %get3A_658] {strides = array<i32>} : memref<56x128xf32, #tpu.memory_space<vmem>>, vector<1x16xf32>,
      %get3A_660 = vector.shape_cast %get3A_659 : vector<1x16xf32> to vector<16xf32>
      %add3A_661 = arith.addf %get3A_656, %get3A_660 : vector<16xf32>
      %add3A_662 = arith.addf %add3A_652, %add3A_661 : vector<16xf32>
      %get3A_663 = arith.index_cast %scan3A_500 : i32 to index
      %get3A_664 = arith.constant 80 : index
      %get3A_665 = tpu.vector_load %arg4[%get3A_663, %get3A_664] {strides = array<i32>} : memref<56x128xf32, #tpu.memory_space<vmem>>, vector<1x16xf32>,
      %get3A_666 = vector.shape_cast %get3A_665 : vector<1x16xf32> to vector<16xf32>
      %add3A_667 = arith.addf %get3A_666, %add3A_662 : vector<16xf32>
      %swap3A_668 = arith.index_cast %scan3A_500 : i32 to index
      %swap3A_669 = arith.constant 80 : index
      %swap3A_670 = tpu.vector_load %arg4[%swap3A_668, %swap3A_669] {strides = array<i32>} : memref<56x128xf32, #tpu.memory_space<vmem>>, vector<1x16xf32>,
      %swap3A_671 = vector.shape_cast %swap3A_670 : vector<1x16xf32> to vector<16xf32>
      %swap3A_672 = vector.shape_cast %add3A_667 : vector<16xf32> to vector<1x16xf32>
      tpu.vector_store %arg4[%swap3A_668, %swap3A_669], %swap3A_672 {strides = array<i32>} : memref<56x128xf32, #tpu.memory_space<vmem>>, vector<1x16xf32>,
      %get3A_673 = arith.index_cast %scan3A_500 : i32 to index
      %get3A_674 = arith.constant 96 : index
      %get3A_675 = tpu.vector_load %arg5[%get3A_673, %get3A_674] {strides = array<i32>} : memref<56x128xf32, #tpu.memory_space<vmem>>, vector<1x16xf32>,
      %get3A_676 = vector.shape_cast %get3A_675 : vector<1x16xf32> to vector<16xf32>
      %get3A_677 = arith.index_cast %scan3A_500 : i32 to index
      %get3A_678 = arith.constant 96 : index
      %get3A_679 = tpu.vector_load %arg6[%get3A_677, %get3A_678] {strides = array<i32>} : memref<56x128xf32, #tpu.memory_space<vmem>>, vector<1x16xf32>,
      %get3A_680 = vector.shape_cast %get3A_679 : vector<1x16xf32> to vector<16xf32>
      %add3A_681 = arith.addf %get3A_676, %get3A_680 : vector<16xf32>
      %get3A_682 = arith.index_cast %scan3A_500 : i32 to index
      %get3A_683 = arith.constant 96 : index
      %get3A_684 = tpu.vector_load %arg7[%get3A_682, %get3A_683] {strides = array<i32>} : memref<56x128xf32, #tpu.memory_space<vmem>>, vector<1x16xf32>,
      %get3A_685 = vector.shape_cast %get3A_684 : vector<1x16xf32> to vector<16xf32>
      %get3A_686 = arith.index_cast %scan3A_500 : i32 to index
      %get3A_687 = arith.constant 96 : index
      %get3A_688 = tpu.vector_load %arg8[%get3A_686, %get3A_687] {strides = array<i32>} : memref<56x128xf32, #tpu.memory_space<vmem>>, vector<1x16xf32>,
      %get3A_689 = vector.shape_cast %get3A_688 : vector<1x16xf32> to vector<16xf32>
      %add3A_690 = arith.addf %get3A_685, %get3A_689 : vector<16xf32>
      %add3A_691 = arith.addf %add3A_681, %add3A_690 : vector<16xf32>
      %get3A_692 = arith.index_cast %scan3A_500 : i32 to index
      %get3A_693 = arith.constant 96 : index
      %get3A_694 = tpu.vector_load %arg4[%get3A_692, %get3A_693] {strides = array<i32>} : memref<56x128xf32, #tpu.memory_space<vmem>>, vector<1x16xf32>,
      %get3A_695 = vector.shape_cast %get3A_694 : vector<1x16xf32> to vector<16xf32>
      %add3A_696 = arith.addf %get3A_695, %add3A_691 : vector<16xf32>
      %swap3A_697 = arith.index_cast %scan3A_500 : i32 to index
      %swap3A_698 = arith.constant 96 : index
      %swap3A_699 = tpu.vector_load %arg4[%swap3A_697, %swap3A_698] {strides = array<i32>} : memref<56x128xf32, #tpu.memory_space<vmem>>, vector<1x16xf32>,
      %swap3A_700 = vector.shape_cast %swap3A_699 : vector<1x16xf32> to vector<16xf32>
      %swap3A_701 = vector.shape_cast %add3A_696 : vector<16xf32> to vector<1x16xf32>
      tpu.vector_store %arg4[%swap3A_697, %swap3A_698], %swap3A_701 {strides = array<i32>} : memref<56x128xf32, #tpu.memory_space<vmem>>, vector<1x16xf32>,
      %get3A_702 = arith.index_cast %scan3A_500 : i32 to index
      %get3A_703 = arith.constant 112 : index
      %get3A_704 = tpu.vector_load %arg5[%get3A_702, %get3A_703] {strides = array<i32>} : memref<56x128xf32, #tpu.memory_space<vmem>>, vector<1x16xf32>,
      %get3A_705 = vector.shape_cast %get3A_704 : vector<1x16xf32> to vector<16xf32>
      %get3A_706 = arith.index_cast %scan3A_500 : i32 to index
      %get3A_707 = arith.constant 112 : index
      %get3A_708 = tpu.vector_load %arg6[%get3A_706, %get3A_707] {strides = array<i32>} : memref<56x128xf32, #tpu.memory_space<vmem>>, vector<1x16xf32>,
      %get3A_709 = vector.shape_cast %get3A_708 : vector<1x16xf32> to vector<16xf32>
      %add3A_710 = arith.addf %get3A_705, %get3A_709 : vector<16xf32>
      %get3A_711 = arith.index_cast %scan3A_500 : i32 to index
      %get3A_712 = arith.constant 112 : index
      %get3A_713 = tpu.vector_load %arg7[%get3A_711, %get3A_712] {strides = array<i32>} : memref<56x128xf32, #tpu.memory_space<vmem>>, vector<1x16xf32>,
      %get3A_714 = vector.shape_cast %get3A_713 : vector<1x16xf32> to vector<16xf32>
      %get3A_715 = arith.index_cast %scan3A_500 : i32 to index
      %get3A_716 = arith.constant 112 : index
      %get3A_717 = tpu.vector_load %arg8[%get3A_715, %get3A_716] {strides = array<i32>} : memref<56x128xf32, #tpu.memory_space<vmem>>, vector<1x16xf32>,
      %get3A_718 = vector.shape_cast %get3A_717 : vector<1x16xf32> to vector<16xf32>
      %add3A_719 = arith.addf %get3A_714, %get3A_718 : vector<16xf32>
      %add3A_720 = arith.addf %add3A_710, %add3A_719 : vector<16xf32>
      %get3A_721 = arith.index_cast %scan3A_500 : i32 to index
      %get3A_722 = arith.constant 112 : index
      %get3A_723 = tpu.vector_load %arg4[%get3A_721, %get3A_722] {strides = array<i32>} : memref<56x128xf32, #tpu.memory_space<vmem>>, vector<1x16xf32>,
      %get3A_724 = vector.shape_cast %get3A_723 : vector<1x16xf32> to vector<16xf32>
      %add3A_725 = arith.addf %get3A_724, %add3A_720 : vector<16xf32>
      %swap3A_726 = arith.index_cast %scan3A_500 : i32 to index
      %swap3A_727 = arith.constant 112 : index
      %swap3A_728 = tpu.vector_load %arg4[%swap3A_726, %swap3A_727] {strides = array<i32>} : memref<56x128xf32, #tpu.memory_space<vmem>>, vector<1x16xf32>,
      %swap3A_729 = vector.shape_cast %swap3A_728 : vector<1x16xf32> to vector<16xf32>
      %swap3A_730 = vector.shape_cast %add3A_725 : vector<16xf32> to vector<1x16xf32>
      tpu.vector_store %arg4[%swap3A_726, %swap3A_727], %swap3A_730 {strides = array<i32>} : memref<56x128xf32, #tpu.memory_space<vmem>>, vector<1x16xf32>,
    }
    %scan3A_215 = arith.constant 56 : i32
    %dma_start3A_216 = arith.constant 16 : i32
    %dma_start3A_217 = arith.constant 0 : i32
    %dma_start3A_218 = tpu.memref_slice %arg2[%dma_start3A_216, %add3A_4, %dma_start3A_217] : memref<32x10000x128xf32, #tpu.memory_space<hbm>> -> memref<1x56x128xf32, #tpu.memory_space<hbm>>
    %dma_start3A_219 = tpu.memref_squeeze %dma_start3A_218 : memref<1x56x128xf32, #tpu.memory_space<hbm>> -> memref<56x128xf32, #tpu.memory_space<hbm>>
    %dma_start3A_220 = arith.constant 0 : i32
    %dma_start3A_221 = tpu.memref_slice %arg2[%dma_start3A_216, %add3A_4, %dma_start3A_220] : memref<32x10000x128xf32, #tpu.memory_space<hbm>> -> memref<1x56x128xf32, #tpu.memory_space<hbm>>
    %dma_start3A_222 = tpu.memref_squeeze %dma_start3A_221 : memref<1x56x128xf32, #tpu.memory_space<hbm>> -> memref<56x128xf32, #tpu.memory_space<hbm>>
    tpu.enqueue_dma source(%dma_start3A_222 : memref<56x128xf32, #tpu.memory_space<hbm>>) target(%arg5 : memref<56x128xf32, #tpu.memory_space<vmem>>) target_semaphore(%arg13 : memref<!tpu.dma_semaphore, #tpu.memory_space<semaphore_mem>>)
    %dma_start3A_223 = arith.constant 17 : i32
    %dma_start3A_224 = arith.constant 0 : i32
    %dma_start3A_225 = tpu.memref_slice %arg2[%dma_start3A_223, %add3A_4, %dma_start3A_224] : memref<32x10000x128xf32, #tpu.memory_space<hbm>> -> memref<1x56x128xf32, #tpu.memory_space<hbm>>
    %dma_start3A_226 = tpu.memref_squeeze %dma_start3A_225 : memref<1x56x128xf32, #tpu.memory_space<hbm>> -> memref<56x128xf32, #tpu.memory_space<hbm>>
    %dma_start3A_227 = arith.constant 0 : i32
    %dma_start3A_228 = tpu.memref_slice %arg2[%dma_start3A_223, %add3A_4, %dma_start3A_227] : memref<32x10000x128xf32, #tpu.memory_space<hbm>> -> memref<1x56x128xf32, #tpu.memory_space<hbm>>
    %dma_start3A_229 = tpu.memref_squeeze %dma_start3A_228 : memref<1x56x128xf32, #tpu.memory_space<hbm>> -> memref<56x128xf32, #tpu.memory_space<hbm>>
    tpu.enqueue_dma source(%dma_start3A_229 : memref<56x128xf32, #tpu.memory_space<hbm>>) target(%arg6 : memref<56x128xf32, #tpu.memory_space<vmem>>) target_semaphore(%arg14 : memref<!tpu.dma_semaphore, #tpu.memory_space<semaphore_mem>>)
    %dma_start3A_230 = arith.constant 18 : i32
    %dma_start3A_231 = arith.constant 0 : i32
    %dma_start3A_232 = tpu.memref_slice %arg2[%dma_start3A_230, %add3A_4, %dma_start3A_231] : memref<32x10000x128xf32, #tpu.memory_space<hbm>> -> memref<1x56x128xf32, #tpu.memory_space<hbm>>
    %dma_start3A_233 = tpu.memref_squeeze %dma_start3A_232 : memref<1x56x128xf32, #tpu.memory_space<hbm>> -> memref<56x128xf32, #tpu.memory_space<hbm>>
    %dma_start3A_234 = arith.constant 0 : i32
    %dma_start3A_235 = tpu.memref_slice %arg2[%dma_start3A_230, %add3A_4, %dma_start3A_234] : memref<32x10000x128xf32, #tpu.memory_space<hbm>> -> memref<1x56x128xf32, #tpu.memory_space<hbm>>
    %dma_start3A_236 = tpu.memref_squeeze %dma_start3A_235 : memref<1x56x128xf32, #tpu.memory_space<hbm>> -> memref<56x128xf32, #tpu.memory_space<hbm>>
    tpu.enqueue_dma source(%dma_start3A_236 : memref<56x128xf32, #tpu.memory_space<hbm>>) target(%arg7 : memref<56x128xf32, #tpu.memory_space<vmem>>) target_semaphore(%arg15 : memref<!tpu.dma_semaphore, #tpu.memory_space<semaphore_mem>>)
    %dma_start3A_237 = arith.constant 19 : i32
    %dma_start3A_238 = arith.constant 0 : i32
    %dma_start3A_239 = tpu.memref_slice %arg2[%dma_start3A_237, %add3A_4, %dma_start3A_238] : memref<32x10000x128xf32, #tpu.memory_space<hbm>> -> memref<1x56x128xf32, #tpu.memory_space<hbm>>
    %dma_start3A_240 = tpu.memref_squeeze %dma_start3A_239 : memref<1x56x128xf32, #tpu.memory_space<hbm>> -> memref<56x128xf32, #tpu.memory_space<hbm>>
    %dma_start3A_241 = arith.constant 0 : i32
    %dma_start3A_242 = tpu.memref_slice %arg2[%dma_start3A_237, %add3A_4, %dma_start3A_241] : memref<32x10000x128xf32, #tpu.memory_space<hbm>> -> memref<1x56x128xf32, #tpu.memory_space<hbm>>
    %dma_start3A_243 = tpu.memref_squeeze %dma_start3A_242 : memref<1x56x128xf32, #tpu.memory_space<hbm>> -> memref<56x128xf32, #tpu.memory_space<hbm>>
    tpu.enqueue_dma source(%dma_start3A_243 : memref<56x128xf32, #tpu.memory_space<hbm>>) target(%arg8 : memref<56x128xf32, #tpu.memory_space<vmem>>) target_semaphore(%arg16 : memref<!tpu.dma_semaphore, #tpu.memory_space<semaphore_mem>>)
    %dma_wait3A_244 = arith.constant 12 : i32
    %dma_wait3A_245 = arith.constant 0 : i32
    %dma_wait3A_246 = tpu.memref_slice %arg2[%dma_wait3A_244, %add3A_4, %dma_wait3A_245] : memref<32x10000x128xf32, #tpu.memory_space<hbm>> -> memref<1x56x128xf32, #tpu.memory_space<hbm>>
    %dma_wait3A_247 = tpu.memref_squeeze %dma_wait3A_246 : memref<1x56x128xf32, #tpu.memory_space<hbm>> -> memref<56x128xf32, #tpu.memory_space<hbm>>
    %dma_wait3A_248 = arith.constant 0 : i32
    %dma_wait3A_249 = tpu.memref_slice %arg2[%dma_wait3A_244, %add3A_4, %dma_wait3A_248] : memref<32x10000x128xf32, #tpu.memory_space<hbm>> -> memref<1x56x128xf32, #tpu.memory_space<hbm>>
    %dma_wait3A_250 = tpu.memref_squeeze %dma_wait3A_249 : memref<1x56x128xf32, #tpu.memory_space<hbm>> -> memref<56x128xf32, #tpu.memory_space<hbm>>
    tpu.wait_dma2 semaphore(%arg17 : memref<!tpu.dma_semaphore, #tpu.memory_space<semaphore_mem>>) src(%dma_wait3A_250 : memref<56x128xf32, #tpu.memory_space<hbm>>) dst(%arg9 : memref<56x128xf32, #tpu.memory_space<vmem>>)
    %dma_wait3A_251 = arith.constant 13 : i32
    %dma_wait3A_252 = arith.constant 0 : i32
    %dma_wait3A_253 = tpu.memref_slice %arg2[%dma_wait3A_251, %add3A_4, %dma_wait3A_252] : memref<32x10000x128xf32, #tpu.memory_space<hbm>> -> memref<1x56x128xf32, #tpu.memory_space<hbm>>
    %dma_wait3A_254 = tpu.memref_squeeze %dma_wait3A_253 : memref<1x56x128xf32, #tpu.memory_space<hbm>> -> memref<56x128xf32, #tpu.memory_space<hbm>>
    %dma_wait3A_255 = arith.constant 0 : i32
    %dma_wait3A_256 = tpu.memref_slice %arg2[%dma_wait3A_251, %add3A_4, %dma_wait3A_255] : memref<32x10000x128xf32, #tpu.memory_space<hbm>> -> memref<1x56x128xf32, #tpu.memory_space<hbm>>
    %dma_wait3A_257 = tpu.memref_squeeze %dma_wait3A_256 : memref<1x56x128xf32, #tpu.memory_space<hbm>> -> memref<56x128xf32, #tpu.memory_space<hbm>>
    tpu.wait_dma2 semaphore(%arg18 : memref<!tpu.dma_semaphore, #tpu.memory_space<semaphore_mem>>) src(%dma_wait3A_257 : memref<56x128xf32, #tpu.memory_space<hbm>>) dst(%arg10 : memref<56x128xf32, #tpu.memory_space<vmem>>)
    %dma_wait3A_258 = arith.constant 14 : i32
    %dma_wait3A_259 = arith.constant 0 : i32
    %dma_wait3A_260 = tpu.memref_slice %arg2[%dma_wait3A_258, %add3A_4, %dma_wait3A_259] : memref<32x10000x128xf32, #tpu.memory_space<hbm>> -> memref<1x56x128xf32, #tpu.memory_space<hbm>>
    %dma_wait3A_261 = tpu.memref_squeeze %dma_wait3A_260 : memref<1x56x128xf32, #tpu.memory_space<hbm>> -> memref<56x128xf32, #tpu.memory_space<hbm>>
    %dma_wait3A_262 = arith.constant 0 : i32
    %dma_wait3A_263 = tpu.memref_slice %arg2[%dma_wait3A_258, %add3A_4, %dma_wait3A_262] : memref<32x10000x128xf32, #tpu.memory_space<hbm>> -> memref<1x56x128xf32, #tpu.memory_space<hbm>>
    %dma_wait3A_264 = tpu.memref_squeeze %dma_wait3A_263 : memref<1x56x128xf32, #tpu.memory_space<hbm>> -> memref<56x128xf32, #tpu.memory_space<hbm>>
    tpu.wait_dma2 semaphore(%arg19 : memref<!tpu.dma_semaphore, #tpu.memory_space<semaphore_mem>>) src(%dma_wait3A_264 : memref<56x128xf32, #tpu.memory_space<hbm>>) dst(%arg11 : memref<56x128xf32, #tpu.memory_space<vmem>>)
    %dma_wait3A_265 = arith.constant 15 : i32
    %dma_wait3A_266 = arith.constant 0 : i32
    %dma_wait3A_267 = tpu.memref_slice %arg2[%dma_wait3A_265, %add3A_4, %dma_wait3A_266] : memref<32x10000x128xf32, #tpu.memory_space<hbm>> -> memref<1x56x128xf32, #tpu.memory_space<hbm>>
    %dma_wait3A_268 = tpu.memref_squeeze %dma_wait3A_267 : memref<1x56x128xf32, #tpu.memory_space<hbm>> -> memref<56x128xf32, #tpu.memory_space<hbm>>
    %dma_wait3A_269 = arith.constant 0 : i32
    %dma_wait3A_270 = tpu.memref_slice %arg2[%dma_wait3A_265, %add3A_4, %dma_wait3A_269] : memref<32x10000x128xf32, #tpu.memory_space<hbm>> -> memref<1x56x128xf32, #tpu.memory_space<hbm>>
    %dma_wait3A_271 = tpu.memref_squeeze %dma_wait3A_270 : memref<1x56x128xf32, #tpu.memory_space<hbm>> -> memref<56x128xf32, #tpu.memory_space<hbm>>
    tpu.wait_dma2 semaphore(%arg20 : memref<!tpu.dma_semaphore, #tpu.memory_space<semaphore_mem>>) src(%dma_wait3A_271 : memref<56x128xf32, #tpu.memory_space<hbm>>) dst(%arg12 : memref<56x128xf32, #tpu.memory_space<vmem>>)
    %scan3A_272 = arith.constant 0 : i32
    %scan3A_273 = arith.constant 0 : i32
    %scan3A_274 = arith.constant 56 : i32
    %scan3A_275 = arith.addi %scan3A_273, %scan3A_274 : i32
    %scan3A_276 = arith.constant 1 : i32
    scf.for %scan3A_500 = %scan3A_273 to %scan3A_275 step %scan3A_276  : i32 {
      %get3A = arith.index_cast %scan3A_500 : i32 to index
      %get3A_501 = arith.constant 0 : index
      %get3A_502 = tpu.vector_load %arg9[%get3A, %get3A_501] {strides = array<i32>} : memref<56x128xf32, #tpu.memory_space<vmem>>, vector<1x16xf32>,
      %get3A_503 = vector.shape_cast %get3A_502 : vector<1x16xf32> to vector<16xf32>
      %get3A_504 = arith.index_cast %scan3A_500 : i32 to index
      %get3A_505 = arith.constant 0 : index
      %get3A_506 = tpu.vector_load %arg10[%get3A_504, %get3A_505] {strides = array<i32>} : memref<56x128xf32, #tpu.memory_space<vmem>>, vector<1x16xf32>,
      %get3A_507 = vector.shape_cast %get3A_506 : vector<1x16xf32> to vector<16xf32>
      %add3A_508 = arith.addf %get3A_503, %get3A_507 : vector<16xf32>
      %get3A_509 = arith.index_cast %scan3A_500 : i32 to index
      %get3A_510 = arith.constant 0 : index
      %get3A_511 = tpu.vector_load %arg11[%get3A_509, %get3A_510] {strides = array<i32>} : memref<56x128xf32, #tpu.memory_space<vmem>>, vector<1x16xf32>,
      %get3A_512 = vector.shape_cast %get3A_511 : vector<1x16xf32> to vector<16xf32>
      %get3A_513 = arith.index_cast %scan3A_500 : i32 to index
      %get3A_514 = arith.constant 0 : index
      %get3A_515 = tpu.vector_load %arg12[%get3A_513, %get3A_514] {strides = array<i32>} : memref<56x128xf32, #tpu.memory_space<vmem>>, vector<1x16xf32>,
      %get3A_516 = vector.shape_cast %get3A_515 : vector<1x16xf32> to vector<16xf32>
      %add3A_517 = arith.addf %get3A_512, %get3A_516 : vector<16xf32>
      %add3A_518 = arith.addf %add3A_508, %add3A_517 : vector<16xf32>
      %get3A_519 = arith.index_cast %scan3A_500 : i32 to index
      %get3A_520 = arith.constant 0 : index
      %get3A_521 = tpu.vector_load %arg4[%get3A_519, %get3A_520] {strides = array<i32>} : memref<56x128xf32, #tpu.memory_space<vmem>>, vector<1x16xf32>,
      %get3A_522 = vector.shape_cast %get3A_521 : vector<1x16xf32> to vector<16xf32>
      %add3A_523 = arith.addf %get3A_522, %add3A_518 : vector<16xf32>
      %swap3A = arith.index_cast %scan3A_500 : i32 to index
      %swap3A_524 = arith.constant 0 : index
      %swap3A_525 = tpu.vector_load %arg4[%swap3A, %swap3A_524] {strides = array<i32>} : memref<56x128xf32, #tpu.memory_space<vmem>>, vector<1x16xf32>,
      %swap3A_526 = vector.shape_cast %swap3A_525 : vector<1x16xf32> to vector<16xf32>
      %swap3A_527 = vector.shape_cast %add3A_523 : vector<16xf32> to vector<1x16xf32>
      tpu.vector_store %arg4[%swap3A, %swap3A_524], %swap3A_527 {strides = array<i32>} : memref<56x128xf32, #tpu.memory_space<vmem>>, vector<1x16xf32>,
      %get3A_528 = arith.index_cast %scan3A_500 : i32 to index
      %get3A_529 = arith.constant 16 : index
      %get3A_530 = tpu.vector_load %arg9[%get3A_528, %get3A_529] {strides = array<i32>} : memref<56x128xf32, #tpu.memory_space<vmem>>, vector<1x16xf32>,
      %get3A_531 = vector.shape_cast %get3A_530 : vector<1x16xf32> to vector<16xf32>
      %get3A_532 = arith.index_cast %scan3A_500 : i32 to index
      %get3A_533 = arith.constant 16 : index
      %get3A_534 = tpu.vector_load %arg10[%get3A_532, %get3A_533] {strides = array<i32>} : memref<56x128xf32, #tpu.memory_space<vmem>>, vector<1x16xf32>,
      %get3A_535 = vector.shape_cast %get3A_534 : vector<1x16xf32> to vector<16xf32>
      %add3A_536 = arith.addf %get3A_531, %get3A_535 : vector<16xf32>
      %get3A_537 = arith.index_cast %scan3A_500 : i32 to index
      %get3A_538 = arith.constant 16 : index
      %get3A_539 = tpu.vector_load %arg11[%get3A_537, %get3A_538] {strides = array<i32>} : memref<56x128xf32, #tpu.memory_space<vmem>>, vector<1x16xf32>,
      %get3A_540 = vector.shape_cast %get3A_539 : vector<1x16xf32> to vector<16xf32>
      %get3A_541 = arith.index_cast %scan3A_500 : i32 to index
      %get3A_542 = arith.constant 16 : index
      %get3A_543 = tpu.vector_load %arg12[%get3A_541, %get3A_542] {strides = array<i32>} : memref<56x128xf32, #tpu.memory_space<vmem>>, vector<1x16xf32>,
      %get3A_544 = vector.shape_cast %get3A_543 : vector<1x16xf32> to vector<16xf32>
      %add3A_545 = arith.addf %get3A_540, %get3A_544 : vector<16xf32>
      %add3A_546 = arith.addf %add3A_536, %add3A_545 : vector<16xf32>
      %get3A_547 = arith.index_cast %scan3A_500 : i32 to index
      %get3A_548 = arith.constant 16 : index
      %get3A_549 = tpu.vector_load %arg4[%get3A_547, %get3A_548] {strides = array<i32>} : memref<56x128xf32, #tpu.memory_space<vmem>>, vector<1x16xf32>,
      %get3A_550 = vector.shape_cast %get3A_549 : vector<1x16xf32> to vector<16xf32>
      %add3A_551 = arith.addf %get3A_550, %add3A_546 : vector<16xf32>
      %swap3A_552 = arith.index_cast %scan3A_500 : i32 to index
      %swap3A_553 = arith.constant 16 : index
      %swap3A_554 = tpu.vector_load %arg4[%swap3A_552, %swap3A_553] {strides = array<i32>} : memref<56x128xf32, #tpu.memory_space<vmem>>, vector<1x16xf32>,
      %swap3A_555 = vector.shape_cast %swap3A_554 : vector<1x16xf32> to vector<16xf32>
      %swap3A_556 = vector.shape_cast %add3A_551 : vector<16xf32> to vector<1x16xf32>
      tpu.vector_store %arg4[%swap3A_552, %swap3A_553], %swap3A_556 {strides = array<i32>} : memref<56x128xf32, #tpu.memory_space<vmem>>, vector<1x16xf32>,
      %get3A_557 = arith.index_cast %scan3A_500 : i32 to index
      %get3A_558 = arith.constant 32 : index
      %get3A_559 = tpu.vector_load %arg9[%get3A_557, %get3A_558] {strides = array<i32>} : memref<56x128xf32, #tpu.memory_space<vmem>>, vector<1x16xf32>,
      %get3A_560 = vector.shape_cast %get3A_559 : vector<1x16xf32> to vector<16xf32>
      %get3A_561 = arith.index_cast %scan3A_500 : i32 to index
      %get3A_562 = arith.constant 32 : index
      %get3A_563 = tpu.vector_load %arg10[%get3A_561, %get3A_562] {strides = array<i32>} : memref<56x128xf32, #tpu.memory_space<vmem>>, vector<1x16xf32>,
      %get3A_564 = vector.shape_cast %get3A_563 : vector<1x16xf32> to vector<16xf32>
      %add3A_565 = arith.addf %get3A_560, %get3A_564 : vector<16xf32>
      %get3A_566 = arith.index_cast %scan3A_500 : i32 to index
      %get3A_567 = arith.constant 32 : index
      %get3A_568 = tpu.vector_load %arg11[%get3A_566, %get3A_567] {strides = array<i32>} : memref<56x128xf32, #tpu.memory_space<vmem>>, vector<1x16xf32>,
      %get3A_569 = vector.shape_cast %get3A_568 : vector<1x16xf32> to vector<16xf32>
      %get3A_570 = arith.index_cast %scan3A_500 : i32 to index
      %get3A_571 = arith.constant 32 : index
      %get3A_572 = tpu.vector_load %arg12[%get3A_570, %get3A_571] {strides = array<i32>} : memref<56x128xf32, #tpu.memory_space<vmem>>, vector<1x16xf32>,
      %get3A_573 = vector.shape_cast %get3A_572 : vector<1x16xf32> to vector<16xf32>
      %add3A_574 = arith.addf %get3A_569, %get3A_573 : vector<16xf32>
      %add3A_575 = arith.addf %add3A_565, %add3A_574 : vector<16xf32>
      %get3A_576 = arith.index_cast %scan3A_500 : i32 to index
      %get3A_577 = arith.constant 32 : index
      %get3A_578 = tpu.vector_load %arg4[%get3A_576, %get3A_577] {strides = array<i32>} : memref<56x128xf32, #tpu.memory_space<vmem>>, vector<1x16xf32>,
      %get3A_579 = vector.shape_cast %get3A_578 : vector<1x16xf32> to vector<16xf32>
      %add3A_580 = arith.addf %get3A_579, %add3A_575 : vector<16xf32>
      %swap3A_581 = arith.index_cast %scan3A_500 : i32 to index
      %swap3A_582 = arith.constant 32 : index
      %swap3A_583 = tpu.vector_load %arg4[%swap3A_581, %swap3A_582] {strides = array<i32>} : memref<56x128xf32, #tpu.memory_space<vmem>>, vector<1x16xf32>,
      %swap3A_584 = vector.shape_cast %swap3A_583 : vector<1x16xf32> to vector<16xf32>
      %swap3A_585 = vector.shape_cast %add3A_580 : vector<16xf32> to vector<1x16xf32>
      tpu.vector_store %arg4[%swap3A_581, %swap3A_582], %swap3A_585 {strides = array<i32>} : memref<56x128xf32, #tpu.memory_space<vmem>>, vector<1x16xf32>,
      %get3A_586 = arith.index_cast %scan3A_500 : i32 to index
      %get3A_587 = arith.constant 48 : index
      %get3A_588 = tpu.vector_load %arg9[%get3A_586, %get3A_587] {strides = array<i32>} : memref<56x128xf32, #tpu.memory_space<vmem>>, vector<1x16xf32>,
      %get3A_589 = vector.shape_cast %get3A_588 : vector<1x16xf32> to vector<16xf32>
      %get3A_590 = arith.index_cast %scan3A_500 : i32 to index
      %get3A_591 = arith.constant 48 : index
      %get3A_592 = tpu.vector_load %arg10[%get3A_590, %get3A_591] {strides = array<i32>} : memref<56x128xf32, #tpu.memory_space<vmem>>, vector<1x16xf32>,
      %get3A_593 = vector.shape_cast %get3A_592 : vector<1x16xf32> to vector<16xf32>
      %add3A_594 = arith.addf %get3A_589, %get3A_593 : vector<16xf32>
      %get3A_595 = arith.index_cast %scan3A_500 : i32 to index
      %get3A_596 = arith.constant 48 : index
      %get3A_597 = tpu.vector_load %arg11[%get3A_595, %get3A_596] {strides = array<i32>} : memref<56x128xf32, #tpu.memory_space<vmem>>, vector<1x16xf32>,
      %get3A_598 = vector.shape_cast %get3A_597 : vector<1x16xf32> to vector<16xf32>
      %get3A_599 = arith.index_cast %scan3A_500 : i32 to index
      %get3A_600 = arith.constant 48 : index
      %get3A_601 = tpu.vector_load %arg12[%get3A_599, %get3A_600] {strides = array<i32>} : memref<56x128xf32, #tpu.memory_space<vmem>>, vector<1x16xf32>,
      %get3A_602 = vector.shape_cast %get3A_601 : vector<1x16xf32> to vector<16xf32>
      %add3A_603 = arith.addf %get3A_598, %get3A_602 : vector<16xf32>
      %add3A_604 = arith.addf %add3A_594, %add3A_603 : vector<16xf32>
      %get3A_605 = arith.index_cast %scan3A_500 : i32 to index
      %get3A_606 = arith.constant 48 : index
      %get3A_607 = tpu.vector_load %arg4[%get3A_605, %get3A_606] {strides = array<i32>} : memref<56x128xf32, #tpu.memory_space<vmem>>, vector<1x16xf32>,
      %get3A_608 = vector.shape_cast %get3A_607 : vector<1x16xf32> to vector<16xf32>
      %add3A_609 = arith.addf %get3A_608, %add3A_604 : vector<16xf32>
      %swap3A_610 = arith.index_cast %scan3A_500 : i32 to index
      %swap3A_611 = arith.constant 48 : index
      %swap3A_612 = tpu.vector_load %arg4[%swap3A_610, %swap3A_611] {strides = array<i32>} : memref<56x128xf32, #tpu.memory_space<vmem>>, vector<1x16xf32>,
      %swap3A_613 = vector.shape_cast %swap3A_612 : vector<1x16xf32> to vector<16xf32>
      %swap3A_614 = vector.shape_cast %add3A_609 : vector<16xf32> to vector<1x16xf32>
      tpu.vector_store %arg4[%swap3A_610, %swap3A_611], %swap3A_614 {strides = array<i32>} : memref<56x128xf32, #tpu.memory_space<vmem>>, vector<1x16xf32>,
      %get3A_615 = arith.index_cast %scan3A_500 : i32 to index
      %get3A_616 = arith.constant 64 : index
      %get3A_617 = tpu.vector_load %arg9[%get3A_615, %get3A_616] {strides = array<i32>} : memref<56x128xf32, #tpu.memory_space<vmem>>, vector<1x16xf32>,
      %get3A_618 = vector.shape_cast %get3A_617 : vector<1x16xf32> to vector<16xf32>
      %get3A_619 = arith.index_cast %scan3A_500 : i32 to index
      %get3A_620 = arith.constant 64 : index
      %get3A_621 = tpu.vector_load %arg10[%get3A_619, %get3A_620] {strides = array<i32>} : memref<56x128xf32, #tpu.memory_space<vmem>>, vector<1x16xf32>,
      %get3A_622 = vector.shape_cast %get3A_621 : vector<1x16xf32> to vector<16xf32>
      %add3A_623 = arith.addf %get3A_618, %get3A_622 : vector<16xf32>
      %get3A_624 = arith.index_cast %scan3A_500 : i32 to index
      %get3A_625 = arith.constant 64 : index
      %get3A_626 = tpu.vector_load %arg11[%get3A_624, %get3A_625] {strides = array<i32>} : memref<56x128xf32, #tpu.memory_space<vmem>>, vector<1x16xf32>,
      %get3A_627 = vector.shape_cast %get3A_626 : vector<1x16xf32> to vector<16xf32>
      %get3A_628 = arith.index_cast %scan3A_500 : i32 to index
      %get3A_629 = arith.constant 64 : index
      %get3A_630 = tpu.vector_load %arg12[%get3A_628, %get3A_629] {strides = array<i32>} : memref<56x128xf32, #tpu.memory_space<vmem>>, vector<1x16xf32>,
      %get3A_631 = vector.shape_cast %get3A_630 : vector<1x16xf32> to vector<16xf32>
      %add3A_632 = arith.addf %get3A_627, %get3A_631 : vector<16xf32>
      %add3A_633 = arith.addf %add3A_623, %add3A_632 : vector<16xf32>
      %get3A_634 = arith.index_cast %scan3A_500 : i32 to index
      %get3A_635 = arith.constant 64 : index
      %get3A_636 = tpu.vector_load %arg4[%get3A_634, %get3A_635] {strides = array<i32>} : memref<56x128xf32, #tpu.memory_space<vmem>>, vector<1x16xf32>,
      %get3A_637 = vector.shape_cast %get3A_636 : vector<1x16xf32> to vector<16xf32>
      %add3A_638 = arith.addf %get3A_637, %add3A_633 : vector<16xf32>
      %swap3A_639 = arith.index_cast %scan3A_500 : i32 to index
      %swap3A_640 = arith.constant 64 : index
      %swap3A_641 = tpu.vector_load %arg4[%swap3A_639, %swap3A_640] {strides = array<i32>} : memref<56x128xf32, #tpu.memory_space<vmem>>, vector<1x16xf32>,
      %swap3A_642 = vector.shape_cast %swap3A_641 : vector<1x16xf32> to vector<16xf32>
      %swap3A_643 = vector.shape_cast %add3A_638 : vector<16xf32> to vector<1x16xf32>
      tpu.vector_store %arg4[%swap3A_639, %swap3A_640], %swap3A_643 {strides = array<i32>} : memref<56x128xf32, #tpu.memory_space<vmem>>, vector<1x16xf32>,
      %get3A_644 = arith.index_cast %scan3A_500 : i32 to index
      %get3A_645 = arith.constant 80 : index
      %get3A_646 = tpu.vector_load %arg9[%get3A_644, %get3A_645] {strides = array<i32>} : memref<56x128xf32, #tpu.memory_space<vmem>>, vector<1x16xf32>,
      %get3A_647 = vector.shape_cast %get3A_646 : vector<1x16xf32> to vector<16xf32>
      %get3A_648 = arith.index_cast %scan3A_500 : i32 to index
      %get3A_649 = arith.constant 80 : index
      %get3A_650 = tpu.vector_load %arg10[%get3A_648, %get3A_649] {strides = array<i32>} : memref<56x128xf32, #tpu.memory_space<vmem>>, vector<1x16xf32>,
      %get3A_651 = vector.shape_cast %get3A_650 : vector<1x16xf32> to vector<16xf32>
      %add3A_652 = arith.addf %get3A_647, %get3A_651 : vector<16xf32>
      %get3A_653 = arith.index_cast %scan3A_500 : i32 to index
      %get3A_654 = arith.constant 80 : index
      %get3A_655 = tpu.vector_load %arg11[%get3A_653, %get3A_654] {strides = array<i32>} : memref<56x128xf32, #tpu.memory_space<vmem>>, vector<1x16xf32>,
      %get3A_656 = vector.shape_cast %get3A_655 : vector<1x16xf32> to vector<16xf32>
      %get3A_657 = arith.index_cast %scan3A_500 : i32 to index
      %get3A_658 = arith.constant 80 : index
      %get3A_659 = tpu.vector_load %arg12[%get3A_657, %get3A_658] {strides = array<i32>} : memref<56x128xf32, #tpu.memory_space<vmem>>, vector<1x16xf32>,
      %get3A_660 = vector.shape_cast %get3A_659 : vector<1x16xf32> to vector<16xf32>
      %add3A_661 = arith.addf %get3A_656, %get3A_660 : vector<16xf32>
      %add3A_662 = arith.addf %add3A_652, %add3A_661 : vector<16xf32>
      %get3A_663 = arith.index_cast %scan3A_500 : i32 to index
      %get3A_664 = arith.constant 80 : index
      %get3A_665 = tpu.vector_load %arg4[%get3A_663, %get3A_664] {strides = array<i32>} : memref<56x128xf32, #tpu.memory_space<vmem>>, vector<1x16xf32>,
      %get3A_666 = vector.shape_cast %get3A_665 : vector<1x16xf32> to vector<16xf32>
      %add3A_667 = arith.addf %get3A_666, %add3A_662 : vector<16xf32>
      %swap3A_668 = arith.index_cast %scan3A_500 : i32 to index
      %swap3A_669 = arith.constant 80 : index
      %swap3A_670 = tpu.vector_load %arg4[%swap3A_668, %swap3A_669] {strides = array<i32>} : memref<56x128xf32, #tpu.memory_space<vmem>>, vector<1x16xf32>,
      %swap3A_671 = vector.shape_cast %swap3A_670 : vector<1x16xf32> to vector<16xf32>
      %swap3A_672 = vector.shape_cast %add3A_667 : vector<16xf32> to vector<1x16xf32>
      tpu.vector_store %arg4[%swap3A_668, %swap3A_669], %swap3A_672 {strides = array<i32>} : memref<56x128xf32, #tpu.memory_space<vmem>>, vector<1x16xf32>,
      %get3A_673 = arith.index_cast %scan3A_500 : i32 to index
      %get3A_674 = arith.constant 96 : index
      %get3A_675 = tpu.vector_load %arg9[%get3A_673, %get3A_674] {strides = array<i32>} : memref<56x128xf32, #tpu.memory_space<vmem>>, vector<1x16xf32>,
      %get3A_676 = vector.shape_cast %get3A_675 : vector<1x16xf32> to vector<16xf32>
      %get3A_677 = arith.index_cast %scan3A_500 : i32 to index
      %get3A_678 = arith.constant 96 : index
      %get3A_679 = tpu.vector_load %arg10[%get3A_677, %get3A_678] {strides = array<i32>} : memref<56x128xf32, #tpu.memory_space<vmem>>, vector<1x16xf32>,
      %get3A_680 = vector.shape_cast %get3A_679 : vector<1x16xf32> to vector<16xf32>
      %add3A_681 = arith.addf %get3A_676, %get3A_680 : vector<16xf32>
      %get3A_682 = arith.index_cast %scan3A_500 : i32 to index
      %get3A_683 = arith.constant 96 : index
      %get3A_684 = tpu.vector_load %arg11[%get3A_682, %get3A_683] {strides = array<i32>} : memref<56x128xf32, #tpu.memory_space<vmem>>, vector<1x16xf32>,
      %get3A_685 = vector.shape_cast %get3A_684 : vector<1x16xf32> to vector<16xf32>
      %get3A_686 = arith.index_cast %scan3A_500 : i32 to index
      %get3A_687 = arith.constant 96 : index
      %get3A_688 = tpu.vector_load %arg12[%get3A_686, %get3A_687] {strides = array<i32>} : memref<56x128xf32, #tpu.memory_space<vmem>>, vector<1x16xf32>,
      %get3A_689 = vector.shape_cast %get3A_688 : vector<1x16xf32> to vector<16xf32>
      %add3A_690 = arith.addf %get3A_685, %get3A_689 : vector<16xf32>
      %add3A_691 = arith.addf %add3A_681, %add3A_690 : vector<16xf32>
      %get3A_692 = arith.index_cast %scan3A_500 : i32 to index
      %get3A_693 = arith.constant 96 : index
      %get3A_694 = tpu.vector_load %arg4[%get3A_692, %get3A_693] {strides = array<i32>} : memref<56x128xf32, #tpu.memory_space<vmem>>, vector<1x16xf32>,
      %get3A_695 = vector.shape_cast %get3A_694 : vector<1x16xf32> to vector<16xf32>
      %add3A_696 = arith.addf %get3A_695, %add3A_691 : vector<16xf32>
      %swap3A_697 = arith.index_cast %scan3A_500 : i32 to index
      %swap3A_698 = arith.constant 96 : index
      %swap3A_699 = tpu.vector_load %arg4[%swap3A_697, %swap3A_698] {strides = array<i32>} : memref<56x128xf32, #tpu.memory_space<vmem>>, vector<1x16xf32>,
      %swap3A_700 = vector.shape_cast %swap3A_699 : vector<1x16xf32> to vector<16xf32>
      %swap3A_701 = vector.shape_cast %add3A_696 : vector<16xf32> to vector<1x16xf32>
      tpu.vector_store %arg4[%swap3A_697, %swap3A_698], %swap3A_701 {strides = array<i32>} : memref<56x128xf32, #tpu.memory_space<vmem>>, vector<1x16xf32>,
      %get3A_702 = arith.index_cast %scan3A_500 : i32 to index
      %get3A_703 = arith.constant 112 : index
      %get3A_704 = tpu.vector_load %arg9[%get3A_702, %get3A_703] {strides = array<i32>} : memref<56x128xf32, #tpu.memory_space<vmem>>, vector<1x16xf32>,
      %get3A_705 = vector.shape_cast %get3A_704 : vector<1x16xf32> to vector<16xf32>
      %get3A_706 = arith.index_cast %scan3A_500 : i32 to index
      %get3A_707 = arith.constant 112 : index
      %get3A_708 = tpu.vector_load %arg10[%get3A_706, %get3A_707] {strides = array<i32>} : memref<56x128xf32, #tpu.memory_space<vmem>>, vector<1x16xf32>,
      %get3A_709 = vector.shape_cast %get3A_708 : vector<1x16xf32> to vector<16xf32>
      %add3A_710 = arith.addf %get3A_705, %get3A_709 : vector<16xf32>
      %get3A_711 = arith.index_cast %scan3A_500 : i32 to index
      %get3A_712 = arith.constant 112 : index
      %get3A_713 = tpu.vector_load %arg11[%get3A_711, %get3A_712] {strides = array<i32>} : memref<56x128xf32, #tpu.memory_space<vmem>>, vector<1x16xf32>,
      %get3A_714 = vector.shape_cast %get3A_713 : vector<1x16xf32> to vector<16xf32>
      %get3A_715 = arith.index_cast %scan3A_500 : i32 to index
      %get3A_716 = arith.constant 112 : index
      %get3A_717 = tpu.vector_load %arg12[%get3A_715, %get3A_716] {strides = array<i32>} : memref<56x128xf32, #tpu.memory_space<vmem>>, vector<1x16xf32>,
      %get3A_718 = vector.shape_cast %get3A_717 : vector<1x16xf32> to vector<16xf32>
      %add3A_719 = arith.addf %get3A_714, %get3A_718 : vector<16xf32>
      %add3A_720 = arith.addf %add3A_710, %add3A_719 : vector<16xf32>
      %get3A_721 = arith.index_cast %scan3A_500 : i32 to index
      %get3A_722 = arith.constant 112 : index
      %get3A_723 = tpu.vector_load %arg4[%get3A_721, %get3A_722] {strides = array<i32>} : memref<56x128xf32, #tpu.memory_space<vmem>>, vector<1x16xf32>,
      %get3A_724 = vector.shape_cast %get3A_723 : vector<1x16xf32> to vector<16xf32>
      %add3A_725 = arith.addf %get3A_724, %add3A_720 : vector<16xf32>
      %swap3A_726 = arith.index_cast %scan3A_500 : i32 to index
      %swap3A_727 = arith.constant 112 : index
      %swap3A_728 = tpu.vector_load %arg4[%swap3A_726, %swap3A_727] {strides = array<i32>} : memref<56x128xf32, #tpu.memory_space<vmem>>, vector<1x16xf32>,
      %swap3A_729 = vector.shape_cast %swap3A_728 : vector<1x16xf32> to vector<16xf32>
      %swap3A_730 = vector.shape_cast %add3A_725 : vector<16xf32> to vector<1x16xf32>
      tpu.vector_store %arg4[%swap3A_726, %swap3A_727], %swap3A_730 {strides = array<i32>} : memref<56x128xf32, #tpu.memory_space<vmem>>, vector<1x16xf32>,
    }
    %scan3A_277 = arith.constant 56 : i32
    %dma_start3A_278 = arith.constant 20 : i32
    %dma_start3A_279 = arith.constant 0 : i32
    %dma_start3A_280 = tpu.memref_slice %arg2[%dma_start3A_278, %add3A_4, %dma_start3A_279] : memref<32x10000x128xf32, #tpu.memory_space<hbm>> -> memref<1x56x128xf32, #tpu.memory_space<hbm>>
    %dma_start3A_281 = tpu.memref_squeeze %dma_start3A_280 : memref<1x56x128xf32, #tpu.memory_space<hbm>> -> memref<56x128xf32, #tpu.memory_space<hbm>>
    %dma_start3A_282 = arith.constant 0 : i32
    %dma_start3A_283 = tpu.memref_slice %arg2[%dma_start3A_278, %add3A_4, %dma_start3A_282] : memref<32x10000x128xf32, #tpu.memory_space<hbm>> -> memref<1x56x128xf32, #tpu.memory_space<hbm>>
    %dma_start3A_284 = tpu.memref_squeeze %dma_start3A_283 : memref<1x56x128xf32, #tpu.memory_space<hbm>> -> memref<56x128xf32, #tpu.memory_space<hbm>>
    tpu.enqueue_dma source(%dma_start3A_284 : memref<56x128xf32, #tpu.memory_space<hbm>>) target(%arg9 : memref<56x128xf32, #tpu.memory_space<vmem>>) target_semaphore(%arg17 : memref<!tpu.dma_semaphore, #tpu.memory_space<semaphore_mem>>)
    %dma_start3A_285 = arith.constant 21 : i32
    %dma_start3A_286 = arith.constant 0 : i32
    %dma_start3A_287 = tpu.memref_slice %arg2[%dma_start3A_285, %add3A_4, %dma_start3A_286] : memref<32x10000x128xf32, #tpu.memory_space<hbm>> -> memref<1x56x128xf32, #tpu.memory_space<hbm>>
    %dma_start3A_288 = tpu.memref_squeeze %dma_start3A_287 : memref<1x56x128xf32, #tpu.memory_space<hbm>> -> memref<56x128xf32, #tpu.memory_space<hbm>>
    %dma_start3A_289 = arith.constant 0 : i32
    %dma_start3A_290 = tpu.memref_slice %arg2[%dma_start3A_285, %add3A_4, %dma_start3A_289] : memref<32x10000x128xf32, #tpu.memory_space<hbm>> -> memref<1x56x128xf32, #tpu.memory_space<hbm>>
    %dma_start3A_291 = tpu.memref_squeeze %dma_start3A_290 : memref<1x56x128xf32, #tpu.memory_space<hbm>> -> memref<56x128xf32, #tpu.memory_space<hbm>>
    tpu.enqueue_dma source(%dma_start3A_291 : memref<56x128xf32, #tpu.memory_space<hbm>>) target(%arg10 : memref<56x128xf32, #tpu.memory_space<vmem>>) target_semaphore(%arg18 : memref<!tpu.dma_semaphore, #tpu.memory_space<semaphore_mem>>)
    %dma_start3A_292 = arith.constant 22 : i32
    %dma_start3A_293 = arith.constant 0 : i32
    %dma_start3A_294 = tpu.memref_slice %arg2[%dma_start3A_292, %add3A_4, %dma_start3A_293] : memref<32x10000x128xf32, #tpu.memory_space<hbm>> -> memref<1x56x128xf32, #tpu.memory_space<hbm>>
    %dma_start3A_295 = tpu.memref_squeeze %dma_start3A_294 : memref<1x56x128xf32, #tpu.memory_space<hbm>> -> memref<56x128xf32, #tpu.memory_space<hbm>>
    %dma_start3A_296 = arith.constant 0 : i32
    %dma_start3A_297 = tpu.memref_slice %arg2[%dma_start3A_292, %add3A_4, %dma_start3A_296] : memref<32x10000x128xf32, #tpu.memory_space<hbm>> -> memref<1x56x128xf32, #tpu.memory_space<hbm>>
    %dma_start3A_298 = tpu.memref_squeeze %dma_start3A_297 : memref<1x56x128xf32, #tpu.memory_space<hbm>> -> memref<56x128xf32, #tpu.memory_space<hbm>>
    tpu.enqueue_dma source(%dma_start3A_298 : memref<56x128xf32, #tpu.memory_space<hbm>>) target(%arg11 : memref<56x128xf32, #tpu.memory_space<vmem>>) target_semaphore(%arg19 : memref<!tpu.dma_semaphore, #tpu.memory_space<semaphore_mem>>)
    %dma_start3A_299 = arith.constant 23 : i32
    %dma_start3A_300 = arith.constant 0 : i32
    %dma_start3A_301 = tpu.memref_slice %arg2[%dma_start3A_299, %add3A_4, %dma_start3A_300] : memref<32x10000x128xf32, #tpu.memory_space<hbm>> -> memref<1x56x128xf32, #tpu.memory_space<hbm>>
    %dma_start3A_302 = tpu.memref_squeeze %dma_start3A_301 : memref<1x56x128xf32, #tpu.memory_space<hbm>> -> memref<56x128xf32, #tpu.memory_space<hbm>>
    %dma_start3A_303 = arith.constant 0 : i32
    %dma_start3A_304 = tpu.memref_slice %arg2[%dma_start3A_299, %add3A_4, %dma_start3A_303] : memref<32x10000x128xf32, #tpu.memory_space<hbm>> -> memref<1x56x128xf32, #tpu.memory_space<hbm>>
    %dma_start3A_305 = tpu.memref_squeeze %dma_start3A_304 : memref<1x56x128xf32, #tpu.memory_space<hbm>> -> memref<56x128xf32, #tpu.memory_space<hbm>>
    tpu.enqueue_dma source(%dma_start3A_305 : memref<56x128xf32, #tpu.memory_space<hbm>>) target(%arg12 : memref<56x128xf32, #tpu.memory_space<vmem>>) target_semaphore(%arg20 : memref<!tpu.dma_semaphore, #tpu.memory_space<semaphore_mem>>)
    %dma_wait3A_306 = arith.constant 16 : i32
    %dma_wait3A_307 = arith.constant 0 : i32
    %dma_wait3A_308 = tpu.memref_slice %arg2[%dma_wait3A_306, %add3A_4, %dma_wait3A_307] : memref<32x10000x128xf32, #tpu.memory_space<hbm>> -> memref<1x56x128xf32, #tpu.memory_space<hbm>>
    %dma_wait3A_309 = tpu.memref_squeeze %dma_wait3A_308 : memref<1x56x128xf32, #tpu.memory_space<hbm>> -> memref<56x128xf32, #tpu.memory_space<hbm>>
    %dma_wait3A_310 = arith.constant 0 : i32
    %dma_wait3A_311 = tpu.memref_slice %arg2[%dma_wait3A_306, %add3A_4, %dma_wait3A_310] : memref<32x10000x128xf32, #tpu.memory_space<hbm>> -> memref<1x56x128xf32, #tpu.memory_space<hbm>>
    %dma_wait3A_312 = tpu.memref_squeeze %dma_wait3A_311 : memref<1x56x128xf32, #tpu.memory_space<hbm>> -> memref<56x128xf32, #tpu.memory_space<hbm>>
    tpu.wait_dma2 semaphore(%arg13 : memref<!tpu.dma_semaphore, #tpu.memory_space<semaphore_mem>>) src(%dma_wait3A_312 : memref<56x128xf32, #tpu.memory_space<hbm>>) dst(%arg5 : memref<56x128xf32, #tpu.memory_space<vmem>>)
    %dma_wait3A_313 = arith.constant 17 : i32
    %dma_wait3A_314 = arith.constant 0 : i32
    %dma_wait3A_315 = tpu.memref_slice %arg2[%dma_wait3A_313, %add3A_4, %dma_wait3A_314] : memref<32x10000x128xf32, #tpu.memory_space<hbm>> -> memref<1x56x128xf32, #tpu.memory_space<hbm>>
    %dma_wait3A_316 = tpu.memref_squeeze %dma_wait3A_315 : memref<1x56x128xf32, #tpu.memory_space<hbm>> -> memref<56x128xf32, #tpu.memory_space<hbm>>
    %dma_wait3A_317 = arith.constant 0 : i32
    %dma_wait3A_318 = tpu.memref_slice %arg2[%dma_wait3A_313, %add3A_4, %dma_wait3A_317] : memref<32x10000x128xf32, #tpu.memory_space<hbm>> -> memref<1x56x128xf32, #tpu.memory_space<hbm>>
    %dma_wait3A_319 = tpu.memref_squeeze %dma_wait3A_318 : memref<1x56x128xf32, #tpu.memory_space<hbm>> -> memref<56x128xf32, #tpu.memory_space<hbm>>
    tpu.wait_dma2 semaphore(%arg14 : memref<!tpu.dma_semaphore, #tpu.memory_space<semaphore_mem>>) src(%dma_wait3A_319 : memref<56x128xf32, #tpu.memory_space<hbm>>) dst(%arg6 : memref<56x128xf32, #tpu.memory_space<vmem>>)
    %dma_wait3A_320 = arith.constant 18 : i32
    %dma_wait3A_321 = arith.constant 0 : i32
    %dma_wait3A_322 = tpu.memref_slice %arg2[%dma_wait3A_320, %add3A_4, %dma_wait3A_321] : memref<32x10000x128xf32, #tpu.memory_space<hbm>> -> memref<1x56x128xf32, #tpu.memory_space<hbm>>
    %dma_wait3A_323 = tpu.memref_squeeze %dma_wait3A_322 : memref<1x56x128xf32, #tpu.memory_space<hbm>> -> memref<56x128xf32, #tpu.memory_space<hbm>>
    %dma_wait3A_324 = arith.constant 0 : i32
    %dma_wait3A_325 = tpu.memref_slice %arg2[%dma_wait3A_320, %add3A_4, %dma_wait3A_324] : memref<32x10000x128xf32, #tpu.memory_space<hbm>> -> memref<1x56x128xf32, #tpu.memory_space<hbm>>
    %dma_wait3A_326 = tpu.memref_squeeze %dma_wait3A_325 : memref<1x56x128xf32, #tpu.memory_space<hbm>> -> memref<56x128xf32, #tpu.memory_space<hbm>>
    tpu.wait_dma2 semaphore(%arg15 : memref<!tpu.dma_semaphore, #tpu.memory_space<semaphore_mem>>) src(%dma_wait3A_326 : memref<56x128xf32, #tpu.memory_space<hbm>>) dst(%arg7 : memref<56x128xf32, #tpu.memory_space<vmem>>)
    %dma_wait3A_327 = arith.constant 19 : i32
    %dma_wait3A_328 = arith.constant 0 : i32
    %dma_wait3A_329 = tpu.memref_slice %arg2[%dma_wait3A_327, %add3A_4, %dma_wait3A_328] : memref<32x10000x128xf32, #tpu.memory_space<hbm>> -> memref<1x56x128xf32, #tpu.memory_space<hbm>>
    %dma_wait3A_330 = tpu.memref_squeeze %dma_wait3A_329 : memref<1x56x128xf32, #tpu.memory_space<hbm>> -> memref<56x128xf32, #tpu.memory_space<hbm>>
    %dma_wait3A_331 = arith.constant 0 : i32
    %dma_wait3A_332 = tpu.memref_slice %arg2[%dma_wait3A_327, %add3A_4, %dma_wait3A_331] : memref<32x10000x128xf32, #tpu.memory_space<hbm>> -> memref<1x56x128xf32, #tpu.memory_space<hbm>>
    %dma_wait3A_333 = tpu.memref_squeeze %dma_wait3A_332 : memref<1x56x128xf32, #tpu.memory_space<hbm>> -> memref<56x128xf32, #tpu.memory_space<hbm>>
    tpu.wait_dma2 semaphore(%arg16 : memref<!tpu.dma_semaphore, #tpu.memory_space<semaphore_mem>>) src(%dma_wait3A_333 : memref<56x128xf32, #tpu.memory_space<hbm>>) dst(%arg8 : memref<56x128xf32, #tpu.memory_space<vmem>>)
    %scan3A_334 = arith.constant 0 : i32
    %scan3A_335 = arith.constant 0 : i32
    %scan3A_336 = arith.constant 56 : i32
    %scan3A_337 = arith.addi %scan3A_335, %scan3A_336 : i32
    %scan3A_338 = arith.constant 1 : i32
    scf.for %scan3A_500 = %scan3A_335 to %scan3A_337 step %scan3A_338  : i32 {
      %get3A = arith.index_cast %scan3A_500 : i32 to index
      %get3A_501 = arith.constant 0 : index
      %get3A_502 = tpu.vector_load %arg5[%get3A, %get3A_501] {strides = array<i32>} : memref<56x128xf32, #tpu.memory_space<vmem>>, vector<1x16xf32>,
      %get3A_503 = vector.shape_cast %get3A_502 : vector<1x16xf32> to vector<16xf32>
      %get3A_504 = arith.index_cast %scan3A_500 : i32 to index
      %get3A_505 = arith.constant 0 : index
      %get3A_506 = tpu.vector_load %arg6[%get3A_504, %get3A_505] {strides = array<i32>} : memref<56x128xf32, #tpu.memory_space<vmem>>, vector<1x16xf32>,
      %get3A_507 = vector.shape_cast %get3A_506 : vector<1x16xf32> to vector<16xf32>
      %add3A_508 = arith.addf %get3A_503, %get3A_507 : vector<16xf32>
      %get3A_509 = arith.index_cast %scan3A_500 : i32 to index
      %get3A_510 = arith.constant 0 : index
      %get3A_511 = tpu.vector_load %arg7[%get3A_509, %get3A_510] {strides = array<i32>} : memref<56x128xf32, #tpu.memory_space<vmem>>, vector<1x16xf32>,
      %get3A_512 = vector.shape_cast %get3A_511 : vector<1x16xf32> to vector<16xf32>
      %get3A_513 = arith.index_cast %scan3A_500 : i32 to index
      %get3A_514 = arith.constant 0 : index
      %get3A_515 = tpu.vector_load %arg8[%get3A_513, %get3A_514] {strides = array<i32>} : memref<56x128xf32, #tpu.memory_space<vmem>>, vector<1x16xf32>,
      %get3A_516 = vector.shape_cast %get3A_515 : vector<1x16xf32> to vector<16xf32>
      %add3A_517 = arith.addf %get3A_512, %get3A_516 : vector<16xf32>
      %add3A_518 = arith.addf %add3A_508, %add3A_517 : vector<16xf32>
      %get3A_519 = arith.index_cast %scan3A_500 : i32 to index
      %get3A_520 = arith.constant 0 : index
      %get3A_521 = tpu.vector_load %arg4[%get3A_519, %get3A_520] {strides = array<i32>} : memref<56x128xf32, #tpu.memory_space<vmem>>, vector<1x16xf32>,
      %get3A_522 = vector.shape_cast %get3A_521 : vector<1x16xf32> to vector<16xf32>
      %add3A_523 = arith.addf %get3A_522, %add3A_518 : vector<16xf32>
      %swap3A = arith.index_cast %scan3A_500 : i32 to index
      %swap3A_524 = arith.constant 0 : index
      %swap3A_525 = tpu.vector_load %arg4[%swap3A, %swap3A_524] {strides = array<i32>} : memref<56x128xf32, #tpu.memory_space<vmem>>, vector<1x16xf32>,
      %swap3A_526 = vector.shape_cast %swap3A_525 : vector<1x16xf32> to vector<16xf32>
      %swap3A_527 = vector.shape_cast %add3A_523 : vector<16xf32> to vector<1x16xf32>
      tpu.vector_store %arg4[%swap3A, %swap3A_524], %swap3A_527 {strides = array<i32>} : memref<56x128xf32, #tpu.memory_space<vmem>>, vector<1x16xf32>,
      %get3A_528 = arith.index_cast %scan3A_500 : i32 to index
      %get3A_529 = arith.constant 16 : index
      %get3A_530 = tpu.vector_load %arg5[%get3A_528, %get3A_529] {strides = array<i32>} : memref<56x128xf32, #tpu.memory_space<vmem>>, vector<1x16xf32>,
      %get3A_531 = vector.shape_cast %get3A_530 : vector<1x16xf32> to vector<16xf32>
      %get3A_532 = arith.index_cast %scan3A_500 : i32 to index
      %get3A_533 = arith.constant 16 : index
      %get3A_534 = tpu.vector_load %arg6[%get3A_532, %get3A_533] {strides = array<i32>} : memref<56x128xf32, #tpu.memory_space<vmem>>, vector<1x16xf32>,
      %get3A_535 = vector.shape_cast %get3A_534 : vector<1x16xf32> to vector<16xf32>
      %add3A_536 = arith.addf %get3A_531, %get3A_535 : vector<16xf32>
      %get3A_537 = arith.index_cast %scan3A_500 : i32 to index
      %get3A_538 = arith.constant 16 : index
      %get3A_539 = tpu.vector_load %arg7[%get3A_537, %get3A_538] {strides = array<i32>} : memref<56x128xf32, #tpu.memory_space<vmem>>, vector<1x16xf32>,
      %get3A_540 = vector.shape_cast %get3A_539 : vector<1x16xf32> to vector<16xf32>
      %get3A_541 = arith.index_cast %scan3A_500 : i32 to index
      %get3A_542 = arith.constant 16 : index
      %get3A_543 = tpu.vector_load %arg8[%get3A_541, %get3A_542] {strides = array<i32>} : memref<56x128xf32, #tpu.memory_space<vmem>>, vector<1x16xf32>,
      %get3A_544 = vector.shape_cast %get3A_543 : vector<1x16xf32> to vector<16xf32>
      %add3A_545 = arith.addf %get3A_540, %get3A_544 : vector<16xf32>
      %add3A_546 = arith.addf %add3A_536, %add3A_545 : vector<16xf32>
      %get3A_547 = arith.index_cast %scan3A_500 : i32 to index
      %get3A_548 = arith.constant 16 : index
      %get3A_549 = tpu.vector_load %arg4[%get3A_547, %get3A_548] {strides = array<i32>} : memref<56x128xf32, #tpu.memory_space<vmem>>, vector<1x16xf32>,
      %get3A_550 = vector.shape_cast %get3A_549 : vector<1x16xf32> to vector<16xf32>
      %add3A_551 = arith.addf %get3A_550, %add3A_546 : vector<16xf32>
      %swap3A_552 = arith.index_cast %scan3A_500 : i32 to index
      %swap3A_553 = arith.constant 16 : index
      %swap3A_554 = tpu.vector_load %arg4[%swap3A_552, %swap3A_553] {strides = array<i32>} : memref<56x128xf32, #tpu.memory_space<vmem>>, vector<1x16xf32>,
      %swap3A_555 = vector.shape_cast %swap3A_554 : vector<1x16xf32> to vector<16xf32>
      %swap3A_556 = vector.shape_cast %add3A_551 : vector<16xf32> to vector<1x16xf32>
      tpu.vector_store %arg4[%swap3A_552, %swap3A_553], %swap3A_556 {strides = array<i32>} : memref<56x128xf32, #tpu.memory_space<vmem>>, vector<1x16xf32>,
      %get3A_557 = arith.index_cast %scan3A_500 : i32 to index
      %get3A_558 = arith.constant 32 : index
      %get3A_559 = tpu.vector_load %arg5[%get3A_557, %get3A_558] {strides = array<i32>} : memref<56x128xf32, #tpu.memory_space<vmem>>, vector<1x16xf32>,
      %get3A_560 = vector.shape_cast %get3A_559 : vector<1x16xf32> to vector<16xf32>
      %get3A_561 = arith.index_cast %scan3A_500 : i32 to index
      %get3A_562 = arith.constant 32 : index
      %get3A_563 = tpu.vector_load %arg6[%get3A_561, %get3A_562] {strides = array<i32>} : memref<56x128xf32, #tpu.memory_space<vmem>>, vector<1x16xf32>,
      %get3A_564 = vector.shape_cast %get3A_563 : vector<1x16xf32> to vector<16xf32>
      %add3A_565 = arith.addf %get3A_560, %get3A_564 : vector<16xf32>
      %get3A_566 = arith.index_cast %scan3A_500 : i32 to index
      %get3A_567 = arith.constant 32 : index
      %get3A_568 = tpu.vector_load %arg7[%get3A_566, %get3A_567] {strides = array<i32>} : memref<56x128xf32, #tpu.memory_space<vmem>>, vector<1x16xf32>,
      %get3A_569 = vector.shape_cast %get3A_568 : vector<1x16xf32> to vector<16xf32>
      %get3A_570 = arith.index_cast %scan3A_500 : i32 to index
      %get3A_571 = arith.constant 32 : index
      %get3A_572 = tpu.vector_load %arg8[%get3A_570, %get3A_571] {strides = array<i32>} : memref<56x128xf32, #tpu.memory_space<vmem>>, vector<1x16xf32>,
      %get3A_573 = vector.shape_cast %get3A_572 : vector<1x16xf32> to vector<16xf32>
      %add3A_574 = arith.addf %get3A_569, %get3A_573 : vector<16xf32>
      %add3A_575 = arith.addf %add3A_565, %add3A_574 : vector<16xf32>
      %get3A_576 = arith.index_cast %scan3A_500 : i32 to index
      %get3A_577 = arith.constant 32 : index
      %get3A_578 = tpu.vector_load %arg4[%get3A_576, %get3A_577] {strides = array<i32>} : memref<56x128xf32, #tpu.memory_space<vmem>>, vector<1x16xf32>,
      %get3A_579 = vector.shape_cast %get3A_578 : vector<1x16xf32> to vector<16xf32>
      %add3A_580 = arith.addf %get3A_579, %add3A_575 : vector<16xf32>
      %swap3A_581 = arith.index_cast %scan3A_500 : i32 to index
      %swap3A_582 = arith.constant 32 : index
      %swap3A_583 = tpu.vector_load %arg4[%swap3A_581, %swap3A_582] {strides = array<i32>} : memref<56x128xf32, #tpu.memory_space<vmem>>, vector<1x16xf32>,
      %swap3A_584 = vector.shape_cast %swap3A_583 : vector<1x16xf32> to vector<16xf32>
      %swap3A_585 = vector.shape_cast %add3A_580 : vector<16xf32> to vector<1x16xf32>
      tpu.vector_store %arg4[%swap3A_581, %swap3A_582], %swap3A_585 {strides = array<i32>} : memref<56x128xf32, #tpu.memory_space<vmem>>, vector<1x16xf32>,
      %get3A_586 = arith.index_cast %scan3A_500 : i32 to index
      %get3A_587 = arith.constant 48 : index
      %get3A_588 = tpu.vector_load %arg5[%get3A_586, %get3A_587] {strides = array<i32>} : memref<56x128xf32, #tpu.memory_space<vmem>>, vector<1x16xf32>,
      %get3A_589 = vector.shape_cast %get3A_588 : vector<1x16xf32> to vector<16xf32>
      %get3A_590 = arith.index_cast %scan3A_500 : i32 to index
      %get3A_591 = arith.constant 48 : index
      %get3A_592 = tpu.vector_load %arg6[%get3A_590, %get3A_591] {strides = array<i32>} : memref<56x128xf32, #tpu.memory_space<vmem>>, vector<1x16xf32>,
      %get3A_593 = vector.shape_cast %get3A_592 : vector<1x16xf32> to vector<16xf32>
      %add3A_594 = arith.addf %get3A_589, %get3A_593 : vector<16xf32>
      %get3A_595 = arith.index_cast %scan3A_500 : i32 to index
      %get3A_596 = arith.constant 48 : index
      %get3A_597 = tpu.vector_load %arg7[%get3A_595, %get3A_596] {strides = array<i32>} : memref<56x128xf32, #tpu.memory_space<vmem>>, vector<1x16xf32>,
      %get3A_598 = vector.shape_cast %get3A_597 : vector<1x16xf32> to vector<16xf32>
      %get3A_599 = arith.index_cast %scan3A_500 : i32 to index
      %get3A_600 = arith.constant 48 : index
      %get3A_601 = tpu.vector_load %arg8[%get3A_599, %get3A_600] {strides = array<i32>} : memref<56x128xf32, #tpu.memory_space<vmem>>, vector<1x16xf32>,
      %get3A_602 = vector.shape_cast %get3A_601 : vector<1x16xf32> to vector<16xf32>
      %add3A_603 = arith.addf %get3A_598, %get3A_602 : vector<16xf32>
      %add3A_604 = arith.addf %add3A_594, %add3A_603 : vector<16xf32>
      %get3A_605 = arith.index_cast %scan3A_500 : i32 to index
      %get3A_606 = arith.constant 48 : index
      %get3A_607 = tpu.vector_load %arg4[%get3A_605, %get3A_606] {strides = array<i32>} : memref<56x128xf32, #tpu.memory_space<vmem>>, vector<1x16xf32>,
      %get3A_608 = vector.shape_cast %get3A_607 : vector<1x16xf32> to vector<16xf32>
      %add3A_609 = arith.addf %get3A_608, %add3A_604 : vector<16xf32>
      %swap3A_610 = arith.index_cast %scan3A_500 : i32 to index
      %swap3A_611 = arith.constant 48 : index
      %swap3A_612 = tpu.vector_load %arg4[%swap3A_610, %swap3A_611] {strides = array<i32>} : memref<56x128xf32, #tpu.memory_space<vmem>>, vector<1x16xf32>,
      %swap3A_613 = vector.shape_cast %swap3A_612 : vector<1x16xf32> to vector<16xf32>
      %swap3A_614 = vector.shape_cast %add3A_609 : vector<16xf32> to vector<1x16xf32>
      tpu.vector_store %arg4[%swap3A_610, %swap3A_611], %swap3A_614 {strides = array<i32>} : memref<56x128xf32, #tpu.memory_space<vmem>>, vector<1x16xf32>,
      %get3A_615 = arith.index_cast %scan3A_500 : i32 to index
      %get3A_616 = arith.constant 64 : index
      %get3A_617 = tpu.vector_load %arg5[%get3A_615, %get3A_616] {strides = array<i32>} : memref<56x128xf32, #tpu.memory_space<vmem>>, vector<1x16xf32>,
      %get3A_618 = vector.shape_cast %get3A_617 : vector<1x16xf32> to vector<16xf32>
      %get3A_619 = arith.index_cast %scan3A_500 : i32 to index
      %get3A_620 = arith.constant 64 : index
      %get3A_621 = tpu.vector_load %arg6[%get3A_619, %get3A_620] {strides = array<i32>} : memref<56x128xf32, #tpu.memory_space<vmem>>, vector<1x16xf32>,
      %get3A_622 = vector.shape_cast %get3A_621 : vector<1x16xf32> to vector<16xf32>
      %add3A_623 = arith.addf %get3A_618, %get3A_622 : vector<16xf32>
      %get3A_624 = arith.index_cast %scan3A_500 : i32 to index
      %get3A_625 = arith.constant 64 : index
      %get3A_626 = tpu.vector_load %arg7[%get3A_624, %get3A_625] {strides = array<i32>} : memref<56x128xf32, #tpu.memory_space<vmem>>, vector<1x16xf32>,
      %get3A_627 = vector.shape_cast %get3A_626 : vector<1x16xf32> to vector<16xf32>
      %get3A_628 = arith.index_cast %scan3A_500 : i32 to index
      %get3A_629 = arith.constant 64 : index
      %get3A_630 = tpu.vector_load %arg8[%get3A_628, %get3A_629] {strides = array<i32>} : memref<56x128xf32, #tpu.memory_space<vmem>>, vector<1x16xf32>,
      %get3A_631 = vector.shape_cast %get3A_630 : vector<1x16xf32> to vector<16xf32>
      %add3A_632 = arith.addf %get3A_627, %get3A_631 : vector<16xf32>
      %add3A_633 = arith.addf %add3A_623, %add3A_632 : vector<16xf32>
      %get3A_634 = arith.index_cast %scan3A_500 : i32 to index
      %get3A_635 = arith.constant 64 : index
      %get3A_636 = tpu.vector_load %arg4[%get3A_634, %get3A_635] {strides = array<i32>} : memref<56x128xf32, #tpu.memory_space<vmem>>, vector<1x16xf32>,
      %get3A_637 = vector.shape_cast %get3A_636 : vector<1x16xf32> to vector<16xf32>
      %add3A_638 = arith.addf %get3A_637, %add3A_633 : vector<16xf32>
      %swap3A_639 = arith.index_cast %scan3A_500 : i32 to index
      %swap3A_640 = arith.constant 64 : index
      %swap3A_641 = tpu.vector_load %arg4[%swap3A_639, %swap3A_640] {strides = array<i32>} : memref<56x128xf32, #tpu.memory_space<vmem>>, vector<1x16xf32>,
      %swap3A_642 = vector.shape_cast %swap3A_641 : vector<1x16xf32> to vector<16xf32>
      %swap3A_643 = vector.shape_cast %add3A_638 : vector<16xf32> to vector<1x16xf32>
      tpu.vector_store %arg4[%swap3A_639, %swap3A_640], %swap3A_643 {strides = array<i32>} : memref<56x128xf32, #tpu.memory_space<vmem>>, vector<1x16xf32>,
      %get3A_644 = arith.index_cast %scan3A_500 : i32 to index
      %get3A_645 = arith.constant 80 : index
      %get3A_646 = tpu.vector_load %arg5[%get3A_644, %get3A_645] {strides = array<i32>} : memref<56x128xf32, #tpu.memory_space<vmem>>, vector<1x16xf32>,
      %get3A_647 = vector.shape_cast %get3A_646 : vector<1x16xf32> to vector<16xf32>
      %get3A_648 = arith.index_cast %scan3A_500 : i32 to index
      %get3A_649 = arith.constant 80 : index
      %get3A_650 = tpu.vector_load %arg6[%get3A_648, %get3A_649] {strides = array<i32>} : memref<56x128xf32, #tpu.memory_space<vmem>>, vector<1x16xf32>,
      %get3A_651 = vector.shape_cast %get3A_650 : vector<1x16xf32> to vector<16xf32>
      %add3A_652 = arith.addf %get3A_647, %get3A_651 : vector<16xf32>
      %get3A_653 = arith.index_cast %scan3A_500 : i32 to index
      %get3A_654 = arith.constant 80 : index
      %get3A_655 = tpu.vector_load %arg7[%get3A_653, %get3A_654] {strides = array<i32>} : memref<56x128xf32, #tpu.memory_space<vmem>>, vector<1x16xf32>,
      %get3A_656 = vector.shape_cast %get3A_655 : vector<1x16xf32> to vector<16xf32>
      %get3A_657 = arith.index_cast %scan3A_500 : i32 to index
      %get3A_658 = arith.constant 80 : index
      %get3A_659 = tpu.vector_load %arg8[%get3A_657, %get3A_658] {strides = array<i32>} : memref<56x128xf32, #tpu.memory_space<vmem>>, vector<1x16xf32>,
      %get3A_660 = vector.shape_cast %get3A_659 : vector<1x16xf32> to vector<16xf32>
      %add3A_661 = arith.addf %get3A_656, %get3A_660 : vector<16xf32>
      %add3A_662 = arith.addf %add3A_652, %add3A_661 : vector<16xf32>
      %get3A_663 = arith.index_cast %scan3A_500 : i32 to index
      %get3A_664 = arith.constant 80 : index
      %get3A_665 = tpu.vector_load %arg4[%get3A_663, %get3A_664] {strides = array<i32>} : memref<56x128xf32, #tpu.memory_space<vmem>>, vector<1x16xf32>,
      %get3A_666 = vector.shape_cast %get3A_665 : vector<1x16xf32> to vector<16xf32>
      %add3A_667 = arith.addf %get3A_666, %add3A_662 : vector<16xf32>
      %swap3A_668 = arith.index_cast %scan3A_500 : i32 to index
      %swap3A_669 = arith.constant 80 : index
      %swap3A_670 = tpu.vector_load %arg4[%swap3A_668, %swap3A_669] {strides = array<i32>} : memref<56x128xf32, #tpu.memory_space<vmem>>, vector<1x16xf32>,
      %swap3A_671 = vector.shape_cast %swap3A_670 : vector<1x16xf32> to vector<16xf32>
      %swap3A_672 = vector.shape_cast %add3A_667 : vector<16xf32> to vector<1x16xf32>
      tpu.vector_store %arg4[%swap3A_668, %swap3A_669], %swap3A_672 {strides = array<i32>} : memref<56x128xf32, #tpu.memory_space<vmem>>, vector<1x16xf32>,
      %get3A_673 = arith.index_cast %scan3A_500 : i32 to index
      %get3A_674 = arith.constant 96 : index
      %get3A_675 = tpu.vector_load %arg5[%get3A_673, %get3A_674] {strides = array<i32>} : memref<56x128xf32, #tpu.memory_space<vmem>>, vector<1x16xf32>,
      %get3A_676 = vector.shape_cast %get3A_675 : vector<1x16xf32> to vector<16xf32>
      %get3A_677 = arith.index_cast %scan3A_500 : i32 to index
      %get3A_678 = arith.constant 96 : index
      %get3A_679 = tpu.vector_load %arg6[%get3A_677, %get3A_678] {strides = array<i32>} : memref<56x128xf32, #tpu.memory_space<vmem>>, vector<1x16xf32>,
      %get3A_680 = vector.shape_cast %get3A_679 : vector<1x16xf32> to vector<16xf32>
      %add3A_681 = arith.addf %get3A_676, %get3A_680 : vector<16xf32>
      %get3A_682 = arith.index_cast %scan3A_500 : i32 to index
      %get3A_683 = arith.constant 96 : index
      %get3A_684 = tpu.vector_load %arg7[%get3A_682, %get3A_683] {strides = array<i32>} : memref<56x128xf32, #tpu.memory_space<vmem>>, vector<1x16xf32>,
      %get3A_685 = vector.shape_cast %get3A_684 : vector<1x16xf32> to vector<16xf32>
      %get3A_686 = arith.index_cast %scan3A_500 : i32 to index
      %get3A_687 = arith.constant 96 : index
      %get3A_688 = tpu.vector_load %arg8[%get3A_686, %get3A_687] {strides = array<i32>} : memref<56x128xf32, #tpu.memory_space<vmem>>, vector<1x16xf32>,
      %get3A_689 = vector.shape_cast %get3A_688 : vector<1x16xf32> to vector<16xf32>
      %add3A_690 = arith.addf %get3A_685, %get3A_689 : vector<16xf32>
      %add3A_691 = arith.addf %add3A_681, %add3A_690 : vector<16xf32>
      %get3A_692 = arith.index_cast %scan3A_500 : i32 to index
      %get3A_693 = arith.constant 96 : index
      %get3A_694 = tpu.vector_load %arg4[%get3A_692, %get3A_693] {strides = array<i32>} : memref<56x128xf32, #tpu.memory_space<vmem>>, vector<1x16xf32>,
      %get3A_695 = vector.shape_cast %get3A_694 : vector<1x16xf32> to vector<16xf32>
      %add3A_696 = arith.addf %get3A_695, %add3A_691 : vector<16xf32>
      %swap3A_697 = arith.index_cast %scan3A_500 : i32 to index
      %swap3A_698 = arith.constant 96 : index
      %swap3A_699 = tpu.vector_load %arg4[%swap3A_697, %swap3A_698] {strides = array<i32>} : memref<56x128xf32, #tpu.memory_space<vmem>>, vector<1x16xf32>,
      %swap3A_700 = vector.shape_cast %swap3A_699 : vector<1x16xf32> to vector<16xf32>
      %swap3A_701 = vector.shape_cast %add3A_696 : vector<16xf32> to vector<1x16xf32>
      tpu.vector_store %arg4[%swap3A_697, %swap3A_698], %swap3A_701 {strides = array<i32>} : memref<56x128xf32, #tpu.memory_space<vmem>>, vector<1x16xf32>,
      %get3A_702 = arith.index_cast %scan3A_500 : i32 to index
      %get3A_703 = arith.constant 112 : index
      %get3A_704 = tpu.vector_load %arg5[%get3A_702, %get3A_703] {strides = array<i32>} : memref<56x128xf32, #tpu.memory_space<vmem>>, vector<1x16xf32>,
      %get3A_705 = vector.shape_cast %get3A_704 : vector<1x16xf32> to vector<16xf32>
      %get3A_706 = arith.index_cast %scan3A_500 : i32 to index
      %get3A_707 = arith.constant 112 : index
      %get3A_708 = tpu.vector_load %arg6[%get3A_706, %get3A_707] {strides = array<i32>} : memref<56x128xf32, #tpu.memory_space<vmem>>, vector<1x16xf32>,
      %get3A_709 = vector.shape_cast %get3A_708 : vector<1x16xf32> to vector<16xf32>
      %add3A_710 = arith.addf %get3A_705, %get3A_709 : vector<16xf32>
      %get3A_711 = arith.index_cast %scan3A_500 : i32 to index
      %get3A_712 = arith.constant 112 : index
      %get3A_713 = tpu.vector_load %arg7[%get3A_711, %get3A_712] {strides = array<i32>} : memref<56x128xf32, #tpu.memory_space<vmem>>, vector<1x16xf32>,
      %get3A_714 = vector.shape_cast %get3A_713 : vector<1x16xf32> to vector<16xf32>
      %get3A_715 = arith.index_cast %scan3A_500 : i32 to index
      %get3A_716 = arith.constant 112 : index
      %get3A_717 = tpu.vector_load %arg8[%get3A_715, %get3A_716] {strides = array<i32>} : memref<56x128xf32, #tpu.memory_space<vmem>>, vector<1x16xf32>,
      %get3A_718 = vector.shape_cast %get3A_717 : vector<1x16xf32> to vector<16xf32>
      %add3A_719 = arith.addf %get3A_714, %get3A_718 : vector<16xf32>
      %add3A_720 = arith.addf %add3A_710, %add3A_719 : vector<16xf32>
      %get3A_721 = arith.index_cast %scan3A_500 : i32 to index
      %get3A_722 = arith.constant 112 : index
      %get3A_723 = tpu.vector_load %arg4[%get3A_721, %get3A_722] {strides = array<i32>} : memref<56x128xf32, #tpu.memory_space<vmem>>, vector<1x16xf32>,
      %get3A_724 = vector.shape_cast %get3A_723 : vector<1x16xf32> to vector<16xf32>
      %add3A_725 = arith.addf %get3A_724, %add3A_720 : vector<16xf32>
      %swap3A_726 = arith.index_cast %scan3A_500 : i32 to index
      %swap3A_727 = arith.constant 112 : index
      %swap3A_728 = tpu.vector_load %arg4[%swap3A_726, %swap3A_727] {strides = array<i32>} : memref<56x128xf32, #tpu.memory_space<vmem>>, vector<1x16xf32>,
      %swap3A_729 = vector.shape_cast %swap3A_728 : vector<1x16xf32> to vector<16xf32>
      %swap3A_730 = vector.shape_cast %add3A_725 : vector<16xf32> to vector<1x16xf32>
      tpu.vector_store %arg4[%swap3A_726, %swap3A_727], %swap3A_730 {strides = array<i32>} : memref<56x128xf32, #tpu.memory_space<vmem>>, vector<1x16xf32>,
    }
    %scan3A_339 = arith.constant 56 : i32
    %dma_start3A_340 = arith.constant 24 : i32
    %dma_start3A_341 = arith.constant 0 : i32
    %dma_start3A_342 = tpu.memref_slice %arg2[%dma_start3A_340, %add3A_4, %dma_start3A_341] : memref<32x10000x128xf32, #tpu.memory_space<hbm>> -> memref<1x56x128xf32, #tpu.memory_space<hbm>>
    %dma_start3A_343 = tpu.memref_squeeze %dma_start3A_342 : memref<1x56x128xf32, #tpu.memory_space<hbm>> -> memref<56x128xf32, #tpu.memory_space<hbm>>
    %dma_start3A_344 = arith.constant 0 : i32
    %dma_start3A_345 = tpu.memref_slice %arg2[%dma_start3A_340, %add3A_4, %dma_start3A_344] : memref<32x10000x128xf32, #tpu.memory_space<hbm>> -> memref<1x56x128xf32, #tpu.memory_space<hbm>>
    %dma_start3A_346 = tpu.memref_squeeze %dma_start3A_345 : memref<1x56x128xf32, #tpu.memory_space<hbm>> -> memref<56x128xf32, #tpu.memory_space<hbm>>
    tpu.enqueue_dma source(%dma_start3A_346 : memref<56x128xf32, #tpu.memory_space<hbm>>) target(%arg5 : memref<56x128xf32, #tpu.memory_space<vmem>>) target_semaphore(%arg13 : memref<!tpu.dma_semaphore, #tpu.memory_space<semaphore_mem>>)
    %dma_start3A_347 = arith.constant 25 : i32
    %dma_start3A_348 = arith.constant 0 : i32
    %dma_start3A_349 = tpu.memref_slice %arg2[%dma_start3A_347, %add3A_4, %dma_start3A_348] : memref<32x10000x128xf32, #tpu.memory_space<hbm>> -> memref<1x56x128xf32, #tpu.memory_space<hbm>>
    %dma_start3A_350 = tpu.memref_squeeze %dma_start3A_349 : memref<1x56x128xf32, #tpu.memory_space<hbm>> -> memref<56x128xf32, #tpu.memory_space<hbm>>
    %dma_start3A_351 = arith.constant 0 : i32
    %dma_start3A_352 = tpu.memref_slice %arg2[%dma_start3A_347, %add3A_4, %dma_start3A_351] : memref<32x10000x128xf32, #tpu.memory_space<hbm>> -> memref<1x56x128xf32, #tpu.memory_space<hbm>>
    %dma_start3A_353 = tpu.memref_squeeze %dma_start3A_352 : memref<1x56x128xf32, #tpu.memory_space<hbm>> -> memref<56x128xf32, #tpu.memory_space<hbm>>
    tpu.enqueue_dma source(%dma_start3A_353 : memref<56x128xf32, #tpu.memory_space<hbm>>) target(%arg6 : memref<56x128xf32, #tpu.memory_space<vmem>>) target_semaphore(%arg14 : memref<!tpu.dma_semaphore, #tpu.memory_space<semaphore_mem>>)
    %dma_start3A_354 = arith.constant 26 : i32
    %dma_start3A_355 = arith.constant 0 : i32
    %dma_start3A_356 = tpu.memref_slice %arg2[%dma_start3A_354, %add3A_4, %dma_start3A_355] : memref<32x10000x128xf32, #tpu.memory_space<hbm>> -> memref<1x56x128xf32, #tpu.memory_space<hbm>>
    %dma_start3A_357 = tpu.memref_squeeze %dma_start3A_356 : memref<1x56x128xf32, #tpu.memory_space<hbm>> -> memref<56x128xf32, #tpu.memory_space<hbm>>
    %dma_start3A_358 = arith.constant 0 : i32
    %dma_start3A_359 = tpu.memref_slice %arg2[%dma_start3A_354, %add3A_4, %dma_start3A_358] : memref<32x10000x128xf32, #tpu.memory_space<hbm>> -> memref<1x56x128xf32, #tpu.memory_space<hbm>>
    %dma_start3A_360 = tpu.memref_squeeze %dma_start3A_359 : memref<1x56x128xf32, #tpu.memory_space<hbm>> -> memref<56x128xf32, #tpu.memory_space<hbm>>
    tpu.enqueue_dma source(%dma_start3A_360 : memref<56x128xf32, #tpu.memory_space<hbm>>) target(%arg7 : memref<56x128xf32, #tpu.memory_space<vmem>>) target_semaphore(%arg15 : memref<!tpu.dma_semaphore, #tpu.memory_space<semaphore_mem>>)
    %dma_start3A_361 = arith.constant 27 : i32
    %dma_start3A_362 = arith.constant 0 : i32
    %dma_start3A_363 = tpu.memref_slice %arg2[%dma_start3A_361, %add3A_4, %dma_start3A_362] : memref<32x10000x128xf32, #tpu.memory_space<hbm>> -> memref<1x56x128xf32, #tpu.memory_space<hbm>>
    %dma_start3A_364 = tpu.memref_squeeze %dma_start3A_363 : memref<1x56x128xf32, #tpu.memory_space<hbm>> -> memref<56x128xf32, #tpu.memory_space<hbm>>
    %dma_start3A_365 = arith.constant 0 : i32
    %dma_start3A_366 = tpu.memref_slice %arg2[%dma_start3A_361, %add3A_4, %dma_start3A_365] : memref<32x10000x128xf32, #tpu.memory_space<hbm>> -> memref<1x56x128xf32, #tpu.memory_space<hbm>>
    %dma_start3A_367 = tpu.memref_squeeze %dma_start3A_366 : memref<1x56x128xf32, #tpu.memory_space<hbm>> -> memref<56x128xf32, #tpu.memory_space<hbm>>
    tpu.enqueue_dma source(%dma_start3A_367 : memref<56x128xf32, #tpu.memory_space<hbm>>) target(%arg8 : memref<56x128xf32, #tpu.memory_space<vmem>>) target_semaphore(%arg16 : memref<!tpu.dma_semaphore, #tpu.memory_space<semaphore_mem>>)
    %dma_wait3A_368 = arith.constant 20 : i32
    %dma_wait3A_369 = arith.constant 0 : i32
    %dma_wait3A_370 = tpu.memref_slice %arg2[%dma_wait3A_368, %add3A_4, %dma_wait3A_369] : memref<32x10000x128xf32, #tpu.memory_space<hbm>> -> memref<1x56x128xf32, #tpu.memory_space<hbm>>
    %dma_wait3A_371 = tpu.memref_squeeze %dma_wait3A_370 : memref<1x56x128xf32, #tpu.memory_space<hbm>> -> memref<56x128xf32, #tpu.memory_space<hbm>>
    %dma_wait3A_372 = arith.constant 0 : i32
    %dma_wait3A_373 = tpu.memref_slice %arg2[%dma_wait3A_368, %add3A_4, %dma_wait3A_372] : memref<32x10000x128xf32, #tpu.memory_space<hbm>> -> memref<1x56x128xf32, #tpu.memory_space<hbm>>
    %dma_wait3A_374 = tpu.memref_squeeze %dma_wait3A_373 : memref<1x56x128xf32, #tpu.memory_space<hbm>> -> memref<56x128xf32, #tpu.memory_space<hbm>>
    tpu.wait_dma2 semaphore(%arg17 : memref<!tpu.dma_semaphore, #tpu.memory_space<semaphore_mem>>) src(%dma_wait3A_374 : memref<56x128xf32, #tpu.memory_space<hbm>>) dst(%arg9 : memref<56x128xf32, #tpu.memory_space<vmem>>)
    %dma_wait3A_375 = arith.constant 21 : i32
    %dma_wait3A_376 = arith.constant 0 : i32
    %dma_wait3A_377 = tpu.memref_slice %arg2[%dma_wait3A_375, %add3A_4, %dma_wait3A_376] : memref<32x10000x128xf32, #tpu.memory_space<hbm>> -> memref<1x56x128xf32, #tpu.memory_space<hbm>>
    %dma_wait3A_378 = tpu.memref_squeeze %dma_wait3A_377 : memref<1x56x128xf32, #tpu.memory_space<hbm>> -> memref<56x128xf32, #tpu.memory_space<hbm>>
    %dma_wait3A_379 = arith.constant 0 : i32
    %dma_wait3A_380 = tpu.memref_slice %arg2[%dma_wait3A_375, %add3A_4, %dma_wait3A_379] : memref<32x10000x128xf32, #tpu.memory_space<hbm>> -> memref<1x56x128xf32, #tpu.memory_space<hbm>>
    %dma_wait3A_381 = tpu.memref_squeeze %dma_wait3A_380 : memref<1x56x128xf32, #tpu.memory_space<hbm>> -> memref<56x128xf32, #tpu.memory_space<hbm>>
    tpu.wait_dma2 semaphore(%arg18 : memref<!tpu.dma_semaphore, #tpu.memory_space<semaphore_mem>>) src(%dma_wait3A_381 : memref<56x128xf32, #tpu.memory_space<hbm>>) dst(%arg10 : memref<56x128xf32, #tpu.memory_space<vmem>>)
    %dma_wait3A_382 = arith.constant 22 : i32
    %dma_wait3A_383 = arith.constant 0 : i32
    %dma_wait3A_384 = tpu.memref_slice %arg2[%dma_wait3A_382, %add3A_4, %dma_wait3A_383] : memref<32x10000x128xf32, #tpu.memory_space<hbm>> -> memref<1x56x128xf32, #tpu.memory_space<hbm>>
    %dma_wait3A_385 = tpu.memref_squeeze %dma_wait3A_384 : memref<1x56x128xf32, #tpu.memory_space<hbm>> -> memref<56x128xf32, #tpu.memory_space<hbm>>
    %dma_wait3A_386 = arith.constant 0 : i32
    %dma_wait3A_387 = tpu.memref_slice %arg2[%dma_wait3A_382, %add3A_4, %dma_wait3A_386] : memref<32x10000x128xf32, #tpu.memory_space<hbm>> -> memref<1x56x128xf32, #tpu.memory_space<hbm>>
    %dma_wait3A_388 = tpu.memref_squeeze %dma_wait3A_387 : memref<1x56x128xf32, #tpu.memory_space<hbm>> -> memref<56x128xf32, #tpu.memory_space<hbm>>
    tpu.wait_dma2 semaphore(%arg19 : memref<!tpu.dma_semaphore, #tpu.memory_space<semaphore_mem>>) src(%dma_wait3A_388 : memref<56x128xf32, #tpu.memory_space<hbm>>) dst(%arg11 : memref<56x128xf32, #tpu.memory_space<vmem>>)
    %dma_wait3A_389 = arith.constant 23 : i32
    %dma_wait3A_390 = arith.constant 0 : i32
    %dma_wait3A_391 = tpu.memref_slice %arg2[%dma_wait3A_389, %add3A_4, %dma_wait3A_390] : memref<32x10000x128xf32, #tpu.memory_space<hbm>> -> memref<1x56x128xf32, #tpu.memory_space<hbm>>
    %dma_wait3A_392 = tpu.memref_squeeze %dma_wait3A_391 : memref<1x56x128xf32, #tpu.memory_space<hbm>> -> memref<56x128xf32, #tpu.memory_space<hbm>>
    %dma_wait3A_393 = arith.constant 0 : i32
    %dma_wait3A_394 = tpu.memref_slice %arg2[%dma_wait3A_389, %add3A_4, %dma_wait3A_393] : memref<32x10000x128xf32, #tpu.memory_space<hbm>> -> memref<1x56x128xf32, #tpu.memory_space<hbm>>
    %dma_wait3A_395 = tpu.memref_squeeze %dma_wait3A_394 : memref<1x56x128xf32, #tpu.memory_space<hbm>> -> memref<56x128xf32, #tpu.memory_space<hbm>>
    tpu.wait_dma2 semaphore(%arg20 : memref<!tpu.dma_semaphore, #tpu.memory_space<semaphore_mem>>) src(%dma_wait3A_395 : memref<56x128xf32, #tpu.memory_space<hbm>>) dst(%arg12 : memref<56x128xf32, #tpu.memory_space<vmem>>)
    %scan3A_396 = arith.constant 0 : i32
    %scan3A_397 = arith.constant 0 : i32
    %scan3A_398 = arith.constant 56 : i32
    %scan3A_399 = arith.addi %scan3A_397, %scan3A_398 : i32
    %scan3A_400 = arith.constant 1 : i32
    scf.for %scan3A_500 = %scan3A_397 to %scan3A_399 step %scan3A_400  : i32 {
      %get3A = arith.index_cast %scan3A_500 : i32 to index
      %get3A_501 = arith.constant 0 : index
      %get3A_502 = tpu.vector_load %arg9[%get3A, %get3A_501] {strides = array<i32>} : memref<56x128xf32, #tpu.memory_space<vmem>>, vector<1x16xf32>,
      %get3A_503 = vector.shape_cast %get3A_502 : vector<1x16xf32> to vector<16xf32>
      %get3A_504 = arith.index_cast %scan3A_500 : i32 to index
      %get3A_505 = arith.constant 0 : index
      %get3A_506 = tpu.vector_load %arg10[%get3A_504, %get3A_505] {strides = array<i32>} : memref<56x128xf32, #tpu.memory_space<vmem>>, vector<1x16xf32>,
      %get3A_507 = vector.shape_cast %get3A_506 : vector<1x16xf32> to vector<16xf32>
      %add3A_508 = arith.addf %get3A_503, %get3A_507 : vector<16xf32>
      %get3A_509 = arith.index_cast %scan3A_500 : i32 to index
      %get3A_510 = arith.constant 0 : index
      %get3A_511 = tpu.vector_load %arg11[%get3A_509, %get3A_510] {strides = array<i32>} : memref<56x128xf32, #tpu.memory_space<vmem>>, vector<1x16xf32>,
      %get3A_512 = vector.shape_cast %get3A_511 : vector<1x16xf32> to vector<16xf32>
      %get3A_513 = arith.index_cast %scan3A_500 : i32 to index
      %get3A_514 = arith.constant 0 : index
      %get3A_515 = tpu.vector_load %arg12[%get3A_513, %get3A_514] {strides = array<i32>} : memref<56x128xf32, #tpu.memory_space<vmem>>, vector<1x16xf32>,
      %get3A_516 = vector.shape_cast %get3A_515 : vector<1x16xf32> to vector<16xf32>
      %add3A_517 = arith.addf %get3A_512, %get3A_516 : vector<16xf32>
      %add3A_518 = arith.addf %add3A_508, %add3A_517 : vector<16xf32>
      %get3A_519 = arith.index_cast %scan3A_500 : i32 to index
      %get3A_520 = arith.constant 0 : index
      %get3A_521 = tpu.vector_load %arg4[%get3A_519, %get3A_520] {strides = array<i32>} : memref<56x128xf32, #tpu.memory_space<vmem>>, vector<1x16xf32>,
      %get3A_522 = vector.shape_cast %get3A_521 : vector<1x16xf32> to vector<16xf32>
      %add3A_523 = arith.addf %get3A_522, %add3A_518 : vector<16xf32>
      %swap3A = arith.index_cast %scan3A_500 : i32 to index
      %swap3A_524 = arith.constant 0 : index
      %swap3A_525 = tpu.vector_load %arg4[%swap3A, %swap3A_524] {strides = array<i32>} : memref<56x128xf32, #tpu.memory_space<vmem>>, vector<1x16xf32>,
      %swap3A_526 = vector.shape_cast %swap3A_525 : vector<1x16xf32> to vector<16xf32>
      %swap3A_527 = vector.shape_cast %add3A_523 : vector<16xf32> to vector<1x16xf32>
      tpu.vector_store %arg4[%swap3A, %swap3A_524], %swap3A_527 {strides = array<i32>} : memref<56x128xf32, #tpu.memory_space<vmem>>, vector<1x16xf32>,
      %get3A_528 = arith.index_cast %scan3A_500 : i32 to index
      %get3A_529 = arith.constant 16 : index
      %get3A_530 = tpu.vector_load %arg9[%get3A_528, %get3A_529] {strides = array<i32>} : memref<56x128xf32, #tpu.memory_space<vmem>>, vector<1x16xf32>,
      %get3A_531 = vector.shape_cast %get3A_530 : vector<1x16xf32> to vector<16xf32>
      %get3A_532 = arith.index_cast %scan3A_500 : i32 to index
      %get3A_533 = arith.constant 16 : index
      %get3A_534 = tpu.vector_load %arg10[%get3A_532, %get3A_533] {strides = array<i32>} : memref<56x128xf32, #tpu.memory_space<vmem>>, vector<1x16xf32>,
      %get3A_535 = vector.shape_cast %get3A_534 : vector<1x16xf32> to vector<16xf32>
      %add3A_536 = arith.addf %get3A_531, %get3A_535 : vector<16xf32>
      %get3A_537 = arith.index_cast %scan3A_500 : i32 to index
      %get3A_538 = arith.constant 16 : index
      %get3A_539 = tpu.vector_load %arg11[%get3A_537, %get3A_538] {strides = array<i32>} : memref<56x128xf32, #tpu.memory_space<vmem>>, vector<1x16xf32>,
      %get3A_540 = vector.shape_cast %get3A_539 : vector<1x16xf32> to vector<16xf32>
      %get3A_541 = arith.index_cast %scan3A_500 : i32 to index
      %get3A_542 = arith.constant 16 : index
      %get3A_543 = tpu.vector_load %arg12[%get3A_541, %get3A_542] {strides = array<i32>} : memref<56x128xf32, #tpu.memory_space<vmem>>, vector<1x16xf32>,
      %get3A_544 = vector.shape_cast %get3A_543 : vector<1x16xf32> to vector<16xf32>
      %add3A_545 = arith.addf %get3A_540, %get3A_544 : vector<16xf32>
      %add3A_546 = arith.addf %add3A_536, %add3A_545 : vector<16xf32>
      %get3A_547 = arith.index_cast %scan3A_500 : i32 to index
      %get3A_548 = arith.constant 16 : index
      %get3A_549 = tpu.vector_load %arg4[%get3A_547, %get3A_548] {strides = array<i32>} : memref<56x128xf32, #tpu.memory_space<vmem>>, vector<1x16xf32>,
      %get3A_550 = vector.shape_cast %get3A_549 : vector<1x16xf32> to vector<16xf32>
      %add3A_551 = arith.addf %get3A_550, %add3A_546 : vector<16xf32>
      %swap3A_552 = arith.index_cast %scan3A_500 : i32 to index
      %swap3A_553 = arith.constant 16 : index
      %swap3A_554 = tpu.vector_load %arg4[%swap3A_552, %swap3A_553] {strides = array<i32>} : memref<56x128xf32, #tpu.memory_space<vmem>>, vector<1x16xf32>,
      %swap3A_555 = vector.shape_cast %swap3A_554 : vector<1x16xf32> to vector<16xf32>
      %swap3A_556 = vector.shape_cast %add3A_551 : vector<16xf32> to vector<1x16xf32>
      tpu.vector_store %arg4[%swap3A_552, %swap3A_553], %swap3A_556 {strides = array<i32>} : memref<56x128xf32, #tpu.memory_space<vmem>>, vector<1x16xf32>,
      %get3A_557 = arith.index_cast %scan3A_500 : i32 to index
      %get3A_558 = arith.constant 32 : index
      %get3A_559 = tpu.vector_load %arg9[%get3A_557, %get3A_558] {strides = array<i32>} : memref<56x128xf32, #tpu.memory_space<vmem>>, vector<1x16xf32>,
      %get3A_560 = vector.shape_cast %get3A_559 : vector<1x16xf32> to vector<16xf32>
      %get3A_561 = arith.index_cast %scan3A_500 : i32 to index
      %get3A_562 = arith.constant 32 : index
      %get3A_563 = tpu.vector_load %arg10[%get3A_561, %get3A_562] {strides = array<i32>} : memref<56x128xf32, #tpu.memory_space<vmem>>, vector<1x16xf32>,
      %get3A_564 = vector.shape_cast %get3A_563 : vector<1x16xf32> to vector<16xf32>
      %add3A_565 = arith.addf %get3A_560, %get3A_564 : vector<16xf32>
      %get3A_566 = arith.index_cast %scan3A_500 : i32 to index
      %get3A_567 = arith.constant 32 : index
      %get3A_568 = tpu.vector_load %arg11[%get3A_566, %get3A_567] {strides = array<i32>} : memref<56x128xf32, #tpu.memory_space<vmem>>, vector<1x16xf32>,
      %get3A_569 = vector.shape_cast %get3A_568 : vector<1x16xf32> to vector<16xf32>
      %get3A_570 = arith.index_cast %scan3A_500 : i32 to index
      %get3A_571 = arith.constant 32 : index
      %get3A_572 = tpu.vector_load %arg12[%get3A_570, %get3A_571] {strides = array<i32>} : memref<56x128xf32, #tpu.memory_space<vmem>>, vector<1x16xf32>,
      %get3A_573 = vector.shape_cast %get3A_572 : vector<1x16xf32> to vector<16xf32>
      %add3A_574 = arith.addf %get3A_569, %get3A_573 : vector<16xf32>
      %add3A_575 = arith.addf %add3A_565, %add3A_574 : vector<16xf32>
      %get3A_576 = arith.index_cast %scan3A_500 : i32 to index
      %get3A_577 = arith.constant 32 : index
      %get3A_578 = tpu.vector_load %arg4[%get3A_576, %get3A_577] {strides = array<i32>} : memref<56x128xf32, #tpu.memory_space<vmem>>, vector<1x16xf32>,
      %get3A_579 = vector.shape_cast %get3A_578 : vector<1x16xf32> to vector<16xf32>
      %add3A_580 = arith.addf %get3A_579, %add3A_575 : vector<16xf32>
      %swap3A_581 = arith.index_cast %scan3A_500 : i32 to index
      %swap3A_582 = arith.constant 32 : index
      %swap3A_583 = tpu.vector_load %arg4[%swap3A_581, %swap3A_582] {strides = array<i32>} : memref<56x128xf32, #tpu.memory_space<vmem>>, vector<1x16xf32>,
      %swap3A_584 = vector.shape_cast %swap3A_583 : vector<1x16xf32> to vector<16xf32>
      %swap3A_585 = vector.shape_cast %add3A_580 : vector<16xf32> to vector<1x16xf32>
      tpu.vector_store %arg4[%swap3A_581, %swap3A_582], %swap3A_585 {strides = array<i32>} : memref<56x128xf32, #tpu.memory_space<vmem>>, vector<1x16xf32>,
      %get3A_586 = arith.index_cast %scan3A_500 : i32 to index
      %get3A_587 = arith.constant 48 : index
      %get3A_588 = tpu.vector_load %arg9[%get3A_586, %get3A_587] {strides = array<i32>} : memref<56x128xf32, #tpu.memory_space<vmem>>, vector<1x16xf32>,
      %get3A_589 = vector.shape_cast %get3A_588 : vector<1x16xf32> to vector<16xf32>
      %get3A_590 = arith.index_cast %scan3A_500 : i32 to index
      %get3A_591 = arith.constant 48 : index
      %get3A_592 = tpu.vector_load %arg10[%get3A_590, %get3A_591] {strides = array<i32>} : memref<56x128xf32, #tpu.memory_space<vmem>>, vector<1x16xf32>,
      %get3A_593 = vector.shape_cast %get3A_592 : vector<1x16xf32> to vector<16xf32>
      %add3A_594 = arith.addf %get3A_589, %get3A_593 : vector<16xf32>
      %get3A_595 = arith.index_cast %scan3A_500 : i32 to index
      %get3A_596 = arith.constant 48 : index
      %get3A_597 = tpu.vector_load %arg11[%get3A_595, %get3A_596] {strides = array<i32>} : memref<56x128xf32, #tpu.memory_space<vmem>>, vector<1x16xf32>,
      %get3A_598 = vector.shape_cast %get3A_597 : vector<1x16xf32> to vector<16xf32>
      %get3A_599 = arith.index_cast %scan3A_500 : i32 to index
      %get3A_600 = arith.constant 48 : index
      %get3A_601 = tpu.vector_load %arg12[%get3A_599, %get3A_600] {strides = array<i32>} : memref<56x128xf32, #tpu.memory_space<vmem>>, vector<1x16xf32>,
      %get3A_602 = vector.shape_cast %get3A_601 : vector<1x16xf32> to vector<16xf32>
      %add3A_603 = arith.addf %get3A_598, %get3A_602 : vector<16xf32>
      %add3A_604 = arith.addf %add3A_594, %add3A_603 : vector<16xf32>
      %get3A_605 = arith.index_cast %scan3A_500 : i32 to index
      %get3A_606 = arith.constant 48 : index
      %get3A_607 = tpu.vector_load %arg4[%get3A_605, %get3A_606] {strides = array<i32>} : memref<56x128xf32, #tpu.memory_space<vmem>>, vector<1x16xf32>,
      %get3A_608 = vector.shape_cast %get3A_607 : vector<1x16xf32> to vector<16xf32>
      %add3A_609 = arith.addf %get3A_608, %add3A_604 : vector<16xf32>
      %swap3A_610 = arith.index_cast %scan3A_500 : i32 to index
      %swap3A_611 = arith.constant 48 : index
      %swap3A_612 = tpu.vector_load %arg4[%swap3A_610, %swap3A_611] {strides = array<i32>} : memref<56x128xf32, #tpu.memory_space<vmem>>, vector<1x16xf32>,
      %swap3A_613 = vector.shape_cast %swap3A_612 : vector<1x16xf32> to vector<16xf32>
      %swap3A_614 = vector.shape_cast %add3A_609 : vector<16xf32> to vector<1x16xf32>
      tpu.vector_store %arg4[%swap3A_610, %swap3A_611], %swap3A_614 {strides = array<i32>} : memref<56x128xf32, #tpu.memory_space<vmem>>, vector<1x16xf32>,
      %get3A_615 = arith.index_cast %scan3A_500 : i32 to index
      %get3A_616 = arith.constant 64 : index
      %get3A_617 = tpu.vector_load %arg9[%get3A_615, %get3A_616] {strides = array<i32>} : memref<56x128xf32, #tpu.memory_space<vmem>>, vector<1x16xf32>,
      %get3A_618 = vector.shape_cast %get3A_617 : vector<1x16xf32> to vector<16xf32>
      %get3A_619 = arith.index_cast %scan3A_500 : i32 to index
      %get3A_620 = arith.constant 64 : index
      %get3A_621 = tpu.vector_load %arg10[%get3A_619, %get3A_620] {strides = array<i32>} : memref<56x128xf32, #tpu.memory_space<vmem>>, vector<1x16xf32>,
      %get3A_622 = vector.shape_cast %get3A_621 : vector<1x16xf32> to vector<16xf32>
      %add3A_623 = arith.addf %get3A_618, %get3A_622 : vector<16xf32>
      %get3A_624 = arith.index_cast %scan3A_500 : i32 to index
      %get3A_625 = arith.constant 64 : index
      %get3A_626 = tpu.vector_load %arg11[%get3A_624, %get3A_625] {strides = array<i32>} : memref<56x128xf32, #tpu.memory_space<vmem>>, vector<1x16xf32>,
      %get3A_627 = vector.shape_cast %get3A_626 : vector<1x16xf32> to vector<16xf32>
      %get3A_628 = arith.index_cast %scan3A_500 : i32 to index
      %get3A_629 = arith.constant 64 : index
      %get3A_630 = tpu.vector_load %arg12[%get3A_628, %get3A_629] {strides = array<i32>} : memref<56x128xf32, #tpu.memory_space<vmem>>, vector<1x16xf32>,
      %get3A_631 = vector.shape_cast %get3A_630 : vector<1x16xf32> to vector<16xf32>
      %add3A_632 = arith.addf %get3A_627, %get3A_631 : vector<16xf32>
      %add3A_633 = arith.addf %add3A_623, %add3A_632 : vector<16xf32>
      %get3A_634 = arith.index_cast %scan3A_500 : i32 to index
      %get3A_635 = arith.constant 64 : index
      %get3A_636 = tpu.vector_load %arg4[%get3A_634, %get3A_635] {strides = array<i32>} : memref<56x128xf32, #tpu.memory_space<vmem>>, vector<1x16xf32>,
      %get3A_637 = vector.shape_cast %get3A_636 : vector<1x16xf32> to vector<16xf32>
      %add3A_638 = arith.addf %get3A_637, %add3A_633 : vector<16xf32>
      %swap3A_639 = arith.index_cast %scan3A_500 : i32 to index
      %swap3A_640 = arith.constant 64 : index
      %swap3A_641 = tpu.vector_load %arg4[%swap3A_639, %swap3A_640] {strides = array<i32>} : memref<56x128xf32, #tpu.memory_space<vmem>>, vector<1x16xf32>,
      %swap3A_642 = vector.shape_cast %swap3A_641 : vector<1x16xf32> to vector<16xf32>
      %swap3A_643 = vector.shape_cast %add3A_638 : vector<16xf32> to vector<1x16xf32>
      tpu.vector_store %arg4[%swap3A_639, %swap3A_640], %swap3A_643 {strides = array<i32>} : memref<56x128xf32, #tpu.memory_space<vmem>>, vector<1x16xf32>,
      %get3A_644 = arith.index_cast %scan3A_500 : i32 to index
      %get3A_645 = arith.constant 80 : index
      %get3A_646 = tpu.vector_load %arg9[%get3A_644, %get3A_645] {strides = array<i32>} : memref<56x128xf32, #tpu.memory_space<vmem>>, vector<1x16xf32>,
      %get3A_647 = vector.shape_cast %get3A_646 : vector<1x16xf32> to vector<16xf32>
      %get3A_648 = arith.index_cast %scan3A_500 : i32 to index
      %get3A_649 = arith.constant 80 : index
      %get3A_650 = tpu.vector_load %arg10[%get3A_648, %get3A_649] {strides = array<i32>} : memref<56x128xf32, #tpu.memory_space<vmem>>, vector<1x16xf32>,
      %get3A_651 = vector.shape_cast %get3A_650 : vector<1x16xf32> to vector<16xf32>
      %add3A_652 = arith.addf %get3A_647, %get3A_651 : vector<16xf32>
      %get3A_653 = arith.index_cast %scan3A_500 : i32 to index
      %get3A_654 = arith.constant 80 : index
      %get3A_655 = tpu.vector_load %arg11[%get3A_653, %get3A_654] {strides = array<i32>} : memref<56x128xf32, #tpu.memory_space<vmem>>, vector<1x16xf32>,
      %get3A_656 = vector.shape_cast %get3A_655 : vector<1x16xf32> to vector<16xf32>
      %get3A_657 = arith.index_cast %scan3A_500 : i32 to index
      %get3A_658 = arith.constant 80 : index
      %get3A_659 = tpu.vector_load %arg12[%get3A_657, %get3A_658] {strides = array<i32>} : memref<56x128xf32, #tpu.memory_space<vmem>>, vector<1x16xf32>,
      %get3A_660 = vector.shape_cast %get3A_659 : vector<1x16xf32> to vector<16xf32>
      %add3A_661 = arith.addf %get3A_656, %get3A_660 : vector<16xf32>
      %add3A_662 = arith.addf %add3A_652, %add3A_661 : vector<16xf32>
      %get3A_663 = arith.index_cast %scan3A_500 : i32 to index
      %get3A_664 = arith.constant 80 : index
      %get3A_665 = tpu.vector_load %arg4[%get3A_663, %get3A_664] {strides = array<i32>} : memref<56x128xf32, #tpu.memory_space<vmem>>, vector<1x16xf32>,
      %get3A_666 = vector.shape_cast %get3A_665 : vector<1x16xf32> to vector<16xf32>
      %add3A_667 = arith.addf %get3A_666, %add3A_662 : vector<16xf32>
      %swap3A_668 = arith.index_cast %scan3A_500 : i32 to index
      %swap3A_669 = arith.constant 80 : index
      %swap3A_670 = tpu.vector_load %arg4[%swap3A_668, %swap3A_669] {strides = array<i32>} : memref<56x128xf32, #tpu.memory_space<vmem>>, vector<1x16xf32>,
      %swap3A_671 = vector.shape_cast %swap3A_670 : vector<1x16xf32> to vector<16xf32>
      %swap3A_672 = vector.shape_cast %add3A_667 : vector<16xf32> to vector<1x16xf32>
      tpu.vector_store %arg4[%swap3A_668, %swap3A_669], %swap3A_672 {strides = array<i32>} : memref<56x128xf32, #tpu.memory_space<vmem>>, vector<1x16xf32>,
      %get3A_673 = arith.index_cast %scan3A_500 : i32 to index
      %get3A_674 = arith.constant 96 : index
      %get3A_675 = tpu.vector_load %arg9[%get3A_673, %get3A_674] {strides = array<i32>} : memref<56x128xf32, #tpu.memory_space<vmem>>, vector<1x16xf32>,
      %get3A_676 = vector.shape_cast %get3A_675 : vector<1x16xf32> to vector<16xf32>
      %get3A_677 = arith.index_cast %scan3A_500 : i32 to index
      %get3A_678 = arith.constant 96 : index
      %get3A_679 = tpu.vector_load %arg10[%get3A_677, %get3A_678] {strides = array<i32>} : memref<56x128xf32, #tpu.memory_space<vmem>>, vector<1x16xf32>,
      %get3A_680 = vector.shape_cast %get3A_679 : vector<1x16xf32> to vector<16xf32>
      %add3A_681 = arith.addf %get3A_676, %get3A_680 : vector<16xf32>
      %get3A_682 = arith.index_cast %scan3A_500 : i32 to index
      %get3A_683 = arith.constant 96 : index
      %get3A_684 = tpu.vector_load %arg11[%get3A_682, %get3A_683] {strides = array<i32>} : memref<56x128xf32, #tpu.memory_space<vmem>>, vector<1x16xf32>,
      %get3A_685 = vector.shape_cast %get3A_684 : vector<1x16xf32> to vector<16xf32>
      %get3A_686 = arith.index_cast %scan3A_500 : i32 to index
      %get3A_687 = arith.constant 96 : index
      %get3A_688 = tpu.vector_load %arg12[%get3A_686, %get3A_687] {strides = array<i32>} : memref<56x128xf32, #tpu.memory_space<vmem>>, vector<1x16xf32>,
      %get3A_689 = vector.shape_cast %get3A_688 : vector<1x16xf32> to vector<16xf32>
      %add3A_690 = arith.addf %get3A_685, %get3A_689 : vector<16xf32>
      %add3A_691 = arith.addf %add3A_681, %add3A_690 : vector<16xf32>
      %get3A_692 = arith.index_cast %scan3A_500 : i32 to index
      %get3A_693 = arith.constant 96 : index
      %get3A_694 = tpu.vector_load %arg4[%get3A_692, %get3A_693] {strides = array<i32>} : memref<56x128xf32, #tpu.memory_space<vmem>>, vector<1x16xf32>,
      %get3A_695 = vector.shape_cast %get3A_694 : vector<1x16xf32> to vector<16xf32>
      %add3A_696 = arith.addf %get3A_695, %add3A_691 : vector<16xf32>
      %swap3A_697 = arith.index_cast %scan3A_500 : i32 to index
      %swap3A_698 = arith.constant 96 : index
      %swap3A_699 = tpu.vector_load %arg4[%swap3A_697, %swap3A_698] {strides = array<i32>} : memref<56x128xf32, #tpu.memory_space<vmem>>, vector<1x16xf32>,
      %swap3A_700 = vector.shape_cast %swap3A_699 : vector<1x16xf32> to vector<16xf32>
      %swap3A_701 = vector.shape_cast %add3A_696 : vector<16xf32> to vector<1x16xf32>
      tpu.vector_store %arg4[%swap3A_697, %swap3A_698], %swap3A_701 {strides = array<i32>} : memref<56x128xf32, #tpu.memory_space<vmem>>, vector<1x16xf32>,
      %get3A_702 = arith.index_cast %scan3A_500 : i32 to index
      %get3A_703 = arith.constant 112 : index
      %get3A_704 = tpu.vector_load %arg9[%get3A_702, %get3A_703] {strides = array<i32>} : memref<56x128xf32, #tpu.memory_space<vmem>>, vector<1x16xf32>,
      %get3A_705 = vector.shape_cast %get3A_704 : vector<1x16xf32> to vector<16xf32>
      %get3A_706 = arith.index_cast %scan3A_500 : i32 to index
      %get3A_707 = arith.constant 112 : index
      %get3A_708 = tpu.vector_load %arg10[%get3A_706, %get3A_707] {strides = array<i32>} : memref<56x128xf32, #tpu.memory_space<vmem>>, vector<1x16xf32>,
      %get3A_709 = vector.shape_cast %get3A_708 : vector<1x16xf32> to vector<16xf32>
      %add3A_710 = arith.addf %get3A_705, %get3A_709 : vector<16xf32>
      %get3A_711 = arith.index_cast %scan3A_500 : i32 to index
      %get3A_712 = arith.constant 112 : index
      %get3A_713 = tpu.vector_load %arg11[%get3A_711, %get3A_712] {strides = array<i32>} : memref<56x128xf32, #tpu.memory_space<vmem>>, vector<1x16xf32>,
      %get3A_714 = vector.shape_cast %get3A_713 : vector<1x16xf32> to vector<16xf32>
      %get3A_715 = arith.index_cast %scan3A_500 : i32 to index
      %get3A_716 = arith.constant 112 : index
      %get3A_717 = tpu.vector_load %arg12[%get3A_715, %get3A_716] {strides = array<i32>} : memref<56x128xf32, #tpu.memory_space<vmem>>, vector<1x16xf32>,
      %get3A_718 = vector.shape_cast %get3A_717 : vector<1x16xf32> to vector<16xf32>
      %add3A_719 = arith.addf %get3A_714, %get3A_718 : vector<16xf32>
      %add3A_720 = arith.addf %add3A_710, %add3A_719 : vector<16xf32>
      %get3A_721 = arith.index_cast %scan3A_500 : i32 to index
      %get3A_722 = arith.constant 112 : index
      %get3A_723 = tpu.vector_load %arg4[%get3A_721, %get3A_722] {strides = array<i32>} : memref<56x128xf32, #tpu.memory_space<vmem>>, vector<1x16xf32>,
      %get3A_724 = vector.shape_cast %get3A_723 : vector<1x16xf32> to vector<16xf32>
      %add3A_725 = arith.addf %get3A_724, %add3A_720 : vector<16xf32>
      %swap3A_726 = arith.index_cast %scan3A_500 : i32 to index
      %swap3A_727 = arith.constant 112 : index
      %swap3A_728 = tpu.vector_load %arg4[%swap3A_726, %swap3A_727] {strides = array<i32>} : memref<56x128xf32, #tpu.memory_space<vmem>>, vector<1x16xf32>,
      %swap3A_729 = vector.shape_cast %swap3A_728 : vector<1x16xf32> to vector<16xf32>
      %swap3A_730 = vector.shape_cast %add3A_725 : vector<16xf32> to vector<1x16xf32>
      tpu.vector_store %arg4[%swap3A_726, %swap3A_727], %swap3A_730 {strides = array<i32>} : memref<56x128xf32, #tpu.memory_space<vmem>>, vector<1x16xf32>,
    }
    %scan3A_401 = arith.constant 56 : i32
    %dma_start3A_402 = arith.constant 28 : i32
    %dma_start3A_403 = arith.constant 0 : i32
    %dma_start3A_404 = tpu.memref_slice %arg2[%dma_start3A_402, %add3A_4, %dma_start3A_403] : memref<32x10000x128xf32, #tpu.memory_space<hbm>> -> memref<1x56x128xf32, #tpu.memory_space<hbm>>
    %dma_start3A_405 = tpu.memref_squeeze %dma_start3A_404 : memref<1x56x128xf32, #tpu.memory_space<hbm>> -> memref<56x128xf32, #tpu.memory_space<hbm>>
    %dma_start3A_406 = arith.constant 0 : i32
    %dma_start3A_407 = tpu.memref_slice %arg2[%dma_start3A_402, %add3A_4, %dma_start3A_406] : memref<32x10000x128xf32, #tpu.memory_space<hbm>> -> memref<1x56x128xf32, #tpu.memory_space<hbm>>
    %dma_start3A_408 = tpu.memref_squeeze %dma_start3A_407 : memref<1x56x128xf32, #tpu.memory_space<hbm>> -> memref<56x128xf32, #tpu.memory_space<hbm>>
    tpu.enqueue_dma source(%dma_start3A_408 : memref<56x128xf32, #tpu.memory_space<hbm>>) target(%arg9 : memref<56x128xf32, #tpu.memory_space<vmem>>) target_semaphore(%arg17 : memref<!tpu.dma_semaphore, #tpu.memory_space<semaphore_mem>>)
    %dma_start3A_409 = arith.constant 29 : i32
    %dma_start3A_410 = arith.constant 0 : i32
    %dma_start3A_411 = tpu.memref_slice %arg2[%dma_start3A_409, %add3A_4, %dma_start3A_410] : memref<32x10000x128xf32, #tpu.memory_space<hbm>> -> memref<1x56x128xf32, #tpu.memory_space<hbm>>
    %dma_start3A_412 = tpu.memref_squeeze %dma_start3A_411 : memref<1x56x128xf32, #tpu.memory_space<hbm>> -> memref<56x128xf32, #tpu.memory_space<hbm>>
    %dma_start3A_413 = arith.constant 0 : i32
    %dma_start3A_414 = tpu.memref_slice %arg2[%dma_start3A_409, %add3A_4, %dma_start3A_413] : memref<32x10000x128xf32, #tpu.memory_space<hbm>> -> memref<1x56x128xf32, #tpu.memory_space<hbm>>
    %dma_start3A_415 = tpu.memref_squeeze %dma_start3A_414 : memref<1x56x128xf32, #tpu.memory_space<hbm>> -> memref<56x128xf32, #tpu.memory_space<hbm>>
    tpu.enqueue_dma source(%dma_start3A_415 : memref<56x128xf32, #tpu.memory_space<hbm>>) target(%arg10 : memref<56x128xf32, #tpu.memory_space<vmem>>) target_semaphore(%arg18 : memref<!tpu.dma_semaphore, #tpu.memory_space<semaphore_mem>>)
    %dma_start3A_416 = arith.constant 30 : i32
    %dma_start3A_417 = arith.constant 0 : i32
    %dma_start3A_418 = tpu.memref_slice %arg2[%dma_start3A_416, %add3A_4, %dma_start3A_417] : memref<32x10000x128xf32, #tpu.memory_space<hbm>> -> memref<1x56x128xf32, #tpu.memory_space<hbm>>
    %dma_start3A_419 = tpu.memref_squeeze %dma_start3A_418 : memref<1x56x128xf32, #tpu.memory_space<hbm>> -> memref<56x128xf32, #tpu.memory_space<hbm>>
    %dma_start3A_420 = arith.constant 0 : i32
    %dma_start3A_421 = tpu.memref_slice %arg2[%dma_start3A_416, %add3A_4, %dma_start3A_420] : memref<32x10000x128xf32, #tpu.memory_space<hbm>> -> memref<1x56x128xf32, #tpu.memory_space<hbm>>
    %dma_start3A_422 = tpu.memref_squeeze %dma_start3A_421 : memref<1x56x128xf32, #tpu.memory_space<hbm>> -> memref<56x128xf32, #tpu.memory_space<hbm>>
    tpu.enqueue_dma source(%dma_start3A_422 : memref<56x128xf32, #tpu.memory_space<hbm>>) target(%arg11 : memref<56x128xf32, #tpu.memory_space<vmem>>) target_semaphore(%arg19 : memref<!tpu.dma_semaphore, #tpu.memory_space<semaphore_mem>>)
    %dma_start3A_423 = arith.constant 31 : i32
    %dma_start3A_424 = arith.constant 0 : i32
    %dma_start3A_425 = tpu.memref_slice %arg2[%dma_start3A_423, %add3A_4, %dma_start3A_424] : memref<32x10000x128xf32, #tpu.memory_space<hbm>> -> memref<1x56x128xf32, #tpu.memory_space<hbm>>
    %dma_start3A_426 = tpu.memref_squeeze %dma_start3A_425 : memref<1x56x128xf32, #tpu.memory_space<hbm>> -> memref<56x128xf32, #tpu.memory_space<hbm>>
    %dma_start3A_427 = arith.constant 0 : i32
    %dma_start3A_428 = tpu.memref_slice %arg2[%dma_start3A_423, %add3A_4, %dma_start3A_427] : memref<32x10000x128xf32, #tpu.memory_space<hbm>> -> memref<1x56x128xf32, #tpu.memory_space<hbm>>
    %dma_start3A_429 = tpu.memref_squeeze %dma_start3A_428 : memref<1x56x128xf32, #tpu.memory_space<hbm>> -> memref<56x128xf32, #tpu.memory_space<hbm>>
    tpu.enqueue_dma source(%dma_start3A_429 : memref<56x128xf32, #tpu.memory_space<hbm>>) target(%arg12 : memref<56x128xf32, #tpu.memory_space<vmem>>) target_semaphore(%arg20 : memref<!tpu.dma_semaphore, #tpu.memory_space<semaphore_mem>>)
    %dma_wait3A_430 = arith.constant 24 : i32
    %dma_wait3A_431 = arith.constant 0 : i32
    %dma_wait3A_432 = tpu.memref_slice %arg2[%dma_wait3A_430, %add3A_4, %dma_wait3A_431] : memref<32x10000x128xf32, #tpu.memory_space<hbm>> -> memref<1x56x128xf32, #tpu.memory_space<hbm>>
    %dma_wait3A_433 = tpu.memref_squeeze %dma_wait3A_432 : memref<1x56x128xf32, #tpu.memory_space<hbm>> -> memref<56x128xf32, #tpu.memory_space<hbm>>
    %dma_wait3A_434 = arith.constant 0 : i32
    %dma_wait3A_435 = tpu.memref_slice %arg2[%dma_wait3A_430, %add3A_4, %dma_wait3A_434] : memref<32x10000x128xf32, #tpu.memory_space<hbm>> -> memref<1x56x128xf32, #tpu.memory_space<hbm>>
    %dma_wait3A_436 = tpu.memref_squeeze %dma_wait3A_435 : memref<1x56x128xf32, #tpu.memory_space<hbm>> -> memref<56x128xf32, #tpu.memory_space<hbm>>
    tpu.wait_dma2 semaphore(%arg13 : memref<!tpu.dma_semaphore, #tpu.memory_space<semaphore_mem>>) src(%dma_wait3A_436 : memref<56x128xf32, #tpu.memory_space<hbm>>) dst(%arg5 : memref<56x128xf32, #tpu.memory_space<vmem>>)
    %dma_wait3A_437 = arith.constant 25 : i32
    %dma_wait3A_438 = arith.constant 0 : i32
    %dma_wait3A_439 = tpu.memref_slice %arg2[%dma_wait3A_437, %add3A_4, %dma_wait3A_438] : memref<32x10000x128xf32, #tpu.memory_space<hbm>> -> memref<1x56x128xf32, #tpu.memory_space<hbm>>
    %dma_wait3A_440 = tpu.memref_squeeze %dma_wait3A_439 : memref<1x56x128xf32, #tpu.memory_space<hbm>> -> memref<56x128xf32, #tpu.memory_space<hbm>>
    %dma_wait3A_441 = arith.constant 0 : i32
    %dma_wait3A_442 = tpu.memref_slice %arg2[%dma_wait3A_437, %add3A_4, %dma_wait3A_441] : memref<32x10000x128xf32, #tpu.memory_space<hbm>> -> memref<1x56x128xf32, #tpu.memory_space<hbm>>
    %dma_wait3A_443 = tpu.memref_squeeze %dma_wait3A_442 : memref<1x56x128xf32, #tpu.memory_space<hbm>> -> memref<56x128xf32, #tpu.memory_space<hbm>>
    tpu.wait_dma2 semaphore(%arg14 : memref<!tpu.dma_semaphore, #tpu.memory_space<semaphore_mem>>) src(%dma_wait3A_443 : memref<56x128xf32, #tpu.memory_space<hbm>>) dst(%arg6 : memref<56x128xf32, #tpu.memory_space<vmem>>)
    %dma_wait3A_444 = arith.constant 26 : i32
    %dma_wait3A_445 = arith.constant 0 : i32
    %dma_wait3A_446 = tpu.memref_slice %arg2[%dma_wait3A_444, %add3A_4, %dma_wait3A_445] : memref<32x10000x128xf32, #tpu.memory_space<hbm>> -> memref<1x56x128xf32, #tpu.memory_space<hbm>>
    %dma_wait3A_447 = tpu.memref_squeeze %dma_wait3A_446 : memref<1x56x128xf32, #tpu.memory_space<hbm>> -> memref<56x128xf32, #tpu.memory_space<hbm>>
    %dma_wait3A_448 = arith.constant 0 : i32
    %dma_wait3A_449 = tpu.memref_slice %arg2[%dma_wait3A_444, %add3A_4, %dma_wait3A_448] : memref<32x10000x128xf32, #tpu.memory_space<hbm>> -> memref<1x56x128xf32, #tpu.memory_space<hbm>>
    %dma_wait3A_450 = tpu.memref_squeeze %dma_wait3A_449 : memref<1x56x128xf32, #tpu.memory_space<hbm>> -> memref<56x128xf32, #tpu.memory_space<hbm>>
    tpu.wait_dma2 semaphore(%arg15 : memref<!tpu.dma_semaphore, #tpu.memory_space<semaphore_mem>>) src(%dma_wait3A_450 : memref<56x128xf32, #tpu.memory_space<hbm>>) dst(%arg7 : memref<56x128xf32, #tpu.memory_space<vmem>>)
    %dma_wait3A_451 = arith.constant 27 : i32
    %dma_wait3A_452 = arith.constant 0 : i32
    %dma_wait3A_453 = tpu.memref_slice %arg2[%dma_wait3A_451, %add3A_4, %dma_wait3A_452] : memref<32x10000x128xf32, #tpu.memory_space<hbm>> -> memref<1x56x128xf32, #tpu.memory_space<hbm>>
    %dma_wait3A_454 = tpu.memref_squeeze %dma_wait3A_453 : memref<1x56x128xf32, #tpu.memory_space<hbm>> -> memref<56x128xf32, #tpu.memory_space<hbm>>
    %dma_wait3A_455 = arith.constant 0 : i32
    %dma_wait3A_456 = tpu.memref_slice %arg2[%dma_wait3A_451, %add3A_4, %dma_wait3A_455] : memref<32x10000x128xf32, #tpu.memory_space<hbm>> -> memref<1x56x128xf32, #tpu.memory_space<hbm>>
    %dma_wait3A_457 = tpu.memref_squeeze %dma_wait3A_456 : memref<1x56x128xf32, #tpu.memory_space<hbm>> -> memref<56x128xf32, #tpu.memory_space<hbm>>
    tpu.wait_dma2 semaphore(%arg16 : memref<!tpu.dma_semaphore, #tpu.memory_space<semaphore_mem>>) src(%dma_wait3A_457 : memref<56x128xf32, #tpu.memory_space<hbm>>) dst(%arg8 : memref<56x128xf32, #tpu.memory_space<vmem>>)
    %scan3A_458 = arith.constant 0 : i32
    %scan3A_459 = arith.constant 0 : i32
    %scan3A_460 = arith.constant 56 : i32
    %scan3A_461 = arith.addi %scan3A_459, %scan3A_460 : i32
    %scan3A_462 = arith.constant 1 : i32
    scf.for %scan3A_500 = %scan3A_459 to %scan3A_461 step %scan3A_462  : i32 {
      %get3A = arith.index_cast %scan3A_500 : i32 to index
      %get3A_501 = arith.constant 0 : index
      %get3A_502 = tpu.vector_load %arg5[%get3A, %get3A_501] {strides = array<i32>} : memref<56x128xf32, #tpu.memory_space<vmem>>, vector<1x16xf32>,
      %get3A_503 = vector.shape_cast %get3A_502 : vector<1x16xf32> to vector<16xf32>
      %get3A_504 = arith.index_cast %scan3A_500 : i32 to index
      %get3A_505 = arith.constant 0 : index
      %get3A_506 = tpu.vector_load %arg6[%get3A_504, %get3A_505] {strides = array<i32>} : memref<56x128xf32, #tpu.memory_space<vmem>>, vector<1x16xf32>,
      %get3A_507 = vector.shape_cast %get3A_506 : vector<1x16xf32> to vector<16xf32>
      %add3A_508 = arith.addf %get3A_503, %get3A_507 : vector<16xf32>
      %get3A_509 = arith.index_cast %scan3A_500 : i32 to index
      %get3A_510 = arith.constant 0 : index
      %get3A_511 = tpu.vector_load %arg7[%get3A_509, %get3A_510] {strides = array<i32>} : memref<56x128xf32, #tpu.memory_space<vmem>>, vector<1x16xf32>,
      %get3A_512 = vector.shape_cast %get3A_511 : vector<1x16xf32> to vector<16xf32>
      %get3A_513 = arith.index_cast %scan3A_500 : i32 to index
      %get3A_514 = arith.constant 0 : index
      %get3A_515 = tpu.vector_load %arg8[%get3A_513, %get3A_514] {strides = array<i32>} : memref<56x128xf32, #tpu.memory_space<vmem>>, vector<1x16xf32>,
      %get3A_516 = vector.shape_cast %get3A_515 : vector<1x16xf32> to vector<16xf32>
      %add3A_517 = arith.addf %get3A_512, %get3A_516 : vector<16xf32>
      %add3A_518 = arith.addf %add3A_508, %add3A_517 : vector<16xf32>
      %get3A_519 = arith.index_cast %scan3A_500 : i32 to index
      %get3A_520 = arith.constant 0 : index
      %get3A_521 = tpu.vector_load %arg4[%get3A_519, %get3A_520] {strides = array<i32>} : memref<56x128xf32, #tpu.memory_space<vmem>>, vector<1x16xf32>,
      %get3A_522 = vector.shape_cast %get3A_521 : vector<1x16xf32> to vector<16xf32>
      %add3A_523 = arith.addf %get3A_522, %add3A_518 : vector<16xf32>
      %swap3A = arith.index_cast %scan3A_500 : i32 to index
      %swap3A_524 = arith.constant 0 : index
      %swap3A_525 = tpu.vector_load %arg4[%swap3A, %swap3A_524] {strides = array<i32>} : memref<56x128xf32, #tpu.memory_space<vmem>>, vector<1x16xf32>,
      %swap3A_526 = vector.shape_cast %swap3A_525 : vector<1x16xf32> to vector<16xf32>
      %swap3A_527 = vector.shape_cast %add3A_523 : vector<16xf32> to vector<1x16xf32>
      tpu.vector_store %arg4[%swap3A, %swap3A_524], %swap3A_527 {strides = array<i32>} : memref<56x128xf32, #tpu.memory_space<vmem>>, vector<1x16xf32>,
      %get3A_528 = arith.index_cast %scan3A_500 : i32 to index
      %get3A_529 = arith.constant 16 : index
      %get3A_530 = tpu.vector_load %arg5[%get3A_528, %get3A_529] {strides = array<i32>} : memref<56x128xf32, #tpu.memory_space<vmem>>, vector<1x16xf32>,
      %get3A_531 = vector.shape_cast %get3A_530 : vector<1x16xf32> to vector<16xf32>
      %get3A_532 = arith.index_cast %scan3A_500 : i32 to index
      %get3A_533 = arith.constant 16 : index
      %get3A_534 = tpu.vector_load %arg6[%get3A_532, %get3A_533] {strides = array<i32>} : memref<56x128xf32, #tpu.memory_space<vmem>>, vector<1x16xf32>,
      %get3A_535 = vector.shape_cast %get3A_534 : vector<1x16xf32> to vector<16xf32>
      %add3A_536 = arith.addf %get3A_531, %get3A_535 : vector<16xf32>
      %get3A_537 = arith.index_cast %scan3A_500 : i32 to index
      %get3A_538 = arith.constant 16 : index
      %get3A_539 = tpu.vector_load %arg7[%get3A_537, %get3A_538] {strides = array<i32>} : memref<56x128xf32, #tpu.memory_space<vmem>>, vector<1x16xf32>,
      %get3A_540 = vector.shape_cast %get3A_539 : vector<1x16xf32> to vector<16xf32>
      %get3A_541 = arith.index_cast %scan3A_500 : i32 to index
      %get3A_542 = arith.constant 16 : index
      %get3A_543 = tpu.vector_load %arg8[%get3A_541, %get3A_542] {strides = array<i32>} : memref<56x128xf32, #tpu.memory_space<vmem>>, vector<1x16xf32>,
      %get3A_544 = vector.shape_cast %get3A_543 : vector<1x16xf32> to vector<16xf32>
      %add3A_545 = arith.addf %get3A_540, %get3A_544 : vector<16xf32>
      %add3A_546 = arith.addf %add3A_536, %add3A_545 : vector<16xf32>
      %get3A_547 = arith.index_cast %scan3A_500 : i32 to index
      %get3A_548 = arith.constant 16 : index
      %get3A_549 = tpu.vector_load %arg4[%get3A_547, %get3A_548] {strides = array<i32>} : memref<56x128xf32, #tpu.memory_space<vmem>>, vector<1x16xf32>,
      %get3A_550 = vector.shape_cast %get3A_549 : vector<1x16xf32> to vector<16xf32>
      %add3A_551 = arith.addf %get3A_550, %add3A_546 : vector<16xf32>
      %swap3A_552 = arith.index_cast %scan3A_500 : i32 to index
      %swap3A_553 = arith.constant 16 : index
      %swap3A_554 = tpu.vector_load %arg4[%swap3A_552, %swap3A_553] {strides = array<i32>} : memref<56x128xf32, #tpu.memory_space<vmem>>, vector<1x16xf32>,
      %swap3A_555 = vector.shape_cast %swap3A_554 : vector<1x16xf32> to vector<16xf32>
      %swap3A_556 = vector.shape_cast %add3A_551 : vector<16xf32> to vector<1x16xf32>
      tpu.vector_store %arg4[%swap3A_552, %swap3A_553], %swap3A_556 {strides = array<i32>} : memref<56x128xf32, #tpu.memory_space<vmem>>, vector<1x16xf32>,
      %get3A_557 = arith.index_cast %scan3A_500 : i32 to index
      %get3A_558 = arith.constant 32 : index
      %get3A_559 = tpu.vector_load %arg5[%get3A_557, %get3A_558] {strides = array<i32>} : memref<56x128xf32, #tpu.memory_space<vmem>>, vector<1x16xf32>,
      %get3A_560 = vector.shape_cast %get3A_559 : vector<1x16xf32> to vector<16xf32>
      %get3A_561 = arith.index_cast %scan3A_500 : i32 to index
      %get3A_562 = arith.constant 32 : index
      %get3A_563 = tpu.vector_load %arg6[%get3A_561, %get3A_562] {strides = array<i32>} : memref<56x128xf32, #tpu.memory_space<vmem>>, vector<1x16xf32>,
      %get3A_564 = vector.shape_cast %get3A_563 : vector<1x16xf32> to vector<16xf32>
      %add3A_565 = arith.addf %get3A_560, %get3A_564 : vector<16xf32>
      %get3A_566 = arith.index_cast %scan3A_500 : i32 to index
      %get3A_567 = arith.constant 32 : index
      %get3A_568 = tpu.vector_load %arg7[%get3A_566, %get3A_567] {strides = array<i32>} : memref<56x128xf32, #tpu.memory_space<vmem>>, vector<1x16xf32>,
      %get3A_569 = vector.shape_cast %get3A_568 : vector<1x16xf32> to vector<16xf32>
      %get3A_570 = arith.index_cast %scan3A_500 : i32 to index
      %get3A_571 = arith.constant 32 : index
      %get3A_572 = tpu.vector_load %arg8[%get3A_570, %get3A_571] {strides = array<i32>} : memref<56x128xf32, #tpu.memory_space<vmem>>, vector<1x16xf32>,
      %get3A_573 = vector.shape_cast %get3A_572 : vector<1x16xf32> to vector<16xf32>
      %add3A_574 = arith.addf %get3A_569, %get3A_573 : vector<16xf32>
      %add3A_575 = arith.addf %add3A_565, %add3A_574 : vector<16xf32>
      %get3A_576 = arith.index_cast %scan3A_500 : i32 to index
      %get3A_577 = arith.constant 32 : index
      %get3A_578 = tpu.vector_load %arg4[%get3A_576, %get3A_577] {strides = array<i32>} : memref<56x128xf32, #tpu.memory_space<vmem>>, vector<1x16xf32>,
      %get3A_579 = vector.shape_cast %get3A_578 : vector<1x16xf32> to vector<16xf32>
      %add3A_580 = arith.addf %get3A_579, %add3A_575 : vector<16xf32>
      %swap3A_581 = arith.index_cast %scan3A_500 : i32 to index
      %swap3A_582 = arith.constant 32 : index
      %swap3A_583 = tpu.vector_load %arg4[%swap3A_581, %swap3A_582] {strides = array<i32>} : memref<56x128xf32, #tpu.memory_space<vmem>>, vector<1x16xf32>,
      %swap3A_584 = vector.shape_cast %swap3A_583 : vector<1x16xf32> to vector<16xf32>
      %swap3A_585 = vector.shape_cast %add3A_580 : vector<16xf32> to vector<1x16xf32>
      tpu.vector_store %arg4[%swap3A_581, %swap3A_582], %swap3A_585 {strides = array<i32>} : memref<56x128xf32, #tpu.memory_space<vmem>>, vector<1x16xf32>,
      %get3A_586 = arith.index_cast %scan3A_500 : i32 to index
      %get3A_587 = arith.constant 48 : index
      %get3A_588 = tpu.vector_load %arg5[%get3A_586, %get3A_587] {strides = array<i32>} : memref<56x128xf32, #tpu.memory_space<vmem>>, vector<1x16xf32>,
      %get3A_589 = vector.shape_cast %get3A_588 : vector<1x16xf32> to vector<16xf32>
      %get3A_590 = arith.index_cast %scan3A_500 : i32 to index
      %get3A_591 = arith.constant 48 : index
      %get3A_592 = tpu.vector_load %arg6[%get3A_590, %get3A_591] {strides = array<i32>} : memref<56x128xf32, #tpu.memory_space<vmem>>, vector<1x16xf32>,
      %get3A_593 = vector.shape_cast %get3A_592 : vector<1x16xf32> to vector<16xf32>
      %add3A_594 = arith.addf %get3A_589, %get3A_593 : vector<16xf32>
      %get3A_595 = arith.index_cast %scan3A_500 : i32 to index
      %get3A_596 = arith.constant 48 : index
      %get3A_597 = tpu.vector_load %arg7[%get3A_595, %get3A_596] {strides = array<i32>} : memref<56x128xf32, #tpu.memory_space<vmem>>, vector<1x16xf32>,
      %get3A_598 = vector.shape_cast %get3A_597 : vector<1x16xf32> to vector<16xf32>
      %get3A_599 = arith.index_cast %scan3A_500 : i32 to index
      %get3A_600 = arith.constant 48 : index
      %get3A_601 = tpu.vector_load %arg8[%get3A_599, %get3A_600] {strides = array<i32>} : memref<56x128xf32, #tpu.memory_space<vmem>>, vector<1x16xf32>,
      %get3A_602 = vector.shape_cast %get3A_601 : vector<1x16xf32> to vector<16xf32>
      %add3A_603 = arith.addf %get3A_598, %get3A_602 : vector<16xf32>
      %add3A_604 = arith.addf %add3A_594, %add3A_603 : vector<16xf32>
      %get3A_605 = arith.index_cast %scan3A_500 : i32 to index
      %get3A_606 = arith.constant 48 : index
      %get3A_607 = tpu.vector_load %arg4[%get3A_605, %get3A_606] {strides = array<i32>} : memref<56x128xf32, #tpu.memory_space<vmem>>, vector<1x16xf32>,
      %get3A_608 = vector.shape_cast %get3A_607 : vector<1x16xf32> to vector<16xf32>
      %add3A_609 = arith.addf %get3A_608, %add3A_604 : vector<16xf32>
      %swap3A_610 = arith.index_cast %scan3A_500 : i32 to index
      %swap3A_611 = arith.constant 48 : index
      %swap3A_612 = tpu.vector_load %arg4[%swap3A_610, %swap3A_611] {strides = array<i32>} : memref<56x128xf32, #tpu.memory_space<vmem>>, vector<1x16xf32>,
      %swap3A_613 = vector.shape_cast %swap3A_612 : vector<1x16xf32> to vector<16xf32>
      %swap3A_614 = vector.shape_cast %add3A_609 : vector<16xf32> to vector<1x16xf32>
      tpu.vector_store %arg4[%swap3A_610, %swap3A_611], %swap3A_614 {strides = array<i32>} : memref<56x128xf32, #tpu.memory_space<vmem>>, vector<1x16xf32>,
      %get3A_615 = arith.index_cast %scan3A_500 : i32 to index
      %get3A_616 = arith.constant 64 : index
      %get3A_617 = tpu.vector_load %arg5[%get3A_615, %get3A_616] {strides = array<i32>} : memref<56x128xf32, #tpu.memory_space<vmem>>, vector<1x16xf32>,
      %get3A_618 = vector.shape_cast %get3A_617 : vector<1x16xf32> to vector<16xf32>
      %get3A_619 = arith.index_cast %scan3A_500 : i32 to index
      %get3A_620 = arith.constant 64 : index
      %get3A_621 = tpu.vector_load %arg6[%get3A_619, %get3A_620] {strides = array<i32>} : memref<56x128xf32, #tpu.memory_space<vmem>>, vector<1x16xf32>,
      %get3A_622 = vector.shape_cast %get3A_621 : vector<1x16xf32> to vector<16xf32>
      %add3A_623 = arith.addf %get3A_618, %get3A_622 : vector<16xf32>
      %get3A_624 = arith.index_cast %scan3A_500 : i32 to index
      %get3A_625 = arith.constant 64 : index
      %get3A_626 = tpu.vector_load %arg7[%get3A_624, %get3A_625] {strides = array<i32>} : memref<56x128xf32, #tpu.memory_space<vmem>>, vector<1x16xf32>,
      %get3A_627 = vector.shape_cast %get3A_626 : vector<1x16xf32> to vector<16xf32>
      %get3A_628 = arith.index_cast %scan3A_500 : i32 to index
      %get3A_629 = arith.constant 64 : index
      %get3A_630 = tpu.vector_load %arg8[%get3A_628, %get3A_629] {strides = array<i32>} : memref<56x128xf32, #tpu.memory_space<vmem>>, vector<1x16xf32>,
      %get3A_631 = vector.shape_cast %get3A_630 : vector<1x16xf32> to vector<16xf32>
      %add3A_632 = arith.addf %get3A_627, %get3A_631 : vector<16xf32>
      %add3A_633 = arith.addf %add3A_623, %add3A_632 : vector<16xf32>
      %get3A_634 = arith.index_cast %scan3A_500 : i32 to index
      %get3A_635 = arith.constant 64 : index
      %get3A_636 = tpu.vector_load %arg4[%get3A_634, %get3A_635] {strides = array<i32>} : memref<56x128xf32, #tpu.memory_space<vmem>>, vector<1x16xf32>,
      %get3A_637 = vector.shape_cast %get3A_636 : vector<1x16xf32> to vector<16xf32>
      %add3A_638 = arith.addf %get3A_637, %add3A_633 : vector<16xf32>
      %swap3A_639 = arith.index_cast %scan3A_500 : i32 to index
      %swap3A_640 = arith.constant 64 : index
      %swap3A_641 = tpu.vector_load %arg4[%swap3A_639, %swap3A_640] {strides = array<i32>} : memref<56x128xf32, #tpu.memory_space<vmem>>, vector<1x16xf32>,
      %swap3A_642 = vector.shape_cast %swap3A_641 : vector<1x16xf32> to vector<16xf32>
      %swap3A_643 = vector.shape_cast %add3A_638 : vector<16xf32> to vector<1x16xf32>
      tpu.vector_store %arg4[%swap3A_639, %swap3A_640], %swap3A_643 {strides = array<i32>} : memref<56x128xf32, #tpu.memory_space<vmem>>, vector<1x16xf32>,
      %get3A_644 = arith.index_cast %scan3A_500 : i32 to index
      %get3A_645 = arith.constant 80 : index
      %get3A_646 = tpu.vector_load %arg5[%get3A_644, %get3A_645] {strides = array<i32>} : memref<56x128xf32, #tpu.memory_space<vmem>>, vector<1x16xf32>,
      %get3A_647 = vector.shape_cast %get3A_646 : vector<1x16xf32> to vector<16xf32>
      %get3A_648 = arith.index_cast %scan3A_500 : i32 to index
      %get3A_649 = arith.constant 80 : index
      %get3A_650 = tpu.vector_load %arg6[%get3A_648, %get3A_649] {strides = array<i32>} : memref<56x128xf32, #tpu.memory_space<vmem>>, vector<1x16xf32>,
      %get3A_651 = vector.shape_cast %get3A_650 : vector<1x16xf32> to vector<16xf32>
      %add3A_652 = arith.addf %get3A_647, %get3A_651 : vector<16xf32>
      %get3A_653 = arith.index_cast %scan3A_500 : i32 to index
      %get3A_654 = arith.constant 80 : index
      %get3A_655 = tpu.vector_load %arg7[%get3A_653, %get3A_654] {strides = array<i32>} : memref<56x128xf32, #tpu.memory_space<vmem>>, vector<1x16xf32>,
      %get3A_656 = vector.shape_cast %get3A_655 : vector<1x16xf32> to vector<16xf32>
      %get3A_657 = arith.index_cast %scan3A_500 : i32 to index
      %get3A_658 = arith.constant 80 : index
      %get3A_659 = tpu.vector_load %arg8[%get3A_657, %get3A_658] {strides = array<i32>} : memref<56x128xf32, #tpu.memory_space<vmem>>, vector<1x16xf32>,
      %get3A_660 = vector.shape_cast %get3A_659 : vector<1x16xf32> to vector<16xf32>
      %add3A_661 = arith.addf %get3A_656, %get3A_660 : vector<16xf32>
      %add3A_662 = arith.addf %add3A_652, %add3A_661 : vector<16xf32>
      %get3A_663 = arith.index_cast %scan3A_500 : i32 to index
      %get3A_664 = arith.constant 80 : index
      %get3A_665 = tpu.vector_load %arg4[%get3A_663, %get3A_664] {strides = array<i32>} : memref<56x128xf32, #tpu.memory_space<vmem>>, vector<1x16xf32>,
      %get3A_666 = vector.shape_cast %get3A_665 : vector<1x16xf32> to vector<16xf32>
      %add3A_667 = arith.addf %get3A_666, %add3A_662 : vector<16xf32>
      %swap3A_668 = arith.index_cast %scan3A_500 : i32 to index
      %swap3A_669 = arith.constant 80 : index
      %swap3A_670 = tpu.vector_load %arg4[%swap3A_668, %swap3A_669] {strides = array<i32>} : memref<56x128xf32, #tpu.memory_space<vmem>>, vector<1x16xf32>,
      %swap3A_671 = vector.shape_cast %swap3A_670 : vector<1x16xf32> to vector<16xf32>
      %swap3A_672 = vector.shape_cast %add3A_667 : vector<16xf32> to vector<1x16xf32>
      tpu.vector_store %arg4[%swap3A_668, %swap3A_669], %swap3A_672 {strides = array<i32>} : memref<56x128xf32, #tpu.memory_space<vmem>>, vector<1x16xf32>,
      %get3A_673 = arith.index_cast %scan3A_500 : i32 to index
      %get3A_674 = arith.constant 96 : index
      %get3A_675 = tpu.vector_load %arg5[%get3A_673, %get3A_674] {strides = array<i32>} : memref<56x128xf32, #tpu.memory_space<vmem>>, vector<1x16xf32>,
      %get3A_676 = vector.shape_cast %get3A_675 : vector<1x16xf32> to vector<16xf32>
      %get3A_677 = arith.index_cast %scan3A_500 : i32 to index
      %get3A_678 = arith.constant 96 : index
      %get3A_679 = tpu.vector_load %arg6[%get3A_677, %get3A_678] {strides = array<i32>} : memref<56x128xf32, #tpu.memory_space<vmem>>, vector<1x16xf32>,
      %get3A_680 = vector.shape_cast %get3A_679 : vector<1x16xf32> to vector<16xf32>
      %add3A_681 = arith.addf %get3A_676, %get3A_680 : vector<16xf32>
      %get3A_682 = arith.index_cast %scan3A_500 : i32 to index
      %get3A_683 = arith.constant 96 : index
      %get3A_684 = tpu.vector_load %arg7[%get3A_682, %get3A_683] {strides = array<i32>} : memref<56x128xf32, #tpu.memory_space<vmem>>, vector<1x16xf32>,
      %get3A_685 = vector.shape_cast %get3A_684 : vector<1x16xf32> to vector<16xf32>
      %get3A_686 = arith.index_cast %scan3A_500 : i32 to index
      %get3A_687 = arith.constant 96 : index
      %get3A_688 = tpu.vector_load %arg8[%get3A_686, %get3A_687] {strides = array<i32>} : memref<56x128xf32, #tpu.memory_space<vmem>>, vector<1x16xf32>,
      %get3A_689 = vector.shape_cast %get3A_688 : vector<1x16xf32> to vector<16xf32>
      %add3A_690 = arith.addf %get3A_685, %get3A_689 : vector<16xf32>
      %add3A_691 = arith.addf %add3A_681, %add3A_690 : vector<16xf32>
      %get3A_692 = arith.index_cast %scan3A_500 : i32 to index
      %get3A_693 = arith.constant 96 : index
      %get3A_694 = tpu.vector_load %arg4[%get3A_692, %get3A_693] {strides = array<i32>} : memref<56x128xf32, #tpu.memory_space<vmem>>, vector<1x16xf32>,
      %get3A_695 = vector.shape_cast %get3A_694 : vector<1x16xf32> to vector<16xf32>
      %add3A_696 = arith.addf %get3A_695, %add3A_691 : vector<16xf32>
      %swap3A_697 = arith.index_cast %scan3A_500 : i32 to index
      %swap3A_698 = arith.constant 96 : index
      %swap3A_699 = tpu.vector_load %arg4[%swap3A_697, %swap3A_698] {strides = array<i32>} : memref<56x128xf32, #tpu.memory_space<vmem>>, vector<1x16xf32>,
      %swap3A_700 = vector.shape_cast %swap3A_699 : vector<1x16xf32> to vector<16xf32>
      %swap3A_701 = vector.shape_cast %add3A_696 : vector<16xf32> to vector<1x16xf32>
      tpu.vector_store %arg4[%swap3A_697, %swap3A_698], %swap3A_701 {strides = array<i32>} : memref<56x128xf32, #tpu.memory_space<vmem>>, vector<1x16xf32>,
      %get3A_702 = arith.index_cast %scan3A_500 : i32 to index
      %get3A_703 = arith.constant 112 : index
      %get3A_704 = tpu.vector_load %arg5[%get3A_702, %get3A_703] {strides = array<i32>} : memref<56x128xf32, #tpu.memory_space<vmem>>, vector<1x16xf32>,
      %get3A_705 = vector.shape_cast %get3A_704 : vector<1x16xf32> to vector<16xf32>
      %get3A_706 = arith.index_cast %scan3A_500 : i32 to index
      %get3A_707 = arith.constant 112 : index
      %get3A_708 = tpu.vector_load %arg6[%get3A_706, %get3A_707] {strides = array<i32>} : memref<56x128xf32, #tpu.memory_space<vmem>>, vector<1x16xf32>,
      %get3A_709 = vector.shape_cast %get3A_708 : vector<1x16xf32> to vector<16xf32>
      %add3A_710 = arith.addf %get3A_705, %get3A_709 : vector<16xf32>
      %get3A_711 = arith.index_cast %scan3A_500 : i32 to index
      %get3A_712 = arith.constant 112 : index
      %get3A_713 = tpu.vector_load %arg7[%get3A_711, %get3A_712] {strides = array<i32>} : memref<56x128xf32, #tpu.memory_space<vmem>>, vector<1x16xf32>,
      %get3A_714 = vector.shape_cast %get3A_713 : vector<1x16xf32> to vector<16xf32>
      %get3A_715 = arith.index_cast %scan3A_500 : i32 to index
      %get3A_716 = arith.constant 112 : index
      %get3A_717 = tpu.vector_load %arg8[%get3A_715, %get3A_716] {strides = array<i32>} : memref<56x128xf32, #tpu.memory_space<vmem>>, vector<1x16xf32>,
      %get3A_718 = vector.shape_cast %get3A_717 : vector<1x16xf32> to vector<16xf32>
      %add3A_719 = arith.addf %get3A_714, %get3A_718 : vector<16xf32>
      %add3A_720 = arith.addf %add3A_710, %add3A_719 : vector<16xf32>
      %get3A_721 = arith.index_cast %scan3A_500 : i32 to index
      %get3A_722 = arith.constant 112 : index
      %get3A_723 = tpu.vector_load %arg4[%get3A_721, %get3A_722] {strides = array<i32>} : memref<56x128xf32, #tpu.memory_space<vmem>>, vector<1x16xf32>,
      %get3A_724 = vector.shape_cast %get3A_723 : vector<1x16xf32> to vector<16xf32>
      %add3A_725 = arith.addf %get3A_724, %add3A_720 : vector<16xf32>
      %swap3A_726 = arith.index_cast %scan3A_500 : i32 to index
      %swap3A_727 = arith.constant 112 : index
      %swap3A_728 = tpu.vector_load %arg4[%swap3A_726, %swap3A_727] {strides = array<i32>} : memref<56x128xf32, #tpu.memory_space<vmem>>, vector<1x16xf32>,
      %swap3A_729 = vector.shape_cast %swap3A_728 : vector<1x16xf32> to vector<16xf32>
      %swap3A_730 = vector.shape_cast %add3A_725 : vector<16xf32> to vector<1x16xf32>
      tpu.vector_store %arg4[%swap3A_726, %swap3A_727], %swap3A_730 {strides = array<i32>} : memref<56x128xf32, #tpu.memory_space<vmem>>, vector<1x16xf32>,
    }
    %scan3A_463 = arith.constant 56 : i32
    %dma_wait3A_464 = arith.constant 28 : i32
    %dma_wait3A_465 = arith.constant 0 : i32
    %dma_wait3A_466 = tpu.memref_slice %arg2[%dma_wait3A_464, %add3A_4, %dma_wait3A_465] : memref<32x10000x128xf32, #tpu.memory_space<hbm>> -> memref<1x56x128xf32, #tpu.memory_space<hbm>>
    %dma_wait3A_467 = tpu.memref_squeeze %dma_wait3A_466 : memref<1x56x128xf32, #tpu.memory_space<hbm>> -> memref<56x128xf32, #tpu.memory_space<hbm>>
    %dma_wait3A_468 = arith.constant 0 : i32
    %dma_wait3A_469 = tpu.memref_slice %arg2[%dma_wait3A_464, %add3A_4, %dma_wait3A_468] : memref<32x10000x128xf32, #tpu.memory_space<hbm>> -> memref<1x56x128xf32, #tpu.memory_space<hbm>>
    %dma_wait3A_470 = tpu.memref_squeeze %dma_wait3A_469 : memref<1x56x128xf32, #tpu.memory_space<hbm>> -> memref<56x128xf32, #tpu.memory_space<hbm>>
    tpu.wait_dma2 semaphore(%arg17 : memref<!tpu.dma_semaphore, #tpu.memory_space<semaphore_mem>>) src(%dma_wait3A_470 : memref<56x128xf32, #tpu.memory_space<hbm>>) dst(%arg9 : memref<56x128xf32, #tpu.memory_space<vmem>>)
    %dma_wait3A_471 = arith.constant 29 : i32
    %dma_wait3A_472 = arith.constant 0 : i32
    %dma_wait3A_473 = tpu.memref_slice %arg2[%dma_wait3A_471, %add3A_4, %dma_wait3A_472] : memref<32x10000x128xf32, #tpu.memory_space<hbm>> -> memref<1x56x128xf32, #tpu.memory_space<hbm>>
    %dma_wait3A_474 = tpu.memref_squeeze %dma_wait3A_473 : memref<1x56x128xf32, #tpu.memory_space<hbm>> -> memref<56x128xf32, #tpu.memory_space<hbm>>
    %dma_wait3A_475 = arith.constant 0 : i32
    %dma_wait3A_476 = tpu.memref_slice %arg2[%dma_wait3A_471, %add3A_4, %dma_wait3A_475] : memref<32x10000x128xf32, #tpu.memory_space<hbm>> -> memref<1x56x128xf32, #tpu.memory_space<hbm>>
    %dma_wait3A_477 = tpu.memref_squeeze %dma_wait3A_476 : memref<1x56x128xf32, #tpu.memory_space<hbm>> -> memref<56x128xf32, #tpu.memory_space<hbm>>
    tpu.wait_dma2 semaphore(%arg18 : memref<!tpu.dma_semaphore, #tpu.memory_space<semaphore_mem>>) src(%dma_wait3A_477 : memref<56x128xf32, #tpu.memory_space<hbm>>) dst(%arg10 : memref<56x128xf32, #tpu.memory_space<vmem>>)
    %dma_wait3A_478 = arith.constant 30 : i32
    %dma_wait3A_479 = arith.constant 0 : i32
    %dma_wait3A_480 = tpu.memref_slice %arg2[%dma_wait3A_478, %add3A_4, %dma_wait3A_479] : memref<32x10000x128xf32, #tpu.memory_space<hbm>> -> memref<1x56x128xf32, #tpu.memory_space<hbm>>
    %dma_wait3A_481 = tpu.memref_squeeze %dma_wait3A_480 : memref<1x56x128xf32, #tpu.memory_space<hbm>> -> memref<56x128xf32, #tpu.memory_space<hbm>>
    %dma_wait3A_482 = arith.constant 0 : i32
    %dma_wait3A_483 = tpu.memref_slice %arg2[%dma_wait3A_478, %add3A_4, %dma_wait3A_482] : memref<32x10000x128xf32, #tpu.memory_space<hbm>> -> memref<1x56x128xf32, #tpu.memory_space<hbm>>
    %dma_wait3A_484 = tpu.memref_squeeze %dma_wait3A_483 : memref<1x56x128xf32, #tpu.memory_space<hbm>> -> memref<56x128xf32, #tpu.memory_space<hbm>>
    tpu.wait_dma2 semaphore(%arg19 : memref<!tpu.dma_semaphore, #tpu.memory_space<semaphore_mem>>) src(%dma_wait3A_484 : memref<56x128xf32, #tpu.memory_space<hbm>>) dst(%arg11 : memref<56x128xf32, #tpu.memory_space<vmem>>)
    %dma_wait3A_485 = arith.constant 31 : i32
    %dma_wait3A_486 = arith.constant 0 : i32
    %dma_wait3A_487 = tpu.memref_slice %arg2[%dma_wait3A_485, %add3A_4, %dma_wait3A_486] : memref<32x10000x128xf32, #tpu.memory_space<hbm>> -> memref<1x56x128xf32, #tpu.memory_space<hbm>>
    %dma_wait3A_488 = tpu.memref_squeeze %dma_wait3A_487 : memref<1x56x128xf32, #tpu.memory_space<hbm>> -> memref<56x128xf32, #tpu.memory_space<hbm>>
    %dma_wait3A_489 = arith.constant 0 : i32
    %dma_wait3A_490 = tpu.memref_slice %arg2[%dma_wait3A_485, %add3A_4, %dma_wait3A_489] : memref<32x10000x128xf32, #tpu.memory_space<hbm>> -> memref<1x56x128xf32, #tpu.memory_space<hbm>>
    %dma_wait3A_491 = tpu.memref_squeeze %dma_wait3A_490 : memref<1x56x128xf32, #tpu.memory_space<hbm>> -> memref<56x128xf32, #tpu.memory_space<hbm>>
    tpu.wait_dma2 semaphore(%arg20 : memref<!tpu.dma_semaphore, #tpu.memory_space<semaphore_mem>>) src(%dma_wait3A_491 : memref<56x128xf32, #tpu.memory_space<hbm>>) dst(%arg12 : memref<56x128xf32, #tpu.memory_space<vmem>>)
    %scan3A_492 = arith.constant 0 : i32
    %scan3A_493 = arith.constant 0 : i32
    %scan3A_494 = arith.constant 56 : i32
    %scan3A_495 = arith.addi %scan3A_493, %scan3A_494 : i32
    %scan3A_496 = arith.constant 1 : i32
    scf.for %scan3A_500 = %scan3A_493 to %scan3A_495 step %scan3A_496  : i32 {
      %get3A = arith.index_cast %scan3A_500 : i32 to index
      %get3A_501 = arith.constant 0 : index
      %get3A_502 = tpu.vector_load %arg9[%get3A, %get3A_501] {strides = array<i32>} : memref<56x128xf32, #tpu.memory_space<vmem>>, vector<1x16xf32>,
      %get3A_503 = vector.shape_cast %get3A_502 : vector<1x16xf32> to vector<16xf32>
      %get3A_504 = arith.index_cast %scan3A_500 : i32 to index
      %get3A_505 = arith.constant 0 : index
      %get3A_506 = tpu.vector_load %arg10[%get3A_504, %get3A_505] {strides = array<i32>} : memref<56x128xf32, #tpu.memory_space<vmem>>, vector<1x16xf32>,
      %get3A_507 = vector.shape_cast %get3A_506 : vector<1x16xf32> to vector<16xf32>
      %add3A_508 = arith.addf %get3A_503, %get3A_507 : vector<16xf32>
      %get3A_509 = arith.index_cast %scan3A_500 : i32 to index
      %get3A_510 = arith.constant 0 : index
      %get3A_511 = tpu.vector_load %arg11[%get3A_509, %get3A_510] {strides = array<i32>} : memref<56x128xf32, #tpu.memory_space<vmem>>, vector<1x16xf32>,
      %get3A_512 = vector.shape_cast %get3A_511 : vector<1x16xf32> to vector<16xf32>
      %get3A_513 = arith.index_cast %scan3A_500 : i32 to index
      %get3A_514 = arith.constant 0 : index
      %get3A_515 = tpu.vector_load %arg12[%get3A_513, %get3A_514] {strides = array<i32>} : memref<56x128xf32, #tpu.memory_space<vmem>>, vector<1x16xf32>,
      %get3A_516 = vector.shape_cast %get3A_515 : vector<1x16xf32> to vector<16xf32>
      %add3A_517 = arith.addf %get3A_512, %get3A_516 : vector<16xf32>
      %add3A_518 = arith.addf %add3A_508, %add3A_517 : vector<16xf32>
      %get3A_519 = arith.index_cast %scan3A_500 : i32 to index
      %get3A_520 = arith.constant 0 : index
      %get3A_521 = tpu.vector_load %arg4[%get3A_519, %get3A_520] {strides = array<i32>} : memref<56x128xf32, #tpu.memory_space<vmem>>, vector<1x16xf32>,
      %get3A_522 = vector.shape_cast %get3A_521 : vector<1x16xf32> to vector<16xf32>
      %add3A_523 = arith.addf %get3A_522, %add3A_518 : vector<16xf32>
      %swap3A = arith.index_cast %scan3A_500 : i32 to index
      %swap3A_524 = arith.constant 0 : index
      %swap3A_525 = tpu.vector_load %arg4[%swap3A, %swap3A_524] {strides = array<i32>} : memref<56x128xf32, #tpu.memory_space<vmem>>, vector<1x16xf32>,
      %swap3A_526 = vector.shape_cast %swap3A_525 : vector<1x16xf32> to vector<16xf32>
      %swap3A_527 = vector.shape_cast %add3A_523 : vector<16xf32> to vector<1x16xf32>
      tpu.vector_store %arg4[%swap3A, %swap3A_524], %swap3A_527 {strides = array<i32>} : memref<56x128xf32, #tpu.memory_space<vmem>>, vector<1x16xf32>,
      %get3A_528 = arith.index_cast %scan3A_500 : i32 to index
      %get3A_529 = arith.constant 16 : index
      %get3A_530 = tpu.vector_load %arg9[%get3A_528, %get3A_529] {strides = array<i32>} : memref<56x128xf32, #tpu.memory_space<vmem>>, vector<1x16xf32>,
      %get3A_531 = vector.shape_cast %get3A_530 : vector<1x16xf32> to vector<16xf32>
      %get3A_532 = arith.index_cast %scan3A_500 : i32 to index
      %get3A_533 = arith.constant 16 : index
      %get3A_534 = tpu.vector_load %arg10[%get3A_532, %get3A_533] {strides = array<i32>} : memref<56x128xf32, #tpu.memory_space<vmem>>, vector<1x16xf32>,
      %get3A_535 = vector.shape_cast %get3A_534 : vector<1x16xf32> to vector<16xf32>
      %add3A_536 = arith.addf %get3A_531, %get3A_535 : vector<16xf32>
      %get3A_537 = arith.index_cast %scan3A_500 : i32 to index
      %get3A_538 = arith.constant 16 : index
      %get3A_539 = tpu.vector_load %arg11[%get3A_537, %get3A_538] {strides = array<i32>} : memref<56x128xf32, #tpu.memory_space<vmem>>, vector<1x16xf32>,
      %get3A_540 = vector.shape_cast %get3A_539 : vector<1x16xf32> to vector<16xf32>
      %get3A_541 = arith.index_cast %scan3A_500 : i32 to index
      %get3A_542 = arith.constant 16 : index
      %get3A_543 = tpu.vector_load %arg12[%get3A_541, %get3A_542] {strides = array<i32>} : memref<56x128xf32, #tpu.memory_space<vmem>>, vector<1x16xf32>,
      %get3A_544 = vector.shape_cast %get3A_543 : vector<1x16xf32> to vector<16xf32>
      %add3A_545 = arith.addf %get3A_540, %get3A_544 : vector<16xf32>
      %add3A_546 = arith.addf %add3A_536, %add3A_545 : vector<16xf32>
      %get3A_547 = arith.index_cast %scan3A_500 : i32 to index
      %get3A_548 = arith.constant 16 : index
      %get3A_549 = tpu.vector_load %arg4[%get3A_547, %get3A_548] {strides = array<i32>} : memref<56x128xf32, #tpu.memory_space<vmem>>, vector<1x16xf32>,
      %get3A_550 = vector.shape_cast %get3A_549 : vector<1x16xf32> to vector<16xf32>
      %add3A_551 = arith.addf %get3A_550, %add3A_546 : vector<16xf32>
      %swap3A_552 = arith.index_cast %scan3A_500 : i32 to index
      %swap3A_553 = arith.constant 16 : index
      %swap3A_554 = tpu.vector_load %arg4[%swap3A_552, %swap3A_553] {strides = array<i32>} : memref<56x128xf32, #tpu.memory_space<vmem>>, vector<1x16xf32>,
      %swap3A_555 = vector.shape_cast %swap3A_554 : vector<1x16xf32> to vector<16xf32>
      %swap3A_556 = vector.shape_cast %add3A_551 : vector<16xf32> to vector<1x16xf32>
      tpu.vector_store %arg4[%swap3A_552, %swap3A_553], %swap3A_556 {strides = array<i32>} : memref<56x128xf32, #tpu.memory_space<vmem>>, vector<1x16xf32>,
      %get3A_557 = arith.index_cast %scan3A_500 : i32 to index
      %get3A_558 = arith.constant 32 : index
      %get3A_559 = tpu.vector_load %arg9[%get3A_557, %get3A_558] {strides = array<i32>} : memref<56x128xf32, #tpu.memory_space<vmem>>, vector<1x16xf32>,
      %get3A_560 = vector.shape_cast %get3A_559 : vector<1x16xf32> to vector<16xf32>
      %get3A_561 = arith.index_cast %scan3A_500 : i32 to index
      %get3A_562 = arith.constant 32 : index
      %get3A_563 = tpu.vector_load %arg10[%get3A_561, %get3A_562] {strides = array<i32>} : memref<56x128xf32, #tpu.memory_space<vmem>>, vector<1x16xf32>,
      %get3A_564 = vector.shape_cast %get3A_563 : vector<1x16xf32> to vector<16xf32>
      %add3A_565 = arith.addf %get3A_560, %get3A_564 : vector<16xf32>
      %get3A_566 = arith.index_cast %scan3A_500 : i32 to index
      %get3A_567 = arith.constant 32 : index
      %get3A_568 = tpu.vector_load %arg11[%get3A_566, %get3A_567] {strides = array<i32>} : memref<56x128xf32, #tpu.memory_space<vmem>>, vector<1x16xf32>,
      %get3A_569 = vector.shape_cast %get3A_568 : vector<1x16xf32> to vector<16xf32>
      %get3A_570 = arith.index_cast %scan3A_500 : i32 to index
      %get3A_571 = arith.constant 32 : index
      %get3A_572 = tpu.vector_load %arg12[%get3A_570, %get3A_571] {strides = array<i32>} : memref<56x128xf32, #tpu.memory_space<vmem>>, vector<1x16xf32>,
      %get3A_573 = vector.shape_cast %get3A_572 : vector<1x16xf32> to vector<16xf32>
      %add3A_574 = arith.addf %get3A_569, %get3A_573 : vector<16xf32>
      %add3A_575 = arith.addf %add3A_565, %add3A_574 : vector<16xf32>
      %get3A_576 = arith.index_cast %scan3A_500 : i32 to index
      %get3A_577 = arith.constant 32 : index
      %get3A_578 = tpu.vector_load %arg4[%get3A_576, %get3A_577] {strides = array<i32>} : memref<56x128xf32, #tpu.memory_space<vmem>>, vector<1x16xf32>,
      %get3A_579 = vector.shape_cast %get3A_578 : vector<1x16xf32> to vector<16xf32>
      %add3A_580 = arith.addf %get3A_579, %add3A_575 : vector<16xf32>
      %swap3A_581 = arith.index_cast %scan3A_500 : i32 to index
      %swap3A_582 = arith.constant 32 : index
      %swap3A_583 = tpu.vector_load %arg4[%swap3A_581, %swap3A_582] {strides = array<i32>} : memref<56x128xf32, #tpu.memory_space<vmem>>, vector<1x16xf32>,
      %swap3A_584 = vector.shape_cast %swap3A_583 : vector<1x16xf32> to vector<16xf32>
      %swap3A_585 = vector.shape_cast %add3A_580 : vector<16xf32> to vector<1x16xf32>
      tpu.vector_store %arg4[%swap3A_581, %swap3A_582], %swap3A_585 {strides = array<i32>} : memref<56x128xf32, #tpu.memory_space<vmem>>, vector<1x16xf32>,
      %get3A_586 = arith.index_cast %scan3A_500 : i32 to index
      %get3A_587 = arith.constant 48 : index
      %get3A_588 = tpu.vector_load %arg9[%get3A_586, %get3A_587] {strides = array<i32>} : memref<56x128xf32, #tpu.memory_space<vmem>>, vector<1x16xf32>,
      %get3A_589 = vector.shape_cast %get3A_588 : vector<1x16xf32> to vector<16xf32>
      %get3A_590 = arith.index_cast %scan3A_500 : i32 to index
      %get3A_591 = arith.constant 48 : index
      %get3A_592 = tpu.vector_load %arg10[%get3A_590, %get3A_591] {strides = array<i32>} : memref<56x128xf32, #tpu.memory_space<vmem>>, vector<1x16xf32>,
      %get3A_593 = vector.shape_cast %get3A_592 : vector<1x16xf32> to vector<16xf32>
      %add3A_594 = arith.addf %get3A_589, %get3A_593 : vector<16xf32>
      %get3A_595 = arith.index_cast %scan3A_500 : i32 to index
      %get3A_596 = arith.constant 48 : index
      %get3A_597 = tpu.vector_load %arg11[%get3A_595, %get3A_596] {strides = array<i32>} : memref<56x128xf32, #tpu.memory_space<vmem>>, vector<1x16xf32>,
      %get3A_598 = vector.shape_cast %get3A_597 : vector<1x16xf32> to vector<16xf32>
      %get3A_599 = arith.index_cast %scan3A_500 : i32 to index
      %get3A_600 = arith.constant 48 : index
      %get3A_601 = tpu.vector_load %arg12[%get3A_599, %get3A_600] {strides = array<i32>} : memref<56x128xf32, #tpu.memory_space<vmem>>, vector<1x16xf32>,
      %get3A_602 = vector.shape_cast %get3A_601 : vector<1x16xf32> to vector<16xf32>
      %add3A_603 = arith.addf %get3A_598, %get3A_602 : vector<16xf32>
      %add3A_604 = arith.addf %add3A_594, %add3A_603 : vector<16xf32>
      %get3A_605 = arith.index_cast %scan3A_500 : i32 to index
      %get3A_606 = arith.constant 48 : index
      %get3A_607 = tpu.vector_load %arg4[%get3A_605, %get3A_606] {strides = array<i32>} : memref<56x128xf32, #tpu.memory_space<vmem>>, vector<1x16xf32>,
      %get3A_608 = vector.shape_cast %get3A_607 : vector<1x16xf32> to vector<16xf32>
      %add3A_609 = arith.addf %get3A_608, %add3A_604 : vector<16xf32>
      %swap3A_610 = arith.index_cast %scan3A_500 : i32 to index
      %swap3A_611 = arith.constant 48 : index
      %swap3A_612 = tpu.vector_load %arg4[%swap3A_610, %swap3A_611] {strides = array<i32>} : memref<56x128xf32, #tpu.memory_space<vmem>>, vector<1x16xf32>,
      %swap3A_613 = vector.shape_cast %swap3A_612 : vector<1x16xf32> to vector<16xf32>
      %swap3A_614 = vector.shape_cast %add3A_609 : vector<16xf32> to vector<1x16xf32>
      tpu.vector_store %arg4[%swap3A_610, %swap3A_611], %swap3A_614 {strides = array<i32>} : memref<56x128xf32, #tpu.memory_space<vmem>>, vector<1x16xf32>,
      %get3A_615 = arith.index_cast %scan3A_500 : i32 to index
      %get3A_616 = arith.constant 64 : index
      %get3A_617 = tpu.vector_load %arg9[%get3A_615, %get3A_616] {strides = array<i32>} : memref<56x128xf32, #tpu.memory_space<vmem>>, vector<1x16xf32>,
      %get3A_618 = vector.shape_cast %get3A_617 : vector<1x16xf32> to vector<16xf32>
      %get3A_619 = arith.index_cast %scan3A_500 : i32 to index
      %get3A_620 = arith.constant 64 : index
      %get3A_621 = tpu.vector_load %arg10[%get3A_619, %get3A_620] {strides = array<i32>} : memref<56x128xf32, #tpu.memory_space<vmem>>, vector<1x16xf32>,
      %get3A_622 = vector.shape_cast %get3A_621 : vector<1x16xf32> to vector<16xf32>
      %add3A_623 = arith.addf %get3A_618, %get3A_622 : vector<16xf32>
      %get3A_624 = arith.index_cast %scan3A_500 : i32 to index
      %get3A_625 = arith.constant 64 : index
      %get3A_626 = tpu.vector_load %arg11[%get3A_624, %get3A_625] {strides = array<i32>} : memref<56x128xf32, #tpu.memory_space<vmem>>, vector<1x16xf32>,
      %get3A_627 = vector.shape_cast %get3A_626 : vector<1x16xf32> to vector<16xf32>
      %get3A_628 = arith.index_cast %scan3A_500 : i32 to index
      %get3A_629 = arith.constant 64 : index
      %get3A_630 = tpu.vector_load %arg12[%get3A_628, %get3A_629] {strides = array<i32>} : memref<56x128xf32, #tpu.memory_space<vmem>>, vector<1x16xf32>,
      %get3A_631 = vector.shape_cast %get3A_630 : vector<1x16xf32> to vector<16xf32>
      %add3A_632 = arith.addf %get3A_627, %get3A_631 : vector<16xf32>
      %add3A_633 = arith.addf %add3A_623, %add3A_632 : vector<16xf32>
      %get3A_634 = arith.index_cast %scan3A_500 : i32 to index
      %get3A_635 = arith.constant 64 : index
      %get3A_636 = tpu.vector_load %arg4[%get3A_634, %get3A_635] {strides = array<i32>} : memref<56x128xf32, #tpu.memory_space<vmem>>, vector<1x16xf32>,
      %get3A_637 = vector.shape_cast %get3A_636 : vector<1x16xf32> to vector<16xf32>
      %add3A_638 = arith.addf %get3A_637, %add3A_633 : vector<16xf32>
      %swap3A_639 = arith.index_cast %scan3A_500 : i32 to index
      %swap3A_640 = arith.constant 64 : index
      %swap3A_641 = tpu.vector_load %arg4[%swap3A_639, %swap3A_640] {strides = array<i32>} : memref<56x128xf32, #tpu.memory_space<vmem>>, vector<1x16xf32>,
      %swap3A_642 = vector.shape_cast %swap3A_641 : vector<1x16xf32> to vector<16xf32>
      %swap3A_643 = vector.shape_cast %add3A_638 : vector<16xf32> to vector<1x16xf32>
      tpu.vector_store %arg4[%swap3A_639, %swap3A_640], %swap3A_643 {strides = array<i32>} : memref<56x128xf32, #tpu.memory_space<vmem>>, vector<1x16xf32>,
      %get3A_644 = arith.index_cast %scan3A_500 : i32 to index
      %get3A_645 = arith.constant 80 : index
      %get3A_646 = tpu.vector_load %arg9[%get3A_644, %get3A_645] {strides = array<i32>} : memref<56x128xf32, #tpu.memory_space<vmem>>, vector<1x16xf32>,
      %get3A_647 = vector.shape_cast %get3A_646 : vector<1x16xf32> to vector<16xf32>
      %get3A_648 = arith.index_cast %scan3A_500 : i32 to index
      %get3A_649 = arith.constant 80 : index
      %get3A_650 = tpu.vector_load %arg10[%get3A_648, %get3A_649] {strides = array<i32>} : memref<56x128xf32, #tpu.memory_space<vmem>>, vector<1x16xf32>,
      %get3A_651 = vector.shape_cast %get3A_650 : vector<1x16xf32> to vector<16xf32>
      %add3A_652 = arith.addf %get3A_647, %get3A_651 : vector<16xf32>
      %get3A_653 = arith.index_cast %scan3A_500 : i32 to index
      %get3A_654 = arith.constant 80 : index
      %get3A_655 = tpu.vector_load %arg11[%get3A_653, %get3A_654] {strides = array<i32>} : memref<56x128xf32, #tpu.memory_space<vmem>>, vector<1x16xf32>,
      %get3A_656 = vector.shape_cast %get3A_655 : vector<1x16xf32> to vector<16xf32>
      %get3A_657 = arith.index_cast %scan3A_500 : i32 to index
      %get3A_658 = arith.constant 80 : index
      %get3A_659 = tpu.vector_load %arg12[%get3A_657, %get3A_658] {strides = array<i32>} : memref<56x128xf32, #tpu.memory_space<vmem>>, vector<1x16xf32>,
      %get3A_660 = vector.shape_cast %get3A_659 : vector<1x16xf32> to vector<16xf32>
      %add3A_661 = arith.addf %get3A_656, %get3A_660 : vector<16xf32>
      %add3A_662 = arith.addf %add3A_652, %add3A_661 : vector<16xf32>
      %get3A_663 = arith.index_cast %scan3A_500 : i32 to index
      %get3A_664 = arith.constant 80 : index
      %get3A_665 = tpu.vector_load %arg4[%get3A_663, %get3A_664] {strides = array<i32>} : memref<56x128xf32, #tpu.memory_space<vmem>>, vector<1x16xf32>,
      %get3A_666 = vector.shape_cast %get3A_665 : vector<1x16xf32> to vector<16xf32>
      %add3A_667 = arith.addf %get3A_666, %add3A_662 : vector<16xf32>
      %swap3A_668 = arith.index_cast %scan3A_500 : i32 to index
      %swap3A_669 = arith.constant 80 : index
      %swap3A_670 = tpu.vector_load %arg4[%swap3A_668, %swap3A_669] {strides = array<i32>} : memref<56x128xf32, #tpu.memory_space<vmem>>, vector<1x16xf32>,
      %swap3A_671 = vector.shape_cast %swap3A_670 : vector<1x16xf32> to vector<16xf32>
      %swap3A_672 = vector.shape_cast %add3A_667 : vector<16xf32> to vector<1x16xf32>
      tpu.vector_store %arg4[%swap3A_668, %swap3A_669], %swap3A_672 {strides = array<i32>} : memref<56x128xf32, #tpu.memory_space<vmem>>, vector<1x16xf32>,
      %get3A_673 = arith.index_cast %scan3A_500 : i32 to index
      %get3A_674 = arith.constant 96 : index
      %get3A_675 = tpu.vector_load %arg9[%get3A_673, %get3A_674] {strides = array<i32>} : memref<56x128xf32, #tpu.memory_space<vmem>>, vector<1x16xf32>,
      %get3A_676 = vector.shape_cast %get3A_675 : vector<1x16xf32> to vector<16xf32>
      %get3A_677 = arith.index_cast %scan3A_500 : i32 to index
      %get3A_678 = arith.constant 96 : index
      %get3A_679 = tpu.vector_load %arg10[%get3A_677, %get3A_678] {strides = array<i32>} : memref<56x128xf32, #tpu.memory_space<vmem>>, vector<1x16xf32>,
      %get3A_680 = vector.shape_cast %get3A_679 : vector<1x16xf32> to vector<16xf32>
      %add3A_681 = arith.addf %get3A_676, %get3A_680 : vector<16xf32>
      %get3A_682 = arith.index_cast %scan3A_500 : i32 to index
      %get3A_683 = arith.constant 96 : index
      %get3A_684 = tpu.vector_load %arg11[%get3A_682, %get3A_683] {strides = array<i32>} : memref<56x128xf32, #tpu.memory_space<vmem>>, vector<1x16xf32>,
      %get3A_685 = vector.shape_cast %get3A_684 : vector<1x16xf32> to vector<16xf32>
      %get3A_686 = arith.index_cast %scan3A_500 : i32 to index
      %get3A_687 = arith.constant 96 : index
      %get3A_688 = tpu.vector_load %arg12[%get3A_686, %get3A_687] {strides = array<i32>} : memref<56x128xf32, #tpu.memory_space<vmem>>, vector<1x16xf32>,
      %get3A_689 = vector.shape_cast %get3A_688 : vector<1x16xf32> to vector<16xf32>
      %add3A_690 = arith.addf %get3A_685, %get3A_689 : vector<16xf32>
      %add3A_691 = arith.addf %add3A_681, %add3A_690 : vector<16xf32>
      %get3A_692 = arith.index_cast %scan3A_500 : i32 to index
      %get3A_693 = arith.constant 96 : index
      %get3A_694 = tpu.vector_load %arg4[%get3A_692, %get3A_693] {strides = array<i32>} : memref<56x128xf32, #tpu.memory_space<vmem>>, vector<1x16xf32>,
      %get3A_695 = vector.shape_cast %get3A_694 : vector<1x16xf32> to vector<16xf32>
      %add3A_696 = arith.addf %get3A_695, %add3A_691 : vector<16xf32>
      %swap3A_697 = arith.index_cast %scan3A_500 : i32 to index
      %swap3A_698 = arith.constant 96 : index
      %swap3A_699 = tpu.vector_load %arg4[%swap3A_697, %swap3A_698] {strides = array<i32>} : memref<56x128xf32, #tpu.memory_space<vmem>>, vector<1x16xf32>,
      %swap3A_700 = vector.shape_cast %swap3A_699 : vector<1x16xf32> to vector<16xf32>
      %swap3A_701 = vector.shape_cast %add3A_696 : vector<16xf32> to vector<1x16xf32>
      tpu.vector_store %arg4[%swap3A_697, %swap3A_698], %swap3A_701 {strides = array<i32>} : memref<56x128xf32, #tpu.memory_space<vmem>>, vector<1x16xf32>,
      %get3A_702 = arith.index_cast %scan3A_500 : i32 to index
      %get3A_703 = arith.constant 112 : index
      %get3A_704 = tpu.vector_load %arg9[%get3A_702, %get3A_703] {strides = array<i32>} : memref<56x128xf32, #tpu.memory_space<vmem>>, vector<1x16xf32>,
      %get3A_705 = vector.shape_cast %get3A_704 : vector<1x16xf32> to vector<16xf32>
      %get3A_706 = arith.index_cast %scan3A_500 : i32 to index
      %get3A_707 = arith.constant 112 : index
      %get3A_708 = tpu.vector_load %arg10[%get3A_706, %get3A_707] {strides = array<i32>} : memref<56x128xf32, #tpu.memory_space<vmem>>, vector<1x16xf32>,
      %get3A_709 = vector.shape_cast %get3A_708 : vector<1x16xf32> to vector<16xf32>
      %add3A_710 = arith.addf %get3A_705, %get3A_709 : vector<16xf32>
      %get3A_711 = arith.index_cast %scan3A_500 : i32 to index
      %get3A_712 = arith.constant 112 : index
      %get3A_713 = tpu.vector_load %arg11[%get3A_711, %get3A_712] {strides = array<i32>} : memref<56x128xf32, #tpu.memory_space<vmem>>, vector<1x16xf32>,
      %get3A_714 = vector.shape_cast %get3A_713 : vector<1x16xf32> to vector<16xf32>
      %get3A_715 = arith.index_cast %scan3A_500 : i32 to index
      %get3A_716 = arith.constant 112 : index
      %get3A_717 = tpu.vector_load %arg12[%get3A_715, %get3A_716] {strides = array<i32>} : memref<56x128xf32, #tpu.memory_space<vmem>>, vector<1x16xf32>,
      %get3A_718 = vector.shape_cast %get3A_717 : vector<1x16xf32> to vector<16xf32>
      %add3A_719 = arith.addf %get3A_714, %get3A_718 : vector<16xf32>
      %add3A_720 = arith.addf %add3A_710, %add3A_719 : vector<16xf32>
      %get3A_721 = arith.index_cast %scan3A_500 : i32 to index
      %get3A_722 = arith.constant 112 : index
      %get3A_723 = tpu.vector_load %arg4[%get3A_721, %get3A_722] {strides = array<i32>} : memref<56x128xf32, #tpu.memory_space<vmem>>, vector<1x16xf32>,
      %get3A_724 = vector.shape_cast %get3A_723 : vector<1x16xf32> to vector<16xf32>
      %add3A_725 = arith.addf %get3A_724, %add3A_720 : vector<16xf32>
      %swap3A_726 = arith.index_cast %scan3A_500 : i32 to index
      %swap3A_727 = arith.constant 112 : index
      %swap3A_728 = tpu.vector_load %arg4[%swap3A_726, %swap3A_727] {strides = array<i32>} : memref<56x128xf32, #tpu.memory_space<vmem>>, vector<1x16xf32>,
      %swap3A_729 = vector.shape_cast %swap3A_728 : vector<1x16xf32> to vector<16xf32>
      %swap3A_730 = vector.shape_cast %add3A_725 : vector<16xf32> to vector<1x16xf32>
      tpu.vector_store %arg4[%swap3A_726, %swap3A_727], %swap3A_730 {strides = array<i32>} : memref<56x128xf32, #tpu.memory_space<vmem>>, vector<1x16xf32>,
    }
    %scan3A_497 = arith.constant 56 : i32
    %mul3A_498 = arith.constant 56 : i32
    %mul3A_499 = arith.muli %add3A, %mul3A_498 : i32
    "tpu.region"() ({
      %run_scoped3A = tpu.sem_alloc : memref<!tpu.dma_semaphore, #tpu.memory_space<semaphore_mem>>
      %dma_start3A_500 = arith.constant 0 : i32
      %dma_start3A_501 = tpu.memref_slice %arg3[%mul3A_499, %dma_start3A_500] : memref<1792x128xf32, #tpu.memory_space<hbm>> -> memref<56x128xf32, #tpu.memory_space<hbm>>
      %dma_start3A_502 = arith.constant 0 : i32
      %dma_start3A_503 = tpu.memref_slice %arg3[%mul3A_499, %dma_start3A_502] : memref<1792x128xf32, #tpu.memory_space<hbm>> -> memref<56x128xf32, #tpu.memory_space<hbm>>
      tpu.enqueue_dma source(%arg4 : memref<56x128xf32, #tpu.memory_space<vmem>>) target(%dma_start3A_503 : memref<56x128xf32, #tpu.memory_space<hbm>>) target_semaphore(%run_scoped3A : memref<!tpu.dma_semaphore, #tpu.memory_space<semaphore_mem>>)
      %dma_wait3A_504 = arith.constant 0 : i32
      %dma_wait3A_505 = tpu.memref_slice %arg3[%mul3A_499, %dma_wait3A_504] : memref<1792x128xf32, #tpu.memory_space<hbm>> -> memref<56x128xf32, #tpu.memory_space<hbm>>
      %dma_wait3A_506 = arith.constant 0 : i32
      %dma_wait3A_507 = tpu.memref_slice %arg3[%mul3A_499, %dma_wait3A_506] : memref<1792x128xf32, #tpu.memory_space<hbm>> -> memref<56x128xf32, #tpu.memory_space<hbm>>
      tpu.wait_dma2 semaphore(%run_scoped3A : memref<!tpu.dma_semaphore, #tpu.memory_space<semaphore_mem>>) src(%arg4 : memref<56x128xf32, #tpu.memory_space<vmem>>) dst(%dma_wait3A_507 : memref<56x128xf32, #tpu.memory_space<hbm>>)
      tpu.yield
    }) : () -> ()
    return
  }
}

module attributes {stable_mosaic.version = 14 : i64} {
  func.func @_tc_tail_kernel(%arg0: i32, %arg1: memref<1792x128xf32, #tpu.memory_space<vmem>>, %arg2: memref<1792x128xf32, #tpu.memory_space<vmem>>, %arg3: memref<256x128xf32, #tpu.memory_space<vmem>>, %arg4: memref<1x128xf32, #tpu.memory_space<vmem>>, %arg5: memref<1792x128xf32, #tpu.memory_space<vmem>>) attributes {dimension_semantics = [#tpu.dimension_semantics<arbitrary>], iteration_bounds = array<i64: 1>, scalar_prefetch = 0 : i64, scratch_operands = 0 : i64, tpu.core_type = #tpu.core_type<tc>, window_params = [{pipeline_mode = #tpu.pipeline_mode<synchronous>, transform_indices = @transform_0, window_bounds = array<i64: 1792, 128>}, {pipeline_mode = #tpu.pipeline_mode<synchronous>, transform_indices = @transform_1, window_bounds = array<i64: 1792, 128>}, {pipeline_mode = #tpu.pipeline_mode<synchronous>, transform_indices = @transform_2, window_bounds = array<i64: 256, 128>}, {pipeline_mode = #tpu.pipeline_mode<synchronous>, transform_indices = @transform_3, window_bounds = array<i64: 1, 128>}, {pipeline_mode = #tpu.pipeline_mode<synchronous>, transform_indices = @transform_4, window_bounds = array<i64: 1792, 128>}]} {
    %get3A = arith.constant 0 : index
    %get3A_0 = arith.constant 0 : index
    %get3A_1 = vector.load %arg1[%get3A, %get3A_0] : memref<1792x128xf32, #tpu.memory_space<vmem>>, vector<1792x128xf32>
    %mul3A = arith.constant 3.200000e+01 : f32
    %mul3A_2 = vector.broadcast %mul3A : f32 to vector<1792x128xf32>
    %mul3A_3 = arith.mulf %get3A_1, %mul3A_2 : vector<1792x128xf32>
    %get3A_4 = arith.constant 0 : index
    %get3A_5 = arith.constant 0 : index
    %get3A_6 = vector.load %arg2[%get3A_4, %get3A_5] : memref<1792x128xf32, #tpu.memory_space<vmem>>, vector<1792x128xf32>
    %concatenate3A = tpu.concatenate %mul3A_3, %get3A_6 in 1 : vector<1792x128xf32>, vector<1792x128xf32> -> vector<1792x256xf32>
    %get3A_7 = arith.constant 0 : index
    %get3A_8 = arith.constant 0 : index
    %get3A_9 = vector.load %arg3[%get3A_7, %get3A_8] : memref<256x128xf32, #tpu.memory_space<vmem>>, vector<256x128xf32>
    %dot_general3A = arith.constant dense<0.000000e+00> : vector<1792x128xf32>
    %dot_general3A_10 = tpu.matmul %concatenate3A, %get3A_9, %dot_general3A {dimension_numbers = #tpu.dot_dimension_numbers<[1], [0], [0], [1], [0, 0, 1, 1], [], []>, transpose_lhs_hint = false} : vector<1792x256xf32>, vector<256x128xf32>, vector<1792x128xf32> -> vector<1792x128xf32>
    %get3A_11 = arith.constant 0 : index
    %get3A_12 = arith.constant 0 : index
    %get3A_13 = vector.load %arg4[%get3A_11, %get3A_12] : memref<1x128xf32, #tpu.memory_space<vmem>>, vector<1x128xf32>
    %mul3A_14 = arith.constant 3.200000e+01 : f32
    %mul3A_15 = vector.broadcast %mul3A_14 : f32 to vector<1x128xf32>
    %mul3A_16 = arith.mulf %mul3A_15, %get3A_13 : vector<1x128xf32>
    %add3A = vector.broadcast %mul3A_16 : vector<1x128xf32> to vector<1792x128xf32>
    %add3A_17 = arith.addf %dot_general3A_10, %add3A : vector<1792x128xf32>
    %swap3A = arith.constant 0 : index
    %swap3A_18 = arith.constant 0 : index
    %swap3A_19 = vector.load %arg5[%swap3A, %swap3A_18] : memref<1792x128xf32, #tpu.memory_space<vmem>>, vector<1792x128xf32>
    tpu.vector_store %arg5[%swap3A, %swap3A_18], %add3A_17 {strides = array<i32>} : memref<1792x128xf32, #tpu.memory_space<vmem>>, vector<1792x128xf32>,
    return
  }
  func.func @transform_0(%arg0: i32) -> (i32, i32) {
    %c0_i32 = arith.constant 0 : i32
    %c0_i32_0 = arith.constant 0 : i32
    %c0_i32_1 = arith.constant 0 : i32
    return %c0_i32, %c0_i32_0 : i32, i32
  }
  func.func @transform_1(%arg0: i32) -> (i32, i32) {
    %c0_i32 = arith.constant 0 : i32
    %c0_i32_0 = arith.constant 0 : i32
    %c0_i32_1 = arith.constant 0 : i32
    return %c0_i32, %c0_i32_0 : i32, i32
  }
  func.func @transform_2(%arg0: i32) -> (i32, i32) {
    %c0_i32 = arith.constant 0 : i32
    %c0_i32_0 = arith.constant 0 : i32
    %c0_i32_1 = arith.constant 0 : i32
    return %c0_i32, %c0_i32_0 : i32, i32
  }
  func.func @transform_3(%arg0: i32) -> (i32, i32) {
    %c0_i32 = arith.constant 0 : i32
    %c0_i32_0 = arith.constant 0 : i32
    %c0_i32_1 = arith.constant 0 : i32
    return %c0_i32, %c0_i32_0 : i32, i32
  }
  func.func @transform_4(%arg0: i32) -> (i32, i32) {
    %c0_i32 = arith.constant 0 : i32
    %c0_i32_0 = arith.constant 0 : i32
    %c0_i32_1 = arith.constant 0 : i32
    return %c0_i32, %c0_i32_0 : i32, i32
  }
}

module attributes {stable_mosaic.version = 14 : i64} {
  func.func @_tc_agg_kernel(%arg0: i32, %arg1: memref<432x128xf32, #tpu.memory_space<vmem>>, %arg2: memref<32x432x128xf32, #tpu.memory_space<vmem>>, %arg3: memref<256x128xf32, #tpu.memory_space<vmem>>, %arg4: memref<1x128xf32, #tpu.memory_space<vmem>>, %arg5: memref<432x128xf32, #tpu.memory_space<vmem>>) attributes {dimension_semantics = [#tpu.dimension_semantics<arbitrary>], iteration_bounds = array<i64: 19>, scalar_prefetch = 0 : i64, scratch_operands = 0 : i64, tpu.core_type = #tpu.core_type<tc>, window_params = [{transform_indices = @transform_0, window_bounds = array<i64: 432, 128>}, {transform_indices = @transform_1, window_bounds = array<i64: 32, 432, 128>}, {pipeline_mode = #tpu.pipeline_mode<synchronous>, transform_indices = @transform_2, window_bounds = array<i64: 256, 128>}, {pipeline_mode = #tpu.pipeline_mode<synchronous>, transform_indices = @transform_3, window_bounds = array<i64: 1, 128>}, {transform_indices = @transform_4, window_bounds = array<i64: 432, 128>}]} {
    %get3A = arith.constant 0 : index
    %get3A_0 = arith.constant 0 : index
    %get3A_1 = arith.constant 0 : index
    %get3A_2 = vector.load %arg2[%get3A, %get3A_0, %get3A_1] : memref<32x432x128xf32, #tpu.memory_space<vmem>>, vector<32x432x128xf32>
    %reduce_sum3A = arith.constant dense<0.000000e+00> : vector<432x128xf32>
    %reduce_sum3A_3 = vector.multi_reduction <add>, %get3A_2, %reduce_sum3A [0] : vector<32x432x128xf32> to vector<432x128xf32>
    %get3A_4 = arith.constant 0 : index
    %get3A_5 = arith.constant 0 : index
    %get3A_6 = vector.load %arg1[%get3A_4, %get3A_5] : memref<432x128xf32, #tpu.memory_space<vmem>>, vector<432x128xf32>
    %mul3A = arith.constant 3.200000e+01 : f32
    %mul3A_7 = vector.broadcast %mul3A : f32 to vector<432x128xf32>
    %mul3A_8 = arith.mulf %get3A_6, %mul3A_7 : vector<432x128xf32>
    %concatenate3A = tpu.concatenate %mul3A_8, %reduce_sum3A_3 in 1 : vector<432x128xf32>, vector<432x128xf32> -> vector<432x256xf32>
    %get3A_9 = arith.constant 0 : index
    %get3A_10 = arith.constant 0 : index
    %get3A_11 = vector.load %arg3[%get3A_9, %get3A_10] : memref<256x128xf32, #tpu.memory_space<vmem>>, vector<256x128xf32>
    %dot_general3A = arith.constant dense<0.000000e+00> : vector<432x128xf32>
    %dot_general3A_12 = tpu.matmul %concatenate3A, %get3A_11, %dot_general3A {dimension_numbers = #tpu.dot_dimension_numbers<[1], [0], [0], [1], [0, 0, 1, 1], [], []>, transpose_lhs_hint = false} : vector<432x256xf32>, vector<256x128xf32>, vector<432x128xf32> -> vector<432x128xf32>
    %get3A_13 = arith.constant 0 : index
    %get3A_14 = arith.constant 0 : index
    %get3A_15 = vector.load %arg4[%get3A_13, %get3A_14] : memref<1x128xf32, #tpu.memory_space<vmem>>, vector<1x128xf32>
    %mul3A_16 = arith.constant 3.200000e+01 : f32
    %mul3A_17 = vector.broadcast %mul3A_16 : f32 to vector<1x128xf32>
    %mul3A_18 = arith.mulf %mul3A_17, %get3A_15 : vector<1x128xf32>
    %add3A = vector.broadcast %mul3A_18 : vector<1x128xf32> to vector<432x128xf32>
    %add3A_19 = arith.addf %dot_general3A_12, %add3A : vector<432x128xf32>
    %swap3A = arith.constant 0 : index
    %swap3A_20 = arith.constant 0 : index
    %swap3A_21 = vector.load %arg5[%swap3A, %swap3A_20] : memref<432x128xf32, #tpu.memory_space<vmem>>, vector<432x128xf32>
    tpu.vector_store %arg5[%swap3A, %swap3A_20], %add3A_19 {strides = array<i32>} : memref<432x128xf32, #tpu.memory_space<vmem>>, vector<432x128xf32>,
    return
  }
  func.func @transform_0(%arg0: i32) -> (i32, i32) {
    %c0_i32 = arith.constant 0 : i32
    %c0_i32_0 = arith.constant 0 : i32
    return %arg0, %c0_i32 : i32, i32
  }
  func.func @transform_1(%arg0: i32) -> (i32, i32, i32) {
    %c0_i32 = arith.constant 0 : i32
    %c0_i32_0 = arith.constant 0 : i32
    %c0_i32_1 = arith.constant 0 : i32
    return %c0_i32, %arg0, %c0_i32_0 : i32, i32, i32
  }
  func.func @transform_2(%arg0: i32) -> (i32, i32) {
    %c0_i32 = arith.constant 0 : i32
    %c0_i32_0 = arith.constant 0 : i32
    %c0_i32_1 = arith.constant 0 : i32
    return %c0_i32, %c0_i32_0 : i32, i32
  }
  func.func @transform_3(%arg0: i32) -> (i32, i32) {
    %c0_i32 = arith.constant 0 : i32
    %c0_i32_0 = arith.constant 0 : i32
    %c0_i32_1 = arith.constant 0 : i32
    return %c0_i32, %c0_i32_0 : i32, i32
  }
  func.func @transform_4(%arg0: i32) -> (i32, i32) {
    %c0_i32 = arith.constant 0 : i32
    %c0_i32_0 = arith.constant 0 : i32
    return %arg0, %c0_i32 : i32, i32
  }
}

</mosaic_0001>

<sc_bundles>
// kernel: kernel.5.cloned.1.call-start
scs
__scs_entry_jumppad:
0x0: {  	(pc) =	sbr.rel $0x88, $3  }
0x1: {  	(tag) =	ssettag $0x0;
	lr =	simm.s32 $0x1  }
0x2: {  	[smem:$0x3F9D] =	sst lr;
	_ =	strace $0xD0000000  }
0x3: {  	_ = 	snop  }
0x4: {  	_ = 	snop  }
0x5: {  	_ = 	snop  }
0x6: {  	_ = 	snop  }
0x7: {  	_ = 	snop  }
__scs_overlays_trampoline_lowered:
0x8: {  	[smem:$0x3FAC] =	sst s0  }
0x9: {  	[smem:$0x3FAD] =	sst s1  }
0xa: {  	[smem:$0x3FAE] =	sst s2  }
0xb: {  	[smem:$0x3FAF] =	sst s3  }
0xc: {  	[smem:$0x3FB0] =	sst s4  }
0xd: {  	[smem:$0x3FB1] =	sst s5  }
0xe: {  	[smem:$0x3FB2] =	sst s6  }
0xf: {  	[smem:$0x3FB3] =	sst s7  }
0x10: {  	[smem:$0x3FB4] =	sst s8  }
0x11: {  	[smem:$0x3FB5] =	sst s9;
	s0 =	simm.s32 @!p0 $0x0  }
0x12: {  	s1 =	sld [smem:$0x3F9B];
	s0 =	simm.s32 @p0 $0x1  }
0x13: {  	[smem:$0x3FB6] =	sst s0;
	s0 =	simm.s32 @!p1 $0x0  }
0x14: {  	s2 =	sld [smem:$0x3F9A];
	s0 =	simm.s32 @p1 $0x1  }
0x15: {  	[smem:$0x3FB7] =	sst s0;
	s0 =	simm.s32 @!p2 $0x0  }
0x16: {  	s3 =	sld [smem:$0x3FDB];
	s0 =	simm.s32 @p2 $0x1  }
0x17: {  	s4 =	simm.s32 $0x1BF5;
	[smem:$0x3FB9] =	sst s0  }
0x18: {  	s0 =	sld [smem:$0x3F9C];
	_ =	swait.ge [sflag:s4], $0x0  }
0x19: {  	s7 =	sld [smem:$0x3F9D]  }
0x1a: {  	s8 =	sadd.s32 $0xFFFFE003, lr  }
0x1b: {  	s9 =	sadd.s32 $0xFFFFFEF7, lr;
	s5 =	simm.s32 $0xFFFFFFFF;
	p2 =	slt.u32 s8, $0xFFFFF086  }
0x1c: {  	p1 =	slt.u32 s9, $0xF7A;
	s5 =	simm.s32 @!p2 $0x0  }
0x1d: {  	s5 =	simm.s32 @p1 $0x1;
	p0 =	seq.s32 s7, s2  }
0x1e: {  	s7 =	smul.u32 @!p0 $0xF7A, s2;
	p2 =	seq.s32 @!p0 s5, $0x0  }
0x1f: {  	s9 =	smul.u32 $0xF7A, s1;
	s8 =	simm.s32 @!p0 $0x1BF5;
	p2 =	por !p2, p0  }
0x20: {  	[sflag:s8] =	ssyncset.s32 @!p0 $0xFFFFF086;
	s6 =	sadd.s32 @!p0 s3, s7;
	s7 =	simm.s32 @!p0 $0x108  }
0x21: {  	s3 =	sadd.s32 s3, s9;
	s6 =	sadd.s32 @!p0 $0x88, s6;
	s7 =	simm.s32 @p2 $0x1082  }
0x22: {  	[simem:s7], [sflag:s8] =	dma.local @!p0 [hbm:s6], $0xF7A  }
0x23: {  	s9 =	sor.u32 $0xD0000000, s2;
	s6 =	simm.s32 $0x108;
	_ =	swait.ge @!p0 [sflag:s8], $0x0  }
0x24: {  	s3 =	sadd.s32 $0x88, s3;
	s6 =	simm.s32 @!p1 $0x1082;
	[sflag:s4] =	ssyncset.s32 $0xFFFFF086  }
0x25: {  	[simem:s6], [sflag:s4] =	dma.local [hbm:s3], $0xF7A  }
0x26: {  	[smem:$0x3F9D] =	sst s1;
	(tag) =	ssettag s2;
	_ =	strace s9  }
0x27: {  	s1 =	sld [smem:$0x3FAD]  }
0x28: {  	s2 =	sld [smem:$0x3FAE]  }
0x29: {  	s4 =	sld [smem:$0x3FB0]  }
0x2a: {  	p0 =	seq.s32 s5, $0x0;
	s5 =	sld [smem:$0x3FB1]  }
0x2b: {  	s6 =	sld [smem:$0x3FB2]  }
0x2c: {  	s7 =	sld [smem:$0x3FB3]  }
0x2d: {  	s3 =	simm.s32 $0x108;
	s8 =	sld [smem:$0x3FB4]  }
0x2e: {  	s3 =	simm.s32 @!p0 $0x1082;
	s9 =	sld [smem:$0x3FB5]  }
0x2f: {  	lr =	sadd.s32 s0, s3;
	s0 =	sld [smem:$0x3FAC]  }
0x30: {  	s3 =	sld [smem:$0x3FAF]  }
0x31: {  	[smem:$0x3FB8] =	sst s10  }
0x32: {  	s10 =	sld [smem:$0x3FB6];
	_ =	sdelay $0x3  }
0x33: {  	p0 =	seq.s32 s10, $0x1;
	s10 =	sld [smem:$0x3FB8];
	_ =	sdelay $0x3  }
0x34: {  	[smem:$0x3FB8] =	sst s10  }
0x35: {  	s10 =	sld [smem:$0x3FB7];
	_ =	sdelay $0x3  }
0x36: {  	p1 =	seq.s32 s10, $0x1;
	s10 =	sld [smem:$0x3FB8];
	_ =	sdelay $0x3  }
0x37: {  	[smem:$0x3FB8] =	sst s10  }
0x38: {  	s10 =	sld [smem:$0x3FB9]  }
0x39: {  	_ = 	snop;
	(pc) =	sbr.ind lr, $3  }
0x3a: {  	_ = 	snop  }
0x3b: {  	_ = 	snop  }
0x3c: {  	p2 =	seq.s32 s10, $0x1;
	s10 =	sld [smem:$0x3FB8]  }
0x3d: {  	_ =	shalt  }
0x3e: {  	_ =	shalt  }
0x3f: {  	_ =	shalt  }
0x40: {  	_ =	shalt  }
0x41: {  	_ =	shalt  }
0x42: {  	_ =	shalt  }
0x43: {  	_ =	shalt  }
0x44: {  	_ =	shalt  }
0x45: {  	_ =	shalt  }
0x46: {  	_ =	shalt  }
0x47: {  	_ =	shalt  }
0x48: {  	_ =	shalt  }
0x49: {  	_ =	shalt  }
0x4a: {  	_ =	shalt  }
0x4b: {  	_ =	shalt  }
0x4c: {  	_ =	shalt  }
0x4d: {  	_ =	shalt  }
0x4e: {  	_ =	shalt  }
0x4f: {  	_ =	shalt  }
0x50: {  	_ =	shalt  }
0x51: {  	_ =	shalt  }
0x52: {  	_ =	shalt  }
0x53: {  	_ =	shalt  }
0x54: {  	_ =	shalt  }
0x55: {  	_ =	shalt  }
0x56: {  	_ =	shalt  }
0x57: {  	_ =	shalt  }
0x58: {  	_ =	shalt  }
0x59: {  	_ =	shalt  }
0x5a: {  	_ =	shalt  }
0x5b: {  	_ =	shalt  }
0x5c: {  	_ =	shalt  }
0x5d: {  	_ =	shalt  }
0x5e: {  	_ =	shalt  }
0x5f: {  	_ =	shalt  }
0x60: {  	_ =	shalt  }
0x61: {  	_ =	shalt  }
0x62: {  	_ =	shalt  }
0x63: {  	_ =	shalt  }
0x64: {  	_ =	shalt  }
0x65: {  	_ =	shalt  }
0x66: {  	_ =	shalt  }
0x67: {  	_ =	shalt  }
0x68: {  	_ =	shalt  }
0x69: {  	_ =	shalt  }
0x6a: {  	_ =	shalt  }
0x6b: {  	_ =	shalt  }
0x6c: {  	_ =	shalt  }
0x6d: {  	_ =	shalt  }
0x6e: {  	_ =	shalt  }
0x6f: {  	_ =	shalt  }
0x70: {  	_ =	shalt  }
0x71: {  	_ =	shalt  }
0x72: {  	_ =	shalt  }
0x73: {  	_ =	shalt  }
0x74: {  	_ =	shalt  }
0x75: {  	_ =	shalt  }
0x76: {  	_ =	shalt  }
0x77: {  	_ =	shalt  }
0x78: {  	_ =	shalt  }
0x79: {  	_ =	shalt  }
0x7a: {  	_ =	shalt  }
0x7b: {  	_ =	shalt  }
0x7c: {  	_ =	shalt  }
0x7d: {  	_ =	shalt  }
0x7e: {  	_ =	shalt  }
0x7f: {  	_ =	shalt  }
0x80: {  	_ =	shalt  }
0x81: {  	_ =	shalt  }
0x82: {  	_ =	shalt  }
0x83: {  	_ =	shalt  }
0x84: {  	_ =	shalt  }
0x85: {  	_ =	shalt  }
0x86: {  	_ =	shalt  }
0x87: {  	_ =	shalt  }
.Lfunc_end0:
.L_simem_size_0:
called_computation_lowered:
.L_overlay_start_0:
0x88: {  	s2 =	sld [smem:$0x3FD9]  }
0x89: {  	s3 =	sld [smem:$0x3FFE];
	_ =	sdelay $0x1  }
0x8a: {  	s1 =	srdreg.scid  }
0x8b: {  	s0 =	sand.u32 $0x1, s1  }
0x8c: {  	s18 =	sshll.u32 s0, $0xA;
	s2 =	sadd.s32 s3, s2  }
0x8d: {  	s2 =	sadd.s32 s2, s18  }
0x8e: {  	[smem:$0x3FC4] =	sst s2  }
0x8f: {  	_ = 	snop  }
0x90: {  	s2 =	sld [smem:$0x3FC8]  }
0x91: {  	s19 =	sld [smem:$0x3FD0];
	(tm) =	ssettm $0x1  }
0x92: {  	s4 =	sld [smem:$0x3FFB];
	_ =	sdelay $0x3  }
0x93: {  	_ =	strace s4  }
0x94: {  	s4 =	sld [smem:$0x3FFC];
	_ =	sdelay $0x3  }
0x95: {  	_ =	strace s4  }
0x96: {  	s4 =	sld [smem:$0x3FFD];
	_ =	sdelay $0x3  }
0x97: {  	_ =	strace s4  }
0x98: {  	_ =	strace $0x8FFFFFFF  }
0x99: {  	s20 =	sld [smem:$0x3FDB];
	_ =	sdelay $0x1  }
0x9a: {  	s5 =	simm.s32 $_scs_section_size  }
0x9b: {  	s6 =	simm.s32 $_size__tile_overlayer_lowered;
	s7 =	simm.s32 $_tile_overlayer_lowered  }
0x9c: {  	s23 =	simm.s32 $0x1BFF;
	s22 =	sshll.u32 s7, $0x1;
	s4 =	sadd.s32 s5, s20  }
0x9d: {  	s8 =	simm.s32 $0x0;
	s21 =	sshll.u32 s6, $0x1;
	s6 =	sadd.s32 s22, s4  }
0x9e: {  	[timem:s8], [sflag:s23] =	dma.local [hbm:s6], s21  }
0x9f: {  	_ =	swait.ge [sflag:s23], s21  }
0xa0: {  	s5 =	ssub.s32 $0x0, s21;
	[sflag:s23] =	ssyncset.done $0x0  }
0xa1: {  	[sflag:s23] =	ssyncadd.s32 s5;
	_ =	sdelay $0x1  }
0xa2: {  	s24 =	simm.s32 $0x1B8B  }
0xa3: {  	_ =	swait.ge [sflag:s24], $0x1  }
0xa4: {  	[sflag:s24] =	ssyncset.done $0x0  }
0xa5: {  	s25 =	simm.s32 $0x1B8E;
	[sflag:s24] =	ssyncadd.s32 $0xFFFFFFFF  }
0xa6: {  	s26 =	simm.s32 $execute0_lowered;
	[smem:$0x3FD2] =	sst s25  }
0xa7: {  	s5 =	sshll.u32 s26, $0x1;
	_ =	strace $0x80000046;
	[dreg:$0x1] =	wrdreg $0xFFFFFFFF  }
0xa8: {  	s28 =	simm.s32 $_size_execute0_lowered;
	s4 =	sadd.s32 s4, s5;
	[dreg:$0x0] =	wrdreg $0x0  }
0xa9: {  	s5 =	sshll.u32 s28, $0x1;
	[dreg:$0x2] =	wrdreg s4  }
0xaa: {  	[dreg:$0x3] =	wrdreg s5  }
0xab: {  	[dreg:$0x4] =	wrdreg $0xC0  }
0xac: {  	_ =	task [dreg:s8], $0x5FFFF  }
0xad: {  	[dreg:$0x1] =	wrdreg $0xFFFFFFFF  }
0xae: {  	[dreg:$0x0] =	wrdreg $0x60  }
0xaf: {  	[dreg:$0x2] =	wrdreg s2  }
0xb0: {  	[dreg:$0x3] =	wrdreg s19  }
0xb1: {  	[dreg:$0x4] =	wrdreg $0x9  }
0xb2: {  	_ =	task.clear_ibuf [dreg:s8], $0x5FFFF;
	_ =	strace $0x90000046  }
0xb3: {  	s29 =	simm.s32 $0x9;
	_ =	strace $0x80000048  }
0xb4: {  	_ =	swait.ge [sflag:s29], $0x1  }
0xb5: {  	[sflag:s29] =	ssyncadd.s32 $0xFFFFFFFF  }
0xb6: {  	_ =	strace $0x90000048  }
0xb7: {  	_ =	sfence  }
0xb8: {  	s30 =	sld [smem:$0x0];
	_ =	sdelay $0x2  }
0xb9: {  	s31 =	sshll.u32 s1, $0xD;
	s1 =	sshrl.u32 s1, $0x2  }
0xba: {  	s3 =	sand.u32 $0x4000, s31;
	s1 =	sadd.s32 s1, s30  }
0xbb: {  	s0 =	sor.u32 s3, s0;
	s1 =	sshll.u32 s1, $0x11  }
0xbc: {  	s0 =	sor.u32 s1, s0  }
0xbd: {  	s0 =	sadd.s32 $0x8F2B, s0  }
0xbe: {  	[sflag:s0] =	ssyncadd.remote.s32 $0x1  }
0xbf: {  	_ =	sfence.sel $0xFFFF  }
0xc0: {  	[dreg:$0x0] =	wrdreg $0xFFFFFFFF;
	(pc) =	sbr.abs _section_cstart, $3  }
0xc1: {  	[dreg:$0x1] =	wrdreg $0xFFFFFFFF  }
0xc2: {  	_ =	task.clear_ibuf [dreg:s8], $0x2FFFF;
	_ =	strace $0x9FFFFFFF  }
0xc3: {  	(tm) =	ssettm $0x7FFFFFFF  }
tec
execute0_lowered:
.L_overlay_start_1:
0x0: {  	(tag) =	ssettag $0x1  }
0x1: {  	s0 =	srdreg.scid;
	s1 =	stileid.u32  }
0x2: {  	s0 =	sand.u32 $0x1, s0;
	s1 =	sshll.u32 s1, $0x1  }
0x3: {  	s1 =	sor.u32 s0, s1  }
0x4: {  	s5 =	smul.u32 $0x1C00, s1;
	_ =	sdelay $0x1  }
0x5: {  	s3 =	rddreg [dreg:$0x0];
	s5 =	sshrl.u32 s5, $0x3  }
0x6: {  	s4 =	rddreg [dreg:$0x1];
	s2 =	simm.s32 $0x0;
	s5 =	sadd.s32 s3, s5  }
0x7: {  	[smem:$0x7FF] =	sst s2;
	s3 =	sadd.s32 $0x20100, s5  }
0x8: {  	_ =	strace $0x80000047;
	s25 =	sadd.s32 $0x47200, s5;
	[dreg:$0x3] =	wrdreg s3  }
0x9: {  	s26 =	sadd.s32 $0x6E300, s5;
	[dreg:$0x4] =	wrdreg s25  }
0xa: {  	s28 =	sadd.s32 $0x95400, s5;
	[dreg:$0x5] =	wrdreg s26  }
0xb: {  	s6 =	sadd.s32 $0xBC500, s5;
	[dreg:$0x6] =	wrdreg s28  }
0xc: {  	s7 =	sadd.s32 $0xE3600, s5;
	[dreg:$0x7] =	wrdreg s6  }
0xd: {  	s8 =	sadd.s32 $0x10A700, s5;
	[dreg:$0x8] =	wrdreg s7  }
0xe: {  	s9 =	sadd.s32 $0x131800, s5;
	[dreg:$0x9] =	wrdreg s8  }
0xf: {  	s10 =	sadd.s32 $0x158900, s5;
	[dreg:$0xa] =	wrdreg s9  }
0x10: {  	s11 =	sadd.s32 $0x17FA00, s5;
	[dreg:$0xb] =	wrdreg s10  }
0x11: {  	s12 =	sadd.s32 $0x1A6B00, s5;
	[dreg:$0xc] =	wrdreg s11  }
0x12: {  	s13 =	sadd.s32 $0x1CDC00, s5;
	[dreg:$0xd] =	wrdreg s12  }
0x13: {  	s14 =	sadd.s32 $0x1F4D00, s5;
	[dreg:$0xe] =	wrdreg s13  }
0x14: {  	s15 =	sadd.s32 $0x21BE00, s5;
	[dreg:$0xf] =	wrdreg s14  }
0x15: {  	s16 =	sadd.s32 $0x242F00, s5;
	[dreg:$0x10] =	wrdreg s15  }
0x16: {  	s17 =	sadd.s32 $0x291100, s5;
	[dreg:$0x11] =	wrdreg s16  }
0x17: {  	s18 =	sadd.s32 $0x2B8200, s5;
	[dreg:$0x12] =	wrdreg s17  }
0x18: {  	s1 =	smul.u32 $0x380, s1;
	s19 =	sadd.s32 $0x2DF300, s5;
	[dreg:$0x13] =	wrdreg s18  }
0x19: {  	s0 =	ssub.s32 $0x2, s0;
	s20 =	sadd.s32 $0x26A000, s5;
	[dreg:$0x14] =	wrdreg s19  }
0x1a: {  	s1 =	sadd.s32 s4, s1;
	s21 =	sadd.s32 $0x306400, s5;
	[dreg:$0x15] =	wrdreg s20  }
0x1b: {  	s22 =	sadd.s32 $0x32D500, s5;
	s23 =	sadd.s32 $0x354600, s5;
	[dreg:$0x16] =	wrdreg s21  }
0x1c: {  	s24 =	sadd.s32 $0x37B700, s5;
	s29 =	sadd.s32 $0x3F0A00, s5;
	[dreg:$0x17] =	wrdreg s22  }
0x1d: {  	s30 =	sadd.s32 $0x417B00, s5;
	s31 =	sadd.s32 $0x43EC00, s5;
	[dreg:$0x18] =	wrdreg s23  }
0x1e: {  	s4 =	sadd.s32 $0x4B3F00, s5;
	[dreg:$0x19] =	wrdreg s24;
	s25 =	sadd.s32 $0x3A2800, s5  }
0x1f: {  	s26 =	sshrl.u32 s0, $0x1;
	s6 =	sadd.s32 $0x3C9900, s5;
	s3 =	sadd.s32 $0x48CE00, s5  }
0x20: {  	s7 =	simm.s32 $0x1C00;
	s8 =	simm.s32 $0x3800;
	s9 =	simm.s32 $0x5400  }
0x21: {  	s10 =	simm.s32 $0x7000;
	s11 =	simm.s32 $0x8C00;
	s12 =	simm.s32 $0xA800  }
0x22: {  	s13 =	simm.s32 $0xC400;
	s14 =	simm.s32 $0xE000;
	s15 =	simm.s32 $0x1  }
0x23: {  	s16 =	simm.s32 $0x2;
	s17 =	simm.s32 $0x3;
	s18 =	simm.s32 $0x4  }
0x24: {  	s19 =	simm.s32 $0x5;
	s20 =	simm.s32 $0x6;
	s21 =	simm.s32 $0x7  }
0x25: {  	s22 =	simm.s32 $0x8;
	s23 =	simm.s32 $0x9;
	[dreg:$0x1a] =	wrdreg s25  }
0x26: {  	s24 =	simm.s32 $0x0;
	[dreg:$0x1b] =	wrdreg s6;
	s28 =	ssub.s32 s0, s26  }
0x27: {  	s0 =	sadd.s32 $0x465D00, s5;
	s5 =	sadd.s32 $0x4DB000, s5;
	s6 =	smax.u32 s28, $0x1  }
.LBB2_1:
0x28: {  	s25 =	rddreg [dreg:$0x3]  }
0x29: {  	[tilespmem:s7], [sflag:$0x1] =	stream.linear.gather [hbm4b:s25+s2], $0x1C00, $0x38;
	[tilespmem:$0xFC00] =	vst v63  }
0x2a: {  	s26 =	rddreg [dreg:$0x4]  }
0x2b: {  	[tilespmem:s8], [sflag:$0x2] =	stream.linear.gather [hbm4b:s26+s2], $0x1C00, $0x38;
	[tilespmem:$0xFC00] =	vst v63  }
0x2c: {  	s26 =	rddreg [dreg:$0x5]  }
0x2d: {  	[tilespmem:s9], [sflag:$0x3] =	stream.linear.gather [hbm4b:s26+s2], $0x1C00, $0x38;
	[tilespmem:$0xFC00] =	vst v63  }
0x2e: {  	s26 =	rddreg [dreg:$0x6]  }
0x2f: {  	[tilespmem:s10], [sflag:$0x4] =	stream.linear.gather [hbm4b:s26+s2], $0x1C00, $0x38;
	[tilespmem:$0xFC00] =	vst v63  }
0x30: {  	s26 =	rddreg [dreg:$0x7]  }
0x31: {  	[tilespmem:s11], [sflag:$0x5] =	stream.linear.gather [hbm4b:s26+s2], $0x1C00, $0x38;
	[tilespmem:$0xFC00] =	vst v63  }
0x32: {  	s26 =	rddreg [dreg:$0x8]  }
0x33: {  	[tilespmem:s12], [sflag:$0x6] =	stream.linear.gather [hbm4b:s26+s2], $0x1C00, $0x38;
	[tilespmem:$0xFC00] =	vst v63  }
0x34: {  	s26 =	rddreg [dreg:$0x9]  }
0x35: {  	[tilespmem:s13], [sflag:$0x7] =	stream.linear.gather [hbm4b:s26+s2], $0x1C00, $0x38;
	[tilespmem:$0xFC00] =	vst v63  }
0x36: {  	s26 =	rddreg [dreg:$0xa]  }
0x37: {  	[tilespmem:s14], [sflag:$0x8] =	stream.linear.gather [hbm4b:s26+s2], $0x1C00, $0x38;
	[tilespmem:$0xFC00] =	vst v63  }
0x38: {  	_ =	swait.ge [sflag:s15], $0x1C00  }
0x39: {  	[sflag:s15] =	ssyncset.done $0x0  }
0x3a: {  	[sflag:s15] =	ssyncadd.s32 $0xFFFFE400  }
0x3b: {  	_ =	swait.ge [sflag:s16], $0x1C00  }
0x3c: {  	[sflag:s16] =	ssyncset.done $0x0  }
0x3d: {  	[sflag:s16] =	ssyncadd.s32 $0xFFFFE400  }
0x3e: {  	_ =	swait.ge [sflag:s17], $0x1C00  }
0x3f: {  	[sflag:s17] =	ssyncset.done $0x0  }
0x40: {  	[sflag:s17] =	ssyncadd.s32 $0xFFFFE400  }
0x41: {  	_ =	swait.ge [sflag:s18], $0x1C00  }
0x42: {  	[sflag:s18] =	ssyncset.done $0x0  }
0x43: {  	s25 =	simm.s32 $0x0;
	[sflag:s18] =	ssyncadd.s32 $0xFFFFE400  }
0x44: {  	v0 =	vld [tilespmem:s25+$0x1C70]  }
0x45: {  	v1 =	vld [tilespmem:s25+$0x3870]  }
0x46: {  	v2 =	vld [tilespmem:s25+$0x5470]  }
0x47: {  	v3 =	vld [tilespmem:s25+$0x7070]  }
0x48: {  	v4 =	vld [tilespmem:s25+$0x1C00]  }
0x49: {  	v5 =	vld [tilespmem:s25+$0x3800]  }
0x4a: {  	v6 =	vld [tilespmem:s25+$0x5400]  }
0x4b: {  	v7 =	vld [tilespmem:s25+$0x7000]  }
0x4c: {  	v8 =	vld [tilespmem:s25+$0x1C10]  }
0x4d: {  	v0 =	vadd.f32 v1, v0;
	v1 =	vadd.f32 v3, v2;
	v2 =	vld [tilespmem:s25+$0x3810]  }
0x4e: {  	v3 =	vld [tilespmem:s25+$0x5410]  }
0x4f: {  	v0 =	vadd.f32 v1, v0;
	v1 =	vld [tilespmem:s25+$0x7010]  }
0x50: {  	v9 =	vld [tilespmem:s25+$0x1C20];
	v4 =	vadd.f32 v5, v4;
	v5 =	vadd.f32 v7, v6  }
0x51: {  	v6 =	vld [tilespmem:s25+$0x7020]  }
0x52: {  	v4 =	vadd.f32 v5, v4;
	v5 =	vld [tilespmem:s25+$0x5420]  }
0x53: {  	[tilespmem:s25+$0x70] =	vst v0;
	v0 =	vld [tilespmem:s25+$0x3820]  }
0x54: {  	v7 =	vld [tilespmem:s25+$0x7030];
	v2 =	vadd.f32 v2, v8;
	v1 =	vadd.f32 v1, v3  }
0x55: {  	[tilespmem:s25+$0x0] =	vst v4;
	v4 =	vld [tilespmem:s25+$0x3830]  }
0x56: {  	v3 =	vld [tilespmem:s25+$0x1C30];
	v1 =	vadd.f32 v1, v2  }
0x57: {  	v2 =	vld [tilespmem:s25+$0x5430]  }
0x58: {  	v8 =	vld [tilespmem:s25+$0x7040];
	v0 =	vadd.f32 v0, v9;
	[tilespmem:s25+$0x10] =	vst v1;
	v1 =	vadd.f32 v6, v5  }
0x59: {  	v5 =	vld [tilespmem:s25+$0x1C40]  }
0x5a: {  	v6 =	vld [tilespmem:s25+$0x3840];
	v0 =	vadd.f32 v1, v0  }
0x5b: {  	v1 =	vld [tilespmem:s25+$0x5440]  }
0x5c: {  	v63 =	vld [tilespmem:s25+$0x7050];
	v2 =	vadd.f32 v7, v2;
	[tilespmem:s25+$0x20] =	vst v0;
	v0 =	vadd.f32 v4, v3  }
0x5d: {  	v7 =	vld [tilespmem:s25+$0x3850]  }
0x5e: {  	v3 =	vld [tilespmem:s25+$0x1C50];
	v0 =	vadd.f32 v2, v0  }
0x5f: {  	v2 =	vld [tilespmem:s25+$0x5450]  }
0x60: {  	v10 =	vld [tilespmem:s25+$0x1C60];
	v4 =	vadd.f32 v8, v1;
	[tilespmem:s25+$0x30] =	vst v0;
	v0 =	vadd.f32 v6, v5  }
0x61: {  	v5 =	vld [tilespmem:s25+$0x3860]  }
0x62: {  	v1 =	vld [tilespmem:s25+$0x5460];
	v6 =	vadd.f32 v4, v0  }
0x63: {  	s26 =	simm.s32 $0x80;
	v4 =	vld [tilespmem:s25+$0x7060]  }
0x64: {  	v7 =	vadd.f32 v7, v3;
	v0 =	vld [tilespmem:s26+$0x1C70];
	[tilespmem:s25+$0x40] =	vst v6;
	v6 =	vadd.f32 v63, v2  }
0x65: {  	v2 =	vld [tilespmem:s26+$0x3870]  }
0x66: {  	s28 =	simm.s32 $0x400;
	v3 =	vld [tilespmem:s26+$0x5470];
	v5 =	vadd.f32 v5, v10;
	v6 =	vadd.f32 v6, v7  }
.LBB2_2:
0x67: {  	p0 =	sne.s32 s28, $0x6E00;
	v7 =	vld [tilespmem:s26+$0x7070]  }
0x68: {  	v8 =	vld [tilespmem:s26+$0x1C00];
	[tilespmem:s25+$0x50] =	vst v6;
	v1 =	vadd.f32 v4, v1  }
0x69: {  	v4 =	vld [tilespmem:s26+$0x3800]  }
0x6a: {  	v6 =	vld [tilespmem:s26+$0x5400];
	v1 =	vadd.f32 v1, v5  }
0x6b: {  	v5 =	vld [tilespmem:s26+$0x7000]  }
0x6c: {  	v0 =	vadd.f32 v2, v0;
	v9 =	vld [tilespmem:s26+$0x1C10];
	v2 =	vadd.f32 v7, v3;
	[tilespmem:s25+$0x60] =	vst v1;
	s25 =	smov.u32 s26  }
0x6d: {  	v1 =	vld [tilespmem:s25+$0x3810]  }
0x6e: {  	v3 =	vadd.f32 v4, v8;
	v4 =	vld [tilespmem:s25+$0x5410];
	v0 =	vadd.f32 v2, v0  }
0x6f: {  	v2 =	vld [tilespmem:s25+$0x7010]  }
0x70: {  	v5 =	vadd.f32 v5, v6;
	v6 =	vld [tilespmem:s25+$0x1C20];
	[tilespmem:s25+$0x70] =	vst v0  }
0x71: {  	v0 =	vld [tilespmem:s25+$0x3820]  }
0x72: {  	v3 =	vadd.f32 v5, v3;
	v1 =	vadd.f32 v1, v9;
	v5 =	vld [tilespmem:s25+$0x5420]  }
0x73: {  	v7 =	vld [tilespmem:s25+$0x7020]  }
0x74: {  	[tilespmem:s25+$0x0] =	vst v3;
	v2 =	vadd.f32 v2, v4;
	v3 =	vld [tilespmem:s25+$0x1C30]  }
0x75: {  	v4 =	vld [tilespmem:s25+$0x3830]  }
0x76: {  	v1 =	vadd.f32 v2, v1;
	v0 =	vadd.f32 v0, v6;
	v2 =	vld [tilespmem:s25+$0x5430]  }
0x77: {  	v6 =	vld [tilespmem:s25+$0x7030]  }
0x78: {  	[tilespmem:s25+$0x10] =	vst v1;
	v1 =	vadd.f32 v7, v5;
	v5 =	vld [tilespmem:s25+$0x1C40]  }
0x79: {  	v7 =	vld [tilespmem:s25+$0x3840]  }
0x7a: {  	v0 =	vadd.f32 v1, v0;
	v1 =	vadd.f32 v4, v3;
	v3 =	vld [tilespmem:s25+$0x5440]  }
0x7b: {  	v4 =	vld [tilespmem:s25+$0x7040]  }
0x7c: {  	[tilespmem:s25+$0x20] =	vst v0;
	v0 =	vadd.f32 v6, v2;
	v2 =	vld [tilespmem:s25+$0x1C50]  }
0x7d: {  	v6 =	vld [tilespmem:s25+$0x3850]  }
0x7e: {  	v0 =	vadd.f32 v0, v1;
	v1 =	vadd.f32 v7, v5;
	v5 =	vld [tilespmem:s25+$0x5450]  }
0x7f: {  	v7 =	vld [tilespmem:s25+$0x7050]  }
0x80: {  	[tilespmem:s25+$0x30] =	vst v0;
	v0 =	vadd.f32 v4, v3;
	v8 =	vld [tilespmem:s25+$0x1C60]  }
0x81: {  	v9 =	vld [tilespmem:s25+$0x3860]  }
.Ltmp0:
0x82: {  	v3 =	vadd.f32 v0, v1;
	v6 =	vadd.f32 v6, v2;
	v1 =	vld [tilespmem:s25+$0x5460];
	(pc) =	sbr.rel @p0 .LBB2_2-.Ltmp0, $4  }
0x83: {  	s26 =	sshra.s32 s28, $0x2;
	v4 =	vld [tilespmem:s25+$0x7060]  }
0x84: {  	v0 =	vld [tilespmem:s26+$0x1C70];
	[tilespmem:s25+$0x40] =	vst v3;
	v5 =	vadd.f32 v7, v5  }
0x85: {  	v2 =	vld [tilespmem:s26+$0x3870]  }
0x86: {  	s28 =	sadd.s32 $0x200, s28;
	v3 =	vld [tilespmem:s26+$0x5470];
	v6 =	vadd.f32 v5, v6;
	v5 =	vadd.f32 v9, v8  }
0x87: {  	v7 =	vld [tilespmem:s26+$0x7070]  }
0x88: {  	v8 =	vld [tilespmem:s26+$0x1C00];
	[tilespmem:s25+$0x50] =	vst v6;
	v1 =	vadd.f32 v4, v1  }
0x89: {  	v4 =	vld [tilespmem:s26+$0x3800]  }
0x8a: {  	v6 =	vld [tilespmem:s26+$0x5400];
	v1 =	vadd.f32 v1, v5  }
0x8b: {  	v9 =	vld [tilespmem:s26+$0x1C10]  }
0x8c: {  	v5 =	vld [tilespmem:s26+$0x7000];
	[tilespmem:s25+$0x60] =	vst v1  }
0x8d: {  	v0 =	vadd.f32 v2, v0;
	v2 =	vld [tilespmem:s26+$0x3810]  }
0x8e: {  	v1 =	vadd.f32 v7, v3;
	v3 =	vld [tilespmem:s26+$0x5410]  }
0x8f: {  	v7 =	vld [tilespmem:s26+$0x1C20]  }
0x90: {  	v10 =	vld [tilespmem:s26+$0x5460]  }
0x91: {  	v11 =	vld [tilespmem:s26+$0x7060]  }
0x92: {  	v0 =	vadd.f32 v1, v0;
	v1 =	vld [tilespmem:s26+$0x7010]  }
0x93: {  	v4 =	vadd.f32 v4, v8;
	v8 =	vld [tilespmem:s26+$0x7030]  }
0x94: {  	v5 =	vadd.f32 v5, v6;
	v6 =	vld [tilespmem:s26+$0x7020]  }
0x95: {  	[tilespmem:s26+$0x70] =	vst v0;
	v0 =	vld [tilespmem:s26+$0x3820]  }
0x96: {  	v4 =	vadd.f32 v5, v4;
	v5 =	vld [tilespmem:s26+$0x5420]  }
0x97: {  	v2 =	vadd.f32 v2, v9;
	v9 =	vld [tilespmem:s26+$0x3860];
	v1 =	vadd.f32 v1, v3  }
0x98: {  	v3 =	vld [tilespmem:s26+$0x1C30]  }
0x99: {  	[tilespmem:s26+$0x0] =	vst v4;
	v4 =	vld [tilespmem:s26+$0x3830];
	v1 =	vadd.f32 v1, v2  }
0x9a: {  	v2 =	vld [tilespmem:s26+$0x5430]  }
0x9b: {  	v0 =	vadd.f32 v0, v7;
	v7 =	vld [tilespmem:s26+$0x7040];
	[tilespmem:s26+$0x10] =	vst v1;
	v1 =	vadd.f32 v6, v5  }
0x9c: {  	v5 =	vld [tilespmem:s26+$0x1C40]  }
0x9d: {  	v6 =	vld [tilespmem:s26+$0x3840];
	v0 =	vadd.f32 v1, v0  }
0x9e: {  	v1 =	vld [tilespmem:s26+$0x5440]  }
0x9f: {  	v2 =	vadd.f32 v8, v2;
	v8 =	vld [tilespmem:s26+$0x7050];
	[tilespmem:s26+$0x20] =	vst v0;
	v0 =	vadd.f32 v4, v3  }
0xa0: {  	v3 =	vld [tilespmem:s26+$0x1C50]  }
0xa1: {  	v4 =	vld [tilespmem:s26+$0x3850];
	v0 =	vadd.f32 v2, v0  }
0xa2: {  	v2 =	vld [tilespmem:s26+$0x5450]  }
0xa3: {  	[tilespmem:s26+$0x30] =	vst v0;
	v0 =	vld [tilespmem:s26+$0x1C60]  }
0xa4: {  	v5 =	vadd.f32 v6, v5;
	v1 =	vadd.f32 v7, v1;
	_ =	sdelay $0x1  }
0xa5: {  	v1 =	vadd.f32 v1, v5  }
0xa6: {  	v3 =	vadd.f32 v4, v3;
	v2 =	vadd.f32 v8, v2  }
0xa7: {  	v4 =	vadd.f32 v11, v10;
	v0 =	vadd.f32 v9, v0  }
0xa8: {  	v2 =	vadd.f32 v2, v3  }
0xa9: {  	[tilespmem:s26+$0x40] =	vst v1;
	v0 =	vadd.f32 v4, v0  }
0xaa: {  	[tilespmem:s26+$0x50] =	vst v2  }
0xab: {  	s28 =	rddreg [dreg:$0xb];
	s25 =	simm.s32 $0x0;
	[tilespmem:s26+$0x60] =	vst v0  }
0xac: {  	[tilespmem:s7], [sflag:$0x1] =	stream.linear.gather [hbm4b:s28+s25], $0x1C00, $0x38;
	[tilespmem:$0xFC00] =	vst v63  }
0xad: {  	s28 =	rddreg [dreg:$0xc]  }
0xae: {  	[tilespmem:s8], [sflag:$0x2] =	stream.linear.gather [hbm4b:s28+s25], $0x1C00, $0x38;
	[tilespmem:$0xFC00] =	vst v63  }
0xaf: {  	s28 =	rddreg [dreg:$0xd]  }
0xb0: {  	[tilespmem:s9], [sflag:$0x3] =	stream.linear.gather [hbm4b:s28+s25], $0x1C00, $0x38;
	[tilespmem:$0xFC00] =	vst v63  }
0xb1: {  	s28 =	rddreg [dreg:$0xe]  }
0xb2: {  	[tilespmem:s10], [sflag:$0x4] =	stream.linear.gather [hbm4b:s28+s25], $0x1C00, $0x38;
	[tilespmem:$0xFC00] =	vst v63  }
0xb3: {  	_ =	swait.ge [sflag:s19], $0x1C00  }
0xb4: {  	[sflag:s19] =	ssyncset.done $0x0  }
0xb5: {  	[sflag:s19] =	ssyncadd.s32 $0xFFFFE400  }
0xb6: {  	_ =	swait.ge [sflag:s20], $0x1C00  }
0xb7: {  	[sflag:s20] =	ssyncset.done $0x0  }
0xb8: {  	[sflag:s20] =	ssyncadd.s32 $0xFFFFE400  }
0xb9: {  	_ =	swait.ge [sflag:s21], $0x1C00  }
0xba: {  	[sflag:s21] =	ssyncset.done $0x0  }
0xbb: {  	[sflag:s21] =	ssyncadd.s32 $0xFFFFE400  }
0xbc: {  	_ =	swait.ge [sflag:s22], $0x1C00  }
0xbd: {  	[sflag:s22] =	ssyncset.done $0x0  }
0xbe: {  	s25 =	simm.s32 $0x0;
	[sflag:s22] =	ssyncadd.s32 $0xFFFFE400  }
0xbf: {  	v0 =	vld [tilespmem:s25+$0x8C00]  }
0xc0: {  	v1 =	vld [tilespmem:s25+$0xA800]  }
0xc1: {  	v2 =	vld [tilespmem:s25+$0xC400]  }
0xc2: {  	v3 =	vld [tilespmem:s25+$0xE000]  }
0xc3: {  	v4 =	vld [tilespmem:s25+$0x8C10]  }
0xc4: {  	v5 =	vld [tilespmem:s25+$0xA810]  }
0xc5: {  	v6 =	vld [tilespmem:s25+$0xC410]  }
0xc6: {  	v8 =	vld [tilespmem:s25+$0xE010]  }
0xc7: {  	v9 =	vld [tilespmem:s25+$0x8C20]  }
0xc8: {  	v10 =	vld [tilespmem:s25+$0xA820]  }
0xc9: {  	v15 =	vld [tilespmem:s25+$0xC420]  }
0xca: {  	v17 =	vld [tilespmem:s25+$0xE020]  }
0xcb: {  	v18 =	vld [tilespmem:s25+$0x8C30]  }
0xcc: {  	v19 =	vld [tilespmem:s25+$0xA830]  }
0xcd: {  	v20 =	vld [tilespmem:s25+$0xC430]  }
0xce: {  	v21 =	vld [tilespmem:s25+$0xE030]  }
0xcf: {  	v22 =	vld [tilespmem:s25+$0x8C40]  }
0xd0: {  	v23 =	vld [tilespmem:s25+$0xA840]  }
0xd1: {  	v24 =	vld [tilespmem:s25+$0xC440]  }
0xd2: {  	v25 =	vld [tilespmem:s25+$0xE040]  }
0xd3: {  	v26 =	vld [tilespmem:s25+$0x8C50]  }
0xd4: {  	v27 =	vld [tilespmem:s25+$0xA850]  }
0xd5: {  	v28 =	vld [tilespmem:s25+$0xC450]  }
0xd6: {  	v29 =	vld [tilespmem:s25+$0xE050]  }
0xd7: {  	v30 =	vld [tilespmem:s25+$0x8C60]  }
0xd8: {  	v31 =	vld [tilespmem:s25+$0xA860]  }
0xd9: {  	v32 =	vld [tilespmem:s25+$0xC460]  }
0xda: {  	v33 =	vld [tilespmem:s25+$0xE060]  }
0xdb: {  	v12 =	vld [tilespmem:s25+$0x8C70];
	v11 =	vadd.f32 v1, v0;
	v14 =	vadd.f32 v3, v2  }
0xdc: {  	v16 =	vld [tilespmem:s25+$0xA870];
	v7 =	vadd.f32 v5, v4;
	v13 =	vadd.f32 v8, v6  }
0xdd: {  	v4 =	vadd.f32 v10, v9;
	v8 =	vadd.f32 v17, v15;
	v15 =	vld [tilespmem:s25+$0xC470]  }
0xde: {  	v5 =	vadd.f32 v19, v18;
	v9 =	vadd.f32 v21, v20;
	v18 =	vld [tilespmem:s25+$0xE070]  }
0xdf: {  	v20 =	vld [tilespmem:s25+$0x0];
	v6 =	vadd.f32 v23, v22;
	v10 =	vadd.f32 v25, v24  }
0xe0: {  	v19 =	vld [tilespmem:s25+$0x10];
	v1 =	vadd.f32 v27, v26;
	v3 =	vadd.f32 v29, v28  }
0xe1: {  	s26 =	simm.s32 $0x200;
	v17 =	vld [tilespmem:s25+$0x20];
	v0 =	vadd.f32 v31, v30;
	v2 =	vadd.f32 v33, v32  }
.LBB2_4:
0xe2: {  	p0 =	sne.s32 s26, $0x6E00;
	v11 =	vadd.f32 v14, v11;
	v14 =	vld [tilespmem:s25+$0x30];
	v12 =	vadd.f32 v16, v12  }
0xe3: {  	v7 =	vadd.f32 v13, v7;
	v13 =	vld [tilespmem:s25+$0x40];
	v15 =	vadd.f32 v18, v15  }
0xe4: {  	v4 =	vadd.f32 v8, v4;
	v11 =	vadd.f32 v11, v20;
	v8 =	vld [tilespmem:s25+$0x50]  }
0xe5: {  	v5 =	vadd.f32 v9, v5;
	v7 =	vadd.f32 v7, v19;
	v9 =	vld [tilespmem:s25+$0x60]  }
0xe6: {  	s28 =	sshra.s32 s26, $0x2;
	v6 =	vadd.f32 v10, v6;
	[tilespmem:s25+$0x0] =	vst v11;
	v4 =	vadd.f32 v4, v17;
	v10 =	vld [tilespmem:s25+$0x70]  }
0xe7: {  	v1 =	vadd.f32 v3, v1;
	v11 =	vld [tilespmem:s28+$0x8C00];
	[tilespmem:s25+$0x10] =	vst v7;
	v5 =	vadd.f32 v5, v14  }
0xe8: {  	v0 =	vadd.f32 v2, v0;
	v3 =	vld [tilespmem:s28+$0xA800];
	[tilespmem:s25+$0x20] =	vst v4;
	v4 =	vadd.f32 v6, v13  }
0xe9: {  	v2 =	vld [tilespmem:s28+$0xC400];
	[tilespmem:s25+$0x30] =	vst v5;
	v1 =	vadd.f32 v1, v8;
	v5 =	vadd.f32 v15, v12  }
0xea: {  	v6 =	vld [tilespmem:s28+$0xE000];
	[tilespmem:s25+$0x40] =	vst v4;
	v0 =	vadd.f32 v0, v9  }
0xeb: {  	v4 =	vld [tilespmem:s28+$0x8C10];
	[tilespmem:s25+$0x50] =	vst v1;
	v1 =	vadd.f32 v5, v10  }
0xec: {  	v5 =	vld [tilespmem:s28+$0xA810];
	[tilespmem:s25+$0x60] =	vst v0  }
0xed: {  	v0 =	vld [tilespmem:s28+$0xC410];
	[tilespmem:s25+$0x70] =	vst v1;
	s25 =	smov.u32 s28  }
0xee: {  	v1 =	vld [tilespmem:s25+$0xE010]  }
0xef: {  	v8 =	vld [tilespmem:s25+$0x8C20]  }
0xf0: {  	v9 =	vld [tilespmem:s25+$0xA820]  }
0xf1: {  	v10 =	vld [tilespmem:s25+$0xC420]  }
0xf2: {  	v15 =	vld [tilespmem:s25+$0xE020]  }
0xf3: {  	v17 =	vld [tilespmem:s25+$0x8C30]  }
0xf4: {  	v18 =	vld [tilespmem:s25+$0xA830]  }
0xf5: {  	v19 =	vld [tilespmem:s25+$0xC430]  }
0xf6: {  	v20 =	vld [tilespmem:s25+$0xE030]  }
0xf7: {  	v21 =	vld [tilespmem:s25+$0x8C40]  }
0xf8: {  	v22 =	vld [tilespmem:s25+$0xA840]  }
0xf9: {  	v23 =	vld [tilespmem:s25+$0xC440]  }
0xfa: {  	v24 =	vld [tilespmem:s25+$0xE040]  }
0xfb: {  	v25 =	vld [tilespmem:s25+$0x8C50]  }
0xfc: {  	v26 =	vld [tilespmem:s25+$0xA850]  }
0xfd: {  	v27 =	vld [tilespmem:s25+$0xC450]  }
0xfe: {  	v28 =	vld [tilespmem:s25+$0xE050]  }
0xff: {  	v29 =	vld [tilespmem:s25+$0x8C60]  }
0x100: {  	v30 =	vld [tilespmem:s25+$0xA860]  }
0x101: {  	v31 =	vld [tilespmem:s25+$0xC460]  }
0x102: {  	v32 =	vld [tilespmem:s25+$0xE060]  }
0x103: {  	v11 =	vadd.f32 v3, v11;
	v14 =	vadd.f32 v6, v2;
	v12 =	vld [tilespmem:s25+$0x8C70]  }
0x104: {  	v7 =	vadd.f32 v5, v4;
	v13 =	vadd.f32 v1, v0;
	v16 =	vld [tilespmem:s25+$0xA870]  }
.Ltmp1:
0x105: {  	v4 =	vadd.f32 v9, v8;
	v8 =	vadd.f32 v15, v10;
	v15 =	vld [tilespmem:s25+$0xC470];
	(pc) =	sbr.rel @p0 .LBB2_4-.Ltmp1, $4  }
0x106: {  	v5 =	vadd.f32 v18, v17;
	v9 =	vadd.f32 v20, v19;
	v18 =	vld [tilespmem:s25+$0xE070]  }
0x107: {  	v6 =	vadd.f32 v22, v21;
	v10 =	vadd.f32 v24, v23;
	v20 =	vld [tilespmem:s25+$0x0]  }
0x108: {  	v1 =	vadd.f32 v26, v25;
	v3 =	vadd.f32 v28, v27;
	v19 =	vld [tilespmem:s25+$0x10]  }
0x109: {  	s26 =	sadd.s32 $0x200, s26;
	v0 =	vadd.f32 v30, v29;
	v2 =	vadd.f32 v32, v31;
	v17 =	vld [tilespmem:s25+$0x20]  }
0x10a: {  	v11 =	vadd.f32 v14, v11;
	v14 =	vld [tilespmem:s25+$0x30];
	v12 =	vadd.f32 v16, v12  }
0x10b: {  	v16 =	vld [tilespmem:s25+$0x40];
	v7 =	vadd.f32 v13, v7;
	v4 =	vadd.f32 v8, v4  }
0x10c: {  	v13 =	vld [tilespmem:s25+$0x50];
	v5 =	vadd.f32 v9, v5;
	v11 =	vadd.f32 v11, v20  }
0x10d: {  	v8 =	vld [tilespmem:s25+$0x60];
	v6 =	vadd.f32 v10, v6;
	v7 =	vadd.f32 v7, v19  }
0x10e: {  	v9 =	vld [tilespmem:s25+$0x70];
	v1 =	vadd.f32 v3, v1;
	[tilespmem:s25+$0x0] =	vst v11;
	v4 =	vadd.f32 v4, v17  }
0x10f: {  	v15 =	vadd.f32 v18, v15;
	[tilespmem:s25+$0x10] =	vst v7;
	v5 =	vadd.f32 v5, v14  }
0x110: {  	v0 =	vadd.f32 v2, v0;
	v3 =	vadd.f32 v6, v16;
	[tilespmem:s25+$0x20] =	vst v4  }
0x111: {  	v2 =	vadd.f32 v15, v12;
	v1 =	vadd.f32 v1, v13;
	[tilespmem:s25+$0x30] =	vst v5  }
0x112: {  	v0 =	vadd.f32 v0, v8;
	[tilespmem:s25+$0x40] =	vst v3  }
0x113: {  	[tilespmem:s25+$0x50] =	vst v1;
	v1 =	vadd.f32 v2, v9  }
0x114: {  	[tilespmem:s25+$0x60] =	vst v0  }
0x115: {  	s26 =	rddreg [dreg:$0xf];
	[tilespmem:s25+$0x70] =	vst v1;
	s25 =	simm.s32 $0x0  }
0x116: {  	[tilespmem:s11], [sflag:$0x5] =	stream.linear.gather [hbm4b:s26+s25], $0x1C00, $0x38;
	[tilespmem:$0xFC00] =	vst v63  }
0x117: {  	s28 =	rddreg [dreg:$0x10]  }
0x118: {  	[tilespmem:s12], [sflag:$0x6] =	stream.linear.gather [hbm4b:s28+s25], $0x1C00, $0x38;
	[tilespmem:$0xFC00] =	vst v63  }
0x119: {  	s28 =	rddreg [dreg:$0x11]  }
0x11a: {  	[tilespmem:s13], [sflag:$0x7] =	stream.linear.gather [hbm4b:s28+s25], $0x1C00, $0x38;
	[tilespmem:$0xFC00] =	vst v63  }
0x11b: {  	s28 =	rddreg [dreg:$0x15]  }
0x11c: {  	[tilespmem:s14], [sflag:$0x8] =	stream.linear.gather [hbm4b:s28+s25], $0x1C00, $0x38;
	[tilespmem:$0xFC00] =	vst v63  }
0x11d: {  	_ =	swait.ge [sflag:s15], $0x1C00  }
0x11e: {  	[sflag:s15] =	ssyncset.done $0x0  }
0x11f: {  	[sflag:s15] =	ssyncadd.s32 $0xFFFFE400  }
0x120: {  	_ =	swait.ge [sflag:s16], $0x1C00  }
0x121: {  	[sflag:s16] =	ssyncset.done $0x0  }
0x122: {  	[sflag:s16] =	ssyncadd.s32 $0xFFFFE400  }
0x123: {  	_ =	swait.ge [sflag:s17], $0x1C00  }
0x124: {  	[sflag:s17] =	ssyncset.done $0x0  }
0x125: {  	[sflag:s17] =	ssyncadd.s32 $0xFFFFE400  }
0x126: {  	_ =	swait.ge [sflag:s18], $0x1C00  }
0x127: {  	[sflag:s18] =	ssyncset.done $0x0  }
0x128: {  	s25 =	simm.s32 $0x0;
	[sflag:s18] =	ssyncadd.s32 $0xFFFFE400  }
0x129: {  	v0 =	vld [tilespmem:s25+$0x1C00]  }
0x12a: {  	v1 =	vld [tilespmem:s25+$0x3800]  }
0x12b: {  	v2 =	vld [tilespmem:s25+$0x5400]  }
0x12c: {  	v3 =	vld [tilespmem:s25+$0x7000]  }
0x12d: {  	v4 =	vld [tilespmem:s25+$0x1C10]  }
0x12e: {  	v5 =	vld [tilespmem:s25+$0x3810]  }
0x12f: {  	v6 =	vld [tilespmem:s25+$0x5410]  }
0x130: {  	v8 =	vld [tilespmem:s25+$0x7010]  }
0x131: {  	v9 =	vld [tilespmem:s25+$0x1C20]  }
0x132: {  	v10 =	vld [tilespmem:s25+$0x3820]  }
0x133: {  	v15 =	vld [tilespmem:s25+$0x5420]  }
0x134: {  	v17 =	vld [tilespmem:s25+$0x7020]  }
0x135: {  	v18 =	vld [tilespmem:s25+$0x1C30]  }
0x136: {  	v19 =	vld [tilespmem:s25+$0x3830]  }
0x137: {  	v20 =	vld [tilespmem:s25+$0x5430]  }
0x138: {  	v21 =	vld [tilespmem:s25+$0x7030]  }
0x139: {  	v22 =	vld [tilespmem:s25+$0x1C40]  }
0x13a: {  	v23 =	vld [tilespmem:s25+$0x3840]  }
0x13b: {  	v24 =	vld [tilespmem:s25+$0x5440]  }
0x13c: {  	v25 =	vld [tilespmem:s25+$0x7040]  }
0x13d: {  	v26 =	vld [tilespmem:s25+$0x1C50]  }
0x13e: {  	v27 =	vld [tilespmem:s25+$0x3850]  }
0x13f: {  	v28 =	vld [tilespmem:s25+$0x5450]  }
0x140: {  	v29 =	vld [tilespmem:s25+$0x7050]  }
0x141: {  	v30 =	vld [tilespmem:s25+$0x1C60]  }
0x142: {  	v31 =	vld [tilespmem:s25+$0x3860]  }
0x143: {  	v32 =	vld [tilespmem:s25+$0x5460]  }
0x144: {  	v33 =	vld [tilespmem:s25+$0x7060]  }
0x145: {  	v12 =	vld [tilespmem:s25+$0x1C70];
	v11 =	vadd.f32 v1, v0;
	v14 =	vadd.f32 v3, v2  }
0x146: {  	v16 =	vld [tilespmem:s25+$0x3870];
	v7 =	vadd.f32 v5, v4;
	v13 =	vadd.f32 v8, v6  }
0x147: {  	v4 =	vadd.f32 v10, v9;
	v8 =	vadd.f32 v17, v15;
	v15 =	vld [tilespmem:s25+$0x5470]  }
0x148: {  	v5 =	vadd.f32 v19, v18;
	v9 =	vadd.f32 v21, v20;
	v18 =	vld [tilespmem:s25+$0x7070]  }
0x149: {  	v20 =	vld [tilespmem:s25+$0x0];
	v6 =	vadd.f32 v23, v22;
	v10 =	vadd.f32 v25, v24  }
0x14a: {  	v19 =	vld [tilespmem:s25+$0x10];
	v1 =	vadd.f32 v27, v26;
	v3 =	vadd.f32 v29, v28  }
0x14b: {  	s26 =	simm.s32 $0x200;
	v17 =	vld [tilespmem:s25+$0x20];
	v0 =	vadd.f32 v31, v30;
	v2 =	vadd.f32 v33, v32  }
.LBB2_6:
0x14c: {  	p0 =	sne.s32 s26, $0x6E00;
	v11 =	vadd.f32 v14, v11;
	v14 =	vld [tilespmem:s25+$0x30];
	v12 =	vadd.f32 v16, v12  }
0x14d: {  	v7 =	vadd.f32 v13, v7;
	v13 =	vld [tilespmem:s25+$0x40];
	v15 =	vadd.f32 v18, v15  }
0x14e: {  	v4 =	vadd.f32 v8, v4;
	v11 =	vadd.f32 v11, v20;
	v8 =	vld [tilespmem:s25+$0x50]  }
0x14f: {  	v5 =	vadd.f32 v9, v5;
	v7 =	vadd.f32 v7, v19;
	v9 =	vld [tilespmem:s25+$0x60]  }
0x150: {  	s28 =	sshra.s32 s26, $0x2;
	v6 =	vadd.f32 v10, v6;
	[tilespmem:s25+$0x0] =	vst v11;
	v4 =	vadd.f32 v4, v17;
	v10 =	vld [tilespmem:s25+$0x70]  }
0x151: {  	v1 =	vadd.f32 v3, v1;
	v11 =	vld [tilespmem:s28+$0x1C00];
	[tilespmem:s25+$0x10] =	vst v7;
	v5 =	vadd.f32 v5, v14  }
0x152: {  	v0 =	vadd.f32 v2, v0;
	v3 =	vld [tilespmem:s28+$0x3800];
	[tilespmem:s25+$0x20] =	vst v4;
	v4 =	vadd.f32 v6, v13  }
0x153: {  	v2 =	vld [tilespmem:s28+$0x5400];
	[tilespmem:s25+$0x30] =	vst v5;
	v1 =	vadd.f32 v1, v8;
	v5 =	vadd.f32 v15, v12  }
0x154: {  	v6 =	vld [tilespmem:s28+$0x7000];
	[tilespmem:s25+$0x40] =	vst v4;
	v0 =	vadd.f32 v0, v9  }
0x155: {  	v4 =	vld [tilespmem:s28+$0x1C10];
	[tilespmem:s25+$0x50] =	vst v1;
	v1 =	vadd.f32 v5, v10  }
0x156: {  	v5 =	vld [tilespmem:s28+$0x3810];
	[tilespmem:s25+$0x60] =	vst v0  }
0x157: {  	v0 =	vld [tilespmem:s28+$0x5410];
	[tilespmem:s25+$0x70] =	vst v1;
	s25 =	smov.u32 s28  }
0x158: {  	v1 =	vld [tilespmem:s25+$0x7010]  }
0x159: {  	v8 =	vld [tilespmem:s25+$0x1C20]  }
0x15a: {  	v9 =	vld [tilespmem:s25+$0x3820]  }
0x15b: {  	v10 =	vld [tilespmem:s25+$0x5420]  }
0x15c: {  	v15 =	vld [tilespmem:s25+$0x7020]  }
0x15d: {  	v17 =	vld [tilespmem:s25+$0x1C30]  }
0x15e: {  	v18 =	vld [tilespmem:s25+$0x3830]  }
0x15f: {  	v19 =	vld [tilespmem:s25+$0x5430]  }
0x160: {  	v20 =	vld [tilespmem:s25+$0x7030]  }
0x161: {  	v21 =	vld [tilespmem:s25+$0x1C40]  }
0x162: {  	v22 =	vld [tilespmem:s25+$0x3840]  }
0x163: {  	v23 =	vld [tilespmem:s25+$0x5440]  }
0x164: {  	v24 =	vld [tilespmem:s25+$0x7040]  }
0x165: {  	v25 =	vld [tilespmem:s25+$0x1C50]  }
0x166: {  	v26 =	vld [tilespmem:s25+$0x3850]  }
0x167: {  	v27 =	vld [tilespmem:s25+$0x5450]  }
0x168: {  	v28 =	vld [tilespmem:s25+$0x7050]  }
0x169: {  	v29 =	vld [tilespmem:s25+$0x1C60]  }
0x16a: {  	v30 =	vld [tilespmem:s25+$0x3860]  }
0x16b: {  	v31 =	vld [tilespmem:s25+$0x5460]  }
0x16c: {  	v32 =	vld [tilespmem:s25+$0x7060]  }
0x16d: {  	v11 =	vadd.f32 v3, v11;
	v14 =	vadd.f32 v6, v2;
	v12 =	vld [tilespmem:s25+$0x1C70]  }
0x16e: {  	v7 =	vadd.f32 v5, v4;
	v13 =	vadd.f32 v1, v0;
	v16 =	vld [tilespmem:s25+$0x3870]  }
.Ltmp2:
0x16f: {  	v4 =	vadd.f32 v9, v8;
	v8 =	vadd.f32 v15, v10;
	v15 =	vld [tilespmem:s25+$0x5470];
	(pc) =	sbr.rel @p0 .LBB2_6-.Ltmp2, $4  }
0x170: {  	v5 =	vadd.f32 v18, v17;
	v9 =	vadd.f32 v20, v19;
	v18 =	vld [tilespmem:s25+$0x7070]  }
0x171: {  	v6 =	vadd.f32 v22, v21;
	v10 =	vadd.f32 v24, v23;
	v20 =	vld [tilespmem:s25+$0x0]  }
0x172: {  	v1 =	vadd.f32 v26, v25;
	v3 =	vadd.f32 v28, v27;
	v19 =	vld [tilespmem:s25+$0x10]  }
0x173: {  	s26 =	sadd.s32 $0x200, s26;
	v0 =	vadd.f32 v30, v29;
	v2 =	vadd.f32 v32, v31;
	v17 =	vld [tilespmem:s25+$0x20]  }
0x174: {  	v11 =	vadd.f32 v14, v11;
	v14 =	vld [tilespmem:s25+$0x30];
	v12 =	vadd.f32 v16, v12  }
0x175: {  	v16 =	vld [tilespmem:s25+$0x40];
	v7 =	vadd.f32 v13, v7;
	v4 =	vadd.f32 v8, v4  }
0x176: {  	v13 =	vld [tilespmem:s25+$0x50];
	v5 =	vadd.f32 v9, v5;
	v11 =	vadd.f32 v11, v20  }
0x177: {  	v8 =	vld [tilespmem:s25+$0x60];
	v6 =	vadd.f32 v10, v6;
	v7 =	vadd.f32 v7, v19  }
0x178: {  	v9 =	vld [tilespmem:s25+$0x70];
	v1 =	vadd.f32 v3, v1;
	[tilespmem:s25+$0x0] =	vst v11;
	v4 =	vadd.f32 v4, v17  }
0x179: {  	v15 =	vadd.f32 v18, v15;
	[tilespmem:s25+$0x10] =	vst v7;
	v5 =	vadd.f32 v5, v14  }
0x17a: {  	v0 =	vadd.f32 v2, v0;
	v3 =	vadd.f32 v6, v16;
	[tilespmem:s25+$0x20] =	vst v4  }
0x17b: {  	v2 =	vadd.f32 v15, v12;
	v1 =	vadd.f32 v1, v13;
	[tilespmem:s25+$0x30] =	vst v5  }
0x17c: {  	v0 =	vadd.f32 v0, v8;
	[tilespmem:s25+$0x40] =	vst v3  }
0x17d: {  	[tilespmem:s25+$0x50] =	vst v1;
	v1 =	vadd.f32 v2, v9  }
0x17e: {  	[tilespmem:s25+$0x60] =	vst v0  }
0x17f: {  	s26 =	rddreg [dreg:$0x12];
	[tilespmem:s25+$0x70] =	vst v1;
	s25 =	simm.s32 $0x0  }
0x180: {  	[tilespmem:s7], [sflag:$0x1] =	stream.linear.gather [hbm4b:s26+s25], $0x1C00, $0x38;
	[tilespmem:$0xFC00] =	vst v63  }
0x181: {  	s28 =	rddreg [dreg:$0x13]  }
0x182: {  	[tilespmem:s8], [sflag:$0x2] =	stream.linear.gather [hbm4b:s28+s25], $0x1C00, $0x38;
	[tilespmem:$0xFC00] =	vst v63  }
0x183: {  	s28 =	rddreg [dreg:$0x14]  }
0x184: {  	[tilespmem:s9], [sflag:$0x3] =	stream.linear.gather [hbm4b:s28+s25], $0x1C00, $0x38;
	[tilespmem:$0xFC00] =	vst v63  }
0x185: {  	s28 =	rddreg [dreg:$0x16]  }
0x186: {  	[tilespmem:s10], [sflag:$0x4] =	stream.linear.gather [hbm4b:s28+s25], $0x1C00, $0x38;
	[tilespmem:$0xFC00] =	vst v63  }
0x187: {  	_ =	swait.ge [sflag:s19], $0x1C00  }
0x188: {  	[sflag:s19] =	ssyncset.done $0x0  }
0x189: {  	[sflag:s19] =	ssyncadd.s32 $0xFFFFE400  }
0x18a: {  	_ =	swait.ge [sflag:s20], $0x1C00  }
0x18b: {  	[sflag:s20] =	ssyncset.done $0x0  }
0x18c: {  	[sflag:s20] =	ssyncadd.s32 $0xFFFFE400  }
0x18d: {  	_ =	swait.ge [sflag:s21], $0x1C00  }
0x18e: {  	[sflag:s21] =	ssyncset.done $0x0  }
0x18f: {  	[sflag:s21] =	ssyncadd.s32 $0xFFFFE400  }
0x190: {  	_ =	swait.ge [sflag:s22], $0x1C00  }
0x191: {  	[sflag:s22] =	ssyncset.done $0x0  }
0x192: {  	s25 =	simm.s32 $0x0;
	[sflag:s22] =	ssyncadd.s32 $0xFFFFE400  }
0x193: {  	v0 =	vld [tilespmem:s25+$0x8C00]  }
0x194: {  	v1 =	vld [tilespmem:s25+$0xA800]  }
0x195: {  	v2 =	vld [tilespmem:s25+$0xC400]  }
0x196: {  	v3 =	vld [tilespmem:s25+$0xE000]  }
0x197: {  	v4 =	vld [tilespmem:s25+$0x8C10]  }
0x198: {  	v5 =	vld [tilespmem:s25+$0xA810]  }
0x199: {  	v6 =	vld [tilespmem:s25+$0xC410]  }
0x19a: {  	v8 =	vld [tilespmem:s25+$0xE010]  }
0x19b: {  	v9 =	vld [tilespmem:s25+$0x8C20]  }
0x19c: {  	v10 =	vld [tilespmem:s25+$0xA820]  }
0x19d: {  	v15 =	vld [tilespmem:s25+$0xC420]  }
0x19e: {  	v17 =	vld [tilespmem:s25+$0xE020]  }
0x19f: {  	v18 =	vld [tilespmem:s25+$0x8C30]  }
0x1a0: {  	v19 =	vld [tilespmem:s25+$0xA830]  }
0x1a1: {  	v20 =	vld [tilespmem:s25+$0xC430]  }
0x1a2: {  	v21 =	vld [tilespmem:s25+$0xE030]  }
0x1a3: {  	v22 =	vld [tilespmem:s25+$0x8C40]  }
0x1a4: {  	v23 =	vld [tilespmem:s25+$0xA840]  }
0x1a5: {  	v24 =	vld [tilespmem:s25+$0xC440]  }
0x1a6: {  	v25 =	vld [tilespmem:s25+$0xE040]  }
0x1a7: {  	v26 =	vld [tilespmem:s25+$0x8C50]  }
0x1a8: {  	v27 =	vld [tilespmem:s25+$0xA850]  }
0x1a9: {  	v28 =	vld [tilespmem:s25+$0xC450]  }
0x1aa: {  	v29 =	vld [tilespmem:s25+$0xE050]  }
0x1ab: {  	v30 =	vld [tilespmem:s25+$0x8C60]  }
0x1ac: {  	v31 =	vld [tilespmem:s25+$0xA860]  }
0x1ad: {  	v32 =	vld [tilespmem:s25+$0xC460]  }
0x1ae: {  	v33 =	vld [tilespmem:s25+$0xE060]  }
0x1af: {  	v12 =	vld [tilespmem:s25+$0x8C70];
	v11 =	vadd.f32 v1, v0;
	v14 =	vadd.f32 v3, v2  }
0x1b0: {  	v16 =	vld [tilespmem:s25+$0xA870];
	v7 =	vadd.f32 v5, v4;
	v13 =	vadd.f32 v8, v6  }
0x1b1: {  	v4 =	vadd.f32 v10, v9;
	v8 =	vadd.f32 v17, v15;
	v15 =	vld [tilespmem:s25+$0xC470]  }
0x1b2: {  	v5 =	vadd.f32 v19, v18;
	v9 =	vadd.f32 v21, v20;
	v18 =	vld [tilespmem:s25+$0xE070]  }
0x1b3: {  	v20 =	vld [tilespmem:s25+$0x0];
	v6 =	vadd.f32 v23, v22;
	v10 =	vadd.f32 v25, v24  }
0x1b4: {  	v19 =	vld [tilespmem:s25+$0x10];
	v1 =	vadd.f32 v27, v26;
	v3 =	vadd.f32 v29, v28  }
0x1b5: {  	s26 =	simm.s32 $0x200;
	v17 =	vld [tilespmem:s25+$0x20];
	v0 =	vadd.f32 v31, v30;
	v2 =	vadd.f32 v33, v32  }
.LBB2_8:
0x1b6: {  	p0 =	sne.s32 s26, $0x6E00;
	v11 =	vadd.f32 v14, v11;
	v14 =	vld [tilespmem:s25+$0x30];
	v12 =	vadd.f32 v16, v12  }
0x1b7: {  	v7 =	vadd.f32 v13, v7;
	v13 =	vld [tilespmem:s25+$0x40];
	v15 =	vadd.f32 v18, v15  }
0x1b8: {  	v4 =	vadd.f32 v8, v4;
	v11 =	vadd.f32 v11, v20;
	v8 =	vld [tilespmem:s25+$0x50]  }
0x1b9: {  	v5 =	vadd.f32 v9, v5;
	v7 =	vadd.f32 v7, v19;
	v9 =	vld [tilespmem:s25+$0x60]  }
0x1ba: {  	s28 =	sshra.s32 s26, $0x2;
	v6 =	vadd.f32 v10, v6;
	[tilespmem:s25+$0x0] =	vst v11;
	v4 =	vadd.f32 v4, v17;
	v10 =	vld [tilespmem:s25+$0x70]  }
0x1bb: {  	v1 =	vadd.f32 v3, v1;
	v11 =	vld [tilespmem:s28+$0x8C00];
	[tilespmem:s25+$0x10] =	vst v7;
	v5 =	vadd.f32 v5, v14  }
0x1bc: {  	v0 =	vadd.f32 v2, v0;
	v3 =	vld [tilespmem:s28+$0xA800];
	[tilespmem:s25+$0x20] =	vst v4;
	v4 =	vadd.f32 v6, v13  }
0x1bd: {  	v2 =	vld [tilespmem:s28+$0xC400];
	[tilespmem:s25+$0x30] =	vst v5;
	v1 =	vadd.f32 v1, v8;
	v5 =	vadd.f32 v15, v12  }
0x1be: {  	v6 =	vld [tilespmem:s28+$0xE000];
	[tilespmem:s25+$0x40] =	vst v4;
	v0 =	vadd.f32 v0, v9  }
0x1bf: {  	v4 =	vld [tilespmem:s28+$0x8C10];
	[tilespmem:s25+$0x50] =	vst v1;
	v1 =	vadd.f32 v5, v10  }
0x1c0: {  	v5 =	vld [tilespmem:s28+$0xA810];
	[tilespmem:s25+$0x60] =	vst v0  }
0x1c1: {  	v0 =	vld [tilespmem:s28+$0xC410];
	[tilespmem:s25+$0x70] =	vst v1;
	s25 =	smov.u32 s28  }
0x1c2: {  	v1 =	vld [tilespmem:s25+$0xE010]  }
0x1c3: {  	v8 =	vld [tilespmem:s25+$0x8C20]  }
0x1c4: {  	v9 =	vld [tilespmem:s25+$0xA820]  }
0x1c5: {  	v10 =	vld [tilespmem:s25+$0xC420]  }
0x1c6: {  	v15 =	vld [tilespmem:s25+$0xE020]  }
0x1c7: {  	v17 =	vld [tilespmem:s25+$0x8C30]  }
0x1c8: {  	v18 =	vld [tilespmem:s25+$0xA830]  }
0x1c9: {  	v19 =	vld [tilespmem:s25+$0xC430]  }
0x1ca: {  	v20 =	vld [tilespmem:s25+$0xE030]  }
0x1cb: {  	v21 =	vld [tilespmem:s25+$0x8C40]  }
0x1cc: {  	v22 =	vld [tilespmem:s25+$0xA840]  }
0x1cd: {  	v23 =	vld [tilespmem:s25+$0xC440]  }
0x1ce: {  	v24 =	vld [tilespmem:s25+$0xE040]  }
0x1cf: {  	v25 =	vld [tilespmem:s25+$0x8C50]  }
0x1d0: {  	v26 =	vld [tilespmem:s25+$0xA850]  }
0x1d1: {  	v27 =	vld [tilespmem:s25+$0xC450]  }
0x1d2: {  	v28 =	vld [tilespmem:s25+$0xE050]  }
0x1d3: {  	v29 =	vld [tilespmem:s25+$0x8C60]  }
0x1d4: {  	v30 =	vld [tilespmem:s25+$0xA860]  }
0x1d5: {  	v31 =	vld [tilespmem:s25+$0xC460]  }
0x1d6: {  	v32 =	vld [tilespmem:s25+$0xE060]  }
0x1d7: {  	v11 =	vadd.f32 v3, v11;
	v14 =	vadd.f32 v6, v2;
	v12 =	vld [tilespmem:s25+$0x8C70]  }
0x1d8: {  	v7 =	vadd.f32 v5, v4;
	v13 =	vadd.f32 v1, v0;
	v16 =	vld [tilespmem:s25+$0xA870]  }
.Ltmp3:
0x1d9: {  	v4 =	vadd.f32 v9, v8;
	v8 =	vadd.f32 v15, v10;
	v15 =	vld [tilespmem:s25+$0xC470];
	(pc) =	sbr.rel @p0 .LBB2_8-.Ltmp3, $4  }
0x1da: {  	v5 =	vadd.f32 v18, v17;
	v9 =	vadd.f32 v20, v19;
	v18 =	vld [tilespmem:s25+$0xE070]  }
0x1db: {  	v6 =	vadd.f32 v22, v21;
	v10 =	vadd.f32 v24, v23;
	v20 =	vld [tilespmem:s25+$0x0]  }
0x1dc: {  	v1 =	vadd.f32 v26, v25;
	v3 =	vadd.f32 v28, v27;
	v19 =	vld [tilespmem:s25+$0x10]  }
0x1dd: {  	s26 =	sadd.s32 $0x200, s26;
	v0 =	vadd.f32 v30, v29;
	v2 =	vadd.f32 v32, v31;
	v17 =	vld [tilespmem:s25+$0x20]  }
0x1de: {  	v11 =	vadd.f32 v14, v11;
	v14 =	vld [tilespmem:s25+$0x30];
	v12 =	vadd.f32 v16, v12  }
0x1df: {  	v16 =	vld [tilespmem:s25+$0x40];
	v7 =	vadd.f32 v13, v7;
	v4 =	vadd.f32 v8, v4  }
0x1e0: {  	v13 =	vld [tilespmem:s25+$0x50];
	v5 =	vadd.f32 v9, v5;
	v11 =	vadd.f32 v11, v20  }
0x1e1: {  	v8 =	vld [tilespmem:s25+$0x60];
	v6 =	vadd.f32 v10, v6;
	v7 =	vadd.f32 v7, v19  }
0x1e2: {  	v9 =	vld [tilespmem:s25+$0x70];
	v1 =	vadd.f32 v3, v1;
	[tilespmem:s25+$0x0] =	vst v11;
	v4 =	vadd.f32 v4, v17  }
0x1e3: {  	v15 =	vadd.f32 v18, v15;
	[tilespmem:s25+$0x10] =	vst v7;
	v5 =	vadd.f32 v5, v14  }
0x1e4: {  	v0 =	vadd.f32 v2, v0;
	v3 =	vadd.f32 v6, v16;
	[tilespmem:s25+$0x20] =	vst v4  }
0x1e5: {  	v2 =	vadd.f32 v15, v12;
	v1 =	vadd.f32 v1, v13;
	[tilespmem:s25+$0x30] =	vst v5  }
0x1e6: {  	v0 =	vadd.f32 v0, v8;
	[tilespmem:s25+$0x40] =	vst v3  }
0x1e7: {  	[tilespmem:s25+$0x50] =	vst v1;
	v1 =	vadd.f32 v2, v9  }
0x1e8: {  	[tilespmem:s25+$0x60] =	vst v0  }
0x1e9: {  	s26 =	rddreg [dreg:$0x17];
	[tilespmem:s25+$0x70] =	vst v1;
	s25 =	simm.s32 $0x0  }
0x1ea: {  	[tilespmem:s11], [sflag:$0x5] =	stream.linear.gather [hbm4b:s26+s25], $0x1C00, $0x38;
	[tilespmem:$0xFC00] =	vst v63  }
0x1eb: {  	s28 =	rddreg [dreg:$0x18]  }
0x1ec: {  	[tilespmem:s12], [sflag:$0x6] =	stream.linear.gather [hbm4b:s28+s25], $0x1C00, $0x38;
	[tilespmem:$0xFC00] =	vst v63  }
0x1ed: {  	s28 =	rddreg [dreg:$0x19]  }
0x1ee: {  	[tilespmem:s13], [sflag:$0x7] =	stream.linear.gather [hbm4b:s28+s25], $0x1C00, $0x38;
	[tilespmem:$0xFC00] =	vst v63  }
0x1ef: {  	s28 =	rddreg [dreg:$0x1a]  }
0x1f0: {  	[tilespmem:s14], [sflag:$0x8] =	stream.linear.gather [hbm4b:s28+s25], $0x1C00, $0x38;
	[tilespmem:$0xFC00] =	vst v63  }
0x1f1: {  	_ =	swait.ge [sflag:s15], $0x1C00  }
0x1f2: {  	[sflag:s15] =	ssyncset.done $0x0  }
0x1f3: {  	[sflag:s15] =	ssyncadd.s32 $0xFFFFE400  }
0x1f4: {  	_ =	swait.ge [sflag:s16], $0x1C00  }
0x1f5: {  	[sflag:s16] =	ssyncset.done $0x0  }
0x1f6: {  	[sflag:s16] =	ssyncadd.s32 $0xFFFFE400  }
0x1f7: {  	_ =	swait.ge [sflag:s17], $0x1C00  }
0x1f8: {  	[sflag:s17] =	ssyncset.done $0x0  }
0x1f9: {  	[sflag:s17] =	ssyncadd.s32 $0xFFFFE400  }
0x1fa: {  	_ =	swait.ge [sflag:s18], $0x1C00  }
0x1fb: {  	[sflag:s18] =	ssyncset.done $0x0  }
0x1fc: {  	s25 =	simm.s32 $0x0;
	[sflag:s18] =	ssyncadd.s32 $0xFFFFE400  }
0x1fd: {  	v0 =	vld [tilespmem:s25+$0x1C00]  }
0x1fe: {  	v1 =	vld [tilespmem:s25+$0x3800]  }
0x1ff: {  	v2 =	vld [tilespmem:s25+$0x5400]  }
0x200: {  	v3 =	vld [tilespmem:s25+$0x7000]  }
0x201: {  	v4 =	vld [tilespmem:s25+$0x1C10]  }
0x202: {  	v5 =	vld [tilespmem:s25+$0x3810]  }
0x203: {  	v6 =	vld [tilespmem:s25+$0x5410]  }
0x204: {  	v8 =	vld [tilespmem:s25+$0x7010]  }
0x205: {  	v9 =	vld [tilespmem:s25+$0x1C20]  }
0x206: {  	v10 =	vld [tilespmem:s25+$0x3820]  }
0x207: {  	v15 =	vld [tilespmem:s25+$0x5420]  }
0x208: {  	v17 =	vld [tilespmem:s25+$0x7020]  }
0x209: {  	v18 =	vld [tilespmem:s25+$0x1C30]  }
0x20a: {  	v19 =	vld [tilespmem:s25+$0x3830]  }
0x20b: {  	v20 =	vld [tilespmem:s25+$0x5430]  }
0x20c: {  	v21 =	vld [tilespmem:s25+$0x7030]  }
0x20d: {  	v22 =	vld [tilespmem:s25+$0x1C40]  }
0x20e: {  	v23 =	vld [tilespmem:s25+$0x3840]  }
0x20f: {  	v24 =	vld [tilespmem:s25+$0x5440]  }
0x210: {  	v25 =	vld [tilespmem:s25+$0x7040]  }
0x211: {  	v26 =	vld [tilespmem:s25+$0x1C50]  }
0x212: {  	v27 =	vld [tilespmem:s25+$0x3850]  }
0x213: {  	v28 =	vld [tilespmem:s25+$0x5450]  }
0x214: {  	v29 =	vld [tilespmem:s25+$0x7050]  }
0x215: {  	v30 =	vld [tilespmem:s25+$0x1C60]  }
0x216: {  	v31 =	vld [tilespmem:s25+$0x3860]  }
0x217: {  	v32 =	vld [tilespmem:s25+$0x5460]  }
0x218: {  	v33 =	vld [tilespmem:s25+$0x7060]  }
0x219: {  	v12 =	vld [tilespmem:s25+$0x1C70];
	v11 =	vadd.f32 v1, v0;
	v14 =	vadd.f32 v3, v2  }
0x21a: {  	v16 =	vld [tilespmem:s25+$0x3870];
	v7 =	vadd.f32 v5, v4;
	v13 =	vadd.f32 v8, v6  }
0x21b: {  	v4 =	vadd.f32 v10, v9;
	v8 =	vadd.f32 v17, v15;
	v15 =	vld [tilespmem:s25+$0x5470]  }
0x21c: {  	v5 =	vadd.f32 v19, v18;
	v9 =	vadd.f32 v21, v20;
	v18 =	vld [tilespmem:s25+$0x7070]  }
0x21d: {  	v20 =	vld [tilespmem:s25+$0x0];
	v6 =	vadd.f32 v23, v22;
	v10 =	vadd.f32 v25, v24  }
0x21e: {  	v19 =	vld [tilespmem:s25+$0x10];
	v1 =	vadd.f32 v27, v26;
	v3 =	vadd.f32 v29, v28  }
0x21f: {  	s26 =	simm.s32 $0x200;
	v17 =	vld [tilespmem:s25+$0x20];
	v0 =	vadd.f32 v31, v30;
	v2 =	vadd.f32 v33, v32  }
.LBB2_10:
0x220: {  	p0 =	sne.s32 s26, $0x6E00;
	v11 =	vadd.f32 v14, v11;
	v14 =	vld [tilespmem:s25+$0x30];
	v12 =	vadd.f32 v16, v12  }
0x221: {  	v7 =	vadd.f32 v13, v7;
	v13 =	vld [tilespmem:s25+$0x40];
	v15 =	vadd.f32 v18, v15  }
0x222: {  	v4 =	vadd.f32 v8, v4;
	v11 =	vadd.f32 v11, v20;
	v8 =	vld [tilespmem:s25+$0x50]  }
0x223: {  	v5 =	vadd.f32 v9, v5;
	v7 =	vadd.f32 v7, v19;
	v9 =	vld [tilespmem:s25+$0x60]  }
0x224: {  	s28 =	sshra.s32 s26, $0x2;
	v6 =	vadd.f32 v10, v6;
	[tilespmem:s25+$0x0] =	vst v11;
	v4 =	vadd.f32 v4, v17;
	v10 =	vld [tilespmem:s25+$0x70]  }
0x225: {  	v1 =	vadd.f32 v3, v1;
	v11 =	vld [tilespmem:s28+$0x1C00];
	[tilespmem:s25+$0x10] =	vst v7;
	v5 =	vadd.f32 v5, v14  }
0x226: {  	v0 =	vadd.f32 v2, v0;
	v3 =	vld [tilespmem:s28+$0x3800];
	[tilespmem:s25+$0x20] =	vst v4;
	v4 =	vadd.f32 v6, v13  }
0x227: {  	v2 =	vld [tilespmem:s28+$0x5400];
	[tilespmem:s25+$0x30] =	vst v5;
	v1 =	vadd.f32 v1, v8;
	v5 =	vadd.f32 v15, v12  }
0x228: {  	v6 =	vld [tilespmem:s28+$0x7000];
	[tilespmem:s25+$0x40] =	vst v4;
	v0 =	vadd.f32 v0, v9  }
0x229: {  	v4 =	vld [tilespmem:s28+$0x1C10];
	[tilespmem:s25+$0x50] =	vst v1;
	v1 =	vadd.f32 v5, v10  }
0x22a: {  	v5 =	vld [tilespmem:s28+$0x3810];
	[tilespmem:s25+$0x60] =	vst v0  }
0x22b: {  	v0 =	vld [tilespmem:s28+$0x5410];
	[tilespmem:s25+$0x70] =	vst v1;
	s25 =	smov.u32 s28  }
0x22c: {  	v1 =	vld [tilespmem:s25+$0x7010]  }
0x22d: {  	v8 =	vld [tilespmem:s25+$0x1C20]  }
0x22e: {  	v9 =	vld [tilespmem:s25+$0x3820]  }
0x22f: {  	v10 =	vld [tilespmem:s25+$0x5420]  }
0x230: {  	v15 =	vld [tilespmem:s25+$0x7020]  }
0x231: {  	v17 =	vld [tilespmem:s25+$0x1C30]  }
0x232: {  	v18 =	vld [tilespmem:s25+$0x3830]  }
0x233: {  	v19 =	vld [tilespmem:s25+$0x5430]  }
0x234: {  	v20 =	vld [tilespmem:s25+$0x7030]  }
0x235: {  	v21 =	vld [tilespmem:s25+$0x1C40]  }
0x236: {  	v22 =	vld [tilespmem:s25+$0x3840]  }
0x237: {  	v23 =	vld [tilespmem:s25+$0x5440]  }
0x238: {  	v24 =	vld [tilespmem:s25+$0x7040]  }
0x239: {  	v25 =	vld [tilespmem:s25+$0x1C50]  }
0x23a: {  	v26 =	vld [tilespmem:s25+$0x3850]  }
0x23b: {  	v27 =	vld [tilespmem:s25+$0x5450]  }
0x23c: {  	v28 =	vld [tilespmem:s25+$0x7050]  }
0x23d: {  	v29 =	vld [tilespmem:s25+$0x1C60]  }
0x23e: {  	v30 =	vld [tilespmem:s25+$0x3860]  }
0x23f: {  	v31 =	vld [tilespmem:s25+$0x5460]  }
0x240: {  	v32 =	vld [tilespmem:s25+$0x7060]  }
0x241: {  	v11 =	vadd.f32 v3, v11;
	v14 =	vadd.f32 v6, v2;
	v12 =	vld [tilespmem:s25+$0x1C70]  }
0x242: {  	v7 =	vadd.f32 v5, v4;
	v13 =	vadd.f32 v1, v0;
	v16 =	vld [tilespmem:s25+$0x3870]  }
.Ltmp4:
0x243: {  	v4 =	vadd.f32 v9, v8;
	v8 =	vadd.f32 v15, v10;
	v15 =	vld [tilespmem:s25+$0x5470];
	(pc) =	sbr.rel @p0 .LBB2_10-.Ltmp4, $4  }
0x244: {  	v5 =	vadd.f32 v18, v17;
	v9 =	vadd.f32 v20, v19;
	v18 =	vld [tilespmem:s25+$0x7070]  }
0x245: {  	v6 =	vadd.f32 v22, v21;
	v10 =	vadd.f32 v24, v23;
	v20 =	vld [tilespmem:s25+$0x0]  }
0x246: {  	v1 =	vadd.f32 v26, v25;
	v3 =	vadd.f32 v28, v27;
	v19 =	vld [tilespmem:s25+$0x10]  }
0x247: {  	s26 =	sadd.s32 $0x200, s26;
	v0 =	vadd.f32 v30, v29;
	v2 =	vadd.f32 v32, v31;
	v17 =	vld [tilespmem:s25+$0x20]  }
0x248: {  	v11 =	vadd.f32 v14, v11;
	v14 =	vld [tilespmem:s25+$0x30];
	v12 =	vadd.f32 v16, v12  }
0x249: {  	v16 =	vld [tilespmem:s25+$0x40];
	v7 =	vadd.f32 v13, v7;
	v4 =	vadd.f32 v8, v4  }
0x24a: {  	v13 =	vld [tilespmem:s25+$0x50];
	v5 =	vadd.f32 v9, v5;
	v11 =	vadd.f32 v11, v20  }
0x24b: {  	v8 =	vld [tilespmem:s25+$0x60];
	v6 =	vadd.f32 v10, v6;
	v7 =	vadd.f32 v7, v19  }
0x24c: {  	v9 =	vld [tilespmem:s25+$0x70];
	v1 =	vadd.f32 v3, v1;
	[tilespmem:s25+$0x0] =	vst v11;
	v4 =	vadd.f32 v4, v17  }
0x24d: {  	v15 =	vadd.f32 v18, v15;
	[tilespmem:s25+$0x10] =	vst v7;
	v5 =	vadd.f32 v5, v14  }
0x24e: {  	v0 =	vadd.f32 v2, v0;
	v3 =	vadd.f32 v6, v16;
	[tilespmem:s25+$0x20] =	vst v4  }
0x24f: {  	v2 =	vadd.f32 v15, v12;
	v1 =	vadd.f32 v1, v13;
	[tilespmem:s25+$0x30] =	vst v5  }
0x250: {  	v0 =	vadd.f32 v0, v8;
	[tilespmem:s25+$0x40] =	vst v3  }
0x251: {  	[tilespmem:s25+$0x50] =	vst v1;
	v1 =	vadd.f32 v2, v9  }
0x252: {  	[tilespmem:s25+$0x60] =	vst v0  }
0x253: {  	s28 =	simm.s32 $0x0;
	s26 =	rddreg [dreg:$0x1b];
	[tilespmem:s25+$0x70] =	vst v1  }
0x254: {  	[tilespmem:s7], [sflag:$0x1] =	stream.linear.gather [hbm4b:s26+s28], $0x1C00, $0x38;
	[tilespmem:$0xFC00] =	vst v63  }
0x255: {  	_ = 	snop  }
0x256: {  	[tilespmem:s8], [sflag:$0x2] =	stream.linear.gather [hbm4b:s29+s28], $0x1C00, $0x38;
	[tilespmem:$0xFC00] =	vst v63  }
0x257: {  	_ = 	snop  }
0x258: {  	[tilespmem:s9], [sflag:$0x3] =	stream.linear.gather [hbm4b:s30+s28], $0x1C00, $0x38;
	[tilespmem:$0xFC00] =	vst v63  }
0x259: {  	_ = 	snop  }
0x25a: {  	[tilespmem:s10], [sflag:$0x4] =	stream.linear.gather [hbm4b:s31+s28], $0x1C00, $0x38;
	[tilespmem:$0xFC00] =	vst v63  }
0x25b: {  	_ =	swait.ge [sflag:s19], $0x1C00  }
0x25c: {  	[sflag:s19] =	ssyncset.done $0x0  }
0x25d: {  	[sflag:s19] =	ssyncadd.s32 $0xFFFFE400  }
0x25e: {  	_ =	swait.ge [sflag:s20], $0x1C00  }
0x25f: {  	[sflag:s20] =	ssyncset.done $0x0  }
0x260: {  	[sflag:s20] =	ssyncadd.s32 $0xFFFFE400  }
0x261: {  	_ =	swait.ge [sflag:s21], $0x1C00  }
0x262: {  	[sflag:s21] =	ssyncset.done $0x0  }
0x263: {  	[sflag:s21] =	ssyncadd.s32 $0xFFFFE400  }
0x264: {  	_ =	swait.ge [sflag:s22], $0x1C00  }
0x265: {  	[sflag:s22] =	ssyncset.done $0x0  }
0x266: {  	s25 =	simm.s32 $0x0;
	[sflag:s22] =	ssyncadd.s32 $0xFFFFE400  }
0x267: {  	v0 =	vld [tilespmem:s25+$0x8C00]  }
0x268: {  	v1 =	vld [tilespmem:s25+$0xA800]  }
0x269: {  	v2 =	vld [tilespmem:s25+$0xC400]  }
0x26a: {  	v3 =	vld [tilespmem:s25+$0xE000]  }
0x26b: {  	v4 =	vld [tilespmem:s25+$0x8C10]  }
0x26c: {  	v5 =	vld [tilespmem:s25+$0xA810]  }
0x26d: {  	v6 =	vld [tilespmem:s25+$0xC410]  }
0x26e: {  	v8 =	vld [tilespmem:s25+$0xE010]  }
0x26f: {  	v9 =	vld [tilespmem:s25+$0x8C20]  }
0x270: {  	v10 =	vld [tilespmem:s25+$0xA820]  }
0x271: {  	v15 =	vld [tilespmem:s25+$0xC420]  }
0x272: {  	v17 =	vld [tilespmem:s25+$0xE020]  }
0x273: {  	v18 =	vld [tilespmem:s25+$0x8C30]  }
0x274: {  	v19 =	vld [tilespmem:s25+$0xA830]  }
0x275: {  	v20 =	vld [tilespmem:s25+$0xC430]  }
0x276: {  	v21 =	vld [tilespmem:s25+$0xE030]  }
0x277: {  	v22 =	vld [tilespmem:s25+$0x8C40]  }
0x278: {  	v23 =	vld [tilespmem:s25+$0xA840]  }
0x279: {  	v24 =	vld [tilespmem:s25+$0xC440]  }
0x27a: {  	v25 =	vld [tilespmem:s25+$0xE040]  }
0x27b: {  	v26 =	vld [tilespmem:s25+$0x8C50]  }
0x27c: {  	v27 =	vld [tilespmem:s25+$0xA850]  }
0x27d: {  	v28 =	vld [tilespmem:s25+$0xC450]  }
0x27e: {  	v29 =	vld [tilespmem:s25+$0xE050]  }
0x27f: {  	v30 =	vld [tilespmem:s25+$0x8C60]  }
0x280: {  	v31 =	vld [tilespmem:s25+$0xA860]  }
0x281: {  	v32 =	vld [tilespmem:s25+$0xC460]  }
0x282: {  	v33 =	vld [tilespmem:s25+$0xE060]  }
0x283: {  	v12 =	vld [tilespmem:s25+$0x8C70];
	v11 =	vadd.f32 v1, v0;
	v14 =	vadd.f32 v3, v2  }
0x284: {  	v16 =	vld [tilespmem:s25+$0xA870];
	v7 =	vadd.f32 v5, v4;
	v13 =	vadd.f32 v8, v6  }
0x285: {  	v4 =	vadd.f32 v10, v9;
	v8 =	vadd.f32 v17, v15;
	v15 =	vld [tilespmem:s25+$0xC470]  }
0x286: {  	v5 =	vadd.f32 v19, v18;
	v9 =	vadd.f32 v21, v20;
	v18 =	vld [tilespmem:s25+$0xE070]  }
0x287: {  	v20 =	vld [tilespmem:s25+$0x0];
	v6 =	vadd.f32 v23, v22;
	v10 =	vadd.f32 v25, v24  }
0x288: {  	v19 =	vld [tilespmem:s25+$0x10];
	v1 =	vadd.f32 v27, v26;
	v3 =	vadd.f32 v29, v28  }
0x289: {  	s26 =	simm.s32 $0x200;
	v17 =	vld [tilespmem:s25+$0x20];
	v0 =	vadd.f32 v31, v30;
	v2 =	vadd.f32 v33, v32  }
.LBB2_12:
0x28a: {  	p0 =	sne.s32 s26, $0x6E00;
	v11 =	vadd.f32 v14, v11;
	v14 =	vld [tilespmem:s25+$0x30];
	v12 =	vadd.f32 v16, v12  }
0x28b: {  	v7 =	vadd.f32 v13, v7;
	v13 =	vld [tilespmem:s25+$0x40];
	v15 =	vadd.f32 v18, v15  }
0x28c: {  	v4 =	vadd.f32 v8, v4;
	v11 =	vadd.f32 v11, v20;
	v8 =	vld [tilespmem:s25+$0x50]  }
0x28d: {  	v5 =	vadd.f32 v9, v5;
	v7 =	vadd.f32 v7, v19;
	v9 =	vld [tilespmem:s25+$0x60]  }
0x28e: {  	s28 =	sshra.s32 s26, $0x2;
	v6 =	vadd.f32 v10, v6;
	[tilespmem:s25+$0x0] =	vst v11;
	v4 =	vadd.f32 v4, v17;
	v10 =	vld [tilespmem:s25+$0x70]  }
0x28f: {  	v1 =	vadd.f32 v3, v1;
	v11 =	vld [tilespmem:s28+$0x8C00];
	[tilespmem:s25+$0x10] =	vst v7;
	v5 =	vadd.f32 v5, v14  }
0x290: {  	v0 =	vadd.f32 v2, v0;
	v3 =	vld [tilespmem:s28+$0xA800];
	[tilespmem:s25+$0x20] =	vst v4;
	v4 =	vadd.f32 v6, v13  }
0x291: {  	v2 =	vld [tilespmem:s28+$0xC400];
	[tilespmem:s25+$0x30] =	vst v5;
	v1 =	vadd.f32 v1, v8;
	v5 =	vadd.f32 v15, v12  }
0x292: {  	v6 =	vld [tilespmem:s28+$0xE000];
	[tilespmem:s25+$0x40] =	vst v4;
	v0 =	vadd.f32 v0, v9  }
0x293: {  	v4 =	vld [tilespmem:s28+$0x8C10];
	[tilespmem:s25+$0x50] =	vst v1;
	v1 =	vadd.f32 v5, v10  }
0x294: {  	v5 =	vld [tilespmem:s28+$0xA810];
	[tilespmem:s25+$0x60] =	vst v0  }
0x295: {  	v0 =	vld [tilespmem:s28+$0xC410];
	[tilespmem:s25+$0x70] =	vst v1;
	s25 =	smov.u32 s28  }
0x296: {  	v1 =	vld [tilespmem:s25+$0xE010]  }
0x297: {  	v8 =	vld [tilespmem:s25+$0x8C20]  }
0x298: {  	v9 =	vld [tilespmem:s25+$0xA820]  }
0x299: {  	v10 =	vld [tilespmem:s25+$0xC420]  }
0x29a: {  	v15 =	vld [tilespmem:s25+$0xE020]  }
0x29b: {  	v17 =	vld [tilespmem:s25+$0x8C30]  }
0x29c: {  	v18 =	vld [tilespmem:s25+$0xA830]  }
0x29d: {  	v19 =	vld [tilespmem:s25+$0xC430]  }
0x29e: {  	v20 =	vld [tilespmem:s25+$0xE030]  }
0x29f: {  	v21 =	vld [tilespmem:s25+$0x8C40]  }
0x2a0: {  	v22 =	vld [tilespmem:s25+$0xA840]  }
0x2a1: {  	v23 =	vld [tilespmem:s25+$0xC440]  }
0x2a2: {  	v24 =	vld [tilespmem:s25+$0xE040]  }
0x2a3: {  	v25 =	vld [tilespmem:s25+$0x8C50]  }
0x2a4: {  	v26 =	vld [tilespmem:s25+$0xA850]  }
0x2a5: {  	v27 =	vld [tilespmem:s25+$0xC450]  }
0x2a6: {  	v28 =	vld [tilespmem:s25+$0xE050]  }
0x2a7: {  	v29 =	vld [tilespmem:s25+$0x8C60]  }
0x2a8: {  	v30 =	vld [tilespmem:s25+$0xA860]  }
0x2a9: {  	v31 =	vld [tilespmem:s25+$0xC460]  }
0x2aa: {  	v32 =	vld [tilespmem:s25+$0xE060]  }
0x2ab: {  	v11 =	vadd.f32 v3, v11;
	v14 =	vadd.f32 v6, v2;
	v12 =	vld [tilespmem:s25+$0x8C70]  }
0x2ac: {  	v7 =	vadd.f32 v5, v4;
	v13 =	vadd.f32 v1, v0;
	v16 =	vld [tilespmem:s25+$0xA870]  }
.Ltmp5:
0x2ad: {  	v4 =	vadd.f32 v9, v8;
	v8 =	vadd.f32 v15, v10;
	v15 =	vld [tilespmem:s25+$0xC470];
	(pc) =	sbr.rel @p0 .LBB2_12-.Ltmp5, $4  }
0x2ae: {  	v5 =	vadd.f32 v18, v17;
	v9 =	vadd.f32 v20, v19;
	v18 =	vld [tilespmem:s25+$0xE070]  }
0x2af: {  	v6 =	vadd.f32 v22, v21;
	v10 =	vadd.f32 v24, v23;
	v20 =	vld [tilespmem:s25+$0x0]  }
0x2b0: {  	v1 =	vadd.f32 v26, v25;
	v3 =	vadd.f32 v28, v27;
	v19 =	vld [tilespmem:s25+$0x10]  }
0x2b1: {  	s26 =	sadd.s32 $0x200, s26;
	v0 =	vadd.f32 v30, v29;
	v2 =	vadd.f32 v32, v31;
	v17 =	vld [tilespmem:s25+$0x20]  }
0x2b2: {  	v11 =	vadd.f32 v14, v11;
	v14 =	vld [tilespmem:s25+$0x30];
	v12 =	vadd.f32 v16, v12  }
0x2b3: {  	v16 =	vld [tilespmem:s25+$0x40];
	v7 =	vadd.f32 v13, v7;
	v4 =	vadd.f32 v8, v4  }
0x2b4: {  	v13 =	vld [tilespmem:s25+$0x50];
	v5 =	vadd.f32 v9, v5;
	v11 =	vadd.f32 v11, v20  }
0x2b5: {  	v8 =	vld [tilespmem:s25+$0x60];
	v6 =	vadd.f32 v10, v6;
	v7 =	vadd.f32 v7, v19  }
0x2b6: {  	v9 =	vld [tilespmem:s25+$0x70];
	v1 =	vadd.f32 v3, v1;
	[tilespmem:s25+$0x0] =	vst v11;
	v4 =	vadd.f32 v4, v17  }
0x2b7: {  	v15 =	vadd.f32 v18, v15;
	[tilespmem:s25+$0x10] =	vst v7;
	v5 =	vadd.f32 v5, v14  }
0x2b8: {  	v0 =	vadd.f32 v2, v0;
	v3 =	vadd.f32 v6, v16;
	[tilespmem:s25+$0x20] =	vst v4  }
0x2b9: {  	v2 =	vadd.f32 v15, v12;
	v1 =	vadd.f32 v1, v13;
	[tilespmem:s25+$0x30] =	vst v5  }
0x2ba: {  	v0 =	vadd.f32 v0, v8;
	[tilespmem:s25+$0x40] =	vst v3  }
0x2bb: {  	[tilespmem:s25+$0x50] =	vst v1;
	v1 =	vadd.f32 v2, v9  }
0x2bc: {  	[tilespmem:s25+$0x60] =	vst v0  }
0x2bd: {  	s28 =	simm.s32 $0x0;
	[tilespmem:s25+$0x70] =	vst v1  }
0x2be: {  	[tilespmem:s11], [sflag:$0x5] =	stream.linear.gather [hbm4b:s0+s28], $0x1C00, $0x38;
	[tilespmem:$0xFC00] =	vst v63  }
0x2bf: {  	_ = 	snop  }
0x2c0: {  	[tilespmem:s12], [sflag:$0x6] =	stream.linear.gather [hbm4b:s3+s28], $0x1C00, $0x38;
	[tilespmem:$0xFC00] =	vst v63  }
0x2c1: {  	_ = 	snop  }
0x2c2: {  	[tilespmem:s13], [sflag:$0x7] =	stream.linear.gather [hbm4b:s4+s28], $0x1C00, $0x38;
	[tilespmem:$0xFC00] =	vst v63  }
0x2c3: {  	_ = 	snop  }
0x2c4: {  	[tilespmem:s14], [sflag:$0x8] =	stream.linear.gather [hbm4b:s5+s28], $0x1C00, $0x38;
	[tilespmem:$0xFC00] =	vst v63  }
0x2c5: {  	_ =	swait.ge [sflag:s15], $0x1C00  }
0x2c6: {  	[sflag:s15] =	ssyncset.done $0x0  }
0x2c7: {  	[sflag:s15] =	ssyncadd.s32 $0xFFFFE400  }
0x2c8: {  	_ =	swait.ge [sflag:s16], $0x1C00  }
0x2c9: {  	[sflag:s16] =	ssyncset.done $0x0  }
0x2ca: {  	[sflag:s16] =	ssyncadd.s32 $0xFFFFE400  }
0x2cb: {  	_ =	swait.ge [sflag:s17], $0x1C00  }
0x2cc: {  	[sflag:s17] =	ssyncset.done $0x0  }
0x2cd: {  	[sflag:s17] =	ssyncadd.s32 $0xFFFFE400  }
0x2ce: {  	_ =	swait.ge [sflag:s18], $0x1C00  }
0x2cf: {  	[sflag:s18] =	ssyncset.done $0x0  }
0x2d0: {  	s25 =	simm.s32 $0x0;
	[sflag:s18] =	ssyncadd.s32 $0xFFFFE400  }
0x2d1: {  	v0 =	vld [tilespmem:s25+$0x1C00]  }
0x2d2: {  	v1 =	vld [tilespmem:s25+$0x3800]  }
0x2d3: {  	v2 =	vld [tilespmem:s25+$0x5400]  }
0x2d4: {  	v3 =	vld [tilespmem:s25+$0x7000]  }
0x2d5: {  	v4 =	vld [tilespmem:s25+$0x1C10]  }
0x2d6: {  	v5 =	vld [tilespmem:s25+$0x3810]  }
0x2d7: {  	v6 =	vld [tilespmem:s25+$0x5410]  }
0x2d8: {  	v8 =	vld [tilespmem:s25+$0x7010]  }
0x2d9: {  	v9 =	vld [tilespmem:s25+$0x1C20]  }
0x2da: {  	v10 =	vld [tilespmem:s25+$0x3820]  }
0x2db: {  	v15 =	vld [tilespmem:s25+$0x5420]  }
0x2dc: {  	v17 =	vld [tilespmem:s25+$0x7020]  }
0x2dd: {  	v18 =	vld [tilespmem:s25+$0x1C30]  }
0x2de: {  	v19 =	vld [tilespmem:s25+$0x3830]  }
0x2df: {  	v20 =	vld [tilespmem:s25+$0x5430]  }
0x2e0: {  	v21 =	vld [tilespmem:s25+$0x7030]  }
0x2e1: {  	v22 =	vld [tilespmem:s25+$0x1C40]  }
0x2e2: {  	v23 =	vld [tilespmem:s25+$0x3840]  }
0x2e3: {  	v24 =	vld [tilespmem:s25+$0x5440]  }
0x2e4: {  	v25 =	vld [tilespmem:s25+$0x7040]  }
0x2e5: {  	v26 =	vld [tilespmem:s25+$0x1C50]  }
0x2e6: {  	v27 =	vld [tilespmem:s25+$0x3850]  }
0x2e7: {  	v28 =	vld [tilespmem:s25+$0x5450]  }
0x2e8: {  	v29 =	vld [tilespmem:s25+$0x7050]  }
0x2e9: {  	v30 =	vld [tilespmem:s25+$0x1C60]  }
0x2ea: {  	v31 =	vld [tilespmem:s25+$0x3860]  }
0x2eb: {  	v32 =	vld [tilespmem:s25+$0x5460]  }
0x2ec: {  	v33 =	vld [tilespmem:s25+$0x7060]  }
0x2ed: {  	v12 =	vld [tilespmem:s25+$0x1C70];
	v11 =	vadd.f32 v1, v0;
	v14 =	vadd.f32 v3, v2  }
0x2ee: {  	v16 =	vld [tilespmem:s25+$0x3870];
	v7 =	vadd.f32 v5, v4;
	v13 =	vadd.f32 v8, v6  }
0x2ef: {  	v4 =	vadd.f32 v10, v9;
	v8 =	vadd.f32 v17, v15;
	v15 =	vld [tilespmem:s25+$0x5470]  }
0x2f0: {  	v5 =	vadd.f32 v19, v18;
	v9 =	vadd.f32 v21, v20;
	v18 =	vld [tilespmem:s25+$0x7070]  }
0x2f1: {  	v20 =	vld [tilespmem:s25+$0x0];
	v6 =	vadd.f32 v23, v22;
	v10 =	vadd.f32 v25, v24  }
0x2f2: {  	v19 =	vld [tilespmem:s25+$0x10];
	v1 =	vadd.f32 v27, v26;
	v3 =	vadd.f32 v29, v28  }
0x2f3: {  	s26 =	simm.s32 $0x200;
	v17 =	vld [tilespmem:s25+$0x20];
	v0 =	vadd.f32 v31, v30;
	v2 =	vadd.f32 v33, v32  }
.LBB2_14:
0x2f4: {  	p0 =	sne.s32 s26, $0x6E00;
	v11 =	vadd.f32 v14, v11;
	v14 =	vld [tilespmem:s25+$0x30];
	v12 =	vadd.f32 v16, v12  }
0x2f5: {  	v7 =	vadd.f32 v13, v7;
	v13 =	vld [tilespmem:s25+$0x40];
	v15 =	vadd.f32 v18, v15  }
0x2f6: {  	v4 =	vadd.f32 v8, v4;
	v11 =	vadd.f32 v11, v20;
	v8 =	vld [tilespmem:s25+$0x50]  }
0x2f7: {  	v5 =	vadd.f32 v9, v5;
	v7 =	vadd.f32 v7, v19;
	v9 =	vld [tilespmem:s25+$0x60]  }
0x2f8: {  	s28 =	sshra.s32 s26, $0x2;
	v6 =	vadd.f32 v10, v6;
	[tilespmem:s25+$0x0] =	vst v11;
	v4 =	vadd.f32 v4, v17;
	v10 =	vld [tilespmem:s25+$0x70]  }
0x2f9: {  	v1 =	vadd.f32 v3, v1;
	v11 =	vld [tilespmem:s28+$0x1C00];
	[tilespmem:s25+$0x10] =	vst v7;
	v5 =	vadd.f32 v5, v14  }
0x2fa: {  	v0 =	vadd.f32 v2, v0;
	v3 =	vld [tilespmem:s28+$0x3800];
	[tilespmem:s25+$0x20] =	vst v4;
	v4 =	vadd.f32 v6, v13  }
0x2fb: {  	v2 =	vld [tilespmem:s28+$0x5400];
	[tilespmem:s25+$0x30] =	vst v5;
	v1 =	vadd.f32 v1, v8;
	v5 =	vadd.f32 v15, v12  }
0x2fc: {  	v6 =	vld [tilespmem:s28+$0x7000];
	[tilespmem:s25+$0x40] =	vst v4;
	v0 =	vadd.f32 v0, v9  }
0x2fd: {  	v4 =	vld [tilespmem:s28+$0x1C10];
	[tilespmem:s25+$0x50] =	vst v1;
	v1 =	vadd.f32 v5, v10  }
0x2fe: {  	v5 =	vld [tilespmem:s28+$0x3810];
	[tilespmem:s25+$0x60] =	vst v0  }
0x2ff: {  	v0 =	vld [tilespmem:s28+$0x5410];
	[tilespmem:s25+$0x70] =	vst v1;
	s25 =	smov.u32 s28  }
0x300: {  	v1 =	vld [tilespmem:s25+$0x7010]  }
0x301: {  	v8 =	vld [tilespmem:s25+$0x1C20]  }
0x302: {  	v9 =	vld [tilespmem:s25+$0x3820]  }
0x303: {  	v10 =	vld [tilespmem:s25+$0x5420]  }
0x304: {  	v15 =	vld [tilespmem:s25+$0x7020]  }
0x305: {  	v17 =	vld [tilespmem:s25+$0x1C30]  }
0x306: {  	v18 =	vld [tilespmem:s25+$0x3830]  }
0x307: {  	v19 =	vld [tilespmem:s25+$0x5430]  }
0x308: {  	v20 =	vld [tilespmem:s25+$0x7030]  }
0x309: {  	v21 =	vld [tilespmem:s25+$0x1C40]  }
0x30a: {  	v22 =	vld [tilespmem:s25+$0x3840]  }
0x30b: {  	v23 =	vld [tilespmem:s25+$0x5440]  }
0x30c: {  	v24 =	vld [tilespmem:s25+$0x7040]  }
0x30d: {  	v25 =	vld [tilespmem:s25+$0x1C50]  }
0x30e: {  	v26 =	vld [tilespmem:s25+$0x3850]  }
0x30f: {  	v27 =	vld [tilespmem:s25+$0x5450]  }
0x310: {  	v28 =	vld [tilespmem:s25+$0x7050]  }
0x311: {  	v29 =	vld [tilespmem:s25+$0x1C60]  }
0x312: {  	v30 =	vld [tilespmem:s25+$0x3860]  }
0x313: {  	v31 =	vld [tilespmem:s25+$0x5460]  }
0x314: {  	v32 =	vld [tilespmem:s25+$0x7060]  }
0x315: {  	v11 =	vadd.f32 v3, v11;
	v14 =	vadd.f32 v6, v2;
	v12 =	vld [tilespmem:s25+$0x1C70]  }
0x316: {  	v7 =	vadd.f32 v5, v4;
	v13 =	vadd.f32 v1, v0;
	v16 =	vld [tilespmem:s25+$0x3870]  }
.Ltmp6:
0x317: {  	v4 =	vadd.f32 v9, v8;
	v8 =	vadd.f32 v15, v10;
	v15 =	vld [tilespmem:s25+$0x5470];
	(pc) =	sbr.rel @p0 .LBB2_14-.Ltmp6, $4  }
0x318: {  	v5 =	vadd.f32 v18, v17;
	v9 =	vadd.f32 v20, v19;
	v18 =	vld [tilespmem:s25+$0x7070]  }
0x319: {  	v6 =	vadd.f32 v22, v21;
	v10 =	vadd.f32 v24, v23;
	v20 =	vld [tilespmem:s25+$0x0]  }
0x31a: {  	v1 =	vadd.f32 v26, v25;
	v3 =	vadd.f32 v28, v27;
	v19 =	vld [tilespmem:s25+$0x10]  }
0x31b: {  	s26 =	sadd.s32 $0x200, s26;
	v0 =	vadd.f32 v30, v29;
	v2 =	vadd.f32 v32, v31;
	v17 =	vld [tilespmem:s25+$0x20]  }
0x31c: {  	v11 =	vadd.f32 v14, v11;
	v14 =	vld [tilespmem:s25+$0x30];
	v12 =	vadd.f32 v16, v12  }
0x31d: {  	v16 =	vld [tilespmem:s25+$0x40];
	v7 =	vadd.f32 v13, v7;
	v4 =	vadd.f32 v8, v4  }
0x31e: {  	v13 =	vld [tilespmem:s25+$0x50];
	v5 =	vadd.f32 v9, v5;
	v11 =	vadd.f32 v11, v20  }
0x31f: {  	v8 =	vld [tilespmem:s25+$0x60];
	v6 =	vadd.f32 v10, v6;
	v7 =	vadd.f32 v7, v19  }
0x320: {  	v9 =	vld [tilespmem:s25+$0x70];
	v1 =	vadd.f32 v3, v1;
	[tilespmem:s25+$0x0] =	vst v11;
	v4 =	vadd.f32 v4, v17  }
0x321: {  	v15 =	vadd.f32 v18, v15;
	[tilespmem:s25+$0x10] =	vst v7;
	v5 =	vadd.f32 v5, v14  }
0x322: {  	v0 =	vadd.f32 v2, v0;
	v3 =	vadd.f32 v6, v16;
	[tilespmem:s25+$0x20] =	vst v4  }
0x323: {  	v2 =	vadd.f32 v15, v12;
	v1 =	vadd.f32 v1, v13;
	[tilespmem:s25+$0x30] =	vst v5  }
0x324: {  	v0 =	vadd.f32 v0, v8;
	[tilespmem:s25+$0x40] =	vst v3  }
0x325: {  	[tilespmem:s25+$0x50] =	vst v1;
	v1 =	vadd.f32 v2, v9  }
0x326: {  	[tilespmem:s25+$0x60] =	vst v0  }
0x327: {  	[tilespmem:s25+$0x70] =	vst v1  }
0x328: {  	_ =	swait.ge [sflag:s19], $0x1C00  }
0x329: {  	[sflag:s19] =	ssyncset.done $0x0  }
0x32a: {  	[sflag:s19] =	ssyncadd.s32 $0xFFFFE400  }
0x32b: {  	_ =	swait.ge [sflag:s20], $0x1C00  }
0x32c: {  	[sflag:s20] =	ssyncset.done $0x0  }
0x32d: {  	[sflag:s20] =	ssyncadd.s32 $0xFFFFE400  }
0x32e: {  	_ =	swait.ge [sflag:s21], $0x1C00  }
0x32f: {  	[sflag:s21] =	ssyncset.done $0x0  }
0x330: {  	[sflag:s21] =	ssyncadd.s32 $0xFFFFE400  }
0x331: {  	_ =	swait.ge [sflag:s22], $0x1C00  }
0x332: {  	[sflag:s22] =	ssyncset.done $0x0  }
0x333: {  	s25 =	simm.s32 $0x0;
	[sflag:s22] =	ssyncadd.s32 $0xFFFFE400  }
0x334: {  	v0 =	vld [tilespmem:s25+$0x8C00]  }
0x335: {  	v1 =	vld [tilespmem:s25+$0xA800]  }
0x336: {  	v2 =	vld [tilespmem:s25+$0xC400]  }
0x337: {  	v3 =	vld [tilespmem:s25+$0xE000]  }
0x338: {  	v4 =	vld [tilespmem:s25+$0x8C10]  }
0x339: {  	v5 =	vld [tilespmem:s25+$0xA810]  }
0x33a: {  	v6 =	vld [tilespmem:s25+$0xC410]  }
0x33b: {  	v8 =	vld [tilespmem:s25+$0xE010]  }
0x33c: {  	v9 =	vld [tilespmem:s25+$0x8C20]  }
0x33d: {  	v10 =	vld [tilespmem:s25+$0xA820]  }
0x33e: {  	v15 =	vld [tilespmem:s25+$0xC420]  }
0x33f: {  	v17 =	vld [tilespmem:s25+$0xE020]  }
0x340: {  	v18 =	vld [tilespmem:s25+$0x8C30]  }
0x341: {  	v19 =	vld [tilespmem:s25+$0xA830]  }
0x342: {  	v20 =	vld [tilespmem:s25+$0xC430]  }
0x343: {  	v21 =	vld [tilespmem:s25+$0xE030]  }
0x344: {  	v22 =	vld [tilespmem:s25+$0x8C40]  }
0x345: {  	v23 =	vld [tilespmem:s25+$0xA840]  }
0x346: {  	v24 =	vld [tilespmem:s25+$0xC440]  }
0x347: {  	v25 =	vld [tilespmem:s25+$0xE040]  }
0x348: {  	v26 =	vld [tilespmem:s25+$0x8C50]  }
0x349: {  	v27 =	vld [tilespmem:s25+$0xA850]  }
0x34a: {  	v28 =	vld [tilespmem:s25+$0xC450]  }
0x34b: {  	v29 =	vld [tilespmem:s25+$0xE050]  }
0x34c: {  	v30 =	vld [tilespmem:s25+$0x8C60]  }
0x34d: {  	v31 =	vld [tilespmem:s25+$0xA860]  }
0x34e: {  	v32 =	vld [tilespmem:s25+$0xC460]  }
0x34f: {  	v33 =	vld [tilespmem:s25+$0xE060]  }
0x350: {  	v12 =	vld [tilespmem:s25+$0x8C70];
	v11 =	vadd.f32 v1, v0;
	v14 =	vadd.f32 v3, v2  }
0x351: {  	v16 =	vld [tilespmem:s25+$0xA870];
	v7 =	vadd.f32 v5, v4;
	v13 =	vadd.f32 v8, v6  }
0x352: {  	v4 =	vadd.f32 v10, v9;
	v8 =	vadd.f32 v17, v15;
	v15 =	vld [tilespmem:s25+$0xC470]  }
0x353: {  	v5 =	vadd.f32 v19, v18;
	v9 =	vadd.f32 v21, v20;
	v18 =	vld [tilespmem:s25+$0xE070]  }
0x354: {  	v20 =	vld [tilespmem:s25+$0x0];
	v6 =	vadd.f32 v23, v22;
	v10 =	vadd.f32 v25, v24  }
0x355: {  	v19 =	vld [tilespmem:s25+$0x10];
	v1 =	vadd.f32 v27, v26;
	v3 =	vadd.f32 v29, v28  }
0x356: {  	s26 =	simm.s32 $0x200;
	v17 =	vld [tilespmem:s25+$0x20];
	v0 =	vadd.f32 v31, v30;
	v2 =	vadd.f32 v33, v32  }
.LBB2_16:
0x357: {  	p0 =	sne.s32 s26, $0x6E00;
	v11 =	vadd.f32 v14, v11;
	v14 =	vld [tilespmem:s25+$0x30];
	v12 =	vadd.f32 v16, v12  }
0x358: {  	v7 =	vadd.f32 v13, v7;
	v13 =	vld [tilespmem:s25+$0x40];
	v15 =	vadd.f32 v18, v15  }
0x359: {  	v4 =	vadd.f32 v8, v4;
	v11 =	vadd.f32 v11, v20;
	v8 =	vld [tilespmem:s25+$0x50]  }
0x35a: {  	v5 =	vadd.f32 v9, v5;
	v7 =	vadd.f32 v7, v19;
	v9 =	vld [tilespmem:s25+$0x60]  }
0x35b: {  	s28 =	sshra.s32 s26, $0x2;
	v6 =	vadd.f32 v10, v6;
	[tilespmem:s25+$0x0] =	vst v11;
	v4 =	vadd.f32 v4, v17;
	v10 =	vld [tilespmem:s25+$0x70]  }
0x35c: {  	v1 =	vadd.f32 v3, v1;
	v11 =	vld [tilespmem:s28+$0x8C00];
	[tilespmem:s25+$0x10] =	vst v7;
	v5 =	vadd.f32 v5, v14  }
0x35d: {  	v0 =	vadd.f32 v2, v0;
	v3 =	vld [tilespmem:s28+$0xA800];
	[tilespmem:s25+$0x20] =	vst v4;
	v4 =	vadd.f32 v6, v13  }
0x35e: {  	v2 =	vld [tilespmem:s28+$0xC400];
	[tilespmem:s25+$0x30] =	vst v5;
	v1 =	vadd.f32 v1, v8;
	v5 =	vadd.f32 v15, v12  }
0x35f: {  	v6 =	vld [tilespmem:s28+$0xE000];
	[tilespmem:s25+$0x40] =	vst v4;
	v0 =	vadd.f32 v0, v9  }
0x360: {  	v4 =	vld [tilespmem:s28+$0x8C10];
	[tilespmem:s25+$0x50] =	vst v1;
	v1 =	vadd.f32 v5, v10  }
0x361: {  	v5 =	vld [tilespmem:s28+$0xA810];
	[tilespmem:s25+$0x60] =	vst v0  }
0x362: {  	v0 =	vld [tilespmem:s28+$0xC410];
	[tilespmem:s25+$0x70] =	vst v1;
	s25 =	smov.u32 s28  }
0x363: {  	v1 =	vld [tilespmem:s25+$0xE010]  }
0x364: {  	v8 =	vld [tilespmem:s25+$0x8C20]  }
0x365: {  	v9 =	vld [tilespmem:s25+$0xA820]  }
0x366: {  	v10 =	vld [tilespmem:s25+$0xC420]  }
0x367: {  	v15 =	vld [tilespmem:s25+$0xE020]  }
0x368: {  	v17 =	vld [tilespmem:s25+$0x8C30]  }
0x369: {  	v18 =	vld [tilespmem:s25+$0xA830]  }
0x36a: {  	v19 =	vld [tilespmem:s25+$0xC430]  }
0x36b: {  	v20 =	vld [tilespmem:s25+$0xE030]  }
0x36c: {  	v21 =	vld [tilespmem:s25+$0x8C40]  }
0x36d: {  	v22 =	vld [tilespmem:s25+$0xA840]  }
0x36e: {  	v23 =	vld [tilespmem:s25+$0xC440]  }
0x36f: {  	v24 =	vld [tilespmem:s25+$0xE040]  }
0x370: {  	v25 =	vld [tilespmem:s25+$0x8C50]  }
0x371: {  	v26 =	vld [tilespmem:s25+$0xA850]  }
0x372: {  	v27 =	vld [tilespmem:s25+$0xC450]  }
0x373: {  	v28 =	vld [tilespmem:s25+$0xE050]  }
0x374: {  	v29 =	vld [tilespmem:s25+$0x8C60]  }
0x375: {  	v30 =	vld [tilespmem:s25+$0xA860]  }
0x376: {  	v31 =	vld [tilespmem:s25+$0xC460]  }
0x377: {  	v32 =	vld [tilespmem:s25+$0xE060]  }
0x378: {  	v11 =	vadd.f32 v3, v11;
	v14 =	vadd.f32 v6, v2;
	v12 =	vld [tilespmem:s25+$0x8C70]  }
0x379: {  	v7 =	vadd.f32 v5, v4;
	v13 =	vadd.f32 v1, v0;
	v16 =	vld [tilespmem:s25+$0xA870]  }
.Ltmp7:
0x37a: {  	v4 =	vadd.f32 v9, v8;
	v8 =	vadd.f32 v15, v10;
	v15 =	vld [tilespmem:s25+$0xC470];
	(pc) =	sbr.rel @p0 .LBB2_16-.Ltmp7, $4  }
0x37b: {  	v5 =	vadd.f32 v18, v17;
	v9 =	vadd.f32 v20, v19;
	v18 =	vld [tilespmem:s25+$0xE070]  }
0x37c: {  	v6 =	vadd.f32 v22, v21;
	v10 =	vadd.f32 v24, v23;
	v20 =	vld [tilespmem:s25+$0x0]  }
0x37d: {  	v1 =	vadd.f32 v26, v25;
	v3 =	vadd.f32 v28, v27;
	v19 =	vld [tilespmem:s25+$0x10]  }
0x37e: {  	s26 =	sadd.s32 $0x200, s26;
	v0 =	vadd.f32 v30, v29;
	v2 =	vadd.f32 v32, v31;
	v17 =	vld [tilespmem:s25+$0x20]  }
0x37f: {  	v11 =	vadd.f32 v14, v11;
	v56 =	vld [tilespmem:s25+$0x30];
	v12 =	vadd.f32 v16, v12  }
0x380: {  	v57 =	vld [tilespmem:s25+$0x40];
	v7 =	vadd.f32 v13, v7;
	v4 =	vadd.f32 v8, v4  }
0x381: {  	v58 =	vld [tilespmem:s25+$0x50];
	v5 =	vadd.f32 v9, v5;
	v11 =	vadd.f32 v11, v20  }
0x382: {  	v59 =	vld [tilespmem:s25+$0x60];
	v6 =	vadd.f32 v10, v6;
	v7 =	vadd.f32 v7, v19  }
0x383: {  	v60 =	vld [tilespmem:s25+$0x70];
	v1 =	vadd.f32 v3, v1;
	[tilespmem:s25+$0x0] =	vst v11;
	v4 =	vadd.f32 v4, v17  }
0x384: {  	v15 =	vadd.f32 v18, v15;
	[tilespmem:s25+$0x10] =	vst v7;
	v5 =	vadd.f32 v5, v56  }
0x385: {  	v0 =	vadd.f32 v2, v0;
	v61 =	vadd.f32 v6, v57;
	[tilespmem:s25+$0x20] =	vst v4  }
0x386: {  	v62 =	vadd.f32 v15, v12;
	v1 =	vadd.f32 v1, v58;
	[tilespmem:s25+$0x30] =	vst v5  }
0x387: {  	v0 =	vadd.f32 v0, v59;
	[tilespmem:s25+$0x40] =	vst v61  }
0x388: {  	s24 =	sadd.s32 $0x1, s24;
	v63 =	vadd.f32 v62, v60;
	[tilespmem:s25+$0x50] =	vst v1  }
0x389: {  	p0 =	sne.s32 s24, s6;
	[tilespmem:s25+$0x60] =	vst v0  }
.Ltmp8:
0x38a: {  	[tilespmem:s25+$0x70] =	vst v63;
	(pc) =	sbr.rel @p0 .LBB2_1-.Ltmp8, $4  }
0x38b: {  	[hbm4b:s1+s2] =	stream.linear.scatter [tilespmem:s2], [sflag:$0x9], $0x1C00, $0x38;
	[tilespmem:$0xFC00] =	vst v63  }
0x38c: {  	_ =	swait.ge [sflag:s23], $0x1C00  }
0x38d: {  	[sflag:s23] =	ssyncset.done $0x0  }
0x38e: {  	[sflag:s23] =	ssyncadd.s32 $0xFFFFE400  }
0x38f: {  	_ =	sfence.sel $0x180000  }
0x390: {  	[bflag:$0x0] =	sbarrier.arrive $0xFFFF  }
0x391: {  	_ =	strace $0x90000047  }
0x392: {  	s0 =	stileid.u32;
	[bflag:$0x2] =	sbarrier.arrive $0xFFFF  }
0x393: {  	p0 =	sne.s32 s0, $0x0;
	s0 =	rddreg [dreg:$0x2]  }
0x394: {  	s0 =	sadd.s32 @!p0 $0x100000, s0  }
0x395: {  	[sflag:s0] =	ssyncadd.tile.s32 @!p0 $0x1;
	_ =	shalt  }
.Lfunc_end2:
_tile_overlayer_lowered:
.L_overlay_start_2:
0x396: {  	(tag) =	ssettag $0x2  }
0x397: {  	s0 =	rddreg [dreg:$0x0];
	s2 =	stileid.u32  }
0x398: {  	s1 =	rddreg [dreg:$0x1];
	p0 =	sne.s32 s2, $0x0  }
0x399: {  	s3 =	rddreg [dreg:$0x2];
	[bflag:$0x3] =	sbarrier.arrive $0xFFFF;
	s2 =	simm.s32 @!p0 $0x1C09  }
0x39a: {  	[timem:s3], [sflag:s2] =	dma.local @!p0 [hbm:s0], s1  }
0x39b: {  	s0 =	simm.s32 @!p0 $0x9  }
0x39c: {  	_ =	swait.ge @!p0 [sflag:s0], s1  }
0x39d: {  	s1 =	ssub.s32 @!p0 $0x0, s1;
	[sflag:s0] =	ssyncset.done @!p0 $0x0  }
0x39e: {  	[sflag:s0] =	ssyncadd.s32 @!p0 s1  }
0x39f: {  	[bflag:$0x3] =	sbarrier.arrive $0xFFFF  }
0x3a0: {  	_ =	shalt  }

</sc_bundles>
